<compile_context>
chip_gen: v7x
topology: tpu7x:2x2x1
jax: 0.10.2.dev20260603
libtpu: 0.0.44.dev20260713+nightly
codegen_flags: <defaults>
</compile_context>

<pallas_src>
import jax
import jax.numpy as jnp
from jax import lax
from jax.experimental import pallas as pl
from jax.experimental.pallas import tpu as pltpu
from jax.experimental.pallas import tpu_sc as plsc

NUM_EXPERTS = 8
TOP_K = 2
D_MODEL = 768
D_FF = 768
M_TOKENS = 2048

NPAIRS = M_TOKENS * TOP_K
BM = 512
NB = NPAIRS // BM + NUM_EXPERTS - 1
NROWS = NB * BM
CH = 512
NCH = NPAIRS // CH
W = 128
DH = D_MODEL // 2
BT = 512


def _route_body(ids_ref, dest_ref, be_ref, nv_ref):
    ids = ids_ref[...]
    e_row = lax.broadcasted_iota(jnp.int32, (1, NUM_EXPERTS), 1)
    ri = lax.broadcasted_iota(jnp.int32, (CH, CH), 0)
    ci = lax.broadcasted_iota(jnp.int32, (CH, CH), 1)
    ltri = jnp.where(ci < ri, 1.0, 0.0).astype(jnp.bfloat16)

    run = jnp.zeros((1, NUM_EXPERTS), jnp.float32)
    ranks, ohs = [], []
    for c in range(NCH):
        slot = c // (M_TOKENS // CH)
        lo = (c % (M_TOKENS // CH)) * CH
        idc = ids[lo:lo + CH, slot:slot + 1]
        oh_b = idc == e_row
        oh = oh_b.astype(jnp.bfloat16)
        r = lax.dot_general(ltri, oh, (((1,), (0,)), ((), ())),
                            preferred_element_type=jnp.float32)
        ranks.append(r + run)
        ohs.append(oh_b)
        run = run + jnp.sum(oh.astype(jnp.float32), axis=0, keepdims=True)

    counts = run
    nb = jnp.ceil(counts / BM)
    fr = lax.broadcasted_iota(jnp.int32, (NUM_EXPERTS, NUM_EXPERTS), 0)
    er = lax.broadcasted_iota(jnp.int32, (NUM_EXPERTS, NUM_EXPERTS), 1)
    pre = jnp.where(fr < er, 1.0, 0.0).astype(jnp.bfloat16)
    pstart = lax.dot_general(nb.astype(jnp.bfloat16), pre,
                             (((1,), (0,)), ((), ())),
                             preferred_element_type=jnp.float32)
    pstart_rows = pstart * BM

    for c in range(NCH):
        dvals = pstart_rows + ranks[c]
        d = jnp.sum(jnp.where(ohs[c], dvals, 0.0), axis=1).astype(jnp.int32)
        dest_ref[c, :] = d

    b_col = lax.broadcasted_iota(jnp.int32, (NB, 1), 0).astype(jnp.float32)
    be = jnp.sum((pstart <= b_col).astype(jnp.int32), axis=1) - 1
    be_ref[0, :] = be
    nv_ref[...] = jnp.sum(nb).astype(jnp.int32).reshape(1, 1)


def _route(ids):
    return pl.pallas_call(
        _route_body,
        in_specs=[pl.BlockSpec((M_TOKENS, TOP_K), lambda: (0, 0))],
        out_specs=[
            pl.BlockSpec((NCH, CH), lambda: (0, 0)),
            pl.BlockSpec((1, NB), lambda: (0, 0)),
            pl.BlockSpec((1, 1), lambda: (0, 0)),
        ],
        out_shape=[
            jax.ShapeDtypeStruct((NCH, CH), jnp.int32),
            jax.ShapeDtypeStruct((1, NB), jnp.int32),
            jax.ShapeDtypeStruct((1, 1), jnp.int32),
        ],
    )(ids)


def _sc_mesh():
    return plsc.VectorSubcoreMesh(core_axis_name="c", subcore_axis_name="s")


def _dispatch_sc(x, dest):

    out_t = jax.ShapeDtypeStruct((NROWS, DH), jnp.float32)

    @pl.kernel(out_type=(out_t, out_t), mesh=_sc_mesh())
    def dispatch_kernel(x_hbm, d_hbm, xsl_hbm, xsr_hbm):
        def make_body(target_hbm):
            def body(x_vmem, d_vmem):
                pltpu.sync_copy(x_vmem, target_hbm.at[d_vmem.at[0]])
            return body

        for half, target in ((0, xsl_hbm), (1, xsr_hbm)):
            pltpu.emit_pipeline(
                make_body(target),
                grid=(NPAIRS // W,),
                in_specs=[
                    pl.BlockSpec((W, DH),
                                 index_map=lambda i, h=half: (
                                     i % (M_TOKENS // W), h)),
                    pl.BlockSpec((1, W),
                                 index_map=lambda i: (i // (CH // W),
                                                      i % (CH // W))),
                ],
                out_specs=[],
                core_axis_name=("c", "s"),
                dimension_semantics=(pltpu.PARALLEL,),
            )(x_hbm, d_hbm)

    return dispatch_kernel(x, dest)


def _gather_sc(ysl, ysr, dest):

    out_t = jax.ShapeDtypeStruct((NPAIRS, DH), jnp.float32)

    @pl.kernel(out_type=(out_t, out_t), mesh=_sc_mesh())
    def gather_kernel(ysl_hbm, ysr_hbm, d_hbm, ygl_hbm, ygr_hbm):
        def make_body(src_hbm):
            def body(d_vmem, o_vmem):
                pltpu.sync_copy(src_hbm.at[d_vmem.at[0]], o_vmem)
            return body

        for src, dst in ((ysl_hbm, ygl_hbm), (ysr_hbm, ygr_hbm)):
            pltpu.emit_pipeline(
                make_body(src),
                grid=(NPAIRS // W,),
                in_specs=[pl.BlockSpec((1, W),
                                       index_map=lambda i: (i // (CH // W),
                                                            i % (CH // W)))],
                out_specs=[pl.BlockSpec((W, DH),
                                        index_map=lambda i: (i, 0))],
                core_axis_name=("c", "s"),
                dimension_semantics=(pltpu.PARALLEL,),
            )(d_hbm, dst)

    return gather_kernel(ysl, ysr, dest)


def _mm_body(be_ref, nv_ref, xsl_ref, xsr_ref, w1l_ref, w1r_ref, w2_ref,
             ysl_ref, ysr_ref):
    b = pl.program_id(0)

    @pl.when(b < nv_ref[0, 0])
    def _():
        xl = xsl_ref[...]
        xr = xsr_ref[...]
        w1l = w1l_ref[0]
        w1r = w1r_ref[0]
        h = lax.dot_general(xl, w1l, (((1,), (1,)), ((), ())),
                            preferred_element_type=jnp.float32)
        h += lax.dot_general(xr, w1r, (((1,), (1,)), ((), ())),
                             preferred_element_type=jnp.float32)
        gate = h[:, :D_FF]
        up = h[:, D_FF:]
        act = jax.nn.sigmoid(gate) * gate * up
        w2 = w2_ref[0]
        y = lax.dot_general(act, w2, (((1,), (1,)), ((), ())),
                            preferred_element_type=jnp.float32)
        ysl_ref[...] = y[:, :DH]
        ysr_ref[...] = y[:, DH:]


def _grouped_mlp(be, nv, xsl, xsr, w1, w2):
    def clamp(b, nv_ref):
        return jnp.minimum(b, nv_ref[0, 0] - 1)

    half_t = jax.ShapeDtypeStruct((NROWS, DH), jnp.float32)
    grid_spec = pltpu.PrefetchScalarGridSpec(
        num_scalar_prefetch=2,
        grid=(NB,),
        in_specs=[
            pl.BlockSpec((BM, DH),
                         lambda b, be_r, nv_r: (clamp(b, nv_r), 0)),
            pl.BlockSpec((BM, DH),
                         lambda b, be_r, nv_r: (clamp(b, nv_r), 0)),
            pl.BlockSpec((1, 2 * D_FF, DH),
                         lambda b, be_r, nv_r: (be_r[0, clamp(b, nv_r)], 0, 0)),
            pl.BlockSpec((1, 2 * D_FF, DH),
                         lambda b, be_r, nv_r: (be_r[0, clamp(b, nv_r)], 0, 1)),
            pl.BlockSpec((1, D_MODEL, D_FF),
                         lambda b, be_r, nv_r: (be_r[0, clamp(b, nv_r)], 0, 0)),
        ],
        out_specs=[
            pl.BlockSpec((BM, DH),
                         lambda b, be_r, nv_r: (clamp(b, nv_r), 0)),
            pl.BlockSpec((BM, DH),
                         lambda b, be_r, nv_r: (clamp(b, nv_r), 0)),
        ],
    )
    return pl.pallas_call(
        _mm_body,
        grid_spec=grid_spec,
        out_shape=[half_t, half_t],
    )(be, nv, xsl, xsr, w1, w1, w2)


def _fin_body(tw_ref, l0_ref, l1_ref, r0_ref, r1_ref, out_ref):
    tw = tw_ref[...]
    w0 = tw[:, 0:1]
    w1 = tw[:, 1:2]
    out_ref[:, :DH] = l0_ref[...] * w0 + l1_ref[...] * w1
    out_ref[:, DH:] = r0_ref[...] * w0 + r1_ref[...] * w1


def _combine(topk_weights, ygl, ygr):
    nblk = M_TOKENS // BT
    return pl.pallas_call(
        _fin_body,
        grid=(nblk,),
        in_specs=[
            pl.BlockSpec((BT, TOP_K), lambda m: (m, 0)),
            pl.BlockSpec((BT, DH), lambda m: (m, 0)),
            pl.BlockSpec((BT, DH), lambda m, n=nblk: (m + n, 0)),
            pl.BlockSpec((BT, DH), lambda m: (m, 0)),
            pl.BlockSpec((BT, DH), lambda m, n=nblk: (m + n, 0)),
        ],
        out_specs=pl.BlockSpec((BT, D_MODEL), lambda m: (m, 0)),
        out_shape=jax.ShapeDtypeStruct((M_TOKENS, D_MODEL), jnp.float32),
    )(topk_weights, ygl, ygl, ygr, ygr)


def kernel(hidden_states, w1, w2, topk_weights, topk_ids):
    ids = topk_ids.astype(jnp.int32)

    dest, be, nv = _route(ids)

    xsl, xsr = _dispatch_sc(hidden_states, dest)
    ysl, ysr = _grouped_mlp(be, nv, xsl, xsr, w1, w2)
    ygl, ygr = _gather_sc(ysl, ysr, dest)
    return _combine(topk_weights, ygl, ygr)

# --- scband reference (transcript-rebuilt; emitter-appended) ---
"""Pipeline reference for scband-fused-mo-emodular-kernel-16707422781658 (READ-ONLY COPY).

The authoritative reference and input builder live on the scoring server;
editing this copy changes nothing except your own understanding.
"""

import jax, jax.numpy as jnp
import numpy as np

NUM_EXPERTS = 8
TOP_K = 2
D_MODEL = 768
D_FF = 768
M_TOKENS = 2048


def setup_inputs(seed: int = 0) -> dict:
    key = jax.random.key(seed)
    k1, k2, k3, k4, k5 = jax.random.split(key, 5)
    hidden_states = jax.random.normal(k1, (M_TOKENS, D_MODEL), dtype=jnp.float32)
    # w1: fused gate+up projection [E, 2*d_ff, d_model]; w2: down projection [E, d_model, d_ff]
    w1 = jax.random.normal(k2, (NUM_EXPERTS, 2 * D_FF, D_MODEL), dtype=jnp.float32) * 0.05
    w2 = jax.random.normal(k3, (NUM_EXPERTS, D_MODEL, D_FF), dtype=jnp.float32) * 0.05
    tw = jax.random.uniform(k4, (M_TOKENS, TOP_K), dtype=jnp.float32, minval=0.01, maxval=1.0)
    topk_weights = tw / jnp.sum(tw, axis=-1, keepdims=True)
    topk_ids = jax.random.randint(k5, (M_TOKENS, TOP_K), 0, NUM_EXPERTS, dtype=jnp.int64)
    return {
        "hidden_states": hidden_states,
        "w1": w1,
        "w2": w2,
        "topk_weights": topk_weights,
        "topk_ids": topk_ids,
    }


def reference(hidden_states, w1, w2, topk_weights, topk_ids):
    """Faithful dense-equivalent of FusedMoEModularKernel.forward with the
    standard (non-quantized) experts: permute -> per-expert
    SiLU-and-mul MLP -> unpermute + TopKWeightAndReduce combine.
    Equivalent formulation: for each expert e, run every token through
    expert e's MLP and scale by that token's combined routing weight for e
    (zero if e not in the token's top-k), then sum over experts.
    """
    M, K = hidden_states.shape
    E, N, _ = w1.shape  # N = 2 * d_ff (fused gate/up)
    d_ff = N // 2
    out = jnp.zeros((M, K), dtype=hidden_states.dtype)
    for e in range(E):
        # combined routing weight of expert e per token (sum over top-k slots)
        cw = jnp.sum(jnp.where(topk_ids == e, topk_weights, 0.0), axis=1)  # [M]
        h = hidden_states @ w1[e].T  # [M, 2*d_ff]
        gate = h[:, :d_ff]
        up = h[:, d_ff:]
        act = jax.nn.silu(gate) * up  # SiLU-and-mul activation
        y = act @ w2[e].T  # [M, d_model]
        out = out + y * cw[:, None]
    return out

if __name__ == "__main__":
    import jax
    _d = setup_inputs()
    print(jax.jit(kernel)(*tuple(_d.values())))

</pallas_src>

<mosaic_0001>
#map = affine_map<(d0, d1) -> (0, 0)>
module attributes {stable_mosaic.version = 14 : i64} {
  func.func @dispatch_kernel(%arg0: i32, %arg1: i32, %arg2: memref<2048x768xf32, #tpu.memory_space<hbm>>, %arg3: memref<8x512xi32, #tpu.memory_space<hbm>>, %arg4: memref<7680x384xf32, #tpu.memory_space<hbm>>, %arg5: memref<7680x384xf32, #tpu.memory_space<hbm>>) attributes {dimension_semantics = [#tpu.dimension_semantics<core_parallel>, #tpu.dimension_semantics<subcore_parallel>], iteration_bounds = array<i64: 2, 16>, scalar_prefetch = 0 : i64, scratch_operands = 0 : i64, tpu.core_type = #tpu.core_type<sc_vector_subcore>, window_params = [{transform_indices = #map}, {transform_indices = #map}, {transform_indices = #map}, {transform_indices = #map}]} {
    %mul3A = arith.constant 1 : i32
    %mul3A_0 = arith.muli %arg1, %mul3A : i32
    %add3A = arith.constant 0 : i32
    %add3A_1 = arith.addi %add3A, %mul3A_0 : i32
    %mul3A_2 = arith.constant 16 : i32
    %mul3A_3 = arith.muli %arg0, %mul3A_2 : i32
    %add3A_4 = arith.addi %add3A_1, %mul3A_3 : i32
    %mul3A_5 = arith.constant 1 : i32
    %mul3A_6 = arith.muli %add3A_4, %mul3A_5 : i32
    "tpu.region"() ({
      %run_scoped3A = memref.alloca() : memref<2x128x384xf32, #tpu.memory_space<vmem>>
      %run_scoped3A_16 = tpu.sem_alloc : memref<2x!tpu.dma_semaphore, #tpu.memory_space<semaphore_mem>>
      %run_scoped3A_17 = memref.alloca() : memref<2x1x128xi32, #tpu.memory_space<vmem>>
      %run_scoped3A_18 = tpu.sem_alloc : memref<2x!tpu.dma_semaphore, #tpu.memory_space<semaphore_mem>>
      %add3A_19 = arith.constant 0 : i32
      %add3A_20 = arith.addi %add3A_19, %mul3A_6 : i32
      %select_n3A = arith.constant true
      %select_n3A_21 = arith.constant 0 : i32
      %select_n3A_22 = arith.constant -1 : i32
      %select_n3A_23 = arith.select %select_n3A, %select_n3A_22, %select_n3A_21 : i32
      %eq3A = arith.constant -1 : i32
      %eq3A_24 = arith.cmpi eq, %select_n3A_23, %eq3A : i32
      %select_n3A_25 = arith.constant 0 : i32
      %select_n3A_26 = arith.select %eq3A_24, %select_n3A_25, %select_n3A_23 : i32
      %add3A_27 = arith.constant 0 : i32
      %add3A_28 = arith.addi %add3A_27, %mul3A_6 : i32
      %select_n3A_29 = arith.constant true
      %select_n3A_30 = arith.constant 0 : i32
      %select_n3A_31 = arith.constant 1 : i32
      %select_n3A_32 = arith.select %select_n3A_29, %select_n3A_31, %select_n3A_30 : i32
      %eq3A_33 = arith.constant 1 : i32
      %eq3A_34 = arith.cmpi eq, %select_n3A_32, %eq3A_33 : i32
      %select_n3A_35 = arith.constant 0 : i32
      %select_n3A_36 = arith.select %eq3A_34, %select_n3A_35, %select_n3A_32 : i32
      %add3A_37 = arith.constant 0 : i32
      %add3A_38 = arith.addi %add3A_37, %mul3A_6 : i32
      %select_n3A_39 = arith.constant true
      %select_n3A_40 = arith.constant 0 : i32
      %select_n3A_41 = arith.constant 1 : i32
      %select_n3A_42 = arith.select %select_n3A_39, %select_n3A_41, %select_n3A_40 : i32
      %eq3A_43 = arith.constant 1 : i32
      %eq3A_44 = arith.cmpi eq, %select_n3A_42, %eq3A_43 : i32
      %select_n3A_45 = arith.constant 0 : i32
      %select_n3A_46 = arith.select %eq3A_44, %select_n3A_45, %select_n3A_42 : i32
      %add3A_47 = arith.constant 0 : i32
      %add3A_48 = arith.addi %add3A_47, %mul3A_6 : i32
      "tpu.trace_start"() <{level = 10 : i32, message = "ep_initialize_0"}> : () -> ()
      %rem3A = arith.constant 0 : i32
      %rem3A_49 = arith.constant 2 : i32
      %rem3A_50 = arith.remui %rem3A, %rem3A_49 : i32
      %jit3A = arith.constant 16 : i32
      %eq3A_51 = arith.constant 0 : i32
      %eq3A_52 = arith.cmpi eq, %jit3A, %eq3A_51 : i32
      %jit3A_53 = arith.constant 1 : i32
      %select_n3A_54 = arith.select %eq3A_52, %jit3A_53, %jit3A : i32
      %rem3A_55 = arith.remsi %add3A_20, %select_n3A_54 : i32
      %ne3A = arith.constant 0 : i32
      %ne3A_56 = arith.cmpi ne, %rem3A_55, %ne3A : i32
      %lt3A = arith.constant 0 : i32
      %lt3A_57 = arith.cmpi slt, %rem3A_55, %lt3A : i32
      %lt3A_58 = arith.constant 0 : i32
      %lt3A_59 = arith.cmpi slt, %select_n3A_54, %lt3A_58 : i32
      %ne3A_60 = arith.xori %lt3A_57, %lt3A_59 : i1
      %and3A = arith.andi %ne3A_60, %ne3A_56 : i1
      %add3A_61 = arith.addi %rem3A_55, %select_n3A_54 : i32
      %select_n3A_62 = arith.select %and3A, %add3A_61, %rem3A_55 : i32
      %mul3A_63 = arith.constant 128 : i32
      %mul3A_64 = arith.muli %mul3A_63, %select_n3A_62 : i32
      %dma_start3A = arith.constant 0 : i32
      %dma_start3A_65 = arith.constant 0 : i32
      %dma_start3A_66 = tpu.memref_slice %run_scoped3A[%rem3A_50, %dma_start3A, %dma_start3A_65] : memref<2x128x384xf32, #tpu.memory_space<vmem>> -> memref<1x128x384xf32, #tpu.memory_space<vmem>>
      %dma_start3A_67 = tpu.memref_squeeze %dma_start3A_66 : memref<1x128x384xf32, #tpu.memory_space<vmem>> -> memref<128x384xf32, #tpu.memory_space<vmem>>
      %dma_start3A_68 = arith.constant 0 : i32
      %dma_start3A_69 = tpu.memref_slice %arg2[%mul3A_64, %dma_start3A_68] : memref<2048x768xf32, #tpu.memory_space<hbm>> -> memref<128x384xf32, #tpu.memory_space<hbm>>
      %dma_start3A_70 = tpu.memref_slice %run_scoped3A_16[%rem3A_50] : memref<2x!tpu.dma_semaphore, #tpu.memory_space<semaphore_mem>> -> memref<1x!tpu.dma_semaphore, #tpu.memory_space<semaphore_mem>>
      %dma_start3A_71 = tpu.memref_squeeze %dma_start3A_70 : memref<1x!tpu.dma_semaphore, #tpu.memory_space<semaphore_mem>> -> memref<!tpu.dma_semaphore, #tpu.memory_space<semaphore_mem>>
      %dma_start3A_72 = arith.constant 0 : i32
      %dma_start3A_73 = arith.constant 0 : i32
      %dma_start3A_74 = tpu.memref_slice %run_scoped3A[%rem3A_50, %dma_start3A_72, %dma_start3A_73] : memref<2x128x384xf32, #tpu.memory_space<vmem>> -> memref<1x128x384xf32, #tpu.memory_space<vmem>>
      %dma_start3A_75 = tpu.memref_squeeze %dma_start3A_74 : memref<1x128x384xf32, #tpu.memory_space<vmem>> -> memref<128x384xf32, #tpu.memory_space<vmem>>
      %dma_start3A_76 = arith.constant 0 : i32
      %dma_start3A_77 = tpu.memref_slice %arg2[%mul3A_64, %dma_start3A_76] : memref<2048x768xf32, #tpu.memory_space<hbm>> -> memref<128x384xf32, #tpu.memory_space<hbm>>
      tpu.enqueue_dma source(%dma_start3A_77 : memref<128x384xf32, #tpu.memory_space<hbm>>) target(%dma_start3A_75 : memref<128x384xf32, #tpu.memory_space<vmem>>) target_semaphore(%dma_start3A_71 : memref<!tpu.dma_semaphore, #tpu.memory_space<semaphore_mem>>)
      %add3A_78 = arith.constant 0 : i32
      %add3A_79 = arith.constant 1 : i32
      %add3A_80 = arith.addi %add3A_78, %add3A_79 : i32
      %select_n3A_81 = arith.constant true
      %select_n3A_82 = arith.constant 0 : i32
      %select_n3A_83 = arith.select %select_n3A_81, %add3A_80, %select_n3A_82 : i32
      %rem3A_84 = arith.constant 0 : i32
      %rem3A_85 = arith.constant 2 : i32
      %rem3A_86 = arith.remui %rem3A_84, %rem3A_85 : i32
      %jit3A_87 = arith.constant 4 : i32
      %div3A = arith.divsi %add3A_20, %jit3A_87 : i32
      %sign3A = arith.constant 0 : i32
      %sign3A_88 = arith.cmpi sgt, %add3A_20, %sign3A : i32
      %sign3A_89 = arith.extui %sign3A_88 : i1 to i32
      %sign3A_90 = arith.constant 0 : i32
      %sign3A_91 = arith.cmpi slt, %add3A_20, %sign3A_90 : i32
      %sign3A_92 = arith.extui %sign3A_91 : i1 to i32
      %sign3A_93 = arith.subi %sign3A_89, %sign3A_92 : i32
      %sign3A_94 = arith.constant 0 : i32
      %sign3A_95 = arith.cmpi sgt, %jit3A_87, %sign3A_94 : i32
      %sign3A_96 = arith.extui %sign3A_95 : i1 to i32
      %sign3A_97 = arith.constant 0 : i32
      %sign3A_98 = arith.cmpi slt, %jit3A_87, %sign3A_97 : i32
      %sign3A_99 = arith.extui %sign3A_98 : i1 to i32
      %sign3A_100 = arith.subi %sign3A_96, %sign3A_99 : i32
      %ne3A_101 = arith.cmpi ne, %sign3A_93, %sign3A_100 : i32
      %rem3A_102 = arith.remsi %add3A_20, %jit3A_87 : i32
      %ne3A_103 = arith.constant 0 : i32
      %ne3A_104 = arith.cmpi ne, %rem3A_102, %ne3A_103 : i32
      %and3A_105 = arith.andi %ne3A_101, %ne3A_104 : i1
      %sub3A = arith.constant 1 : i32
      %sub3A_106 = arith.subi %div3A, %sub3A : i32
      %select_n3A_107 = arith.select %and3A_105, %sub3A_106, %div3A : i32
      %jit3A_108 = arith.constant 4 : i32
      %eq3A_109 = arith.constant 0 : i32
      %eq3A_110 = arith.cmpi eq, %jit3A_108, %eq3A_109 : i32
      %jit3A_111 = arith.constant 1 : i32
      %select_n3A_112 = arith.select %eq3A_110, %jit3A_111, %jit3A_108 : i32
      %rem3A_113 = arith.remsi %add3A_20, %select_n3A_112 : i32
      %ne3A_114 = arith.constant 0 : i32
      %ne3A_115 = arith.cmpi ne, %rem3A_113, %ne3A_114 : i32
      %lt3A_116 = arith.constant 0 : i32
      %lt3A_117 = arith.cmpi slt, %rem3A_113, %lt3A_116 : i32
      %lt3A_118 = arith.constant 0 : i32
      %lt3A_119 = arith.cmpi slt, %select_n3A_112, %lt3A_118 : i32
      %ne3A_120 = arith.xori %lt3A_117, %lt3A_119 : i1
      %and3A_121 = arith.andi %ne3A_120, %ne3A_115 : i1
      %add3A_122 = arith.addi %rem3A_113, %select_n3A_112 : i32
      %select_n3A_123 = arith.select %and3A_121, %add3A_122, %rem3A_113 : i32
      %mul3A_124 = arith.constant 1 : i32
      %mul3A_125 = arith.muli %mul3A_124, %select_n3A_107 : i32
      %mul3A_126 = arith.constant 128 : i32
      %mul3A_127 = arith.muli %mul3A_126, %select_n3A_123 : i32
      %dma_start3A_128 = arith.constant 0 : i32
      %dma_start3A_129 = arith.constant 0 : i32
      %dma_start3A_130 = tpu.memref_slice %run_scoped3A_17[%rem3A_86, %dma_start3A_128, %dma_start3A_129] : memref<2x1x128xi32, #tpu.memory_space<vmem>> -> memref<1x1x128xi32, #tpu.memory_space<vmem>>
      %dma_start3A_131 = tpu.memref_squeeze %dma_start3A_130 : memref<1x1x128xi32, #tpu.memory_space<vmem>> -> memref<1x128xi32, #tpu.memory_space<vmem>>
      %dma_start3A_132 = tpu.memref_slice %arg3[%mul3A_125, %mul3A_127] : memref<8x512xi32, #tpu.memory_space<hbm>> -> memref<1x128xi32, #tpu.memory_space<hbm>>
      %dma_start3A_133 = tpu.memref_slice %run_scoped3A_18[%rem3A_86] : memref<2x!tpu.dma_semaphore, #tpu.memory_space<semaphore_mem>> -> memref<1x!tpu.dma_semaphore, #tpu.memory_space<semaphore_mem>>
      %dma_start3A_134 = tpu.memref_squeeze %dma_start3A_133 : memref<1x!tpu.dma_semaphore, #tpu.memory_space<semaphore_mem>> -> memref<!tpu.dma_semaphore, #tpu.memory_space<semaphore_mem>>
      %dma_start3A_135 = arith.constant 0 : i32
      %dma_start3A_136 = arith.constant 0 : i32
      %dma_start3A_137 = tpu.memref_slice %run_scoped3A_17[%rem3A_86, %dma_start3A_135, %dma_start3A_136] : memref<2x1x128xi32, #tpu.memory_space<vmem>> -> memref<1x1x128xi32, #tpu.memory_space<vmem>>
      %dma_start3A_138 = tpu.memref_squeeze %dma_start3A_137 : memref<1x1x128xi32, #tpu.memory_space<vmem>> -> memref<1x128xi32, #tpu.memory_space<vmem>>
      %dma_start3A_139 = tpu.memref_slice %arg3[%mul3A_125, %mul3A_127] : memref<8x512xi32, #tpu.memory_space<hbm>> -> memref<1x128xi32, #tpu.memory_space<hbm>>
      tpu.enqueue_dma source(%dma_start3A_139 : memref<1x128xi32, #tpu.memory_space<hbm>>) target(%dma_start3A_138 : memref<1x128xi32, #tpu.memory_space<vmem>>) target_semaphore(%dma_start3A_134 : memref<!tpu.dma_semaphore, #tpu.memory_space<semaphore_mem>>)
      %add3A_140 = arith.constant 0 : i32
      %add3A_141 = arith.constant 1 : i32
      %add3A_142 = arith.addi %add3A_140, %add3A_141 : i32
      %select_n3A_143 = arith.constant true
      %select_n3A_144 = arith.constant 0 : i32
      %select_n3A_145 = arith.select %select_n3A_143, %add3A_142, %select_n3A_144 : i32
      "tpu.trace_stop"() : () -> ()
      %scan3A = arith.constant 0 : i32
      %scan3A_146 = arith.constant 0 : i32
      %scan3A_147 = arith.constant 0 : i32
      %scan3A_148 = arith.constant 0 : i32
      %eq3A_149 = arith.constant 0 : i32
      %eq3A_150 = arith.cmpi eq, %scan3A_148, %eq3A_149 : i32
      %eq3A_151 = arith.constant 0 : i32
      %eq3A_152 = arith.cmpi eq, %scan3A_148, %eq3A_151 : i32
      %add3A_153 = arith.constant 0 : i32
      %add3A_154 = arith.addi %add3A_153, %mul3A_6 : i32
      %select_n3A_155 = arith.constant true
      %select_n3A_156 = arith.constant 0 : i32
      %select_n3A_157 = arith.constant -1 : i32
      %select_n3A_158 = arith.select %select_n3A_155, %select_n3A_157, %select_n3A_156 : i32
      %eq3A_159 = arith.constant -1 : i32
      %eq3A_160 = arith.cmpi eq, %select_n3A_158, %eq3A_159 : i32
      %select_n3A_161 = arith.constant 0 : i32
      %select_n3A_162 = arith.select %eq3A_160, %select_n3A_161, %select_n3A_158 : i32
      %add3A_163 = arith.constant 0 : i32
      %add3A_164 = arith.addi %add3A_163, %mul3A_6 : i32
      %select_n3A_165 = arith.constant true
      %select_n3A_166 = arith.constant 0 : i32
      %select_n3A_167 = arith.constant 1 : i32
      %select_n3A_168 = arith.select %select_n3A_165, %select_n3A_167, %select_n3A_166 : i32
      %eq3A_169 = arith.constant 1 : i32
      %eq3A_170 = arith.cmpi eq, %select_n3A_168, %eq3A_169 : i32
      %select_n3A_171 = arith.constant 0 : i32
      %select_n3A_172 = arith.select %eq3A_170, %select_n3A_171, %select_n3A_168 : i32
      %add3A_173 = arith.constant 0 : i32
      %add3A_174 = arith.addi %add3A_173, %mul3A_6 : i32
      %select_n3A_175 = arith.constant true
      %select_n3A_176 = arith.constant 0 : i32
      %select_n3A_177 = arith.constant 1 : i32
      %select_n3A_178 = arith.select %select_n3A_175, %select_n3A_177, %select_n3A_176 : i32
      %eq3A_179 = arith.constant 1 : i32
      %eq3A_180 = arith.cmpi eq, %select_n3A_178, %eq3A_179 : i32
      %select_n3A_181 = arith.constant 0 : i32
      %select_n3A_182 = arith.select %eq3A_180, %select_n3A_181, %select_n3A_178 : i32
      %add3A_183 = arith.constant 0 : i32
      %add3A_184 = arith.addi %add3A_183, %mul3A_6 : i32
      %jit3A_185 = arith.constant 16 : i32
      %eq3A_186 = arith.constant 0 : i32
      %eq3A_187 = arith.cmpi eq, %jit3A_185, %eq3A_186 : i32
      %jit3A_188 = arith.constant 1 : i32
      %select_n3A_189 = arith.select %eq3A_187, %jit3A_188, %jit3A_185 : i32
      %rem3A_190 = arith.remsi %add3A_154, %select_n3A_189 : i32
      %ne3A_191 = arith.constant 0 : i32
      %ne3A_192 = arith.cmpi ne, %rem3A_190, %ne3A_191 : i32
      %lt3A_193 = arith.constant 0 : i32
      %lt3A_194 = arith.cmpi slt, %rem3A_190, %lt3A_193 : i32
      %lt3A_195 = arith.constant 0 : i32
      %lt3A_196 = arith.cmpi slt, %select_n3A_189, %lt3A_195 : i32
      %ne3A_197 = arith.xori %lt3A_194, %lt3A_196 : i1
      %and3A_198 = arith.andi %ne3A_197, %ne3A_192 : i1
      %add3A_199 = arith.addi %rem3A_190, %select_n3A_189 : i32
      %select_n3A_200 = arith.select %and3A_198, %add3A_199, %rem3A_190 : i32
      %jit3A_201 = arith.constant 16 : i32
      %eq3A_202 = arith.constant 0 : i32
      %eq3A_203 = arith.cmpi eq, %jit3A_201, %eq3A_202 : i32
      %jit3A_204 = arith.constant 1 : i32
      %select_n3A_205 = arith.select %eq3A_203, %jit3A_204, %jit3A_201 : i32
      %rem3A_206 = arith.remsi %add3A_174, %select_n3A_205 : i32
      %ne3A_207 = arith.constant 0 : i32
      %ne3A_208 = arith.cmpi ne, %rem3A_206, %ne3A_207 : i32
      %lt3A_209 = arith.constant 0 : i32
      %lt3A_210 = arith.cmpi slt, %rem3A_206, %lt3A_209 : i32
      %lt3A_211 = arith.constant 0 : i32
      %lt3A_212 = arith.cmpi slt, %select_n3A_205, %lt3A_211 : i32
      %ne3A_213 = arith.xori %lt3A_210, %lt3A_212 : i1
      %and3A_214 = arith.andi %ne3A_213, %ne3A_208 : i1
      %add3A_215 = arith.addi %rem3A_206, %select_n3A_205 : i32
      %select_n3A_216 = arith.select %and3A_214, %add3A_215, %rem3A_206 : i32
      %ne3A_217 = arith.cmpi ne, %select_n3A_200, %select_n3A_216 : i32
      %or3A = arith.constant false
      %or3A_218 = arith.ori %or3A, %ne3A_217 : i1
      %or3A_219 = arith.constant false
      %or3A_220 = arith.ori %or3A_218, %or3A_219 : i1
      %ge3A = arith.constant 0 : i32
      %ge3A_221 = arith.cmpi sge, %scan3A_148, %ge3A : i32
      %not3A = arith.constant true
      %not3A_222 = arith.xori %ge3A_221, %not3A : i1
      %and3A_223 = arith.andi %or3A_220, %not3A_222 : i1
      %convert_element_type3A = arith.extui %and3A_223 : i1 to i32
      %cond3A = arith.constant 0 : i32
      %cond3A_224 = arith.cmpi ne, %convert_element_type3A, %cond3A : i32
      scf.if %cond3A_224 {
        "tpu.trace_start"() <{level = 10 : i32, message = "ep_copy_in"}> : () -> ()
        %rem3A_915 = arith.constant 2 : i32
        %rem3A_916 = arith.remui %select_n3A_83, %rem3A_915 : i32
        %jit3A_917 = arith.constant 16 : i32
        %eq3A_918 = arith.constant 0 : i32
        %eq3A_919 = arith.cmpi eq, %jit3A_917, %eq3A_918 : i32
        %jit3A_920 = arith.constant 1 : i32
        %select_n3A_921 = arith.select %eq3A_919, %jit3A_920, %jit3A_917 : i32
        %rem3A_922 = arith.remsi %add3A_174, %select_n3A_921 : i32
        %ne3A_923 = arith.constant 0 : i32
        %ne3A_924 = arith.cmpi ne, %rem3A_922, %ne3A_923 : i32
        %lt3A_925 = arith.constant 0 : i32
        %lt3A_926 = arith.cmpi slt, %rem3A_922, %lt3A_925 : i32
        %lt3A_927 = arith.constant 0 : i32
        %lt3A_928 = arith.cmpi slt, %select_n3A_921, %lt3A_927 : i32
        %ne3A_929 = arith.xori %lt3A_926, %lt3A_928 : i1
        %and3A_930 = arith.andi %ne3A_929, %ne3A_924 : i1
        %add3A_931 = arith.addi %rem3A_922, %select_n3A_921 : i32
        %select_n3A_932 = arith.select %and3A_930, %add3A_931, %rem3A_922 : i32
        %mul3A_933 = arith.constant 128 : i32
        %mul3A_934 = arith.muli %mul3A_933, %select_n3A_932 : i32
        %dma_start3A_935 = arith.constant 0 : i32
        %dma_start3A_936 = arith.constant 0 : i32
        %dma_start3A_937 = tpu.memref_slice %run_scoped3A[%rem3A_916, %dma_start3A_935, %dma_start3A_936] : memref<2x128x384xf32, #tpu.memory_space<vmem>> -> memref<1x128x384xf32, #tpu.memory_space<vmem>>
        %dma_start3A_938 = tpu.memref_squeeze %dma_start3A_937 : memref<1x128x384xf32, #tpu.memory_space<vmem>> -> memref<128x384xf32, #tpu.memory_space<vmem>>
        %dma_start3A_939 = arith.constant 0 : i32
        %dma_start3A_940 = tpu.memref_slice %arg2[%mul3A_934, %dma_start3A_939] : memref<2048x768xf32, #tpu.memory_space<hbm>> -> memref<128x384xf32, #tpu.memory_space<hbm>>
        %dma_start3A_941 = tpu.memref_slice %run_scoped3A_16[%rem3A_916] : memref<2x!tpu.dma_semaphore, #tpu.memory_space<semaphore_mem>> -> memref<1x!tpu.dma_semaphore, #tpu.memory_space<semaphore_mem>>
        %dma_start3A_942 = tpu.memref_squeeze %dma_start3A_941 : memref<1x!tpu.dma_semaphore, #tpu.memory_space<semaphore_mem>> -> memref<!tpu.dma_semaphore, #tpu.memory_space<semaphore_mem>>
        %dma_start3A_943 = arith.constant 0 : i32
        %dma_start3A_944 = arith.constant 0 : i32
        %dma_start3A_945 = tpu.memref_slice %run_scoped3A[%rem3A_916, %dma_start3A_943, %dma_start3A_944] : memref<2x128x384xf32, #tpu.memory_space<vmem>> -> memref<1x128x384xf32, #tpu.memory_space<vmem>>
        %dma_start3A_946 = tpu.memref_squeeze %dma_start3A_945 : memref<1x128x384xf32, #tpu.memory_space<vmem>> -> memref<128x384xf32, #tpu.memory_space<vmem>>
        %dma_start3A_947 = arith.constant 0 : i32
        %dma_start3A_948 = tpu.memref_slice %arg2[%mul3A_934, %dma_start3A_947] : memref<2048x768xf32, #tpu.memory_space<hbm>> -> memref<128x384xf32, #tpu.memory_space<hbm>>
        tpu.enqueue_dma source(%dma_start3A_948 : memref<128x384xf32, #tpu.memory_space<hbm>>) target(%dma_start3A_946 : memref<128x384xf32, #tpu.memory_space<vmem>>) target_semaphore(%dma_start3A_942 : memref<!tpu.dma_semaphore, #tpu.memory_space<semaphore_mem>>)
        "tpu.trace_stop"() : () -> ()
      } else {
      }
      %and3A_225 = arith.constant true
      %and3A_226 = arith.andi %and3A_223, %and3A_225 : i1
      %add3A_227 = arith.constant 1 : i32
      %add3A_228 = arith.addi %select_n3A_83, %add3A_227 : i32
      %select_n3A_229 = arith.select %and3A_226, %add3A_228, %select_n3A_83 : i32
      %jit3A_230 = arith.constant 4 : i32
      %div3A_231 = arith.divsi %add3A_154, %jit3A_230 : i32
      %sign3A_232 = arith.constant 0 : i32
      %sign3A_233 = arith.cmpi sgt, %add3A_154, %sign3A_232 : i32
      %sign3A_234 = arith.extui %sign3A_233 : i1 to i32
      %sign3A_235 = arith.constant 0 : i32
      %sign3A_236 = arith.cmpi slt, %add3A_154, %sign3A_235 : i32
      %sign3A_237 = arith.extui %sign3A_236 : i1 to i32
      %sign3A_238 = arith.subi %sign3A_234, %sign3A_237 : i32
      %sign3A_239 = arith.constant 0 : i32
      %sign3A_240 = arith.cmpi sgt, %jit3A_230, %sign3A_239 : i32
      %sign3A_241 = arith.extui %sign3A_240 : i1 to i32
      %sign3A_242 = arith.constant 0 : i32
      %sign3A_243 = arith.cmpi slt, %jit3A_230, %sign3A_242 : i32
      %sign3A_244 = arith.extui %sign3A_243 : i1 to i32
      %sign3A_245 = arith.subi %sign3A_241, %sign3A_244 : i32
      %ne3A_246 = arith.cmpi ne, %sign3A_238, %sign3A_245 : i32
      %rem3A_247 = arith.remsi %add3A_154, %jit3A_230 : i32
      %ne3A_248 = arith.constant 0 : i32
      %ne3A_249 = arith.cmpi ne, %rem3A_247, %ne3A_248 : i32
      %and3A_250 = arith.andi %ne3A_246, %ne3A_249 : i1
      %sub3A_251 = arith.constant 1 : i32
      %sub3A_252 = arith.subi %div3A_231, %sub3A_251 : i32
      %select_n3A_253 = arith.select %and3A_250, %sub3A_252, %div3A_231 : i32
      %jit3A_254 = arith.constant 4 : i32
      %eq3A_255 = arith.constant 0 : i32
      %eq3A_256 = arith.cmpi eq, %jit3A_254, %eq3A_255 : i32
      %jit3A_257 = arith.constant 1 : i32
      %select_n3A_258 = arith.select %eq3A_256, %jit3A_257, %jit3A_254 : i32
      %rem3A_259 = arith.remsi %add3A_154, %select_n3A_258 : i32
      %ne3A_260 = arith.constant 0 : i32
      %ne3A_261 = arith.cmpi ne, %rem3A_259, %ne3A_260 : i32
      %lt3A_262 = arith.constant 0 : i32
      %lt3A_263 = arith.cmpi slt, %rem3A_259, %lt3A_262 : i32
      %lt3A_264 = arith.constant 0 : i32
      %lt3A_265 = arith.cmpi slt, %select_n3A_258, %lt3A_264 : i32
      %ne3A_266 = arith.xori %lt3A_263, %lt3A_265 : i1
      %and3A_267 = arith.andi %ne3A_266, %ne3A_261 : i1
      %add3A_268 = arith.addi %rem3A_259, %select_n3A_258 : i32
      %select_n3A_269 = arith.select %and3A_267, %add3A_268, %rem3A_259 : i32
      %jit3A_270 = arith.constant 4 : i32
      %div3A_271 = arith.divsi %add3A_174, %jit3A_270 : i32
      %sign3A_272 = arith.constant 0 : i32
      %sign3A_273 = arith.cmpi sgt, %add3A_174, %sign3A_272 : i32
      %sign3A_274 = arith.extui %sign3A_273 : i1 to i32
      %sign3A_275 = arith.constant 0 : i32
      %sign3A_276 = arith.cmpi slt, %add3A_174, %sign3A_275 : i32
      %sign3A_277 = arith.extui %sign3A_276 : i1 to i32
      %sign3A_278 = arith.subi %sign3A_274, %sign3A_277 : i32
      %sign3A_279 = arith.constant 0 : i32
      %sign3A_280 = arith.cmpi sgt, %jit3A_270, %sign3A_279 : i32
      %sign3A_281 = arith.extui %sign3A_280 : i1 to i32
      %sign3A_282 = arith.constant 0 : i32
      %sign3A_283 = arith.cmpi slt, %jit3A_270, %sign3A_282 : i32
      %sign3A_284 = arith.extui %sign3A_283 : i1 to i32
      %sign3A_285 = arith.subi %sign3A_281, %sign3A_284 : i32
      %ne3A_286 = arith.cmpi ne, %sign3A_278, %sign3A_285 : i32
      %rem3A_287 = arith.remsi %add3A_174, %jit3A_270 : i32
      %ne3A_288 = arith.constant 0 : i32
      %ne3A_289 = arith.cmpi ne, %rem3A_287, %ne3A_288 : i32
      %and3A_290 = arith.andi %ne3A_286, %ne3A_289 : i1
      %sub3A_291 = arith.constant 1 : i32
      %sub3A_292 = arith.subi %div3A_271, %sub3A_291 : i32
      %select_n3A_293 = arith.select %and3A_290, %sub3A_292, %div3A_271 : i32
      %jit3A_294 = arith.constant 4 : i32
      %eq3A_295 = arith.constant 0 : i32
      %eq3A_296 = arith.cmpi eq, %jit3A_294, %eq3A_295 : i32
      %jit3A_297 = arith.constant 1 : i32
      %select_n3A_298 = arith.select %eq3A_296, %jit3A_297, %jit3A_294 : i32
      %rem3A_299 = arith.remsi %add3A_174, %select_n3A_298 : i32
      %ne3A_300 = arith.constant 0 : i32
      %ne3A_301 = arith.cmpi ne, %rem3A_299, %ne3A_300 : i32
      %lt3A_302 = arith.constant 0 : i32
      %lt3A_303 = arith.cmpi slt, %rem3A_299, %lt3A_302 : i32
      %lt3A_304 = arith.constant 0 : i32
      %lt3A_305 = arith.cmpi slt, %select_n3A_298, %lt3A_304 : i32
      %ne3A_306 = arith.xori %lt3A_303, %lt3A_305 : i1
      %and3A_307 = arith.andi %ne3A_306, %ne3A_301 : i1
      %add3A_308 = arith.addi %rem3A_299, %select_n3A_298 : i32
      %select_n3A_309 = arith.select %and3A_307, %add3A_308, %rem3A_299 : i32
      %ne3A_310 = arith.cmpi ne, %select_n3A_253, %select_n3A_293 : i32
      %ne3A_311 = arith.cmpi ne, %select_n3A_269, %select_n3A_309 : i32
      %or3A_312 = arith.constant false
      %or3A_313 = arith.ori %or3A_312, %ne3A_310 : i1
      %or3A_314 = arith.ori %or3A_313, %ne3A_311 : i1
      %ge3A_315 = arith.constant 0 : i32
      %ge3A_316 = arith.cmpi sge, %scan3A_148, %ge3A_315 : i32
      %not3A_317 = arith.constant true
      %not3A_318 = arith.xori %ge3A_316, %not3A_317 : i1
      %and3A_319 = arith.andi %or3A_314, %not3A_318 : i1
      %convert_element_type3A_320 = arith.extui %and3A_319 : i1 to i32
      %cond3A_321 = arith.constant 0 : i32
      %cond3A_322 = arith.cmpi ne, %convert_element_type3A_320, %cond3A_321 : i32
      scf.if %cond3A_322 {
        "tpu.trace_start"() <{level = 10 : i32, message = "ep_copy_in"}> : () -> ()
        %rem3A_915 = arith.constant 2 : i32
        %rem3A_916 = arith.remui %select_n3A_145, %rem3A_915 : i32
        %jit3A_917 = arith.constant 4 : i32
        %div3A_918 = arith.divsi %add3A_174, %jit3A_917 : i32
        %sign3A_919 = arith.constant 0 : i32
        %sign3A_920 = arith.cmpi sgt, %add3A_174, %sign3A_919 : i32
        %sign3A_921 = arith.extui %sign3A_920 : i1 to i32
        %sign3A_922 = arith.constant 0 : i32
        %sign3A_923 = arith.cmpi slt, %add3A_174, %sign3A_922 : i32
        %sign3A_924 = arith.extui %sign3A_923 : i1 to i32
        %sign3A_925 = arith.subi %sign3A_921, %sign3A_924 : i32
        %sign3A_926 = arith.constant 0 : i32
        %sign3A_927 = arith.cmpi sgt, %jit3A_917, %sign3A_926 : i32
        %sign3A_928 = arith.extui %sign3A_927 : i1 to i32
        %sign3A_929 = arith.constant 0 : i32
        %sign3A_930 = arith.cmpi slt, %jit3A_917, %sign3A_929 : i32
        %sign3A_931 = arith.extui %sign3A_930 : i1 to i32
        %sign3A_932 = arith.subi %sign3A_928, %sign3A_931 : i32
        %ne3A_933 = arith.cmpi ne, %sign3A_925, %sign3A_932 : i32
        %rem3A_934 = arith.remsi %add3A_174, %jit3A_917 : i32
        %ne3A_935 = arith.constant 0 : i32
        %ne3A_936 = arith.cmpi ne, %rem3A_934, %ne3A_935 : i32
        %and3A_937 = arith.andi %ne3A_933, %ne3A_936 : i1
        %sub3A_938 = arith.constant 1 : i32
        %sub3A_939 = arith.subi %div3A_918, %sub3A_938 : i32
        %select_n3A_940 = arith.select %and3A_937, %sub3A_939, %div3A_918 : i32
        %jit3A_941 = arith.constant 4 : i32
        %eq3A_942 = arith.constant 0 : i32
        %eq3A_943 = arith.cmpi eq, %jit3A_941, %eq3A_942 : i32
        %jit3A_944 = arith.constant 1 : i32
        %select_n3A_945 = arith.select %eq3A_943, %jit3A_944, %jit3A_941 : i32
        %rem3A_946 = arith.remsi %add3A_174, %select_n3A_945 : i32
        %ne3A_947 = arith.constant 0 : i32
        %ne3A_948 = arith.cmpi ne, %rem3A_946, %ne3A_947 : i32
        %lt3A_949 = arith.constant 0 : i32
        %lt3A_950 = arith.cmpi slt, %rem3A_946, %lt3A_949 : i32
        %lt3A_951 = arith.constant 0 : i32
        %lt3A_952 = arith.cmpi slt, %select_n3A_945, %lt3A_951 : i32
        %ne3A_953 = arith.xori %lt3A_950, %lt3A_952 : i1
        %and3A_954 = arith.andi %ne3A_953, %ne3A_948 : i1
        %add3A_955 = arith.addi %rem3A_946, %select_n3A_945 : i32
        %select_n3A_956 = arith.select %and3A_954, %add3A_955, %rem3A_946 : i32
        %mul3A_957 = arith.constant 1 : i32
        %mul3A_958 = arith.muli %mul3A_957, %select_n3A_940 : i32
        %mul3A_959 = arith.constant 128 : i32
        %mul3A_960 = arith.muli %mul3A_959, %select_n3A_956 : i32
        %dma_start3A_961 = arith.constant 0 : i32
        %dma_start3A_962 = arith.constant 0 : i32
        %dma_start3A_963 = tpu.memref_slice %run_scoped3A_17[%rem3A_916, %dma_start3A_961, %dma_start3A_962] : memref<2x1x128xi32, #tpu.memory_space<vmem>> -> memref<1x1x128xi32, #tpu.memory_space<vmem>>
        %dma_start3A_964 = tpu.memref_squeeze %dma_start3A_963 : memref<1x1x128xi32, #tpu.memory_space<vmem>> -> memref<1x128xi32, #tpu.memory_space<vmem>>
        %dma_start3A_965 = tpu.memref_slice %arg3[%mul3A_958, %mul3A_960] : memref<8x512xi32, #tpu.memory_space<hbm>> -> memref<1x128xi32, #tpu.memory_space<hbm>>
        %dma_start3A_966 = tpu.memref_slice %run_scoped3A_18[%rem3A_916] : memref<2x!tpu.dma_semaphore, #tpu.memory_space<semaphore_mem>> -> memref<1x!tpu.dma_semaphore, #tpu.memory_space<semaphore_mem>>
        %dma_start3A_967 = tpu.memref_squeeze %dma_start3A_966 : memref<1x!tpu.dma_semaphore, #tpu.memory_space<semaphore_mem>> -> memref<!tpu.dma_semaphore, #tpu.memory_space<semaphore_mem>>
        %dma_start3A_968 = arith.constant 0 : i32
        %dma_start3A_969 = arith.constant 0 : i32
        %dma_start3A_970 = tpu.memref_slice %run_scoped3A_17[%rem3A_916, %dma_start3A_968, %dma_start3A_969] : memref<2x1x128xi32, #tpu.memory_space<vmem>> -> memref<1x1x128xi32, #tpu.memory_space<vmem>>
        %dma_start3A_971 = tpu.memref_squeeze %dma_start3A_970 : memref<1x1x128xi32, #tpu.memory_space<vmem>> -> memref<1x128xi32, #tpu.memory_space<vmem>>
        %dma_start3A_972 = tpu.memref_slice %arg3[%mul3A_958, %mul3A_960] : memref<8x512xi32, #tpu.memory_space<hbm>> -> memref<1x128xi32, #tpu.memory_space<hbm>>
        tpu.enqueue_dma source(%dma_start3A_972 : memref<1x128xi32, #tpu.memory_space<hbm>>) target(%dma_start3A_971 : memref<1x128xi32, #tpu.memory_space<vmem>>) target_semaphore(%dma_start3A_967 : memref<!tpu.dma_semaphore, #tpu.memory_space<semaphore_mem>>)
        "tpu.trace_stop"() : () -> ()
      } else {
      }
      %and3A_323 = arith.constant true
      %and3A_324 = arith.andi %and3A_319, %and3A_323 : i1
      %add3A_325 = arith.constant 1 : i32
      %add3A_326 = arith.addi %select_n3A_145, %add3A_325 : i32
      %select_n3A_327 = arith.select %and3A_324, %add3A_326, %select_n3A_145 : i32
      %jit3A_328 = arith.constant 16 : i32
      %eq3A_329 = arith.constant 0 : i32
      %eq3A_330 = arith.cmpi eq, %jit3A_328, %eq3A_329 : i32
      %jit3A_331 = arith.constant 1 : i32
      %select_n3A_332 = arith.select %eq3A_330, %jit3A_331, %jit3A_328 : i32
      %rem3A_333 = arith.remsi %add3A_154, %select_n3A_332 : i32
      %ne3A_334 = arith.constant 0 : i32
      %ne3A_335 = arith.cmpi ne, %rem3A_333, %ne3A_334 : i32
      %lt3A_336 = arith.constant 0 : i32
      %lt3A_337 = arith.cmpi slt, %rem3A_333, %lt3A_336 : i32
      %lt3A_338 = arith.constant 0 : i32
      %lt3A_339 = arith.cmpi slt, %select_n3A_332, %lt3A_338 : i32
      %ne3A_340 = arith.xori %lt3A_337, %lt3A_339 : i1
      %and3A_341 = arith.andi %ne3A_340, %ne3A_335 : i1
      %add3A_342 = arith.addi %rem3A_333, %select_n3A_332 : i32
      %select_n3A_343 = arith.select %and3A_341, %add3A_342, %rem3A_333 : i32
      %jit3A_344 = arith.constant 16 : i32
      %eq3A_345 = arith.constant 0 : i32
      %eq3A_346 = arith.cmpi eq, %jit3A_344, %eq3A_345 : i32
      %jit3A_347 = arith.constant 1 : i32
      %select_n3A_348 = arith.select %eq3A_346, %jit3A_347, %jit3A_344 : i32
      %rem3A_349 = arith.remsi %add3A_164, %select_n3A_348 : i32
      %ne3A_350 = arith.constant 0 : i32
      %ne3A_351 = arith.cmpi ne, %rem3A_349, %ne3A_350 : i32
      %lt3A_352 = arith.constant 0 : i32
      %lt3A_353 = arith.cmpi slt, %rem3A_349, %lt3A_352 : i32
      %lt3A_354 = arith.constant 0 : i32
      %lt3A_355 = arith.cmpi slt, %select_n3A_348, %lt3A_354 : i32
      %ne3A_356 = arith.xori %lt3A_353, %lt3A_355 : i1
      %and3A_357 = arith.andi %ne3A_356, %ne3A_351 : i1
      %add3A_358 = arith.addi %rem3A_349, %select_n3A_348 : i32
      %select_n3A_359 = arith.select %and3A_357, %add3A_358, %rem3A_349 : i32
      %ne3A_360 = arith.cmpi ne, %select_n3A_343, %select_n3A_359 : i32
      %or3A_361 = arith.constant false
      %or3A_362 = arith.ori %or3A_361, %ne3A_360 : i1
      %or3A_363 = arith.constant false
      %or3A_364 = arith.ori %or3A_362, %or3A_363 : i1
      %or3A_365 = arith.ori %or3A_364, %eq3A_150 : i1
      %convert_element_type3A_366 = arith.extui %or3A_365 : i1 to i32
      %cond3A_367 = arith.constant 0 : i32
      %cond3A_368 = arith.cmpi ne, %convert_element_type3A_366, %cond3A_367 : i32
      scf.if %cond3A_368 {
        %jit3A_915 = arith.constant 16 : i32
        "tpu.trace_start"() <{level = 10 : i32, message = "ep_wait_in"}> : () -> ()
        %eq3A_916 = arith.constant 0 : i32
        %eq3A_917 = arith.cmpi eq, %jit3A_915, %eq3A_916 : i32
        %jit3A_918 = arith.constant 1 : i32
        %select_n3A_919 = arith.select %eq3A_917, %jit3A_918, %jit3A_915 : i32
        %rem3A_920 = arith.remsi %add3A_154, %select_n3A_919 : i32
        %ne3A_921 = arith.constant 0 : i32
        %ne3A_922 = arith.cmpi ne, %rem3A_920, %ne3A_921 : i32
        %lt3A_923 = arith.constant 0 : i32
        %lt3A_924 = arith.cmpi slt, %rem3A_920, %lt3A_923 : i32
        %lt3A_925 = arith.constant 0 : i32
        %lt3A_926 = arith.cmpi slt, %select_n3A_919, %lt3A_925 : i32
        %ne3A_927 = arith.xori %lt3A_924, %lt3A_926 : i1
        %and3A_928 = arith.andi %ne3A_927, %ne3A_922 : i1
        %add3A_929 = arith.addi %rem3A_920, %select_n3A_919 : i32
        %select_n3A_930 = arith.select %and3A_928, %add3A_929, %rem3A_920 : i32
        %mul3A_931 = arith.constant 128 : i32
        %mul3A_932 = arith.muli %mul3A_931, %select_n3A_930 : i32
        %rem3A_933 = arith.constant 2 : i32
        %rem3A_934 = arith.remui %scan3A, %rem3A_933 : i32
        %dma_wait3A = arith.constant 0 : i32
        %dma_wait3A_935 = arith.constant 0 : i32
        %dma_wait3A_936 = tpu.memref_slice %run_scoped3A[%rem3A_934, %dma_wait3A, %dma_wait3A_935] : memref<2x128x384xf32, #tpu.memory_space<vmem>> -> memref<1x128x384xf32, #tpu.memory_space<vmem>>
        %dma_wait3A_937 = tpu.memref_squeeze %dma_wait3A_936 : memref<1x128x384xf32, #tpu.memory_space<vmem>> -> memref<128x384xf32, #tpu.memory_space<vmem>>
        %dma_wait3A_938 = arith.constant 0 : i32
        %dma_wait3A_939 = tpu.memref_slice %arg2[%mul3A_932, %dma_wait3A_938] : memref<2048x768xf32, #tpu.memory_space<hbm>> -> memref<128x384xf32, #tpu.memory_space<hbm>>
        %dma_wait3A_940 = tpu.memref_slice %run_scoped3A_16[%rem3A_934] : memref<2x!tpu.dma_semaphore, #tpu.memory_space<semaphore_mem>> -> memref<1x!tpu.dma_semaphore, #tpu.memory_space<semaphore_mem>>
        %dma_wait3A_941 = tpu.memref_squeeze %dma_wait3A_940 : memref<1x!tpu.dma_semaphore, #tpu.memory_space<semaphore_mem>> -> memref<!tpu.dma_semaphore, #tpu.memory_space<semaphore_mem>>
        %dma_wait3A_942 = arith.constant 0 : i32
        %dma_wait3A_943 = arith.constant 0 : i32
        %dma_wait3A_944 = tpu.memref_slice %run_scoped3A[%rem3A_934, %dma_wait3A_942, %dma_wait3A_943] : memref<2x128x384xf32, #tpu.memory_space<vmem>> -> memref<1x128x384xf32, #tpu.memory_space<vmem>>
        %dma_wait3A_945 = tpu.memref_squeeze %dma_wait3A_944 : memref<1x128x384xf32, #tpu.memory_space<vmem>> -> memref<128x384xf32, #tpu.memory_space<vmem>>
        %dma_wait3A_946 = arith.constant 0 : i32
        %dma_wait3A_947 = tpu.memref_slice %arg2[%mul3A_932, %dma_wait3A_946] : memref<2048x768xf32, #tpu.memory_space<hbm>> -> memref<128x384xf32, #tpu.memory_space<hbm>>
        tpu.wait_dma2 semaphore(%dma_wait3A_941 : memref<!tpu.dma_semaphore, #tpu.memory_space<semaphore_mem>>) src(%dma_wait3A_947 : memref<128x384xf32, #tpu.memory_space<hbm>>) dst(%dma_wait3A_945 : memref<128x384xf32, #tpu.memory_space<vmem>>)
        "tpu.trace_stop"() : () -> ()
      } else {
      }
      %jit3A_369 = arith.constant 4 : i32
      %div3A_370 = arith.divsi %add3A_154, %jit3A_369 : i32
      %sign3A_371 = arith.constant 0 : i32
      %sign3A_372 = arith.cmpi sgt, %add3A_154, %sign3A_371 : i32
      %sign3A_373 = arith.extui %sign3A_372 : i1 to i32
      %sign3A_374 = arith.constant 0 : i32
      %sign3A_375 = arith.cmpi slt, %add3A_154, %sign3A_374 : i32
      %sign3A_376 = arith.extui %sign3A_375 : i1 to i32
      %sign3A_377 = arith.subi %sign3A_373, %sign3A_376 : i32
      %sign3A_378 = arith.constant 0 : i32
      %sign3A_379 = arith.cmpi sgt, %jit3A_369, %sign3A_378 : i32
      %sign3A_380 = arith.extui %sign3A_379 : i1 to i32
      %sign3A_381 = arith.constant 0 : i32
      %sign3A_382 = arith.cmpi slt, %jit3A_369, %sign3A_381 : i32
      %sign3A_383 = arith.extui %sign3A_382 : i1 to i32
      %sign3A_384 = arith.subi %sign3A_380, %sign3A_383 : i32
      %ne3A_385 = arith.cmpi ne, %sign3A_377, %sign3A_384 : i32
      %rem3A_386 = arith.remsi %add3A_154, %jit3A_369 : i32
      %ne3A_387 = arith.constant 0 : i32
      %ne3A_388 = arith.cmpi ne, %rem3A_386, %ne3A_387 : i32
      %and3A_389 = arith.andi %ne3A_385, %ne3A_388 : i1
      %sub3A_390 = arith.constant 1 : i32
      %sub3A_391 = arith.subi %div3A_370, %sub3A_390 : i32
      %select_n3A_392 = arith.select %and3A_389, %sub3A_391, %div3A_370 : i32
      %jit3A_393 = arith.constant 4 : i32
      %eq3A_394 = arith.constant 0 : i32
      %eq3A_395 = arith.cmpi eq, %jit3A_393, %eq3A_394 : i32
      %jit3A_396 = arith.constant 1 : i32
      %select_n3A_397 = arith.select %eq3A_395, %jit3A_396, %jit3A_393 : i32
      %rem3A_398 = arith.remsi %add3A_154, %select_n3A_397 : i32
      %ne3A_399 = arith.constant 0 : i32
      %ne3A_400 = arith.cmpi ne, %rem3A_398, %ne3A_399 : i32
      %lt3A_401 = arith.constant 0 : i32
      %lt3A_402 = arith.cmpi slt, %rem3A_398, %lt3A_401 : i32
      %lt3A_403 = arith.constant 0 : i32
      %lt3A_404 = arith.cmpi slt, %select_n3A_397, %lt3A_403 : i32
      %ne3A_405 = arith.xori %lt3A_402, %lt3A_404 : i1
      %and3A_406 = arith.andi %ne3A_405, %ne3A_400 : i1
      %add3A_407 = arith.addi %rem3A_398, %select_n3A_397 : i32
      %select_n3A_408 = arith.select %and3A_406, %add3A_407, %rem3A_398 : i32
      %jit3A_409 = arith.constant 4 : i32
      %div3A_410 = arith.divsi %add3A_164, %jit3A_409 : i32
      %sign3A_411 = arith.constant 0 : i32
      %sign3A_412 = arith.cmpi sgt, %add3A_164, %sign3A_411 : i32
      %sign3A_413 = arith.extui %sign3A_412 : i1 to i32
      %sign3A_414 = arith.constant 0 : i32
      %sign3A_415 = arith.cmpi slt, %add3A_164, %sign3A_414 : i32
      %sign3A_416 = arith.extui %sign3A_415 : i1 to i32
      %sign3A_417 = arith.subi %sign3A_413, %sign3A_416 : i32
      %sign3A_418 = arith.constant 0 : i32
      %sign3A_419 = arith.cmpi sgt, %jit3A_409, %sign3A_418 : i32
      %sign3A_420 = arith.extui %sign3A_419 : i1 to i32
      %sign3A_421 = arith.constant 0 : i32
      %sign3A_422 = arith.cmpi slt, %jit3A_409, %sign3A_421 : i32
      %sign3A_423 = arith.extui %sign3A_422 : i1 to i32
      %sign3A_424 = arith.subi %sign3A_420, %sign3A_423 : i32
      %ne3A_425 = arith.cmpi ne, %sign3A_417, %sign3A_424 : i32
      %rem3A_426 = arith.remsi %add3A_164, %jit3A_409 : i32
      %ne3A_427 = arith.constant 0 : i32
      %ne3A_428 = arith.cmpi ne, %rem3A_426, %ne3A_427 : i32
      %and3A_429 = arith.andi %ne3A_425, %ne3A_428 : i1
      %sub3A_430 = arith.constant 1 : i32
      %sub3A_431 = arith.subi %div3A_410, %sub3A_430 : i32
      %select_n3A_432 = arith.select %and3A_429, %sub3A_431, %div3A_410 : i32
      %jit3A_433 = arith.constant 4 : i32
      %eq3A_434 = arith.constant 0 : i32
      %eq3A_435 = arith.cmpi eq, %jit3A_433, %eq3A_434 : i32
      %jit3A_436 = arith.constant 1 : i32
      %select_n3A_437 = arith.select %eq3A_435, %jit3A_436, %jit3A_433 : i32
      %rem3A_438 = arith.remsi %add3A_164, %select_n3A_437 : i32
      %ne3A_439 = arith.constant 0 : i32
      %ne3A_440 = arith.cmpi ne, %rem3A_438, %ne3A_439 : i32
      %lt3A_441 = arith.constant 0 : i32
      %lt3A_442 = arith.cmpi slt, %rem3A_438, %lt3A_441 : i32
      %lt3A_443 = arith.constant 0 : i32
      %lt3A_444 = arith.cmpi slt, %select_n3A_437, %lt3A_443 : i32
      %ne3A_445 = arith.xori %lt3A_442, %lt3A_444 : i1
      %and3A_446 = arith.andi %ne3A_445, %ne3A_440 : i1
      %add3A_447 = arith.addi %rem3A_438, %select_n3A_437 : i32
      %select_n3A_448 = arith.select %and3A_446, %add3A_447, %rem3A_438 : i32
      %ne3A_449 = arith.cmpi ne, %select_n3A_392, %select_n3A_432 : i32
      %ne3A_450 = arith.cmpi ne, %select_n3A_408, %select_n3A_448 : i32
      %or3A_451 = arith.constant false
      %or3A_452 = arith.ori %or3A_451, %ne3A_449 : i1
      %or3A_453 = arith.ori %or3A_452, %ne3A_450 : i1
      %or3A_454 = arith.ori %or3A_453, %eq3A_150 : i1
      %convert_element_type3A_455 = arith.extui %or3A_454 : i1 to i32
      %cond3A_456 = arith.constant 0 : i32
      %cond3A_457 = arith.cmpi ne, %convert_element_type3A_455, %cond3A_456 : i32
      scf.if %cond3A_457 {
        %jit3A_915 = arith.constant 4 : i32
        "tpu.trace_start"() <{level = 10 : i32, message = "ep_wait_in"}> : () -> ()
        %div3A_916 = arith.divsi %add3A_154, %jit3A_915 : i32
        %sign3A_917 = arith.constant 0 : i32
        %sign3A_918 = arith.cmpi sgt, %add3A_154, %sign3A_917 : i32
        %sign3A_919 = arith.extui %sign3A_918 : i1 to i32
        %sign3A_920 = arith.constant 0 : i32
        %sign3A_921 = arith.cmpi slt, %add3A_154, %sign3A_920 : i32
        %sign3A_922 = arith.extui %sign3A_921 : i1 to i32
        %sign3A_923 = arith.subi %sign3A_919, %sign3A_922 : i32
        %sign3A_924 = arith.constant 0 : i32
        %sign3A_925 = arith.cmpi sgt, %jit3A_915, %sign3A_924 : i32
        %sign3A_926 = arith.extui %sign3A_925 : i1 to i32
        %sign3A_927 = arith.constant 0 : i32
        %sign3A_928 = arith.cmpi slt, %jit3A_915, %sign3A_927 : i32
        %sign3A_929 = arith.extui %sign3A_928 : i1 to i32
        %sign3A_930 = arith.subi %sign3A_926, %sign3A_929 : i32
        %ne3A_931 = arith.cmpi ne, %sign3A_923, %sign3A_930 : i32
        %rem3A_932 = arith.remsi %add3A_154, %jit3A_915 : i32
        %ne3A_933 = arith.constant 0 : i32
        %ne3A_934 = arith.cmpi ne, %rem3A_932, %ne3A_933 : i32
        %and3A_935 = arith.andi %ne3A_931, %ne3A_934 : i1
        %sub3A_936 = arith.constant 1 : i32
        %sub3A_937 = arith.subi %div3A_916, %sub3A_936 : i32
        %select_n3A_938 = arith.select %and3A_935, %sub3A_937, %div3A_916 : i32
        %jit3A_939 = arith.constant 4 : i32
        %eq3A_940 = arith.constant 0 : i32
        %eq3A_941 = arith.cmpi eq, %jit3A_939, %eq3A_940 : i32
        %jit3A_942 = arith.constant 1 : i32
        %select_n3A_943 = arith.select %eq3A_941, %jit3A_942, %jit3A_939 : i32
        %rem3A_944 = arith.remsi %add3A_154, %select_n3A_943 : i32
        %ne3A_945 = arith.constant 0 : i32
        %ne3A_946 = arith.cmpi ne, %rem3A_944, %ne3A_945 : i32
        %lt3A_947 = arith.constant 0 : i32
        %lt3A_948 = arith.cmpi slt, %rem3A_944, %lt3A_947 : i32
        %lt3A_949 = arith.constant 0 : i32
        %lt3A_950 = arith.cmpi slt, %select_n3A_943, %lt3A_949 : i32
        %ne3A_951 = arith.xori %lt3A_948, %lt3A_950 : i1
        %and3A_952 = arith.andi %ne3A_951, %ne3A_946 : i1
        %add3A_953 = arith.addi %rem3A_944, %select_n3A_943 : i32
        %select_n3A_954 = arith.select %and3A_952, %add3A_953, %rem3A_944 : i32
        %mul3A_955 = arith.constant 1 : i32
        %mul3A_956 = arith.muli %mul3A_955, %select_n3A_938 : i32
        %mul3A_957 = arith.constant 128 : i32
        %mul3A_958 = arith.muli %mul3A_957, %select_n3A_954 : i32
        %rem3A_959 = arith.constant 2 : i32
        %rem3A_960 = arith.remui %scan3A_146, %rem3A_959 : i32
        %dma_wait3A = arith.constant 0 : i32
        %dma_wait3A_961 = arith.constant 0 : i32
        %dma_wait3A_962 = tpu.memref_slice %run_scoped3A_17[%rem3A_960, %dma_wait3A, %dma_wait3A_961] : memref<2x1x128xi32, #tpu.memory_space<vmem>> -> memref<1x1x128xi32, #tpu.memory_space<vmem>>
        %dma_wait3A_963 = tpu.memref_squeeze %dma_wait3A_962 : memref<1x1x128xi32, #tpu.memory_space<vmem>> -> memref<1x128xi32, #tpu.memory_space<vmem>>
        %dma_wait3A_964 = tpu.memref_slice %arg3[%mul3A_956, %mul3A_958] : memref<8x512xi32, #tpu.memory_space<hbm>> -> memref<1x128xi32, #tpu.memory_space<hbm>>
        %dma_wait3A_965 = tpu.memref_slice %run_scoped3A_18[%rem3A_960] : memref<2x!tpu.dma_semaphore, #tpu.memory_space<semaphore_mem>> -> memref<1x!tpu.dma_semaphore, #tpu.memory_space<semaphore_mem>>
        %dma_wait3A_966 = tpu.memref_squeeze %dma_wait3A_965 : memref<1x!tpu.dma_semaphore, #tpu.memory_space<semaphore_mem>> -> memref<!tpu.dma_semaphore, #tpu.memory_space<semaphore_mem>>
        %dma_wait3A_967 = arith.constant 0 : i32
        %dma_wait3A_968 = arith.constant 0 : i32
        %dma_wait3A_969 = tpu.memref_slice %run_scoped3A_17[%rem3A_960, %dma_wait3A_967, %dma_wait3A_968] : memref<2x1x128xi32, #tpu.memory_space<vmem>> -> memref<1x1x128xi32, #tpu.memory_space<vmem>>
        %dma_wait3A_970 = tpu.memref_squeeze %dma_wait3A_969 : memref<1x1x128xi32, #tpu.memory_space<vmem>> -> memref<1x128xi32, #tpu.memory_space<vmem>>
        %dma_wait3A_971 = tpu.memref_slice %arg3[%mul3A_956, %mul3A_958] : memref<8x512xi32, #tpu.memory_space<hbm>> -> memref<1x128xi32, #tpu.memory_space<hbm>>
        tpu.wait_dma2 semaphore(%dma_wait3A_966 : memref<!tpu.dma_semaphore, #tpu.memory_space<semaphore_mem>>) src(%dma_wait3A_971 : memref<1x128xi32, #tpu.memory_space<hbm>>) dst(%dma_wait3A_970 : memref<1x128xi32, #tpu.memory_space<vmem>>)
        "tpu.trace_stop"() : () -> ()
      } else {
      }
      %rem3A_458 = arith.constant 2 : i32
      %rem3A_459 = arith.remui %scan3A, %rem3A_458 : i32
      %rem3A_460 = arith.constant 2 : i32
      %rem3A_461 = arith.remui %scan3A_146, %rem3A_460 : i32
      %run_scoped3A_462 = arith.constant 0 : i32
      "tpu.trace_start"() <{level = 10 : i32, message = "ep_run_kernel"}> : () -> ()
      "tpu.region"() ({
        %run_scoped3A_915 = tpu.sem_alloc : memref<!tpu.dma_semaphore, #tpu.memory_space<semaphore_mem>>
        %dma_start3A_916 = arith.constant 0 : i32
        %dma_start3A_917 = arith.constant 0 : i32
        %dma_start3A_918 = tpu.memref_slice %run_scoped3A[%rem3A_459, %dma_start3A_916, %dma_start3A_917] : memref<2x128x384xf32, #tpu.memory_space<vmem>> -> memref<1x128x384xf32, #tpu.memory_space<vmem>>
        %dma_start3A_919 = tpu.memref_squeeze %dma_start3A_918 : memref<1x128x384xf32, #tpu.memory_space<vmem>> -> memref<128x384xf32, #tpu.memory_space<vmem>>
        %dma_start3A_920 = arith.constant 0 : i32
        %dma_start3A_921 = arith.constant 0 : i32
        %dma_start3A_922 = tpu.memref_slice %run_scoped3A_17[%rem3A_461, %dma_start3A_920, %dma_start3A_921] : memref<2x1x128xi32, #tpu.memory_space<vmem>> -> memref<1x1x128xi32, #tpu.memory_space<vmem>>
        %dma_start3A_923 = tpu.memref_squeeze %dma_start3A_922 : memref<1x1x128xi32, #tpu.memory_space<vmem>> -> memref<1x128xi32, #tpu.memory_space<vmem>>
        %dma_start3A_924 = arith.constant 0 : i32
        %dma_start3A_925 = tpu.memref_slice %dma_start3A_923[%run_scoped3A_462, %dma_start3A_924] : memref<1x128xi32, #tpu.memory_space<vmem>> -> memref<1x128xi32, #tpu.memory_space<vmem>>
        %dma_start3A_926 = tpu.memref_squeeze %dma_start3A_925 : memref<1x128xi32, #tpu.memory_space<vmem>> -> memref<128xi32, #tpu.memory_space<vmem>>
        %dma_start3A_927 = arith.constant 0 : i32
        %dma_start3A_928 = arith.constant 0 : i32
        %dma_start3A_929 = tpu.memref_slice %arg4[%dma_start3A_927, %dma_start3A_928] : memref<7680x384xf32, #tpu.memory_space<hbm>> -> memref<7680x384xf32, #tpu.memory_space<hbm>>
        tpu.enqueue_indirect_dma source(%dma_start3A_919 : memref<128x384xf32, #tpu.memory_space<vmem>>) target(%dma_start3A_929 : memref<7680x384xf32, #tpu.memory_space<hbm>>) offsets(%dma_start3A_926 : memref<128xi32, #tpu.memory_space<vmem>>) semaphore(%run_scoped3A_915 : memref<!tpu.dma_semaphore, #tpu.memory_space<semaphore_mem>>)
        %dma_wait3A = arith.constant 0 : i32
        %dma_wait3A_930 = arith.constant 0 : i32
        %dma_wait3A_931 = tpu.memref_slice %run_scoped3A[%rem3A_459, %dma_wait3A, %dma_wait3A_930] : memref<2x128x384xf32, #tpu.memory_space<vmem>> -> memref<1x128x384xf32, #tpu.memory_space<vmem>>
        %dma_wait3A_932 = tpu.memref_squeeze %dma_wait3A_931 : memref<1x128x384xf32, #tpu.memory_space<vmem>> -> memref<128x384xf32, #tpu.memory_space<vmem>>
        %dma_wait3A_933 = arith.constant 0 : i32
        %dma_wait3A_934 = arith.constant 0 : i32
        %dma_wait3A_935 = tpu.memref_slice %run_scoped3A_17[%rem3A_461, %dma_wait3A_933, %dma_wait3A_934] : memref<2x1x128xi32, #tpu.memory_space<vmem>> -> memref<1x1x128xi32, #tpu.memory_space<vmem>>
        %dma_wait3A_936 = tpu.memref_squeeze %dma_wait3A_935 : memref<1x1x128xi32, #tpu.memory_space<vmem>> -> memref<1x128xi32, #tpu.memory_space<vmem>>
        %dma_wait3A_937 = arith.constant 0 : i32
        %dma_wait3A_938 = tpu.memref_slice %dma_wait3A_936[%run_scoped3A_462, %dma_wait3A_937] : memref<1x128xi32, #tpu.memory_space<vmem>> -> memref<1x128xi32, #tpu.memory_space<vmem>>
        %dma_wait3A_939 = tpu.memref_squeeze %dma_wait3A_938 : memref<1x128xi32, #tpu.memory_space<vmem>> -> memref<128xi32, #tpu.memory_space<vmem>>
        %dma_wait3A_940 = arith.constant 0 : i32
        %dma_wait3A_941 = arith.constant 0 : i32
        %dma_wait3A_942 = tpu.memref_slice %arg4[%dma_wait3A_940, %dma_wait3A_941] : memref<7680x384xf32, #tpu.memory_space<hbm>> -> memref<7680x384xf32, #tpu.memory_space<hbm>>
        tpu.wait_indirect_dma semaphore(%run_scoped3A_915 : memref<!tpu.dma_semaphore, #tpu.memory_space<semaphore_mem>>) src(%dma_wait3A_932 : memref<128x384xf32, #tpu.memory_space<vmem>>) dst(%dma_wait3A_942 : memref<7680x384xf32, #tpu.memory_space<hbm>>)
        tpu.yield
      }) : () -> ()
      %jit3A_463 = arith.constant 16 : i32
      "tpu.trace_stop"() : () -> ()
      %eq3A_464 = arith.constant 0 : i32
      %eq3A_465 = arith.cmpi eq, %jit3A_463, %eq3A_464 : i32
      %jit3A_466 = arith.constant 1 : i32
      %select_n3A_467 = arith.select %eq3A_465, %jit3A_466, %jit3A_463 : i32
      %rem3A_468 = arith.remsi %add3A_154, %select_n3A_467 : i32
      %ne3A_469 = arith.constant 0 : i32
      %ne3A_470 = arith.cmpi ne, %rem3A_468, %ne3A_469 : i32
      %lt3A_471 = arith.constant 0 : i32
      %lt3A_472 = arith.cmpi slt, %rem3A_468, %lt3A_471 : i32
      %lt3A_473 = arith.constant 0 : i32
      %lt3A_474 = arith.cmpi slt, %select_n3A_467, %lt3A_473 : i32
      %ne3A_475 = arith.xori %lt3A_472, %lt3A_474 : i1
      %and3A_476 = arith.andi %ne3A_475, %ne3A_470 : i1
      %add3A_477 = arith.addi %rem3A_468, %select_n3A_467 : i32
      %select_n3A_478 = arith.select %and3A_476, %add3A_477, %rem3A_468 : i32
      %jit3A_479 = arith.constant 16 : i32
      %eq3A_480 = arith.constant 0 : i32
      %eq3A_481 = arith.cmpi eq, %jit3A_479, %eq3A_480 : i32
      %jit3A_482 = arith.constant 1 : i32
      %select_n3A_483 = arith.select %eq3A_481, %jit3A_482, %jit3A_479 : i32
      %rem3A_484 = arith.remsi %add3A_174, %select_n3A_483 : i32
      %ne3A_485 = arith.constant 0 : i32
      %ne3A_486 = arith.cmpi ne, %rem3A_484, %ne3A_485 : i32
      %lt3A_487 = arith.constant 0 : i32
      %lt3A_488 = arith.cmpi slt, %rem3A_484, %lt3A_487 : i32
      %lt3A_489 = arith.constant 0 : i32
      %lt3A_490 = arith.cmpi slt, %select_n3A_483, %lt3A_489 : i32
      %ne3A_491 = arith.xori %lt3A_488, %lt3A_490 : i1
      %and3A_492 = arith.andi %ne3A_491, %ne3A_486 : i1
      %add3A_493 = arith.addi %rem3A_484, %select_n3A_483 : i32
      %select_n3A_494 = arith.select %and3A_492, %add3A_493, %rem3A_484 : i32
      %ne3A_495 = arith.cmpi ne, %select_n3A_478, %select_n3A_494 : i32
      %or3A_496 = arith.constant false
      %or3A_497 = arith.ori %or3A_496, %ne3A_495 : i1
      %or3A_498 = arith.constant false
      %or3A_499 = arith.ori %or3A_497, %or3A_498 : i1
      %or3A_500 = arith.ori %or3A_499, %eq3A_152 : i1
      %convert_element_type3A_501 = arith.extui %or3A_500 : i1 to i32
      %cond3A_502 = arith.constant 0 : i32
      %cond3A_503 = arith.cmpi ne, %convert_element_type3A_501, %cond3A_502 : i32
      scf.if %cond3A_503 {
      } else {
      }
      %and3A_504 = arith.constant false
      %and3A_505 = arith.andi %or3A_500, %and3A_504 : i1
      %jit3A_506 = arith.constant 4 : i32
      %div3A_507 = arith.divsi %add3A_154, %jit3A_506 : i32
      %sign3A_508 = arith.constant 0 : i32
      %sign3A_509 = arith.cmpi sgt, %add3A_154, %sign3A_508 : i32
      %sign3A_510 = arith.extui %sign3A_509 : i1 to i32
      %sign3A_511 = arith.constant 0 : i32
      %sign3A_512 = arith.cmpi slt, %add3A_154, %sign3A_511 : i32
      %sign3A_513 = arith.extui %sign3A_512 : i1 to i32
      %sign3A_514 = arith.subi %sign3A_510, %sign3A_513 : i32
      %sign3A_515 = arith.constant 0 : i32
      %sign3A_516 = arith.cmpi sgt, %jit3A_506, %sign3A_515 : i32
      %sign3A_517 = arith.extui %sign3A_516 : i1 to i32
      %sign3A_518 = arith.constant 0 : i32
      %sign3A_519 = arith.cmpi slt, %jit3A_506, %sign3A_518 : i32
      %sign3A_520 = arith.extui %sign3A_519 : i1 to i32
      %sign3A_521 = arith.subi %sign3A_517, %sign3A_520 : i32
      %ne3A_522 = arith.cmpi ne, %sign3A_514, %sign3A_521 : i32
      %rem3A_523 = arith.remsi %add3A_154, %jit3A_506 : i32
      %ne3A_524 = arith.constant 0 : i32
      %ne3A_525 = arith.cmpi ne, %rem3A_523, %ne3A_524 : i32
      %and3A_526 = arith.andi %ne3A_522, %ne3A_525 : i1
      %sub3A_527 = arith.constant 1 : i32
      %sub3A_528 = arith.subi %div3A_507, %sub3A_527 : i32
      %select_n3A_529 = arith.select %and3A_526, %sub3A_528, %div3A_507 : i32
      %jit3A_530 = arith.constant 4 : i32
      %eq3A_531 = arith.constant 0 : i32
      %eq3A_532 = arith.cmpi eq, %jit3A_530, %eq3A_531 : i32
      %jit3A_533 = arith.constant 1 : i32
      %select_n3A_534 = arith.select %eq3A_532, %jit3A_533, %jit3A_530 : i32
      %rem3A_535 = arith.remsi %add3A_154, %select_n3A_534 : i32
      %ne3A_536 = arith.constant 0 : i32
      %ne3A_537 = arith.cmpi ne, %rem3A_535, %ne3A_536 : i32
      %lt3A_538 = arith.constant 0 : i32
      %lt3A_539 = arith.cmpi slt, %rem3A_535, %lt3A_538 : i32
      %lt3A_540 = arith.constant 0 : i32
      %lt3A_541 = arith.cmpi slt, %select_n3A_534, %lt3A_540 : i32
      %ne3A_542 = arith.xori %lt3A_539, %lt3A_541 : i1
      %and3A_543 = arith.andi %ne3A_542, %ne3A_537 : i1
      %add3A_544 = arith.addi %rem3A_535, %select_n3A_534 : i32
      %select_n3A_545 = arith.select %and3A_543, %add3A_544, %rem3A_535 : i32
      %jit3A_546 = arith.constant 4 : i32
      %div3A_547 = arith.divsi %add3A_174, %jit3A_546 : i32
      %sign3A_548 = arith.constant 0 : i32
      %sign3A_549 = arith.cmpi sgt, %add3A_174, %sign3A_548 : i32
      %sign3A_550 = arith.extui %sign3A_549 : i1 to i32
      %sign3A_551 = arith.constant 0 : i32
      %sign3A_552 = arith.cmpi slt, %add3A_174, %sign3A_551 : i32
      %sign3A_553 = arith.extui %sign3A_552 : i1 to i32
      %sign3A_554 = arith.subi %sign3A_550, %sign3A_553 : i32
      %sign3A_555 = arith.constant 0 : i32
      %sign3A_556 = arith.cmpi sgt, %jit3A_546, %sign3A_555 : i32
      %sign3A_557 = arith.extui %sign3A_556 : i1 to i32
      %sign3A_558 = arith.constant 0 : i32
      %sign3A_559 = arith.cmpi slt, %jit3A_546, %sign3A_558 : i32
      %sign3A_560 = arith.extui %sign3A_559 : i1 to i32
      %sign3A_561 = arith.subi %sign3A_557, %sign3A_560 : i32
      %ne3A_562 = arith.cmpi ne, %sign3A_554, %sign3A_561 : i32
      %rem3A_563 = arith.remsi %add3A_174, %jit3A_546 : i32
      %ne3A_564 = arith.constant 0 : i32
      %ne3A_565 = arith.cmpi ne, %rem3A_563, %ne3A_564 : i32
      %and3A_566 = arith.andi %ne3A_562, %ne3A_565 : i1
      %sub3A_567 = arith.constant 1 : i32
      %sub3A_568 = arith.subi %div3A_547, %sub3A_567 : i32
      %select_n3A_569 = arith.select %and3A_566, %sub3A_568, %div3A_547 : i32
      %jit3A_570 = arith.constant 4 : i32
      %eq3A_571 = arith.constant 0 : i32
      %eq3A_572 = arith.cmpi eq, %jit3A_570, %eq3A_571 : i32
      %jit3A_573 = arith.constant 1 : i32
      %select_n3A_574 = arith.select %eq3A_572, %jit3A_573, %jit3A_570 : i32
      %rem3A_575 = arith.remsi %add3A_174, %select_n3A_574 : i32
      %ne3A_576 = arith.constant 0 : i32
      %ne3A_577 = arith.cmpi ne, %rem3A_575, %ne3A_576 : i32
      %lt3A_578 = arith.constant 0 : i32
      %lt3A_579 = arith.cmpi slt, %rem3A_575, %lt3A_578 : i32
      %lt3A_580 = arith.constant 0 : i32
      %lt3A_581 = arith.cmpi slt, %select_n3A_574, %lt3A_580 : i32
      %ne3A_582 = arith.xori %lt3A_579, %lt3A_581 : i1
      %and3A_583 = arith.andi %ne3A_582, %ne3A_577 : i1
      %add3A_584 = arith.addi %rem3A_575, %select_n3A_574 : i32
      %select_n3A_585 = arith.select %and3A_583, %add3A_584, %rem3A_575 : i32
      %ne3A_586 = arith.cmpi ne, %select_n3A_529, %select_n3A_569 : i32
      %ne3A_587 = arith.cmpi ne, %select_n3A_545, %select_n3A_585 : i32
      %or3A_588 = arith.constant false
      %or3A_589 = arith.ori %or3A_588, %ne3A_586 : i1
      %or3A_590 = arith.ori %or3A_589, %ne3A_587 : i1
      %or3A_591 = arith.ori %or3A_590, %eq3A_152 : i1
      %convert_element_type3A_592 = arith.extui %or3A_591 : i1 to i32
      %cond3A_593 = arith.constant 0 : i32
      %cond3A_594 = arith.cmpi ne, %convert_element_type3A_592, %cond3A_593 : i32
      scf.if %cond3A_594 {
      } else {
      }
      %and3A_595 = arith.constant false
      %and3A_596 = arith.andi %or3A_591, %and3A_595 : i1
      %jit3A_597 = arith.constant 16 : i32
      %eq3A_598 = arith.constant 0 : i32
      %eq3A_599 = arith.cmpi eq, %jit3A_597, %eq3A_598 : i32
      %jit3A_600 = arith.constant 1 : i32
      %select_n3A_601 = arith.select %eq3A_599, %jit3A_600, %jit3A_597 : i32
      %rem3A_602 = arith.remsi %add3A_154, %select_n3A_601 : i32
      %ne3A_603 = arith.constant 0 : i32
      %ne3A_604 = arith.cmpi ne, %rem3A_602, %ne3A_603 : i32
      %lt3A_605 = arith.constant 0 : i32
      %lt3A_606 = arith.cmpi slt, %rem3A_602, %lt3A_605 : i32
      %lt3A_607 = arith.constant 0 : i32
      %lt3A_608 = arith.cmpi slt, %select_n3A_601, %lt3A_607 : i32
      %ne3A_609 = arith.xori %lt3A_606, %lt3A_608 : i1
      %and3A_610 = arith.andi %ne3A_609, %ne3A_604 : i1
      %add3A_611 = arith.addi %rem3A_602, %select_n3A_601 : i32
      %select_n3A_612 = arith.select %and3A_610, %add3A_611, %rem3A_602 : i32
      %jit3A_613 = arith.constant 16 : i32
      %eq3A_614 = arith.constant 0 : i32
      %eq3A_615 = arith.cmpi eq, %jit3A_613, %eq3A_614 : i32
      %jit3A_616 = arith.constant 1 : i32
      %select_n3A_617 = arith.select %eq3A_615, %jit3A_616, %jit3A_613 : i32
      %rem3A_618 = arith.remsi %add3A_164, %select_n3A_617 : i32
      %ne3A_619 = arith.constant 0 : i32
      %ne3A_620 = arith.cmpi ne, %rem3A_618, %ne3A_619 : i32
      %lt3A_621 = arith.constant 0 : i32
      %lt3A_622 = arith.cmpi slt, %rem3A_618, %lt3A_621 : i32
      %lt3A_623 = arith.constant 0 : i32
      %lt3A_624 = arith.cmpi slt, %select_n3A_617, %lt3A_623 : i32
      %ne3A_625 = arith.xori %lt3A_622, %lt3A_624 : i1
      %and3A_626 = arith.andi %ne3A_625, %ne3A_620 : i1
      %add3A_627 = arith.addi %rem3A_618, %select_n3A_617 : i32
      %select_n3A_628 = arith.select %and3A_626, %add3A_627, %rem3A_618 : i32
      %ne3A_629 = arith.cmpi ne, %select_n3A_612, %select_n3A_628 : i32
      %or3A_630 = arith.constant false
      %or3A_631 = arith.ori %or3A_630, %ne3A_629 : i1
      %or3A_632 = arith.constant false
      %or3A_633 = arith.ori %or3A_631, %or3A_632 : i1
      %not3A_634 = arith.constant true
      %not3A_635 = arith.xori %eq3A_150, %not3A_634 : i1
      %and3A_636 = arith.andi %or3A_633, %not3A_635 : i1
      %convert_element_type3A_637 = arith.extui %and3A_636 : i1 to i32
      %cond3A_638 = arith.constant 0 : i32
      %cond3A_639 = arith.cmpi ne, %convert_element_type3A_637, %cond3A_638 : i32
      scf.if %cond3A_639 {
      } else {
      }
      %and3A_640 = arith.constant false
      %and3A_641 = arith.andi %and3A_636, %and3A_640 : i1
      %jit3A_642 = arith.constant 4 : i32
      %div3A_643 = arith.divsi %add3A_154, %jit3A_642 : i32
      %sign3A_644 = arith.constant 0 : i32
      %sign3A_645 = arith.cmpi sgt, %add3A_154, %sign3A_644 : i32
      %sign3A_646 = arith.extui %sign3A_645 : i1 to i32
      %sign3A_647 = arith.constant 0 : i32
      %sign3A_648 = arith.cmpi slt, %add3A_154, %sign3A_647 : i32
      %sign3A_649 = arith.extui %sign3A_648 : i1 to i32
      %sign3A_650 = arith.subi %sign3A_646, %sign3A_649 : i32
      %sign3A_651 = arith.constant 0 : i32
      %sign3A_652 = arith.cmpi sgt, %jit3A_642, %sign3A_651 : i32
      %sign3A_653 = arith.extui %sign3A_652 : i1 to i32
      %sign3A_654 = arith.constant 0 : i32
      %sign3A_655 = arith.cmpi slt, %jit3A_642, %sign3A_654 : i32
      %sign3A_656 = arith.extui %sign3A_655 : i1 to i32
      %sign3A_657 = arith.subi %sign3A_653, %sign3A_656 : i32
      %ne3A_658 = arith.cmpi ne, %sign3A_650, %sign3A_657 : i32
      %rem3A_659 = arith.remsi %add3A_154, %jit3A_642 : i32
      %ne3A_660 = arith.constant 0 : i32
      %ne3A_661 = arith.cmpi ne, %rem3A_659, %ne3A_660 : i32
      %and3A_662 = arith.andi %ne3A_658, %ne3A_661 : i1
      %sub3A_663 = arith.constant 1 : i32
      %sub3A_664 = arith.subi %div3A_643, %sub3A_663 : i32
      %select_n3A_665 = arith.select %and3A_662, %sub3A_664, %div3A_643 : i32
      %jit3A_666 = arith.constant 4 : i32
      %eq3A_667 = arith.constant 0 : i32
      %eq3A_668 = arith.cmpi eq, %jit3A_666, %eq3A_667 : i32
      %jit3A_669 = arith.constant 1 : i32
      %select_n3A_670 = arith.select %eq3A_668, %jit3A_669, %jit3A_666 : i32
      %rem3A_671 = arith.remsi %add3A_154, %select_n3A_670 : i32
      %ne3A_672 = arith.constant 0 : i32
      %ne3A_673 = arith.cmpi ne, %rem3A_671, %ne3A_672 : i32
      %lt3A_674 = arith.constant 0 : i32
      %lt3A_675 = arith.cmpi slt, %rem3A_671, %lt3A_674 : i32
      %lt3A_676 = arith.constant 0 : i32
      %lt3A_677 = arith.cmpi slt, %select_n3A_670, %lt3A_676 : i32
      %ne3A_678 = arith.xori %lt3A_675, %lt3A_677 : i1
      %and3A_679 = arith.andi %ne3A_678, %ne3A_673 : i1
      %add3A_680 = arith.addi %rem3A_671, %select_n3A_670 : i32
      %select_n3A_681 = arith.select %and3A_679, %add3A_680, %rem3A_671 : i32
      %jit3A_682 = arith.constant 4 : i32
      %div3A_683 = arith.divsi %add3A_164, %jit3A_682 : i32
      %sign3A_684 = arith.constant 0 : i32
      %sign3A_685 = arith.cmpi sgt, %add3A_164, %sign3A_684 : i32
      %sign3A_686 = arith.extui %sign3A_685 : i1 to i32
      %sign3A_687 = arith.constant 0 : i32
      %sign3A_688 = arith.cmpi slt, %add3A_164, %sign3A_687 : i32
      %sign3A_689 = arith.extui %sign3A_688 : i1 to i32
      %sign3A_690 = arith.subi %sign3A_686, %sign3A_689 : i32
      %sign3A_691 = arith.constant 0 : i32
      %sign3A_692 = arith.cmpi sgt, %jit3A_682, %sign3A_691 : i32
      %sign3A_693 = arith.extui %sign3A_692 : i1 to i32
      %sign3A_694 = arith.constant 0 : i32
      %sign3A_695 = arith.cmpi slt, %jit3A_682, %sign3A_694 : i32
      %sign3A_696 = arith.extui %sign3A_695 : i1 to i32
      %sign3A_697 = arith.subi %sign3A_693, %sign3A_696 : i32
      %ne3A_698 = arith.cmpi ne, %sign3A_690, %sign3A_697 : i32
      %rem3A_699 = arith.remsi %add3A_164, %jit3A_682 : i32
      %ne3A_700 = arith.constant 0 : i32
      %ne3A_701 = arith.cmpi ne, %rem3A_699, %ne3A_700 : i32
      %and3A_702 = arith.andi %ne3A_698, %ne3A_701 : i1
      %sub3A_703 = arith.constant 1 : i32
      %sub3A_704 = arith.subi %div3A_683, %sub3A_703 : i32
      %select_n3A_705 = arith.select %and3A_702, %sub3A_704, %div3A_683 : i32
      %jit3A_706 = arith.constant 4 : i32
      %eq3A_707 = arith.constant 0 : i32
      %eq3A_708 = arith.cmpi eq, %jit3A_706, %eq3A_707 : i32
      %jit3A_709 = arith.constant 1 : i32
      %select_n3A_710 = arith.select %eq3A_708, %jit3A_709, %jit3A_706 : i32
      %rem3A_711 = arith.remsi %add3A_164, %select_n3A_710 : i32
      %ne3A_712 = arith.constant 0 : i32
      %ne3A_713 = arith.cmpi ne, %rem3A_711, %ne3A_712 : i32
      %lt3A_714 = arith.constant 0 : i32
      %lt3A_715 = arith.cmpi slt, %rem3A_711, %lt3A_714 : i32
      %lt3A_716 = arith.constant 0 : i32
      %lt3A_717 = arith.cmpi slt, %select_n3A_710, %lt3A_716 : i32
      %ne3A_718 = arith.xori %lt3A_715, %lt3A_717 : i1
      %and3A_719 = arith.andi %ne3A_718, %ne3A_713 : i1
      %add3A_720 = arith.addi %rem3A_711, %select_n3A_710 : i32
      %select_n3A_721 = arith.select %and3A_719, %add3A_720, %rem3A_711 : i32
      %ne3A_722 = arith.cmpi ne, %select_n3A_665, %select_n3A_705 : i32
      %ne3A_723 = arith.cmpi ne, %select_n3A_681, %select_n3A_721 : i32
      %or3A_724 = arith.constant false
      %or3A_725 = arith.ori %or3A_724, %ne3A_722 : i1
      %or3A_726 = arith.ori %or3A_725, %ne3A_723 : i1
      %not3A_727 = arith.constant true
      %not3A_728 = arith.xori %eq3A_150, %not3A_727 : i1
      %and3A_729 = arith.andi %or3A_726, %not3A_728 : i1
      %convert_element_type3A_730 = arith.extui %and3A_729 : i1 to i32
      %cond3A_731 = arith.constant 0 : i32
      %cond3A_732 = arith.cmpi ne, %convert_element_type3A_730, %cond3A_731 : i32
      scf.if %cond3A_732 {
      } else {
      }
      %and3A_733 = arith.constant false
      %and3A_734 = arith.andi %and3A_729, %and3A_733 : i1
      %jit3A_735 = arith.constant 16 : i32
      %eq3A_736 = arith.constant 0 : i32
      %eq3A_737 = arith.cmpi eq, %jit3A_735, %eq3A_736 : i32
      %jit3A_738 = arith.constant 1 : i32
      %select_n3A_739 = arith.select %eq3A_737, %jit3A_738, %jit3A_735 : i32
      %rem3A_740 = arith.remsi %add3A_154, %select_n3A_739 : i32
      %ne3A_741 = arith.constant 0 : i32
      %ne3A_742 = arith.cmpi ne, %rem3A_740, %ne3A_741 : i32
      %lt3A_743 = arith.constant 0 : i32
      %lt3A_744 = arith.cmpi slt, %rem3A_740, %lt3A_743 : i32
      %lt3A_745 = arith.constant 0 : i32
      %lt3A_746 = arith.cmpi slt, %select_n3A_739, %lt3A_745 : i32
      %ne3A_747 = arith.xori %lt3A_744, %lt3A_746 : i1
      %and3A_748 = arith.andi %ne3A_747, %ne3A_742 : i1
      %add3A_749 = arith.addi %rem3A_740, %select_n3A_739 : i32
      %select_n3A_750 = arith.select %and3A_748, %add3A_749, %rem3A_740 : i32
      %jit3A_751 = arith.constant 16 : i32
      %eq3A_752 = arith.constant 0 : i32
      %eq3A_753 = arith.cmpi eq, %jit3A_751, %eq3A_752 : i32
      %jit3A_754 = arith.constant 1 : i32
      %select_n3A_755 = arith.select %eq3A_753, %jit3A_754, %jit3A_751 : i32
      %rem3A_756 = arith.remsi %add3A_174, %select_n3A_755 : i32
      %ne3A_757 = arith.constant 0 : i32
      %ne3A_758 = arith.cmpi ne, %rem3A_756, %ne3A_757 : i32
      %lt3A_759 = arith.constant 0 : i32
      %lt3A_760 = arith.cmpi slt, %rem3A_756, %lt3A_759 : i32
      %lt3A_761 = arith.constant 0 : i32
      %lt3A_762 = arith.cmpi slt, %select_n3A_755, %lt3A_761 : i32
      %ne3A_763 = arith.xori %lt3A_760, %lt3A_762 : i1
      %and3A_764 = arith.andi %ne3A_763, %ne3A_758 : i1
      %add3A_765 = arith.addi %rem3A_756, %select_n3A_755 : i32
      %select_n3A_766 = arith.select %and3A_764, %add3A_765, %rem3A_756 : i32
      %ne3A_767 = arith.cmpi ne, %select_n3A_750, %select_n3A_766 : i32
      %or3A_768 = arith.constant false
      %or3A_769 = arith.ori %or3A_768, %ne3A_767 : i1
      %or3A_770 = arith.constant false
      %or3A_771 = arith.ori %or3A_769, %or3A_770 : i1
      %or3A_772 = arith.ori %or3A_771, %eq3A_152 : i1
      %add3A_773 = arith.constant 1 : i32
      %add3A_774 = arith.addi %scan3A, %add3A_773 : i32
      %select_n3A_775 = arith.select %or3A_772, %add3A_774, %scan3A : i32
      %jit3A_776 = arith.constant 4 : i32
      %div3A_777 = arith.divsi %add3A_154, %jit3A_776 : i32
      %sign3A_778 = arith.constant 0 : i32
      %sign3A_779 = arith.cmpi sgt, %add3A_154, %sign3A_778 : i32
      %sign3A_780 = arith.extui %sign3A_779 : i1 to i32
      %sign3A_781 = arith.constant 0 : i32
      %sign3A_782 = arith.cmpi slt, %add3A_154, %sign3A_781 : i32
      %sign3A_783 = arith.extui %sign3A_782 : i1 to i32
      %sign3A_784 = arith.subi %sign3A_780, %sign3A_783 : i32
      %sign3A_785 = arith.constant 0 : i32
      %sign3A_786 = arith.cmpi sgt, %jit3A_776, %sign3A_785 : i32
      %sign3A_787 = arith.extui %sign3A_786 : i1 to i32
      %sign3A_788 = arith.constant 0 : i32
      %sign3A_789 = arith.cmpi slt, %jit3A_776, %sign3A_788 : i32
      %sign3A_790 = arith.extui %sign3A_789 : i1 to i32
      %sign3A_791 = arith.subi %sign3A_787, %sign3A_790 : i32
      %ne3A_792 = arith.cmpi ne, %sign3A_784, %sign3A_791 : i32
      %rem3A_793 = arith.remsi %add3A_154, %jit3A_776 : i32
      %ne3A_794 = arith.constant 0 : i32
      %ne3A_795 = arith.cmpi ne, %rem3A_793, %ne3A_794 : i32
      %and3A_796 = arith.andi %ne3A_792, %ne3A_795 : i1
      %sub3A_797 = arith.constant 1 : i32
      %sub3A_798 = arith.subi %div3A_777, %sub3A_797 : i32
      %select_n3A_799 = arith.select %and3A_796, %sub3A_798, %div3A_777 : i32
      %jit3A_800 = arith.constant 4 : i32
      %eq3A_801 = arith.constant 0 : i32
      %eq3A_802 = arith.cmpi eq, %jit3A_800, %eq3A_801 : i32
      %jit3A_803 = arith.constant 1 : i32
      %select_n3A_804 = arith.select %eq3A_802, %jit3A_803, %jit3A_800 : i32
      %rem3A_805 = arith.remsi %add3A_154, %select_n3A_804 : i32
      %ne3A_806 = arith.constant 0 : i32
      %ne3A_807 = arith.cmpi ne, %rem3A_805, %ne3A_806 : i32
      %lt3A_808 = arith.constant 0 : i32
      %lt3A_809 = arith.cmpi slt, %rem3A_805, %lt3A_808 : i32
      %lt3A_810 = arith.constant 0 : i32
      %lt3A_811 = arith.cmpi slt, %select_n3A_804, %lt3A_810 : i32
      %ne3A_812 = arith.xori %lt3A_809, %lt3A_811 : i1
      %and3A_813 = arith.andi %ne3A_812, %ne3A_807 : i1
      %add3A_814 = arith.addi %rem3A_805, %select_n3A_804 : i32
      %select_n3A_815 = arith.select %and3A_813, %add3A_814, %rem3A_805 : i32
      %jit3A_816 = arith.constant 4 : i32
      %div3A_817 = arith.divsi %add3A_174, %jit3A_816 : i32
      %sign3A_818 = arith.constant 0 : i32
      %sign3A_819 = arith.cmpi sgt, %add3A_174, %sign3A_818 : i32
      %sign3A_820 = arith.extui %sign3A_819 : i1 to i32
      %sign3A_821 = arith.constant 0 : i32
      %sign3A_822 = arith.cmpi slt, %add3A_174, %sign3A_821 : i32
      %sign3A_823 = arith.extui %sign3A_822 : i1 to i32
      %sign3A_824 = arith.subi %sign3A_820, %sign3A_823 : i32
      %sign3A_825 = arith.constant 0 : i32
      %sign3A_826 = arith.cmpi sgt, %jit3A_816, %sign3A_825 : i32
      %sign3A_827 = arith.extui %sign3A_826 : i1 to i32
      %sign3A_828 = arith.constant 0 : i32
      %sign3A_829 = arith.cmpi slt, %jit3A_816, %sign3A_828 : i32
      %sign3A_830 = arith.extui %sign3A_829 : i1 to i32
      %sign3A_831 = arith.subi %sign3A_827, %sign3A_830 : i32
      %ne3A_832 = arith.cmpi ne, %sign3A_824, %sign3A_831 : i32
      %rem3A_833 = arith.remsi %add3A_174, %jit3A_816 : i32
      %ne3A_834 = arith.constant 0 : i32
      %ne3A_835 = arith.cmpi ne, %rem3A_833, %ne3A_834 : i32
      %and3A_836 = arith.andi %ne3A_832, %ne3A_835 : i1
      %sub3A_837 = arith.constant 1 : i32
      %sub3A_838 = arith.subi %div3A_817, %sub3A_837 : i32
      %select_n3A_839 = arith.select %and3A_836, %sub3A_838, %div3A_817 : i32
      %jit3A_840 = arith.constant 4 : i32
      %eq3A_841 = arith.constant 0 : i32
      %eq3A_842 = arith.cmpi eq, %jit3A_840, %eq3A_841 : i32
      %jit3A_843 = arith.constant 1 : i32
      %select_n3A_844 = arith.select %eq3A_842, %jit3A_843, %jit3A_840 : i32
      %rem3A_845 = arith.remsi %add3A_174, %select_n3A_844 : i32
      %ne3A_846 = arith.constant 0 : i32
      %ne3A_847 = arith.cmpi ne, %rem3A_845, %ne3A_846 : i32
      %lt3A_848 = arith.constant 0 : i32
      %lt3A_849 = arith.cmpi slt, %rem3A_845, %lt3A_848 : i32
      %lt3A_850 = arith.constant 0 : i32
      %lt3A_851 = arith.cmpi slt, %select_n3A_844, %lt3A_850 : i32
      %ne3A_852 = arith.xori %lt3A_849, %lt3A_851 : i1
      %and3A_853 = arith.andi %ne3A_852, %ne3A_847 : i1
      %add3A_854 = arith.addi %rem3A_845, %select_n3A_844 : i32
      %select_n3A_855 = arith.select %and3A_853, %add3A_854, %rem3A_845 : i32
      %ne3A_856 = arith.cmpi ne, %select_n3A_799, %select_n3A_839 : i32
      %ne3A_857 = arith.cmpi ne, %select_n3A_815, %select_n3A_855 : i32
      %or3A_858 = arith.constant false
      %or3A_859 = arith.ori %or3A_858, %ne3A_856 : i1
      %or3A_860 = arith.ori %or3A_859, %ne3A_857 : i1
      %or3A_861 = arith.ori %or3A_860, %eq3A_152 : i1
      %add3A_862 = arith.constant 1 : i32
      %add3A_863 = arith.addi %scan3A_146, %add3A_862 : i32
      %select_n3A_864 = arith.select %or3A_861, %add3A_863, %scan3A_146 : i32
      %select_n3A_865 = arith.constant true
      %select_n3A_866 = arith.constant 0 : i32
      %select_n3A_867 = arith.constant 1 : i32
      %select_n3A_868 = arith.select %select_n3A_865, %select_n3A_867, %select_n3A_866 : i32
      %eq3A_869 = arith.constant 1 : i32
      %eq3A_870 = arith.cmpi eq, %select_n3A_868, %eq3A_869 : i32
      %select_n3A_871 = arith.constant 0 : i32
      %select_n3A_872 = arith.select %eq3A_870, %select_n3A_871, %select_n3A_868 : i32
      %scan3A_873 = arith.constant 0 : i32
      %scan3A_874 = arith.constant 1 : i32
      %sub3A_875 = arith.constant 1 : i32
      %sub3A_876 = arith.subi %scan3A_873, %sub3A_875 : i32
      %select_n3A_877 = arith.constant true
      %select_n3A_878 = arith.select %select_n3A_877, %sub3A_876, %scan3A_873 : i32
      %eq3A_879 = arith.constant -1 : i32
      %eq3A_880 = arith.cmpi eq, %select_n3A_878, %eq3A_879 : i32
      %select_n3A_881 = arith.constant 0 : i32
      %select_n3A_882 = arith.select %eq3A_880, %select_n3A_881, %select_n3A_878 : i32
      %add3A_883 = arith.constant 0 : i32
      %add3A_884 = arith.addi %add3A_883, %mul3A_6 : i32
      %select_n3A_885 = arith.constant true
      %select_n3A_886 = arith.constant 0 : i32
      %select_n3A_887 = arith.constant -1 : i32
      %select_n3A_888 = arith.select %select_n3A_885, %select_n3A_887, %select_n3A_886 : i32
      %eq3A_889 = arith.constant -1 : i32
      %eq3A_890 = arith.cmpi eq, %select_n3A_888, %eq3A_889 : i32
      %select_n3A_891 = arith.constant 0 : i32
      %select_n3A_892 = arith.select %eq3A_890, %select_n3A_891, %select_n3A_888 : i32
      %add3A_893 = arith.constant 0 : i32
      %add3A_894 = arith.addi %add3A_893, %mul3A_6 : i32
      %select_n3A_895 = arith.constant true
      %select_n3A_896 = arith.constant 0 : i32
      %select_n3A_897 = arith.constant 1 : i32
      %select_n3A_898 = arith.select %select_n3A_895, %select_n3A_897, %select_n3A_896 : i32
      %eq3A_899 = arith.constant 1 : i32
      %eq3A_900 = arith.cmpi eq, %select_n3A_898, %eq3A_899 : i32
      %select_n3A_901 = arith.constant 0 : i32
      %select_n3A_902 = arith.select %eq3A_900, %select_n3A_901, %select_n3A_898 : i32
      %add3A_903 = arith.constant 0 : i32
      %add3A_904 = arith.addi %add3A_903, %mul3A_6 : i32
      %select_n3A_905 = arith.constant true
      %select_n3A_906 = arith.constant 0 : i32
      %select_n3A_907 = arith.constant 1 : i32
      %select_n3A_908 = arith.select %select_n3A_905, %select_n3A_907, %select_n3A_906 : i32
      %eq3A_909 = arith.constant 1 : i32
      %eq3A_910 = arith.cmpi eq, %select_n3A_908, %eq3A_909 : i32
      %select_n3A_911 = arith.constant 0 : i32
      %select_n3A_912 = arith.select %eq3A_910, %select_n3A_911, %select_n3A_908 : i32
      %add3A_913 = arith.constant 0 : i32
      %add3A_914 = arith.addi %add3A_913, %mul3A_6 : i32
      tpu.yield
    }) : () -> ()
    %mul3A_7 = arith.constant 1 : i32
    %mul3A_8 = arith.muli %arg1, %mul3A_7 : i32
    %add3A_9 = arith.constant 0 : i32
    %add3A_10 = arith.addi %add3A_9, %mul3A_8 : i32
    %mul3A_11 = arith.constant 16 : i32
    %mul3A_12 = arith.muli %arg0, %mul3A_11 : i32
    %add3A_13 = arith.addi %add3A_10, %mul3A_12 : i32
    %mul3A_14 = arith.constant 1 : i32
    %mul3A_15 = arith.muli %add3A_13, %mul3A_14 : i32
    "tpu.region"() ({
      %run_scoped3A = memref.alloca() : memref<2x128x384xf32, #tpu.memory_space<vmem>>
      %run_scoped3A_16 = tpu.sem_alloc : memref<2x!tpu.dma_semaphore, #tpu.memory_space<semaphore_mem>>
      %run_scoped3A_17 = memref.alloca() : memref<2x1x128xi32, #tpu.memory_space<vmem>>
      %run_scoped3A_18 = tpu.sem_alloc : memref<2x!tpu.dma_semaphore, #tpu.memory_space<semaphore_mem>>
      %add3A_19 = arith.constant 0 : i32
      %add3A_20 = arith.addi %add3A_19, %mul3A_15 : i32
      %select_n3A = arith.constant true
      %select_n3A_21 = arith.constant 0 : i32
      %select_n3A_22 = arith.constant -1 : i32
      %select_n3A_23 = arith.select %select_n3A, %select_n3A_22, %select_n3A_21 : i32
      %eq3A = arith.constant -1 : i32
      %eq3A_24 = arith.cmpi eq, %select_n3A_23, %eq3A : i32
      %select_n3A_25 = arith.constant 0 : i32
      %select_n3A_26 = arith.select %eq3A_24, %select_n3A_25, %select_n3A_23 : i32
      %add3A_27 = arith.constant 0 : i32
      %add3A_28 = arith.addi %add3A_27, %mul3A_15 : i32
      %select_n3A_29 = arith.constant true
      %select_n3A_30 = arith.constant 0 : i32
      %select_n3A_31 = arith.constant 1 : i32
      %select_n3A_32 = arith.select %select_n3A_29, %select_n3A_31, %select_n3A_30 : i32
      %eq3A_33 = arith.constant 1 : i32
      %eq3A_34 = arith.cmpi eq, %select_n3A_32, %eq3A_33 : i32
      %select_n3A_35 = arith.constant 0 : i32
      %select_n3A_36 = arith.select %eq3A_34, %select_n3A_35, %select_n3A_32 : i32
      %add3A_37 = arith.constant 0 : i32
      %add3A_38 = arith.addi %add3A_37, %mul3A_15 : i32
      %select_n3A_39 = arith.constant true
      %select_n3A_40 = arith.constant 0 : i32
      %select_n3A_41 = arith.constant 1 : i32
      %select_n3A_42 = arith.select %select_n3A_39, %select_n3A_41, %select_n3A_40 : i32
      %eq3A_43 = arith.constant 1 : i32
      %eq3A_44 = arith.cmpi eq, %select_n3A_42, %eq3A_43 : i32
      %select_n3A_45 = arith.constant 0 : i32
      %select_n3A_46 = arith.select %eq3A_44, %select_n3A_45, %select_n3A_42 : i32
      %add3A_47 = arith.constant 0 : i32
      %add3A_48 = arith.addi %add3A_47, %mul3A_15 : i32
      "tpu.trace_start"() <{level = 10 : i32, message = "ep_initialize_0"}> : () -> ()
      %rem3A = arith.constant 0 : i32
      %rem3A_49 = arith.constant 2 : i32
      %rem3A_50 = arith.remui %rem3A, %rem3A_49 : i32
      %jit3A = arith.constant 16 : i32
      %eq3A_51 = arith.constant 0 : i32
      %eq3A_52 = arith.cmpi eq, %jit3A, %eq3A_51 : i32
      %jit3A_53 = arith.constant 1 : i32
      %select_n3A_54 = arith.select %eq3A_52, %jit3A_53, %jit3A : i32
      %rem3A_55 = arith.remsi %add3A_20, %select_n3A_54 : i32
      %ne3A = arith.constant 0 : i32
      %ne3A_56 = arith.cmpi ne, %rem3A_55, %ne3A : i32
      %lt3A = arith.constant 0 : i32
      %lt3A_57 = arith.cmpi slt, %rem3A_55, %lt3A : i32
      %lt3A_58 = arith.constant 0 : i32
      %lt3A_59 = arith.cmpi slt, %select_n3A_54, %lt3A_58 : i32
      %ne3A_60 = arith.xori %lt3A_57, %lt3A_59 : i1
      %and3A = arith.andi %ne3A_60, %ne3A_56 : i1
      %add3A_61 = arith.addi %rem3A_55, %select_n3A_54 : i32
      %select_n3A_62 = arith.select %and3A, %add3A_61, %rem3A_55 : i32
      %mul3A_63 = arith.constant 128 : i32
      %mul3A_64 = arith.muli %mul3A_63, %select_n3A_62 : i32
      %dma_start3A = arith.constant 0 : i32
      %dma_start3A_65 = arith.constant 0 : i32
      %dma_start3A_66 = tpu.memref_slice %run_scoped3A[%rem3A_50, %dma_start3A, %dma_start3A_65] : memref<2x128x384xf32, #tpu.memory_space<vmem>> -> memref<1x128x384xf32, #tpu.memory_space<vmem>>
      %dma_start3A_67 = tpu.memref_squeeze %dma_start3A_66 : memref<1x128x384xf32, #tpu.memory_space<vmem>> -> memref<128x384xf32, #tpu.memory_space<vmem>>
      %dma_start3A_68 = arith.constant 384 : i32
      %dma_start3A_69 = tpu.memref_slice %arg2[%mul3A_64, %dma_start3A_68] : memref<2048x768xf32, #tpu.memory_space<hbm>> -> memref<128x384xf32, #tpu.memory_space<hbm>>
      %dma_start3A_70 = tpu.memref_slice %run_scoped3A_16[%rem3A_50] : memref<2x!tpu.dma_semaphore, #tpu.memory_space<semaphore_mem>> -> memref<1x!tpu.dma_semaphore, #tpu.memory_space<semaphore_mem>>
      %dma_start3A_71 = tpu.memref_squeeze %dma_start3A_70 : memref<1x!tpu.dma_semaphore, #tpu.memory_space<semaphore_mem>> -> memref<!tpu.dma_semaphore, #tpu.memory_space<semaphore_mem>>
      %dma_start3A_72 = arith.constant 0 : i32
      %dma_start3A_73 = arith.constant 0 : i32
      %dma_start3A_74 = tpu.memref_slice %run_scoped3A[%rem3A_50, %dma_start3A_72, %dma_start3A_73] : memref<2x128x384xf32, #tpu.memory_space<vmem>> -> memref<1x128x384xf32, #tpu.memory_space<vmem>>
      %dma_start3A_75 = tpu.memref_squeeze %dma_start3A_74 : memref<1x128x384xf32, #tpu.memory_space<vmem>> -> memref<128x384xf32, #tpu.memory_space<vmem>>
      %dma_start3A_76 = arith.constant 384 : i32
      %dma_start3A_77 = tpu.memref_slice %arg2[%mul3A_64, %dma_start3A_76] : memref<2048x768xf32, #tpu.memory_space<hbm>> -> memref<128x384xf32, #tpu.memory_space<hbm>>
      tpu.enqueue_dma source(%dma_start3A_77 : memref<128x384xf32, #tpu.memory_space<hbm>>) target(%dma_start3A_75 : memref<128x384xf32, #tpu.memory_space<vmem>>) target_semaphore(%dma_start3A_71 : memref<!tpu.dma_semaphore, #tpu.memory_space<semaphore_mem>>)
      %add3A_78 = arith.constant 0 : i32
      %add3A_79 = arith.constant 1 : i32
      %add3A_80 = arith.addi %add3A_78, %add3A_79 : i32
      %select_n3A_81 = arith.constant true
      %select_n3A_82 = arith.constant 0 : i32
      %select_n3A_83 = arith.select %select_n3A_81, %add3A_80, %select_n3A_82 : i32
      %rem3A_84 = arith.constant 0 : i32
      %rem3A_85 = arith.constant 2 : i32
      %rem3A_86 = arith.remui %rem3A_84, %rem3A_85 : i32
      %jit3A_87 = arith.constant 4 : i32
      %div3A = arith.divsi %add3A_20, %jit3A_87 : i32
      %sign3A = arith.constant 0 : i32
      %sign3A_88 = arith.cmpi sgt, %add3A_20, %sign3A : i32
      %sign3A_89 = arith.extui %sign3A_88 : i1 to i32
      %sign3A_90 = arith.constant 0 : i32
      %sign3A_91 = arith.cmpi slt, %add3A_20, %sign3A_90 : i32
      %sign3A_92 = arith.extui %sign3A_91 : i1 to i32
      %sign3A_93 = arith.subi %sign3A_89, %sign3A_92 : i32
      %sign3A_94 = arith.constant 0 : i32
      %sign3A_95 = arith.cmpi sgt, %jit3A_87, %sign3A_94 : i32
      %sign3A_96 = arith.extui %sign3A_95 : i1 to i32
      %sign3A_97 = arith.constant 0 : i32
      %sign3A_98 = arith.cmpi slt, %jit3A_87, %sign3A_97 : i32
      %sign3A_99 = arith.extui %sign3A_98 : i1 to i32
      %sign3A_100 = arith.subi %sign3A_96, %sign3A_99 : i32
      %ne3A_101 = arith.cmpi ne, %sign3A_93, %sign3A_100 : i32
      %rem3A_102 = arith.remsi %add3A_20, %jit3A_87 : i32
      %ne3A_103 = arith.constant 0 : i32
      %ne3A_104 = arith.cmpi ne, %rem3A_102, %ne3A_103 : i32
      %and3A_105 = arith.andi %ne3A_101, %ne3A_104 : i1
      %sub3A = arith.constant 1 : i32
      %sub3A_106 = arith.subi %div3A, %sub3A : i32
      %select_n3A_107 = arith.select %and3A_105, %sub3A_106, %div3A : i32
      %jit3A_108 = arith.constant 4 : i32
      %eq3A_109 = arith.constant 0 : i32
      %eq3A_110 = arith.cmpi eq, %jit3A_108, %eq3A_109 : i32
      %jit3A_111 = arith.constant 1 : i32
      %select_n3A_112 = arith.select %eq3A_110, %jit3A_111, %jit3A_108 : i32
      %rem3A_113 = arith.remsi %add3A_20, %select_n3A_112 : i32
      %ne3A_114 = arith.constant 0 : i32
      %ne3A_115 = arith.cmpi ne, %rem3A_113, %ne3A_114 : i32
      %lt3A_116 = arith.constant 0 : i32
      %lt3A_117 = arith.cmpi slt, %rem3A_113, %lt3A_116 : i32
      %lt3A_118 = arith.constant 0 : i32
      %lt3A_119 = arith.cmpi slt, %select_n3A_112, %lt3A_118 : i32
      %ne3A_120 = arith.xori %lt3A_117, %lt3A_119 : i1
      %and3A_121 = arith.andi %ne3A_120, %ne3A_115 : i1
      %add3A_122 = arith.addi %rem3A_113, %select_n3A_112 : i32
      %select_n3A_123 = arith.select %and3A_121, %add3A_122, %rem3A_113 : i32
      %mul3A_124 = arith.constant 1 : i32
      %mul3A_125 = arith.muli %mul3A_124, %select_n3A_107 : i32
      %mul3A_126 = arith.constant 128 : i32
      %mul3A_127 = arith.muli %mul3A_126, %select_n3A_123 : i32
      %dma_start3A_128 = arith.constant 0 : i32
      %dma_start3A_129 = arith.constant 0 : i32
      %dma_start3A_130 = tpu.memref_slice %run_scoped3A_17[%rem3A_86, %dma_start3A_128, %dma_start3A_129] : memref<2x1x128xi32, #tpu.memory_space<vmem>> -> memref<1x1x128xi32, #tpu.memory_space<vmem>>
      %dma_start3A_131 = tpu.memref_squeeze %dma_start3A_130 : memref<1x1x128xi32, #tpu.memory_space<vmem>> -> memref<1x128xi32, #tpu.memory_space<vmem>>
      %dma_start3A_132 = tpu.memref_slice %arg3[%mul3A_125, %mul3A_127] : memref<8x512xi32, #tpu.memory_space<hbm>> -> memref<1x128xi32, #tpu.memory_space<hbm>>
      %dma_start3A_133 = tpu.memref_slice %run_scoped3A_18[%rem3A_86] : memref<2x!tpu.dma_semaphore, #tpu.memory_space<semaphore_mem>> -> memref<1x!tpu.dma_semaphore, #tpu.memory_space<semaphore_mem>>
      %dma_start3A_134 = tpu.memref_squeeze %dma_start3A_133 : memref<1x!tpu.dma_semaphore, #tpu.memory_space<semaphore_mem>> -> memref<!tpu.dma_semaphore, #tpu.memory_space<semaphore_mem>>
      %dma_start3A_135 = arith.constant 0 : i32
      %dma_start3A_136 = arith.constant 0 : i32
      %dma_start3A_137 = tpu.memref_slice %run_scoped3A_17[%rem3A_86, %dma_start3A_135, %dma_start3A_136] : memref<2x1x128xi32, #tpu.memory_space<vmem>> -> memref<1x1x128xi32, #tpu.memory_space<vmem>>
      %dma_start3A_138 = tpu.memref_squeeze %dma_start3A_137 : memref<1x1x128xi32, #tpu.memory_space<vmem>> -> memref<1x128xi32, #tpu.memory_space<vmem>>
      %dma_start3A_139 = tpu.memref_slice %arg3[%mul3A_125, %mul3A_127] : memref<8x512xi32, #tpu.memory_space<hbm>> -> memref<1x128xi32, #tpu.memory_space<hbm>>
      tpu.enqueue_dma source(%dma_start3A_139 : memref<1x128xi32, #tpu.memory_space<hbm>>) target(%dma_start3A_138 : memref<1x128xi32, #tpu.memory_space<vmem>>) target_semaphore(%dma_start3A_134 : memref<!tpu.dma_semaphore, #tpu.memory_space<semaphore_mem>>)
      %add3A_140 = arith.constant 0 : i32
      %add3A_141 = arith.constant 1 : i32
      %add3A_142 = arith.addi %add3A_140, %add3A_141 : i32
      %select_n3A_143 = arith.constant true
      %select_n3A_144 = arith.constant 0 : i32
      %select_n3A_145 = arith.select %select_n3A_143, %add3A_142, %select_n3A_144 : i32
      "tpu.trace_stop"() : () -> ()
      %scan3A = arith.constant 0 : i32
      %scan3A_146 = arith.constant 0 : i32
      %scan3A_147 = arith.constant 0 : i32
      %scan3A_148 = arith.constant 0 : i32
      %eq3A_149 = arith.constant 0 : i32
      %eq3A_150 = arith.cmpi eq, %scan3A_148, %eq3A_149 : i32
      %eq3A_151 = arith.constant 0 : i32
      %eq3A_152 = arith.cmpi eq, %scan3A_148, %eq3A_151 : i32
      %add3A_153 = arith.constant 0 : i32
      %add3A_154 = arith.addi %add3A_153, %mul3A_15 : i32
      %select_n3A_155 = arith.constant true
      %select_n3A_156 = arith.constant 0 : i32
      %select_n3A_157 = arith.constant -1 : i32
      %select_n3A_158 = arith.select %select_n3A_155, %select_n3A_157, %select_n3A_156 : i32
      %eq3A_159 = arith.constant -1 : i32
      %eq3A_160 = arith.cmpi eq, %select_n3A_158, %eq3A_159 : i32
      %select_n3A_161 = arith.constant 0 : i32
      %select_n3A_162 = arith.select %eq3A_160, %select_n3A_161, %select_n3A_158 : i32
      %add3A_163 = arith.constant 0 : i32
      %add3A_164 = arith.addi %add3A_163, %mul3A_15 : i32
      %select_n3A_165 = arith.constant true
      %select_n3A_166 = arith.constant 0 : i32
      %select_n3A_167 = arith.constant 1 : i32
      %select_n3A_168 = arith.select %select_n3A_165, %select_n3A_167, %select_n3A_166 : i32
      %eq3A_169 = arith.constant 1 : i32
      %eq3A_170 = arith.cmpi eq, %select_n3A_168, %eq3A_169 : i32
      %select_n3A_171 = arith.constant 0 : i32
      %select_n3A_172 = arith.select %eq3A_170, %select_n3A_171, %select_n3A_168 : i32
      %add3A_173 = arith.constant 0 : i32
      %add3A_174 = arith.addi %add3A_173, %mul3A_15 : i32
      %select_n3A_175 = arith.constant true
      %select_n3A_176 = arith.constant 0 : i32
      %select_n3A_177 = arith.constant 1 : i32
      %select_n3A_178 = arith.select %select_n3A_175, %select_n3A_177, %select_n3A_176 : i32
      %eq3A_179 = arith.constant 1 : i32
      %eq3A_180 = arith.cmpi eq, %select_n3A_178, %eq3A_179 : i32
      %select_n3A_181 = arith.constant 0 : i32
      %select_n3A_182 = arith.select %eq3A_180, %select_n3A_181, %select_n3A_178 : i32
      %add3A_183 = arith.constant 0 : i32
      %add3A_184 = arith.addi %add3A_183, %mul3A_15 : i32
      %jit3A_185 = arith.constant 16 : i32
      %eq3A_186 = arith.constant 0 : i32
      %eq3A_187 = arith.cmpi eq, %jit3A_185, %eq3A_186 : i32
      %jit3A_188 = arith.constant 1 : i32
      %select_n3A_189 = arith.select %eq3A_187, %jit3A_188, %jit3A_185 : i32
      %rem3A_190 = arith.remsi %add3A_154, %select_n3A_189 : i32
      %ne3A_191 = arith.constant 0 : i32
      %ne3A_192 = arith.cmpi ne, %rem3A_190, %ne3A_191 : i32
      %lt3A_193 = arith.constant 0 : i32
      %lt3A_194 = arith.cmpi slt, %rem3A_190, %lt3A_193 : i32
      %lt3A_195 = arith.constant 0 : i32
      %lt3A_196 = arith.cmpi slt, %select_n3A_189, %lt3A_195 : i32
      %ne3A_197 = arith.xori %lt3A_194, %lt3A_196 : i1
      %and3A_198 = arith.andi %ne3A_197, %ne3A_192 : i1
      %add3A_199 = arith.addi %rem3A_190, %select_n3A_189 : i32
      %select_n3A_200 = arith.select %and3A_198, %add3A_199, %rem3A_190 : i32
      %jit3A_201 = arith.constant 16 : i32
      %eq3A_202 = arith.constant 0 : i32
      %eq3A_203 = arith.cmpi eq, %jit3A_201, %eq3A_202 : i32
      %jit3A_204 = arith.constant 1 : i32
      %select_n3A_205 = arith.select %eq3A_203, %jit3A_204, %jit3A_201 : i32
      %rem3A_206 = arith.remsi %add3A_174, %select_n3A_205 : i32
      %ne3A_207 = arith.constant 0 : i32
      %ne3A_208 = arith.cmpi ne, %rem3A_206, %ne3A_207 : i32
      %lt3A_209 = arith.constant 0 : i32
      %lt3A_210 = arith.cmpi slt, %rem3A_206, %lt3A_209 : i32
      %lt3A_211 = arith.constant 0 : i32
      %lt3A_212 = arith.cmpi slt, %select_n3A_205, %lt3A_211 : i32
      %ne3A_213 = arith.xori %lt3A_210, %lt3A_212 : i1
      %and3A_214 = arith.andi %ne3A_213, %ne3A_208 : i1
      %add3A_215 = arith.addi %rem3A_206, %select_n3A_205 : i32
      %select_n3A_216 = arith.select %and3A_214, %add3A_215, %rem3A_206 : i32
      %ne3A_217 = arith.cmpi ne, %select_n3A_200, %select_n3A_216 : i32
      %or3A = arith.constant false
      %or3A_218 = arith.ori %or3A, %ne3A_217 : i1
      %or3A_219 = arith.constant false
      %or3A_220 = arith.ori %or3A_218, %or3A_219 : i1
      %ge3A = arith.constant 0 : i32
      %ge3A_221 = arith.cmpi sge, %scan3A_148, %ge3A : i32
      %not3A = arith.constant true
      %not3A_222 = arith.xori %ge3A_221, %not3A : i1
      %and3A_223 = arith.andi %or3A_220, %not3A_222 : i1
      %convert_element_type3A = arith.extui %and3A_223 : i1 to i32
      %cond3A = arith.constant 0 : i32
      %cond3A_224 = arith.cmpi ne, %convert_element_type3A, %cond3A : i32
      scf.if %cond3A_224 {
        "tpu.trace_start"() <{level = 10 : i32, message = "ep_copy_in"}> : () -> ()
        %rem3A_915 = arith.constant 2 : i32
        %rem3A_916 = arith.remui %select_n3A_83, %rem3A_915 : i32
        %jit3A_917 = arith.constant 16 : i32
        %eq3A_918 = arith.constant 0 : i32
        %eq3A_919 = arith.cmpi eq, %jit3A_917, %eq3A_918 : i32
        %jit3A_920 = arith.constant 1 : i32
        %select_n3A_921 = arith.select %eq3A_919, %jit3A_920, %jit3A_917 : i32
        %rem3A_922 = arith.remsi %add3A_174, %select_n3A_921 : i32
        %ne3A_923 = arith.constant 0 : i32
        %ne3A_924 = arith.cmpi ne, %rem3A_922, %ne3A_923 : i32
        %lt3A_925 = arith.constant 0 : i32
        %lt3A_926 = arith.cmpi slt, %rem3A_922, %lt3A_925 : i32
        %lt3A_927 = arith.constant 0 : i32
        %lt3A_928 = arith.cmpi slt, %select_n3A_921, %lt3A_927 : i32
        %ne3A_929 = arith.xori %lt3A_926, %lt3A_928 : i1
        %and3A_930 = arith.andi %ne3A_929, %ne3A_924 : i1
        %add3A_931 = arith.addi %rem3A_922, %select_n3A_921 : i32
        %select_n3A_932 = arith.select %and3A_930, %add3A_931, %rem3A_922 : i32
        %mul3A_933 = arith.constant 128 : i32
        %mul3A_934 = arith.muli %mul3A_933, %select_n3A_932 : i32
        %dma_start3A_935 = arith.constant 0 : i32
        %dma_start3A_936 = arith.constant 0 : i32
        %dma_start3A_937 = tpu.memref_slice %run_scoped3A[%rem3A_916, %dma_start3A_935, %dma_start3A_936] : memref<2x128x384xf32, #tpu.memory_space<vmem>> -> memref<1x128x384xf32, #tpu.memory_space<vmem>>
        %dma_start3A_938 = tpu.memref_squeeze %dma_start3A_937 : memref<1x128x384xf32, #tpu.memory_space<vmem>> -> memref<128x384xf32, #tpu.memory_space<vmem>>
        %dma_start3A_939 = arith.constant 384 : i32
        %dma_start3A_940 = tpu.memref_slice %arg2[%mul3A_934, %dma_start3A_939] : memref<2048x768xf32, #tpu.memory_space<hbm>> -> memref<128x384xf32, #tpu.memory_space<hbm>>
        %dma_start3A_941 = tpu.memref_slice %run_scoped3A_16[%rem3A_916] : memref<2x!tpu.dma_semaphore, #tpu.memory_space<semaphore_mem>> -> memref<1x!tpu.dma_semaphore, #tpu.memory_space<semaphore_mem>>
        %dma_start3A_942 = tpu.memref_squeeze %dma_start3A_941 : memref<1x!tpu.dma_semaphore, #tpu.memory_space<semaphore_mem>> -> memref<!tpu.dma_semaphore, #tpu.memory_space<semaphore_mem>>
        %dma_start3A_943 = arith.constant 0 : i32
        %dma_start3A_944 = arith.constant 0 : i32
        %dma_start3A_945 = tpu.memref_slice %run_scoped3A[%rem3A_916, %dma_start3A_943, %dma_start3A_944] : memref<2x128x384xf32, #tpu.memory_space<vmem>> -> memref<1x128x384xf32, #tpu.memory_space<vmem>>
        %dma_start3A_946 = tpu.memref_squeeze %dma_start3A_945 : memref<1x128x384xf32, #tpu.memory_space<vmem>> -> memref<128x384xf32, #tpu.memory_space<vmem>>
        %dma_start3A_947 = arith.constant 384 : i32
        %dma_start3A_948 = tpu.memref_slice %arg2[%mul3A_934, %dma_start3A_947] : memref<2048x768xf32, #tpu.memory_space<hbm>> -> memref<128x384xf32, #tpu.memory_space<hbm>>
        tpu.enqueue_dma source(%dma_start3A_948 : memref<128x384xf32, #tpu.memory_space<hbm>>) target(%dma_start3A_946 : memref<128x384xf32, #tpu.memory_space<vmem>>) target_semaphore(%dma_start3A_942 : memref<!tpu.dma_semaphore, #tpu.memory_space<semaphore_mem>>)
        "tpu.trace_stop"() : () -> ()
      } else {
      }
      %and3A_225 = arith.constant true
      %and3A_226 = arith.andi %and3A_223, %and3A_225 : i1
      %add3A_227 = arith.constant 1 : i32
      %add3A_228 = arith.addi %select_n3A_83, %add3A_227 : i32
      %select_n3A_229 = arith.select %and3A_226, %add3A_228, %select_n3A_83 : i32
      %jit3A_230 = arith.constant 4 : i32
      %div3A_231 = arith.divsi %add3A_154, %jit3A_230 : i32
      %sign3A_232 = arith.constant 0 : i32
      %sign3A_233 = arith.cmpi sgt, %add3A_154, %sign3A_232 : i32
      %sign3A_234 = arith.extui %sign3A_233 : i1 to i32
      %sign3A_235 = arith.constant 0 : i32
      %sign3A_236 = arith.cmpi slt, %add3A_154, %sign3A_235 : i32
      %sign3A_237 = arith.extui %sign3A_236 : i1 to i32
      %sign3A_238 = arith.subi %sign3A_234, %sign3A_237 : i32
      %sign3A_239 = arith.constant 0 : i32
      %sign3A_240 = arith.cmpi sgt, %jit3A_230, %sign3A_239 : i32
      %sign3A_241 = arith.extui %sign3A_240 : i1 to i32
      %sign3A_242 = arith.constant 0 : i32
      %sign3A_243 = arith.cmpi slt, %jit3A_230, %sign3A_242 : i32
      %sign3A_244 = arith.extui %sign3A_243 : i1 to i32
      %sign3A_245 = arith.subi %sign3A_241, %sign3A_244 : i32
      %ne3A_246 = arith.cmpi ne, %sign3A_238, %sign3A_245 : i32
      %rem3A_247 = arith.remsi %add3A_154, %jit3A_230 : i32
      %ne3A_248 = arith.constant 0 : i32
      %ne3A_249 = arith.cmpi ne, %rem3A_247, %ne3A_248 : i32
      %and3A_250 = arith.andi %ne3A_246, %ne3A_249 : i1
      %sub3A_251 = arith.constant 1 : i32
      %sub3A_252 = arith.subi %div3A_231, %sub3A_251 : i32
      %select_n3A_253 = arith.select %and3A_250, %sub3A_252, %div3A_231 : i32
      %jit3A_254 = arith.constant 4 : i32
      %eq3A_255 = arith.constant 0 : i32
      %eq3A_256 = arith.cmpi eq, %jit3A_254, %eq3A_255 : i32
      %jit3A_257 = arith.constant 1 : i32
      %select_n3A_258 = arith.select %eq3A_256, %jit3A_257, %jit3A_254 : i32
      %rem3A_259 = arith.remsi %add3A_154, %select_n3A_258 : i32
      %ne3A_260 = arith.constant 0 : i32
      %ne3A_261 = arith.cmpi ne, %rem3A_259, %ne3A_260 : i32
      %lt3A_262 = arith.constant 0 : i32
      %lt3A_263 = arith.cmpi slt, %rem3A_259, %lt3A_262 : i32
      %lt3A_264 = arith.constant 0 : i32
      %lt3A_265 = arith.cmpi slt, %select_n3A_258, %lt3A_264 : i32
      %ne3A_266 = arith.xori %lt3A_263, %lt3A_265 : i1
      %and3A_267 = arith.andi %ne3A_266, %ne3A_261 : i1
      %add3A_268 = arith.addi %rem3A_259, %select_n3A_258 : i32
      %select_n3A_269 = arith.select %and3A_267, %add3A_268, %rem3A_259 : i32
      %jit3A_270 = arith.constant 4 : i32
      %div3A_271 = arith.divsi %add3A_174, %jit3A_270 : i32
      %sign3A_272 = arith.constant 0 : i32
      %sign3A_273 = arith.cmpi sgt, %add3A_174, %sign3A_272 : i32
      %sign3A_274 = arith.extui %sign3A_273 : i1 to i32
      %sign3A_275 = arith.constant 0 : i32
      %sign3A_276 = arith.cmpi slt, %add3A_174, %sign3A_275 : i32
      %sign3A_277 = arith.extui %sign3A_276 : i1 to i32
      %sign3A_278 = arith.subi %sign3A_274, %sign3A_277 : i32
      %sign3A_279 = arith.constant 0 : i32
      %sign3A_280 = arith.cmpi sgt, %jit3A_270, %sign3A_279 : i32
      %sign3A_281 = arith.extui %sign3A_280 : i1 to i32
      %sign3A_282 = arith.constant 0 : i32
      %sign3A_283 = arith.cmpi slt, %jit3A_270, %sign3A_282 : i32
      %sign3A_284 = arith.extui %sign3A_283 : i1 to i32
      %sign3A_285 = arith.subi %sign3A_281, %sign3A_284 : i32
      %ne3A_286 = arith.cmpi ne, %sign3A_278, %sign3A_285 : i32
      %rem3A_287 = arith.remsi %add3A_174, %jit3A_270 : i32
      %ne3A_288 = arith.constant 0 : i32
      %ne3A_289 = arith.cmpi ne, %rem3A_287, %ne3A_288 : i32
      %and3A_290 = arith.andi %ne3A_286, %ne3A_289 : i1
      %sub3A_291 = arith.constant 1 : i32
      %sub3A_292 = arith.subi %div3A_271, %sub3A_291 : i32
      %select_n3A_293 = arith.select %and3A_290, %sub3A_292, %div3A_271 : i32
      %jit3A_294 = arith.constant 4 : i32
      %eq3A_295 = arith.constant 0 : i32
      %eq3A_296 = arith.cmpi eq, %jit3A_294, %eq3A_295 : i32
      %jit3A_297 = arith.constant 1 : i32
      %select_n3A_298 = arith.select %eq3A_296, %jit3A_297, %jit3A_294 : i32
      %rem3A_299 = arith.remsi %add3A_174, %select_n3A_298 : i32
      %ne3A_300 = arith.constant 0 : i32
      %ne3A_301 = arith.cmpi ne, %rem3A_299, %ne3A_300 : i32
      %lt3A_302 = arith.constant 0 : i32
      %lt3A_303 = arith.cmpi slt, %rem3A_299, %lt3A_302 : i32
      %lt3A_304 = arith.constant 0 : i32
      %lt3A_305 = arith.cmpi slt, %select_n3A_298, %lt3A_304 : i32
      %ne3A_306 = arith.xori %lt3A_303, %lt3A_305 : i1
      %and3A_307 = arith.andi %ne3A_306, %ne3A_301 : i1
      %add3A_308 = arith.addi %rem3A_299, %select_n3A_298 : i32
      %select_n3A_309 = arith.select %and3A_307, %add3A_308, %rem3A_299 : i32
      %ne3A_310 = arith.cmpi ne, %select_n3A_253, %select_n3A_293 : i32
      %ne3A_311 = arith.cmpi ne, %select_n3A_269, %select_n3A_309 : i32
      %or3A_312 = arith.constant false
      %or3A_313 = arith.ori %or3A_312, %ne3A_310 : i1
      %or3A_314 = arith.ori %or3A_313, %ne3A_311 : i1
      %ge3A_315 = arith.constant 0 : i32
      %ge3A_316 = arith.cmpi sge, %scan3A_148, %ge3A_315 : i32
      %not3A_317 = arith.constant true
      %not3A_318 = arith.xori %ge3A_316, %not3A_317 : i1
      %and3A_319 = arith.andi %or3A_314, %not3A_318 : i1
      %convert_element_type3A_320 = arith.extui %and3A_319 : i1 to i32
      %cond3A_321 = arith.constant 0 : i32
      %cond3A_322 = arith.cmpi ne, %convert_element_type3A_320, %cond3A_321 : i32
      scf.if %cond3A_322 {
        "tpu.trace_start"() <{level = 10 : i32, message = "ep_copy_in"}> : () -> ()
        %rem3A_915 = arith.constant 2 : i32
        %rem3A_916 = arith.remui %select_n3A_145, %rem3A_915 : i32
        %jit3A_917 = arith.constant 4 : i32
        %div3A_918 = arith.divsi %add3A_174, %jit3A_917 : i32
        %sign3A_919 = arith.constant 0 : i32
        %sign3A_920 = arith.cmpi sgt, %add3A_174, %sign3A_919 : i32
        %sign3A_921 = arith.extui %sign3A_920 : i1 to i32
        %sign3A_922 = arith.constant 0 : i32
        %sign3A_923 = arith.cmpi slt, %add3A_174, %sign3A_922 : i32
        %sign3A_924 = arith.extui %sign3A_923 : i1 to i32
        %sign3A_925 = arith.subi %sign3A_921, %sign3A_924 : i32
        %sign3A_926 = arith.constant 0 : i32
        %sign3A_927 = arith.cmpi sgt, %jit3A_917, %sign3A_926 : i32
        %sign3A_928 = arith.extui %sign3A_927 : i1 to i32
        %sign3A_929 = arith.constant 0 : i32
        %sign3A_930 = arith.cmpi slt, %jit3A_917, %sign3A_929 : i32
        %sign3A_931 = arith.extui %sign3A_930 : i1 to i32
        %sign3A_932 = arith.subi %sign3A_928, %sign3A_931 : i32
        %ne3A_933 = arith.cmpi ne, %sign3A_925, %sign3A_932 : i32
        %rem3A_934 = arith.remsi %add3A_174, %jit3A_917 : i32
        %ne3A_935 = arith.constant 0 : i32
        %ne3A_936 = arith.cmpi ne, %rem3A_934, %ne3A_935 : i32
        %and3A_937 = arith.andi %ne3A_933, %ne3A_936 : i1
        %sub3A_938 = arith.constant 1 : i32
        %sub3A_939 = arith.subi %div3A_918, %sub3A_938 : i32
        %select_n3A_940 = arith.select %and3A_937, %sub3A_939, %div3A_918 : i32
        %jit3A_941 = arith.constant 4 : i32
        %eq3A_942 = arith.constant 0 : i32
        %eq3A_943 = arith.cmpi eq, %jit3A_941, %eq3A_942 : i32
        %jit3A_944 = arith.constant 1 : i32
        %select_n3A_945 = arith.select %eq3A_943, %jit3A_944, %jit3A_941 : i32
        %rem3A_946 = arith.remsi %add3A_174, %select_n3A_945 : i32
        %ne3A_947 = arith.constant 0 : i32
        %ne3A_948 = arith.cmpi ne, %rem3A_946, %ne3A_947 : i32
        %lt3A_949 = arith.constant 0 : i32
        %lt3A_950 = arith.cmpi slt, %rem3A_946, %lt3A_949 : i32
        %lt3A_951 = arith.constant 0 : i32
        %lt3A_952 = arith.cmpi slt, %select_n3A_945, %lt3A_951 : i32
        %ne3A_953 = arith.xori %lt3A_950, %lt3A_952 : i1
        %and3A_954 = arith.andi %ne3A_953, %ne3A_948 : i1
        %add3A_955 = arith.addi %rem3A_946, %select_n3A_945 : i32
        %select_n3A_956 = arith.select %and3A_954, %add3A_955, %rem3A_946 : i32
        %mul3A_957 = arith.constant 1 : i32
        %mul3A_958 = arith.muli %mul3A_957, %select_n3A_940 : i32
        %mul3A_959 = arith.constant 128 : i32
        %mul3A_960 = arith.muli %mul3A_959, %select_n3A_956 : i32
        %dma_start3A_961 = arith.constant 0 : i32
        %dma_start3A_962 = arith.constant 0 : i32
        %dma_start3A_963 = tpu.memref_slice %run_scoped3A_17[%rem3A_916, %dma_start3A_961, %dma_start3A_962] : memref<2x1x128xi32, #tpu.memory_space<vmem>> -> memref<1x1x128xi32, #tpu.memory_space<vmem>>
        %dma_start3A_964 = tpu.memref_squeeze %dma_start3A_963 : memref<1x1x128xi32, #tpu.memory_space<vmem>> -> memref<1x128xi32, #tpu.memory_space<vmem>>
        %dma_start3A_965 = tpu.memref_slice %arg3[%mul3A_958, %mul3A_960] : memref<8x512xi32, #tpu.memory_space<hbm>> -> memref<1x128xi32, #tpu.memory_space<hbm>>
        %dma_start3A_966 = tpu.memref_slice %run_scoped3A_18[%rem3A_916] : memref<2x!tpu.dma_semaphore, #tpu.memory_space<semaphore_mem>> -> memref<1x!tpu.dma_semaphore, #tpu.memory_space<semaphore_mem>>
        %dma_start3A_967 = tpu.memref_squeeze %dma_start3A_966 : memref<1x!tpu.dma_semaphore, #tpu.memory_space<semaphore_mem>> -> memref<!tpu.dma_semaphore, #tpu.memory_space<semaphore_mem>>
        %dma_start3A_968 = arith.constant 0 : i32
        %dma_start3A_969 = arith.constant 0 : i32
        %dma_start3A_970 = tpu.memref_slice %run_scoped3A_17[%rem3A_916, %dma_start3A_968, %dma_start3A_969] : memref<2x1x128xi32, #tpu.memory_space<vmem>> -> memref<1x1x128xi32, #tpu.memory_space<vmem>>
        %dma_start3A_971 = tpu.memref_squeeze %dma_start3A_970 : memref<1x1x128xi32, #tpu.memory_space<vmem>> -> memref<1x128xi32, #tpu.memory_space<vmem>>
        %dma_start3A_972 = tpu.memref_slice %arg3[%mul3A_958, %mul3A_960] : memref<8x512xi32, #tpu.memory_space<hbm>> -> memref<1x128xi32, #tpu.memory_space<hbm>>
        tpu.enqueue_dma source(%dma_start3A_972 : memref<1x128xi32, #tpu.memory_space<hbm>>) target(%dma_start3A_971 : memref<1x128xi32, #tpu.memory_space<vmem>>) target_semaphore(%dma_start3A_967 : memref<!tpu.dma_semaphore, #tpu.memory_space<semaphore_mem>>)
        "tpu.trace_stop"() : () -> ()
      } else {
      }
      %and3A_323 = arith.constant true
      %and3A_324 = arith.andi %and3A_319, %and3A_323 : i1
      %add3A_325 = arith.constant 1 : i32
      %add3A_326 = arith.addi %select_n3A_145, %add3A_325 : i32
      %select_n3A_327 = arith.select %and3A_324, %add3A_326, %select_n3A_145 : i32
      %jit3A_328 = arith.constant 16 : i32
      %eq3A_329 = arith.constant 0 : i32
      %eq3A_330 = arith.cmpi eq, %jit3A_328, %eq3A_329 : i32
      %jit3A_331 = arith.constant 1 : i32
      %select_n3A_332 = arith.select %eq3A_330, %jit3A_331, %jit3A_328 : i32
      %rem3A_333 = arith.remsi %add3A_154, %select_n3A_332 : i32
      %ne3A_334 = arith.constant 0 : i32
      %ne3A_335 = arith.cmpi ne, %rem3A_333, %ne3A_334 : i32
      %lt3A_336 = arith.constant 0 : i32
      %lt3A_337 = arith.cmpi slt, %rem3A_333, %lt3A_336 : i32
      %lt3A_338 = arith.constant 0 : i32
      %lt3A_339 = arith.cmpi slt, %select_n3A_332, %lt3A_338 : i32
      %ne3A_340 = arith.xori %lt3A_337, %lt3A_339 : i1
      %and3A_341 = arith.andi %ne3A_340, %ne3A_335 : i1
      %add3A_342 = arith.addi %rem3A_333, %select_n3A_332 : i32
      %select_n3A_343 = arith.select %and3A_341, %add3A_342, %rem3A_333 : i32
      %jit3A_344 = arith.constant 16 : i32
      %eq3A_345 = arith.constant 0 : i32
      %eq3A_346 = arith.cmpi eq, %jit3A_344, %eq3A_345 : i32
      %jit3A_347 = arith.constant 1 : i32
      %select_n3A_348 = arith.select %eq3A_346, %jit3A_347, %jit3A_344 : i32
      %rem3A_349 = arith.remsi %add3A_164, %select_n3A_348 : i32
      %ne3A_350 = arith.constant 0 : i32
      %ne3A_351 = arith.cmpi ne, %rem3A_349, %ne3A_350 : i32
      %lt3A_352 = arith.constant 0 : i32
      %lt3A_353 = arith.cmpi slt, %rem3A_349, %lt3A_352 : i32
      %lt3A_354 = arith.constant 0 : i32
      %lt3A_355 = arith.cmpi slt, %select_n3A_348, %lt3A_354 : i32
      %ne3A_356 = arith.xori %lt3A_353, %lt3A_355 : i1
      %and3A_357 = arith.andi %ne3A_356, %ne3A_351 : i1
      %add3A_358 = arith.addi %rem3A_349, %select_n3A_348 : i32
      %select_n3A_359 = arith.select %and3A_357, %add3A_358, %rem3A_349 : i32
      %ne3A_360 = arith.cmpi ne, %select_n3A_343, %select_n3A_359 : i32
      %or3A_361 = arith.constant false
      %or3A_362 = arith.ori %or3A_361, %ne3A_360 : i1
      %or3A_363 = arith.constant false
      %or3A_364 = arith.ori %or3A_362, %or3A_363 : i1
      %or3A_365 = arith.ori %or3A_364, %eq3A_150 : i1
      %convert_element_type3A_366 = arith.extui %or3A_365 : i1 to i32
      %cond3A_367 = arith.constant 0 : i32
      %cond3A_368 = arith.cmpi ne, %convert_element_type3A_366, %cond3A_367 : i32
      scf.if %cond3A_368 {
        %jit3A_915 = arith.constant 16 : i32
        "tpu.trace_start"() <{level = 10 : i32, message = "ep_wait_in"}> : () -> ()
        %eq3A_916 = arith.constant 0 : i32
        %eq3A_917 = arith.cmpi eq, %jit3A_915, %eq3A_916 : i32
        %jit3A_918 = arith.constant 1 : i32
        %select_n3A_919 = arith.select %eq3A_917, %jit3A_918, %jit3A_915 : i32
        %rem3A_920 = arith.remsi %add3A_154, %select_n3A_919 : i32
        %ne3A_921 = arith.constant 0 : i32
        %ne3A_922 = arith.cmpi ne, %rem3A_920, %ne3A_921 : i32
        %lt3A_923 = arith.constant 0 : i32
        %lt3A_924 = arith.cmpi slt, %rem3A_920, %lt3A_923 : i32
        %lt3A_925 = arith.constant 0 : i32
        %lt3A_926 = arith.cmpi slt, %select_n3A_919, %lt3A_925 : i32
        %ne3A_927 = arith.xori %lt3A_924, %lt3A_926 : i1
        %and3A_928 = arith.andi %ne3A_927, %ne3A_922 : i1
        %add3A_929 = arith.addi %rem3A_920, %select_n3A_919 : i32
        %select_n3A_930 = arith.select %and3A_928, %add3A_929, %rem3A_920 : i32
        %mul3A_931 = arith.constant 128 : i32
        %mul3A_932 = arith.muli %mul3A_931, %select_n3A_930 : i32
        %rem3A_933 = arith.constant 2 : i32
        %rem3A_934 = arith.remui %scan3A, %rem3A_933 : i32
        %dma_wait3A = arith.constant 0 : i32
        %dma_wait3A_935 = arith.constant 0 : i32
        %dma_wait3A_936 = tpu.memref_slice %run_scoped3A[%rem3A_934, %dma_wait3A, %dma_wait3A_935] : memref<2x128x384xf32, #tpu.memory_space<vmem>> -> memref<1x128x384xf32, #tpu.memory_space<vmem>>
        %dma_wait3A_937 = tpu.memref_squeeze %dma_wait3A_936 : memref<1x128x384xf32, #tpu.memory_space<vmem>> -> memref<128x384xf32, #tpu.memory_space<vmem>>
        %dma_wait3A_938 = arith.constant 384 : i32
        %dma_wait3A_939 = tpu.memref_slice %arg2[%mul3A_932, %dma_wait3A_938] : memref<2048x768xf32, #tpu.memory_space<hbm>> -> memref<128x384xf32, #tpu.memory_space<hbm>>
        %dma_wait3A_940 = tpu.memref_slice %run_scoped3A_16[%rem3A_934] : memref<2x!tpu.dma_semaphore, #tpu.memory_space<semaphore_mem>> -> memref<1x!tpu.dma_semaphore, #tpu.memory_space<semaphore_mem>>
        %dma_wait3A_941 = tpu.memref_squeeze %dma_wait3A_940 : memref<1x!tpu.dma_semaphore, #tpu.memory_space<semaphore_mem>> -> memref<!tpu.dma_semaphore, #tpu.memory_space<semaphore_mem>>
        %dma_wait3A_942 = arith.constant 0 : i32
        %dma_wait3A_943 = arith.constant 0 : i32
        %dma_wait3A_944 = tpu.memref_slice %run_scoped3A[%rem3A_934, %dma_wait3A_942, %dma_wait3A_943] : memref<2x128x384xf32, #tpu.memory_space<vmem>> -> memref<1x128x384xf32, #tpu.memory_space<vmem>>
        %dma_wait3A_945 = tpu.memref_squeeze %dma_wait3A_944 : memref<1x128x384xf32, #tpu.memory_space<vmem>> -> memref<128x384xf32, #tpu.memory_space<vmem>>
        %dma_wait3A_946 = arith.constant 384 : i32
        %dma_wait3A_947 = tpu.memref_slice %arg2[%mul3A_932, %dma_wait3A_946] : memref<2048x768xf32, #tpu.memory_space<hbm>> -> memref<128x384xf32, #tpu.memory_space<hbm>>
        tpu.wait_dma2 semaphore(%dma_wait3A_941 : memref<!tpu.dma_semaphore, #tpu.memory_space<semaphore_mem>>) src(%dma_wait3A_947 : memref<128x384xf32, #tpu.memory_space<hbm>>) dst(%dma_wait3A_945 : memref<128x384xf32, #tpu.memory_space<vmem>>)
        "tpu.trace_stop"() : () -> ()
      } else {
      }
      %jit3A_369 = arith.constant 4 : i32
      %div3A_370 = arith.divsi %add3A_154, %jit3A_369 : i32
      %sign3A_371 = arith.constant 0 : i32
      %sign3A_372 = arith.cmpi sgt, %add3A_154, %sign3A_371 : i32
      %sign3A_373 = arith.extui %sign3A_372 : i1 to i32
      %sign3A_374 = arith.constant 0 : i32
      %sign3A_375 = arith.cmpi slt, %add3A_154, %sign3A_374 : i32
      %sign3A_376 = arith.extui %sign3A_375 : i1 to i32
      %sign3A_377 = arith.subi %sign3A_373, %sign3A_376 : i32
      %sign3A_378 = arith.constant 0 : i32
      %sign3A_379 = arith.cmpi sgt, %jit3A_369, %sign3A_378 : i32
      %sign3A_380 = arith.extui %sign3A_379 : i1 to i32
      %sign3A_381 = arith.constant 0 : i32
      %sign3A_382 = arith.cmpi slt, %jit3A_369, %sign3A_381 : i32
      %sign3A_383 = arith.extui %sign3A_382 : i1 to i32
      %sign3A_384 = arith.subi %sign3A_380, %sign3A_383 : i32
      %ne3A_385 = arith.cmpi ne, %sign3A_377, %sign3A_384 : i32
      %rem3A_386 = arith.remsi %add3A_154, %jit3A_369 : i32
      %ne3A_387 = arith.constant 0 : i32
      %ne3A_388 = arith.cmpi ne, %rem3A_386, %ne3A_387 : i32
      %and3A_389 = arith.andi %ne3A_385, %ne3A_388 : i1
      %sub3A_390 = arith.constant 1 : i32
      %sub3A_391 = arith.subi %div3A_370, %sub3A_390 : i32
      %select_n3A_392 = arith.select %and3A_389, %sub3A_391, %div3A_370 : i32
      %jit3A_393 = arith.constant 4 : i32
      %eq3A_394 = arith.constant 0 : i32
      %eq3A_395 = arith.cmpi eq, %jit3A_393, %eq3A_394 : i32
      %jit3A_396 = arith.constant 1 : i32
      %select_n3A_397 = arith.select %eq3A_395, %jit3A_396, %jit3A_393 : i32
      %rem3A_398 = arith.remsi %add3A_154, %select_n3A_397 : i32
      %ne3A_399 = arith.constant 0 : i32
      %ne3A_400 = arith.cmpi ne, %rem3A_398, %ne3A_399 : i32
      %lt3A_401 = arith.constant 0 : i32
      %lt3A_402 = arith.cmpi slt, %rem3A_398, %lt3A_401 : i32
      %lt3A_403 = arith.constant 0 : i32
      %lt3A_404 = arith.cmpi slt, %select_n3A_397, %lt3A_403 : i32
      %ne3A_405 = arith.xori %lt3A_402, %lt3A_404 : i1
      %and3A_406 = arith.andi %ne3A_405, %ne3A_400 : i1
      %add3A_407 = arith.addi %rem3A_398, %select_n3A_397 : i32
      %select_n3A_408 = arith.select %and3A_406, %add3A_407, %rem3A_398 : i32
      %jit3A_409 = arith.constant 4 : i32
      %div3A_410 = arith.divsi %add3A_164, %jit3A_409 : i32
      %sign3A_411 = arith.constant 0 : i32
      %sign3A_412 = arith.cmpi sgt, %add3A_164, %sign3A_411 : i32
      %sign3A_413 = arith.extui %sign3A_412 : i1 to i32
      %sign3A_414 = arith.constant 0 : i32
      %sign3A_415 = arith.cmpi slt, %add3A_164, %sign3A_414 : i32
      %sign3A_416 = arith.extui %sign3A_415 : i1 to i32
      %sign3A_417 = arith.subi %sign3A_413, %sign3A_416 : i32
      %sign3A_418 = arith.constant 0 : i32
      %sign3A_419 = arith.cmpi sgt, %jit3A_409, %sign3A_418 : i32
      %sign3A_420 = arith.extui %sign3A_419 : i1 to i32
      %sign3A_421 = arith.constant 0 : i32
      %sign3A_422 = arith.cmpi slt, %jit3A_409, %sign3A_421 : i32
      %sign3A_423 = arith.extui %sign3A_422 : i1 to i32
      %sign3A_424 = arith.subi %sign3A_420, %sign3A_423 : i32
      %ne3A_425 = arith.cmpi ne, %sign3A_417, %sign3A_424 : i32
      %rem3A_426 = arith.remsi %add3A_164, %jit3A_409 : i32
      %ne3A_427 = arith.constant 0 : i32
      %ne3A_428 = arith.cmpi ne, %rem3A_426, %ne3A_427 : i32
      %and3A_429 = arith.andi %ne3A_425, %ne3A_428 : i1
      %sub3A_430 = arith.constant 1 : i32
      %sub3A_431 = arith.subi %div3A_410, %sub3A_430 : i32
      %select_n3A_432 = arith.select %and3A_429, %sub3A_431, %div3A_410 : i32
      %jit3A_433 = arith.constant 4 : i32
      %eq3A_434 = arith.constant 0 : i32
      %eq3A_435 = arith.cmpi eq, %jit3A_433, %eq3A_434 : i32
      %jit3A_436 = arith.constant 1 : i32
      %select_n3A_437 = arith.select %eq3A_435, %jit3A_436, %jit3A_433 : i32
      %rem3A_438 = arith.remsi %add3A_164, %select_n3A_437 : i32
      %ne3A_439 = arith.constant 0 : i32
      %ne3A_440 = arith.cmpi ne, %rem3A_438, %ne3A_439 : i32
      %lt3A_441 = arith.constant 0 : i32
      %lt3A_442 = arith.cmpi slt, %rem3A_438, %lt3A_441 : i32
      %lt3A_443 = arith.constant 0 : i32
      %lt3A_444 = arith.cmpi slt, %select_n3A_437, %lt3A_443 : i32
      %ne3A_445 = arith.xori %lt3A_442, %lt3A_444 : i1
      %and3A_446 = arith.andi %ne3A_445, %ne3A_440 : i1
      %add3A_447 = arith.addi %rem3A_438, %select_n3A_437 : i32
      %select_n3A_448 = arith.select %and3A_446, %add3A_447, %rem3A_438 : i32
      %ne3A_449 = arith.cmpi ne, %select_n3A_392, %select_n3A_432 : i32
      %ne3A_450 = arith.cmpi ne, %select_n3A_408, %select_n3A_448 : i32
      %or3A_451 = arith.constant false
      %or3A_452 = arith.ori %or3A_451, %ne3A_449 : i1
      %or3A_453 = arith.ori %or3A_452, %ne3A_450 : i1
      %or3A_454 = arith.ori %or3A_453, %eq3A_150 : i1
      %convert_element_type3A_455 = arith.extui %or3A_454 : i1 to i32
      %cond3A_456 = arith.constant 0 : i32
      %cond3A_457 = arith.cmpi ne, %convert_element_type3A_455, %cond3A_456 : i32
      scf.if %cond3A_457 {
        %jit3A_915 = arith.constant 4 : i32
        "tpu.trace_start"() <{level = 10 : i32, message = "ep_wait_in"}> : () -> ()
        %div3A_916 = arith.divsi %add3A_154, %jit3A_915 : i32
        %sign3A_917 = arith.constant 0 : i32
        %sign3A_918 = arith.cmpi sgt, %add3A_154, %sign3A_917 : i32
        %sign3A_919 = arith.extui %sign3A_918 : i1 to i32
        %sign3A_920 = arith.constant 0 : i32
        %sign3A_921 = arith.cmpi slt, %add3A_154, %sign3A_920 : i32
        %sign3A_922 = arith.extui %sign3A_921 : i1 to i32
        %sign3A_923 = arith.subi %sign3A_919, %sign3A_922 : i32
        %sign3A_924 = arith.constant 0 : i32
        %sign3A_925 = arith.cmpi sgt, %jit3A_915, %sign3A_924 : i32
        %sign3A_926 = arith.extui %sign3A_925 : i1 to i32
        %sign3A_927 = arith.constant 0 : i32
        %sign3A_928 = arith.cmpi slt, %jit3A_915, %sign3A_927 : i32
        %sign3A_929 = arith.extui %sign3A_928 : i1 to i32
        %sign3A_930 = arith.subi %sign3A_926, %sign3A_929 : i32
        %ne3A_931 = arith.cmpi ne, %sign3A_923, %sign3A_930 : i32
        %rem3A_932 = arith.remsi %add3A_154, %jit3A_915 : i32
        %ne3A_933 = arith.constant 0 : i32
        %ne3A_934 = arith.cmpi ne, %rem3A_932, %ne3A_933 : i32
        %and3A_935 = arith.andi %ne3A_931, %ne3A_934 : i1
        %sub3A_936 = arith.constant 1 : i32
        %sub3A_937 = arith.subi %div3A_916, %sub3A_936 : i32
        %select_n3A_938 = arith.select %and3A_935, %sub3A_937, %div3A_916 : i32
        %jit3A_939 = arith.constant 4 : i32
        %eq3A_940 = arith.constant 0 : i32
        %eq3A_941 = arith.cmpi eq, %jit3A_939, %eq3A_940 : i32
        %jit3A_942 = arith.constant 1 : i32
        %select_n3A_943 = arith.select %eq3A_941, %jit3A_942, %jit3A_939 : i32
        %rem3A_944 = arith.remsi %add3A_154, %select_n3A_943 : i32
        %ne3A_945 = arith.constant 0 : i32
        %ne3A_946 = arith.cmpi ne, %rem3A_944, %ne3A_945 : i32
        %lt3A_947 = arith.constant 0 : i32
        %lt3A_948 = arith.cmpi slt, %rem3A_944, %lt3A_947 : i32
        %lt3A_949 = arith.constant 0 : i32
        %lt3A_950 = arith.cmpi slt, %select_n3A_943, %lt3A_949 : i32
        %ne3A_951 = arith.xori %lt3A_948, %lt3A_950 : i1
        %and3A_952 = arith.andi %ne3A_951, %ne3A_946 : i1
        %add3A_953 = arith.addi %rem3A_944, %select_n3A_943 : i32
        %select_n3A_954 = arith.select %and3A_952, %add3A_953, %rem3A_944 : i32
        %mul3A_955 = arith.constant 1 : i32
        %mul3A_956 = arith.muli %mul3A_955, %select_n3A_938 : i32
        %mul3A_957 = arith.constant 128 : i32
        %mul3A_958 = arith.muli %mul3A_957, %select_n3A_954 : i32
        %rem3A_959 = arith.constant 2 : i32
        %rem3A_960 = arith.remui %scan3A_146, %rem3A_959 : i32
        %dma_wait3A = arith.constant 0 : i32
        %dma_wait3A_961 = arith.constant 0 : i32
        %dma_wait3A_962 = tpu.memref_slice %run_scoped3A_17[%rem3A_960, %dma_wait3A, %dma_wait3A_961] : memref<2x1x128xi32, #tpu.memory_space<vmem>> -> memref<1x1x128xi32, #tpu.memory_space<vmem>>
        %dma_wait3A_963 = tpu.memref_squeeze %dma_wait3A_962 : memref<1x1x128xi32, #tpu.memory_space<vmem>> -> memref<1x128xi32, #tpu.memory_space<vmem>>
        %dma_wait3A_964 = tpu.memref_slice %arg3[%mul3A_956, %mul3A_958] : memref<8x512xi32, #tpu.memory_space<hbm>> -> memref<1x128xi32, #tpu.memory_space<hbm>>
        %dma_wait3A_965 = tpu.memref_slice %run_scoped3A_18[%rem3A_960] : memref<2x!tpu.dma_semaphore, #tpu.memory_space<semaphore_mem>> -> memref<1x!tpu.dma_semaphore, #tpu.memory_space<semaphore_mem>>
        %dma_wait3A_966 = tpu.memref_squeeze %dma_wait3A_965 : memref<1x!tpu.dma_semaphore, #tpu.memory_space<semaphore_mem>> -> memref<!tpu.dma_semaphore, #tpu.memory_space<semaphore_mem>>
        %dma_wait3A_967 = arith.constant 0 : i32
        %dma_wait3A_968 = arith.constant 0 : i32
        %dma_wait3A_969 = tpu.memref_slice %run_scoped3A_17[%rem3A_960, %dma_wait3A_967, %dma_wait3A_968] : memref<2x1x128xi32, #tpu.memory_space<vmem>> -> memref<1x1x128xi32, #tpu.memory_space<vmem>>
        %dma_wait3A_970 = tpu.memref_squeeze %dma_wait3A_969 : memref<1x1x128xi32, #tpu.memory_space<vmem>> -> memref<1x128xi32, #tpu.memory_space<vmem>>
        %dma_wait3A_971 = tpu.memref_slice %arg3[%mul3A_956, %mul3A_958] : memref<8x512xi32, #tpu.memory_space<hbm>> -> memref<1x128xi32, #tpu.memory_space<hbm>>
        tpu.wait_dma2 semaphore(%dma_wait3A_966 : memref<!tpu.dma_semaphore, #tpu.memory_space<semaphore_mem>>) src(%dma_wait3A_971 : memref<1x128xi32, #tpu.memory_space<hbm>>) dst(%dma_wait3A_970 : memref<1x128xi32, #tpu.memory_space<vmem>>)
        "tpu.trace_stop"() : () -> ()
      } else {
      }
      %rem3A_458 = arith.constant 2 : i32
      %rem3A_459 = arith.remui %scan3A, %rem3A_458 : i32
      %rem3A_460 = arith.constant 2 : i32
      %rem3A_461 = arith.remui %scan3A_146, %rem3A_460 : i32
      %run_scoped3A_462 = arith.constant 0 : i32
      "tpu.trace_start"() <{level = 10 : i32, message = "ep_run_kernel"}> : () -> ()
      "tpu.region"() ({
        %run_scoped3A_915 = tpu.sem_alloc : memref<!tpu.dma_semaphore, #tpu.memory_space<semaphore_mem>>
        %dma_start3A_916 = arith.constant 0 : i32
        %dma_start3A_917 = arith.constant 0 : i32
        %dma_start3A_918 = tpu.memref_slice %run_scoped3A[%rem3A_459, %dma_start3A_916, %dma_start3A_917] : memref<2x128x384xf32, #tpu.memory_space<vmem>> -> memref<1x128x384xf32, #tpu.memory_space<vmem>>
        %dma_start3A_919 = tpu.memref_squeeze %dma_start3A_918 : memref<1x128x384xf32, #tpu.memory_space<vmem>> -> memref<128x384xf32, #tpu.memory_space<vmem>>
        %dma_start3A_920 = arith.constant 0 : i32
        %dma_start3A_921 = arith.constant 0 : i32
        %dma_start3A_922 = tpu.memref_slice %run_scoped3A_17[%rem3A_461, %dma_start3A_920, %dma_start3A_921] : memref<2x1x128xi32, #tpu.memory_space<vmem>> -> memref<1x1x128xi32, #tpu.memory_space<vmem>>
        %dma_start3A_923 = tpu.memref_squeeze %dma_start3A_922 : memref<1x1x128xi32, #tpu.memory_space<vmem>> -> memref<1x128xi32, #tpu.memory_space<vmem>>
        %dma_start3A_924 = arith.constant 0 : i32
        %dma_start3A_925 = tpu.memref_slice %dma_start3A_923[%run_scoped3A_462, %dma_start3A_924] : memref<1x128xi32, #tpu.memory_space<vmem>> -> memref<1x128xi32, #tpu.memory_space<vmem>>
        %dma_start3A_926 = tpu.memref_squeeze %dma_start3A_925 : memref<1x128xi32, #tpu.memory_space<vmem>> -> memref<128xi32, #tpu.memory_space<vmem>>
        %dma_start3A_927 = arith.constant 0 : i32
        %dma_start3A_928 = arith.constant 0 : i32
        %dma_start3A_929 = tpu.memref_slice %arg5[%dma_start3A_927, %dma_start3A_928] : memref<7680x384xf32, #tpu.memory_space<hbm>> -> memref<7680x384xf32, #tpu.memory_space<hbm>>
        tpu.enqueue_indirect_dma source(%dma_start3A_919 : memref<128x384xf32, #tpu.memory_space<vmem>>) target(%dma_start3A_929 : memref<7680x384xf32, #tpu.memory_space<hbm>>) offsets(%dma_start3A_926 : memref<128xi32, #tpu.memory_space<vmem>>) semaphore(%run_scoped3A_915 : memref<!tpu.dma_semaphore, #tpu.memory_space<semaphore_mem>>)
        %dma_wait3A = arith.constant 0 : i32
        %dma_wait3A_930 = arith.constant 0 : i32
        %dma_wait3A_931 = tpu.memref_slice %run_scoped3A[%rem3A_459, %dma_wait3A, %dma_wait3A_930] : memref<2x128x384xf32, #tpu.memory_space<vmem>> -> memref<1x128x384xf32, #tpu.memory_space<vmem>>
        %dma_wait3A_932 = tpu.memref_squeeze %dma_wait3A_931 : memref<1x128x384xf32, #tpu.memory_space<vmem>> -> memref<128x384xf32, #tpu.memory_space<vmem>>
        %dma_wait3A_933 = arith.constant 0 : i32
        %dma_wait3A_934 = arith.constant 0 : i32
        %dma_wait3A_935 = tpu.memref_slice %run_scoped3A_17[%rem3A_461, %dma_wait3A_933, %dma_wait3A_934] : memref<2x1x128xi32, #tpu.memory_space<vmem>> -> memref<1x1x128xi32, #tpu.memory_space<vmem>>
        %dma_wait3A_936 = tpu.memref_squeeze %dma_wait3A_935 : memref<1x1x128xi32, #tpu.memory_space<vmem>> -> memref<1x128xi32, #tpu.memory_space<vmem>>
        %dma_wait3A_937 = arith.constant 0 : i32
        %dma_wait3A_938 = tpu.memref_slice %dma_wait3A_936[%run_scoped3A_462, %dma_wait3A_937] : memref<1x128xi32, #tpu.memory_space<vmem>> -> memref<1x128xi32, #tpu.memory_space<vmem>>
        %dma_wait3A_939 = tpu.memref_squeeze %dma_wait3A_938 : memref<1x128xi32, #tpu.memory_space<vmem>> -> memref<128xi32, #tpu.memory_space<vmem>>
        %dma_wait3A_940 = arith.constant 0 : i32
        %dma_wait3A_941 = arith.constant 0 : i32
        %dma_wait3A_942 = tpu.memref_slice %arg5[%dma_wait3A_940, %dma_wait3A_941] : memref<7680x384xf32, #tpu.memory_space<hbm>> -> memref<7680x384xf32, #tpu.memory_space<hbm>>
        tpu.wait_indirect_dma semaphore(%run_scoped3A_915 : memref<!tpu.dma_semaphore, #tpu.memory_space<semaphore_mem>>) src(%dma_wait3A_932 : memref<128x384xf32, #tpu.memory_space<vmem>>) dst(%dma_wait3A_942 : memref<7680x384xf32, #tpu.memory_space<hbm>>)
        tpu.yield
      }) : () -> ()
      %jit3A_463 = arith.constant 16 : i32
      "tpu.trace_stop"() : () -> ()
      %eq3A_464 = arith.constant 0 : i32
      %eq3A_465 = arith.cmpi eq, %jit3A_463, %eq3A_464 : i32
      %jit3A_466 = arith.constant 1 : i32
      %select_n3A_467 = arith.select %eq3A_465, %jit3A_466, %jit3A_463 : i32
      %rem3A_468 = arith.remsi %add3A_154, %select_n3A_467 : i32
      %ne3A_469 = arith.constant 0 : i32
      %ne3A_470 = arith.cmpi ne, %rem3A_468, %ne3A_469 : i32
      %lt3A_471 = arith.constant 0 : i32
      %lt3A_472 = arith.cmpi slt, %rem3A_468, %lt3A_471 : i32
      %lt3A_473 = arith.constant 0 : i32
      %lt3A_474 = arith.cmpi slt, %select_n3A_467, %lt3A_473 : i32
      %ne3A_475 = arith.xori %lt3A_472, %lt3A_474 : i1
      %and3A_476 = arith.andi %ne3A_475, %ne3A_470 : i1
      %add3A_477 = arith.addi %rem3A_468, %select_n3A_467 : i32
      %select_n3A_478 = arith.select %and3A_476, %add3A_477, %rem3A_468 : i32
      %jit3A_479 = arith.constant 16 : i32
      %eq3A_480 = arith.constant 0 : i32
      %eq3A_481 = arith.cmpi eq, %jit3A_479, %eq3A_480 : i32
      %jit3A_482 = arith.constant 1 : i32
      %select_n3A_483 = arith.select %eq3A_481, %jit3A_482, %jit3A_479 : i32
      %rem3A_484 = arith.remsi %add3A_174, %select_n3A_483 : i32
      %ne3A_485 = arith.constant 0 : i32
      %ne3A_486 = arith.cmpi ne, %rem3A_484, %ne3A_485 : i32
      %lt3A_487 = arith.constant 0 : i32
      %lt3A_488 = arith.cmpi slt, %rem3A_484, %lt3A_487 : i32
      %lt3A_489 = arith.constant 0 : i32
      %lt3A_490 = arith.cmpi slt, %select_n3A_483, %lt3A_489 : i32
      %ne3A_491 = arith.xori %lt3A_488, %lt3A_490 : i1
      %and3A_492 = arith.andi %ne3A_491, %ne3A_486 : i1
      %add3A_493 = arith.addi %rem3A_484, %select_n3A_483 : i32
      %select_n3A_494 = arith.select %and3A_492, %add3A_493, %rem3A_484 : i32
      %ne3A_495 = arith.cmpi ne, %select_n3A_478, %select_n3A_494 : i32
      %or3A_496 = arith.constant false
      %or3A_497 = arith.ori %or3A_496, %ne3A_495 : i1
      %or3A_498 = arith.constant false
      %or3A_499 = arith.ori %or3A_497, %or3A_498 : i1
      %or3A_500 = arith.ori %or3A_499, %eq3A_152 : i1
      %convert_element_type3A_501 = arith.extui %or3A_500 : i1 to i32
      %cond3A_502 = arith.constant 0 : i32
      %cond3A_503 = arith.cmpi ne, %convert_element_type3A_501, %cond3A_502 : i32
      scf.if %cond3A_503 {
      } else {
      }
      %and3A_504 = arith.constant false
      %and3A_505 = arith.andi %or3A_500, %and3A_504 : i1
      %jit3A_506 = arith.constant 4 : i32
      %div3A_507 = arith.divsi %add3A_154, %jit3A_506 : i32
      %sign3A_508 = arith.constant 0 : i32
      %sign3A_509 = arith.cmpi sgt, %add3A_154, %sign3A_508 : i32
      %sign3A_510 = arith.extui %sign3A_509 : i1 to i32
      %sign3A_511 = arith.constant 0 : i32
      %sign3A_512 = arith.cmpi slt, %add3A_154, %sign3A_511 : i32
      %sign3A_513 = arith.extui %sign3A_512 : i1 to i32
      %sign3A_514 = arith.subi %sign3A_510, %sign3A_513 : i32
      %sign3A_515 = arith.constant 0 : i32
      %sign3A_516 = arith.cmpi sgt, %jit3A_506, %sign3A_515 : i32
      %sign3A_517 = arith.extui %sign3A_516 : i1 to i32
      %sign3A_518 = arith.constant 0 : i32
      %sign3A_519 = arith.cmpi slt, %jit3A_506, %sign3A_518 : i32
      %sign3A_520 = arith.extui %sign3A_519 : i1 to i32
      %sign3A_521 = arith.subi %sign3A_517, %sign3A_520 : i32
      %ne3A_522 = arith.cmpi ne, %sign3A_514, %sign3A_521 : i32
      %rem3A_523 = arith.remsi %add3A_154, %jit3A_506 : i32
      %ne3A_524 = arith.constant 0 : i32
      %ne3A_525 = arith.cmpi ne, %rem3A_523, %ne3A_524 : i32
      %and3A_526 = arith.andi %ne3A_522, %ne3A_525 : i1
      %sub3A_527 = arith.constant 1 : i32
      %sub3A_528 = arith.subi %div3A_507, %sub3A_527 : i32
      %select_n3A_529 = arith.select %and3A_526, %sub3A_528, %div3A_507 : i32
      %jit3A_530 = arith.constant 4 : i32
      %eq3A_531 = arith.constant 0 : i32
      %eq3A_532 = arith.cmpi eq, %jit3A_530, %eq3A_531 : i32
      %jit3A_533 = arith.constant 1 : i32
      %select_n3A_534 = arith.select %eq3A_532, %jit3A_533, %jit3A_530 : i32
      %rem3A_535 = arith.remsi %add3A_154, %select_n3A_534 : i32
      %ne3A_536 = arith.constant 0 : i32
      %ne3A_537 = arith.cmpi ne, %rem3A_535, %ne3A_536 : i32
      %lt3A_538 = arith.constant 0 : i32
      %lt3A_539 = arith.cmpi slt, %rem3A_535, %lt3A_538 : i32
      %lt3A_540 = arith.constant 0 : i32
      %lt3A_541 = arith.cmpi slt, %select_n3A_534, %lt3A_540 : i32
      %ne3A_542 = arith.xori %lt3A_539, %lt3A_541 : i1
      %and3A_543 = arith.andi %ne3A_542, %ne3A_537 : i1
      %add3A_544 = arith.addi %rem3A_535, %select_n3A_534 : i32
      %select_n3A_545 = arith.select %and3A_543, %add3A_544, %rem3A_535 : i32
      %jit3A_546 = arith.constant 4 : i32
      %div3A_547 = arith.divsi %add3A_174, %jit3A_546 : i32
      %sign3A_548 = arith.constant 0 : i32
      %sign3A_549 = arith.cmpi sgt, %add3A_174, %sign3A_548 : i32
      %sign3A_550 = arith.extui %sign3A_549 : i1 to i32
      %sign3A_551 = arith.constant 0 : i32
      %sign3A_552 = arith.cmpi slt, %add3A_174, %sign3A_551 : i32
      %sign3A_553 = arith.extui %sign3A_552 : i1 to i32
      %sign3A_554 = arith.subi %sign3A_550, %sign3A_553 : i32
      %sign3A_555 = arith.constant 0 : i32
      %sign3A_556 = arith.cmpi sgt, %jit3A_546, %sign3A_555 : i32
      %sign3A_557 = arith.extui %sign3A_556 : i1 to i32
      %sign3A_558 = arith.constant 0 : i32
      %sign3A_559 = arith.cmpi slt, %jit3A_546, %sign3A_558 : i32
      %sign3A_560 = arith.extui %sign3A_559 : i1 to i32
      %sign3A_561 = arith.subi %sign3A_557, %sign3A_560 : i32
      %ne3A_562 = arith.cmpi ne, %sign3A_554, %sign3A_561 : i32
      %rem3A_563 = arith.remsi %add3A_174, %jit3A_546 : i32
      %ne3A_564 = arith.constant 0 : i32
      %ne3A_565 = arith.cmpi ne, %rem3A_563, %ne3A_564 : i32
      %and3A_566 = arith.andi %ne3A_562, %ne3A_565 : i1
      %sub3A_567 = arith.constant 1 : i32
      %sub3A_568 = arith.subi %div3A_547, %sub3A_567 : i32
      %select_n3A_569 = arith.select %and3A_566, %sub3A_568, %div3A_547 : i32
      %jit3A_570 = arith.constant 4 : i32
      %eq3A_571 = arith.constant 0 : i32
      %eq3A_572 = arith.cmpi eq, %jit3A_570, %eq3A_571 : i32
      %jit3A_573 = arith.constant 1 : i32
      %select_n3A_574 = arith.select %eq3A_572, %jit3A_573, %jit3A_570 : i32
      %rem3A_575 = arith.remsi %add3A_174, %select_n3A_574 : i32
      %ne3A_576 = arith.constant 0 : i32
      %ne3A_577 = arith.cmpi ne, %rem3A_575, %ne3A_576 : i32
      %lt3A_578 = arith.constant 0 : i32
      %lt3A_579 = arith.cmpi slt, %rem3A_575, %lt3A_578 : i32
      %lt3A_580 = arith.constant 0 : i32
      %lt3A_581 = arith.cmpi slt, %select_n3A_574, %lt3A_580 : i32
      %ne3A_582 = arith.xori %lt3A_579, %lt3A_581 : i1
      %and3A_583 = arith.andi %ne3A_582, %ne3A_577 : i1
      %add3A_584 = arith.addi %rem3A_575, %select_n3A_574 : i32
      %select_n3A_585 = arith.select %and3A_583, %add3A_584, %rem3A_575 : i32
      %ne3A_586 = arith.cmpi ne, %select_n3A_529, %select_n3A_569 : i32
      %ne3A_587 = arith.cmpi ne, %select_n3A_545, %select_n3A_585 : i32
      %or3A_588 = arith.constant false
      %or3A_589 = arith.ori %or3A_588, %ne3A_586 : i1
      %or3A_590 = arith.ori %or3A_589, %ne3A_587 : i1
      %or3A_591 = arith.ori %or3A_590, %eq3A_152 : i1
      %convert_element_type3A_592 = arith.extui %or3A_591 : i1 to i32
      %cond3A_593 = arith.constant 0 : i32
      %cond3A_594 = arith.cmpi ne, %convert_element_type3A_592, %cond3A_593 : i32
      scf.if %cond3A_594 {
      } else {
      }
      %and3A_595 = arith.constant false
      %and3A_596 = arith.andi %or3A_591, %and3A_595 : i1
      %jit3A_597 = arith.constant 16 : i32
      %eq3A_598 = arith.constant 0 : i32
      %eq3A_599 = arith.cmpi eq, %jit3A_597, %eq3A_598 : i32
      %jit3A_600 = arith.constant 1 : i32
      %select_n3A_601 = arith.select %eq3A_599, %jit3A_600, %jit3A_597 : i32
      %rem3A_602 = arith.remsi %add3A_154, %select_n3A_601 : i32
      %ne3A_603 = arith.constant 0 : i32
      %ne3A_604 = arith.cmpi ne, %rem3A_602, %ne3A_603 : i32
      %lt3A_605 = arith.constant 0 : i32
      %lt3A_606 = arith.cmpi slt, %rem3A_602, %lt3A_605 : i32
      %lt3A_607 = arith.constant 0 : i32
      %lt3A_608 = arith.cmpi slt, %select_n3A_601, %lt3A_607 : i32
      %ne3A_609 = arith.xori %lt3A_606, %lt3A_608 : i1
      %and3A_610 = arith.andi %ne3A_609, %ne3A_604 : i1
      %add3A_611 = arith.addi %rem3A_602, %select_n3A_601 : i32
      %select_n3A_612 = arith.select %and3A_610, %add3A_611, %rem3A_602 : i32
      %jit3A_613 = arith.constant 16 : i32
      %eq3A_614 = arith.constant 0 : i32
      %eq3A_615 = arith.cmpi eq, %jit3A_613, %eq3A_614 : i32
      %jit3A_616 = arith.constant 1 : i32
      %select_n3A_617 = arith.select %eq3A_615, %jit3A_616, %jit3A_613 : i32
      %rem3A_618 = arith.remsi %add3A_164, %select_n3A_617 : i32
      %ne3A_619 = arith.constant 0 : i32
      %ne3A_620 = arith.cmpi ne, %rem3A_618, %ne3A_619 : i32
      %lt3A_621 = arith.constant 0 : i32
      %lt3A_622 = arith.cmpi slt, %rem3A_618, %lt3A_621 : i32
      %lt3A_623 = arith.constant 0 : i32
      %lt3A_624 = arith.cmpi slt, %select_n3A_617, %lt3A_623 : i32
      %ne3A_625 = arith.xori %lt3A_622, %lt3A_624 : i1
      %and3A_626 = arith.andi %ne3A_625, %ne3A_620 : i1
      %add3A_627 = arith.addi %rem3A_618, %select_n3A_617 : i32
      %select_n3A_628 = arith.select %and3A_626, %add3A_627, %rem3A_618 : i32
      %ne3A_629 = arith.cmpi ne, %select_n3A_612, %select_n3A_628 : i32
      %or3A_630 = arith.constant false
      %or3A_631 = arith.ori %or3A_630, %ne3A_629 : i1
      %or3A_632 = arith.constant false
      %or3A_633 = arith.ori %or3A_631, %or3A_632 : i1
      %not3A_634 = arith.constant true
      %not3A_635 = arith.xori %eq3A_150, %not3A_634 : i1
      %and3A_636 = arith.andi %or3A_633, %not3A_635 : i1
      %convert_element_type3A_637 = arith.extui %and3A_636 : i1 to i32
      %cond3A_638 = arith.constant 0 : i32
      %cond3A_639 = arith.cmpi ne, %convert_element_type3A_637, %cond3A_638 : i32
      scf.if %cond3A_639 {
      } else {
      }
      %and3A_640 = arith.constant false
      %and3A_641 = arith.andi %and3A_636, %and3A_640 : i1
      %jit3A_642 = arith.constant 4 : i32
      %div3A_643 = arith.divsi %add3A_154, %jit3A_642 : i32
      %sign3A_644 = arith.constant 0 : i32
      %sign3A_645 = arith.cmpi sgt, %add3A_154, %sign3A_644 : i32
      %sign3A_646 = arith.extui %sign3A_645 : i1 to i32
      %sign3A_647 = arith.constant 0 : i32
      %sign3A_648 = arith.cmpi slt, %add3A_154, %sign3A_647 : i32
      %sign3A_649 = arith.extui %sign3A_648 : i1 to i32
      %sign3A_650 = arith.subi %sign3A_646, %sign3A_649 : i32
      %sign3A_651 = arith.constant 0 : i32
      %sign3A_652 = arith.cmpi sgt, %jit3A_642, %sign3A_651 : i32
      %sign3A_653 = arith.extui %sign3A_652 : i1 to i32
      %sign3A_654 = arith.constant 0 : i32
      %sign3A_655 = arith.cmpi slt, %jit3A_642, %sign3A_654 : i32
      %sign3A_656 = arith.extui %sign3A_655 : i1 to i32
      %sign3A_657 = arith.subi %sign3A_653, %sign3A_656 : i32
      %ne3A_658 = arith.cmpi ne, %sign3A_650, %sign3A_657 : i32
      %rem3A_659 = arith.remsi %add3A_154, %jit3A_642 : i32
      %ne3A_660 = arith.constant 0 : i32
      %ne3A_661 = arith.cmpi ne, %rem3A_659, %ne3A_660 : i32
      %and3A_662 = arith.andi %ne3A_658, %ne3A_661 : i1
      %sub3A_663 = arith.constant 1 : i32
      %sub3A_664 = arith.subi %div3A_643, %sub3A_663 : i32
      %select_n3A_665 = arith.select %and3A_662, %sub3A_664, %div3A_643 : i32
      %jit3A_666 = arith.constant 4 : i32
      %eq3A_667 = arith.constant 0 : i32
      %eq3A_668 = arith.cmpi eq, %jit3A_666, %eq3A_667 : i32
      %jit3A_669 = arith.constant 1 : i32
      %select_n3A_670 = arith.select %eq3A_668, %jit3A_669, %jit3A_666 : i32
      %rem3A_671 = arith.remsi %add3A_154, %select_n3A_670 : i32
      %ne3A_672 = arith.constant 0 : i32
      %ne3A_673 = arith.cmpi ne, %rem3A_671, %ne3A_672 : i32
      %lt3A_674 = arith.constant 0 : i32
      %lt3A_675 = arith.cmpi slt, %rem3A_671, %lt3A_674 : i32
      %lt3A_676 = arith.constant 0 : i32
      %lt3A_677 = arith.cmpi slt, %select_n3A_670, %lt3A_676 : i32
      %ne3A_678 = arith.xori %lt3A_675, %lt3A_677 : i1
      %and3A_679 = arith.andi %ne3A_678, %ne3A_673 : i1
      %add3A_680 = arith.addi %rem3A_671, %select_n3A_670 : i32
      %select_n3A_681 = arith.select %and3A_679, %add3A_680, %rem3A_671 : i32
      %jit3A_682 = arith.constant 4 : i32
      %div3A_683 = arith.divsi %add3A_164, %jit3A_682 : i32
      %sign3A_684 = arith.constant 0 : i32
      %sign3A_685 = arith.cmpi sgt, %add3A_164, %sign3A_684 : i32
      %sign3A_686 = arith.extui %sign3A_685 : i1 to i32
      %sign3A_687 = arith.constant 0 : i32
      %sign3A_688 = arith.cmpi slt, %add3A_164, %sign3A_687 : i32
      %sign3A_689 = arith.extui %sign3A_688 : i1 to i32
      %sign3A_690 = arith.subi %sign3A_686, %sign3A_689 : i32
      %sign3A_691 = arith.constant 0 : i32
      %sign3A_692 = arith.cmpi sgt, %jit3A_682, %sign3A_691 : i32
      %sign3A_693 = arith.extui %sign3A_692 : i1 to i32
      %sign3A_694 = arith.constant 0 : i32
      %sign3A_695 = arith.cmpi slt, %jit3A_682, %sign3A_694 : i32
      %sign3A_696 = arith.extui %sign3A_695 : i1 to i32
      %sign3A_697 = arith.subi %sign3A_693, %sign3A_696 : i32
      %ne3A_698 = arith.cmpi ne, %sign3A_690, %sign3A_697 : i32
      %rem3A_699 = arith.remsi %add3A_164, %jit3A_682 : i32
      %ne3A_700 = arith.constant 0 : i32
      %ne3A_701 = arith.cmpi ne, %rem3A_699, %ne3A_700 : i32
      %and3A_702 = arith.andi %ne3A_698, %ne3A_701 : i1
      %sub3A_703 = arith.constant 1 : i32
      %sub3A_704 = arith.subi %div3A_683, %sub3A_703 : i32
      %select_n3A_705 = arith.select %and3A_702, %sub3A_704, %div3A_683 : i32
      %jit3A_706 = arith.constant 4 : i32
      %eq3A_707 = arith.constant 0 : i32
      %eq3A_708 = arith.cmpi eq, %jit3A_706, %eq3A_707 : i32
      %jit3A_709 = arith.constant 1 : i32
      %select_n3A_710 = arith.select %eq3A_708, %jit3A_709, %jit3A_706 : i32
      %rem3A_711 = arith.remsi %add3A_164, %select_n3A_710 : i32
      %ne3A_712 = arith.constant 0 : i32
      %ne3A_713 = arith.cmpi ne, %rem3A_711, %ne3A_712 : i32
      %lt3A_714 = arith.constant 0 : i32
      %lt3A_715 = arith.cmpi slt, %rem3A_711, %lt3A_714 : i32
      %lt3A_716 = arith.constant 0 : i32
      %lt3A_717 = arith.cmpi slt, %select_n3A_710, %lt3A_716 : i32
      %ne3A_718 = arith.xori %lt3A_715, %lt3A_717 : i1
      %and3A_719 = arith.andi %ne3A_718, %ne3A_713 : i1
      %add3A_720 = arith.addi %rem3A_711, %select_n3A_710 : i32
      %select_n3A_721 = arith.select %and3A_719, %add3A_720, %rem3A_711 : i32
      %ne3A_722 = arith.cmpi ne, %select_n3A_665, %select_n3A_705 : i32
      %ne3A_723 = arith.cmpi ne, %select_n3A_681, %select_n3A_721 : i32
      %or3A_724 = arith.constant false
      %or3A_725 = arith.ori %or3A_724, %ne3A_722 : i1
      %or3A_726 = arith.ori %or3A_725, %ne3A_723 : i1
      %not3A_727 = arith.constant true
      %not3A_728 = arith.xori %eq3A_150, %not3A_727 : i1
      %and3A_729 = arith.andi %or3A_726, %not3A_728 : i1
      %convert_element_type3A_730 = arith.extui %and3A_729 : i1 to i32
      %cond3A_731 = arith.constant 0 : i32
      %cond3A_732 = arith.cmpi ne, %convert_element_type3A_730, %cond3A_731 : i32
      scf.if %cond3A_732 {
      } else {
      }
      %and3A_733 = arith.constant false
      %and3A_734 = arith.andi %and3A_729, %and3A_733 : i1
      %jit3A_735 = arith.constant 16 : i32
      %eq3A_736 = arith.constant 0 : i32
      %eq3A_737 = arith.cmpi eq, %jit3A_735, %eq3A_736 : i32
      %jit3A_738 = arith.constant 1 : i32
      %select_n3A_739 = arith.select %eq3A_737, %jit3A_738, %jit3A_735 : i32
      %rem3A_740 = arith.remsi %add3A_154, %select_n3A_739 : i32
      %ne3A_741 = arith.constant 0 : i32
      %ne3A_742 = arith.cmpi ne, %rem3A_740, %ne3A_741 : i32
      %lt3A_743 = arith.constant 0 : i32
      %lt3A_744 = arith.cmpi slt, %rem3A_740, %lt3A_743 : i32
      %lt3A_745 = arith.constant 0 : i32
      %lt3A_746 = arith.cmpi slt, %select_n3A_739, %lt3A_745 : i32
      %ne3A_747 = arith.xori %lt3A_744, %lt3A_746 : i1
      %and3A_748 = arith.andi %ne3A_747, %ne3A_742 : i1
      %add3A_749 = arith.addi %rem3A_740, %select_n3A_739 : i32
      %select_n3A_750 = arith.select %and3A_748, %add3A_749, %rem3A_740 : i32
      %jit3A_751 = arith.constant 16 : i32
      %eq3A_752 = arith.constant 0 : i32
      %eq3A_753 = arith.cmpi eq, %jit3A_751, %eq3A_752 : i32
      %jit3A_754 = arith.constant 1 : i32
      %select_n3A_755 = arith.select %eq3A_753, %jit3A_754, %jit3A_751 : i32
      %rem3A_756 = arith.remsi %add3A_174, %select_n3A_755 : i32
      %ne3A_757 = arith.constant 0 : i32
      %ne3A_758 = arith.cmpi ne, %rem3A_756, %ne3A_757 : i32
      %lt3A_759 = arith.constant 0 : i32
      %lt3A_760 = arith.cmpi slt, %rem3A_756, %lt3A_759 : i32
      %lt3A_761 = arith.constant 0 : i32
      %lt3A_762 = arith.cmpi slt, %select_n3A_755, %lt3A_761 : i32
      %ne3A_763 = arith.xori %lt3A_760, %lt3A_762 : i1
      %and3A_764 = arith.andi %ne3A_763, %ne3A_758 : i1
      %add3A_765 = arith.addi %rem3A_756, %select_n3A_755 : i32
      %select_n3A_766 = arith.select %and3A_764, %add3A_765, %rem3A_756 : i32
      %ne3A_767 = arith.cmpi ne, %select_n3A_750, %select_n3A_766 : i32
      %or3A_768 = arith.constant false
      %or3A_769 = arith.ori %or3A_768, %ne3A_767 : i1
      %or3A_770 = arith.constant false
      %or3A_771 = arith.ori %or3A_769, %or3A_770 : i1
      %or3A_772 = arith.ori %or3A_771, %eq3A_152 : i1
      %add3A_773 = arith.constant 1 : i32
      %add3A_774 = arith.addi %scan3A, %add3A_773 : i32
      %select_n3A_775 = arith.select %or3A_772, %add3A_774, %scan3A : i32
      %jit3A_776 = arith.constant 4 : i32
      %div3A_777 = arith.divsi %add3A_154, %jit3A_776 : i32
      %sign3A_778 = arith.constant 0 : i32
      %sign3A_779 = arith.cmpi sgt, %add3A_154, %sign3A_778 : i32
      %sign3A_780 = arith.extui %sign3A_779 : i1 to i32
      %sign3A_781 = arith.constant 0 : i32
      %sign3A_782 = arith.cmpi slt, %add3A_154, %sign3A_781 : i32
      %sign3A_783 = arith.extui %sign3A_782 : i1 to i32
      %sign3A_784 = arith.subi %sign3A_780, %sign3A_783 : i32
      %sign3A_785 = arith.constant 0 : i32
      %sign3A_786 = arith.cmpi sgt, %jit3A_776, %sign3A_785 : i32
      %sign3A_787 = arith.extui %sign3A_786 : i1 to i32
      %sign3A_788 = arith.constant 0 : i32
      %sign3A_789 = arith.cmpi slt, %jit3A_776, %sign3A_788 : i32
      %sign3A_790 = arith.extui %sign3A_789 : i1 to i32
      %sign3A_791 = arith.subi %sign3A_787, %sign3A_790 : i32
      %ne3A_792 = arith.cmpi ne, %sign3A_784, %sign3A_791 : i32
      %rem3A_793 = arith.remsi %add3A_154, %jit3A_776 : i32
      %ne3A_794 = arith.constant 0 : i32
      %ne3A_795 = arith.cmpi ne, %rem3A_793, %ne3A_794 : i32
      %and3A_796 = arith.andi %ne3A_792, %ne3A_795 : i1
      %sub3A_797 = arith.constant 1 : i32
      %sub3A_798 = arith.subi %div3A_777, %sub3A_797 : i32
      %select_n3A_799 = arith.select %and3A_796, %sub3A_798, %div3A_777 : i32
      %jit3A_800 = arith.constant 4 : i32
      %eq3A_801 = arith.constant 0 : i32
      %eq3A_802 = arith.cmpi eq, %jit3A_800, %eq3A_801 : i32
      %jit3A_803 = arith.constant 1 : i32
      %select_n3A_804 = arith.select %eq3A_802, %jit3A_803, %jit3A_800 : i32
      %rem3A_805 = arith.remsi %add3A_154, %select_n3A_804 : i32
      %ne3A_806 = arith.constant 0 : i32
      %ne3A_807 = arith.cmpi ne, %rem3A_805, %ne3A_806 : i32
      %lt3A_808 = arith.constant 0 : i32
      %lt3A_809 = arith.cmpi slt, %rem3A_805, %lt3A_808 : i32
      %lt3A_810 = arith.constant 0 : i32
      %lt3A_811 = arith.cmpi slt, %select_n3A_804, %lt3A_810 : i32
      %ne3A_812 = arith.xori %lt3A_809, %lt3A_811 : i1
      %and3A_813 = arith.andi %ne3A_812, %ne3A_807 : i1
      %add3A_814 = arith.addi %rem3A_805, %select_n3A_804 : i32
      %select_n3A_815 = arith.select %and3A_813, %add3A_814, %rem3A_805 : i32
      %jit3A_816 = arith.constant 4 : i32
      %div3A_817 = arith.divsi %add3A_174, %jit3A_816 : i32
      %sign3A_818 = arith.constant 0 : i32
      %sign3A_819 = arith.cmpi sgt, %add3A_174, %sign3A_818 : i32
      %sign3A_820 = arith.extui %sign3A_819 : i1 to i32
      %sign3A_821 = arith.constant 0 : i32
      %sign3A_822 = arith.cmpi slt, %add3A_174, %sign3A_821 : i32
      %sign3A_823 = arith.extui %sign3A_822 : i1 to i32
      %sign3A_824 = arith.subi %sign3A_820, %sign3A_823 : i32
      %sign3A_825 = arith.constant 0 : i32
      %sign3A_826 = arith.cmpi sgt, %jit3A_816, %sign3A_825 : i32
      %sign3A_827 = arith.extui %sign3A_826 : i1 to i32
      %sign3A_828 = arith.constant 0 : i32
      %sign3A_829 = arith.cmpi slt, %jit3A_816, %sign3A_828 : i32
      %sign3A_830 = arith.extui %sign3A_829 : i1 to i32
      %sign3A_831 = arith.subi %sign3A_827, %sign3A_830 : i32
      %ne3A_832 = arith.cmpi ne, %sign3A_824, %sign3A_831 : i32
      %rem3A_833 = arith.remsi %add3A_174, %jit3A_816 : i32
      %ne3A_834 = arith.constant 0 : i32
      %ne3A_835 = arith.cmpi ne, %rem3A_833, %ne3A_834 : i32
      %and3A_836 = arith.andi %ne3A_832, %ne3A_835 : i1
      %sub3A_837 = arith.constant 1 : i32
      %sub3A_838 = arith.subi %div3A_817, %sub3A_837 : i32
      %select_n3A_839 = arith.select %and3A_836, %sub3A_838, %div3A_817 : i32
      %jit3A_840 = arith.constant 4 : i32
      %eq3A_841 = arith.constant 0 : i32
      %eq3A_842 = arith.cmpi eq, %jit3A_840, %eq3A_841 : i32
      %jit3A_843 = arith.constant 1 : i32
      %select_n3A_844 = arith.select %eq3A_842, %jit3A_843, %jit3A_840 : i32
      %rem3A_845 = arith.remsi %add3A_174, %select_n3A_844 : i32
      %ne3A_846 = arith.constant 0 : i32
      %ne3A_847 = arith.cmpi ne, %rem3A_845, %ne3A_846 : i32
      %lt3A_848 = arith.constant 0 : i32
      %lt3A_849 = arith.cmpi slt, %rem3A_845, %lt3A_848 : i32
      %lt3A_850 = arith.constant 0 : i32
      %lt3A_851 = arith.cmpi slt, %select_n3A_844, %lt3A_850 : i32
      %ne3A_852 = arith.xori %lt3A_849, %lt3A_851 : i1
      %and3A_853 = arith.andi %ne3A_852, %ne3A_847 : i1
      %add3A_854 = arith.addi %rem3A_845, %select_n3A_844 : i32
      %select_n3A_855 = arith.select %and3A_853, %add3A_854, %rem3A_845 : i32
      %ne3A_856 = arith.cmpi ne, %select_n3A_799, %select_n3A_839 : i32
      %ne3A_857 = arith.cmpi ne, %select_n3A_815, %select_n3A_855 : i32
      %or3A_858 = arith.constant false
      %or3A_859 = arith.ori %or3A_858, %ne3A_856 : i1
      %or3A_860 = arith.ori %or3A_859, %ne3A_857 : i1
      %or3A_861 = arith.ori %or3A_860, %eq3A_152 : i1
      %add3A_862 = arith.constant 1 : i32
      %add3A_863 = arith.addi %scan3A_146, %add3A_862 : i32
      %select_n3A_864 = arith.select %or3A_861, %add3A_863, %scan3A_146 : i32
      %select_n3A_865 = arith.constant true
      %select_n3A_866 = arith.constant 0 : i32
      %select_n3A_867 = arith.constant 1 : i32
      %select_n3A_868 = arith.select %select_n3A_865, %select_n3A_867, %select_n3A_866 : i32
      %eq3A_869 = arith.constant 1 : i32
      %eq3A_870 = arith.cmpi eq, %select_n3A_868, %eq3A_869 : i32
      %select_n3A_871 = arith.constant 0 : i32
      %select_n3A_872 = arith.select %eq3A_870, %select_n3A_871, %select_n3A_868 : i32
      %scan3A_873 = arith.constant 0 : i32
      %scan3A_874 = arith.constant 1 : i32
      %sub3A_875 = arith.constant 1 : i32
      %sub3A_876 = arith.subi %scan3A_873, %sub3A_875 : i32
      %select_n3A_877 = arith.constant true
      %select_n3A_878 = arith.select %select_n3A_877, %sub3A_876, %scan3A_873 : i32
      %eq3A_879 = arith.constant -1 : i32
      %eq3A_880 = arith.cmpi eq, %select_n3A_878, %eq3A_879 : i32
      %select_n3A_881 = arith.constant 0 : i32
      %select_n3A_882 = arith.select %eq3A_880, %select_n3A_881, %select_n3A_878 : i32
      %add3A_883 = arith.constant 0 : i32
      %add3A_884 = arith.addi %add3A_883, %mul3A_15 : i32
      %select_n3A_885 = arith.constant true
      %select_n3A_886 = arith.constant 0 : i32
      %select_n3A_887 = arith.constant -1 : i32
      %select_n3A_888 = arith.select %select_n3A_885, %select_n3A_887, %select_n3A_886 : i32
      %eq3A_889 = arith.constant -1 : i32
      %eq3A_890 = arith.cmpi eq, %select_n3A_888, %eq3A_889 : i32
      %select_n3A_891 = arith.constant 0 : i32
      %select_n3A_892 = arith.select %eq3A_890, %select_n3A_891, %select_n3A_888 : i32
      %add3A_893 = arith.constant 0 : i32
      %add3A_894 = arith.addi %add3A_893, %mul3A_15 : i32
      %select_n3A_895 = arith.constant true
      %select_n3A_896 = arith.constant 0 : i32
      %select_n3A_897 = arith.constant 1 : i32
      %select_n3A_898 = arith.select %select_n3A_895, %select_n3A_897, %select_n3A_896 : i32
      %eq3A_899 = arith.constant 1 : i32
      %eq3A_900 = arith.cmpi eq, %select_n3A_898, %eq3A_899 : i32
      %select_n3A_901 = arith.constant 0 : i32
      %select_n3A_902 = arith.select %eq3A_900, %select_n3A_901, %select_n3A_898 : i32
      %add3A_903 = arith.constant 0 : i32
      %add3A_904 = arith.addi %add3A_903, %mul3A_15 : i32
      %select_n3A_905 = arith.constant true
      %select_n3A_906 = arith.constant 0 : i32
      %select_n3A_907 = arith.constant 1 : i32
      %select_n3A_908 = arith.select %select_n3A_905, %select_n3A_907, %select_n3A_906 : i32
      %eq3A_909 = arith.constant 1 : i32
      %eq3A_910 = arith.cmpi eq, %select_n3A_908, %eq3A_909 : i32
      %select_n3A_911 = arith.constant 0 : i32
      %select_n3A_912 = arith.select %eq3A_910, %select_n3A_911, %select_n3A_908 : i32
      %add3A_913 = arith.constant 0 : i32
      %add3A_914 = arith.addi %add3A_913, %mul3A_15 : i32
      tpu.yield
    }) : () -> ()
    return
  }
}

#map = affine_map<(d0, d1) -> (0, 0)>
module attributes {stable_mosaic.version = 14 : i64} {
  func.func @gather_kernel(%arg0: i32, %arg1: i32, %arg2: memref<7680x384xf32, #tpu.memory_space<hbm>>, %arg3: memref<7680x384xf32, #tpu.memory_space<hbm>>, %arg4: memref<8x512xi32, #tpu.memory_space<hbm>>, %arg5: memref<4096x384xf32, #tpu.memory_space<hbm>>, %arg6: memref<4096x384xf32, #tpu.memory_space<hbm>>) attributes {dimension_semantics = [#tpu.dimension_semantics<core_parallel>, #tpu.dimension_semantics<subcore_parallel>], iteration_bounds = array<i64: 2, 16>, scalar_prefetch = 0 : i64, scratch_operands = 0 : i64, tpu.core_type = #tpu.core_type<sc_vector_subcore>, window_params = [{transform_indices = #map}, {transform_indices = #map}, {transform_indices = #map}, {transform_indices = #map}, {transform_indices = #map}]} {
    %mul3A = arith.constant 1 : i32
    %mul3A_0 = arith.muli %arg1, %mul3A : i32
    %add3A = arith.constant 0 : i32
    %add3A_1 = arith.addi %add3A, %mul3A_0 : i32
    %mul3A_2 = arith.constant 16 : i32
    %mul3A_3 = arith.muli %arg0, %mul3A_2 : i32
    %add3A_4 = arith.addi %add3A_1, %mul3A_3 : i32
    %mul3A_5 = arith.constant 1 : i32
    %mul3A_6 = arith.muli %add3A_4, %mul3A_5 : i32
    "tpu.region"() ({
      %run_scoped3A = memref.alloca() : memref<2x1x128xi32, #tpu.memory_space<vmem>>
      %run_scoped3A_16 = tpu.sem_alloc : memref<2x!tpu.dma_semaphore, #tpu.memory_space<semaphore_mem>>
      %run_scoped3A_17 = memref.alloca() : memref<2x128x384xf32, #tpu.memory_space<vmem>>
      %run_scoped3A_18 = tpu.sem_alloc : memref<2x!tpu.dma_semaphore, #tpu.memory_space<semaphore_mem>>
      %add3A_19 = arith.constant 0 : i32
      %add3A_20 = arith.addi %add3A_19, %mul3A_6 : i32
      %select_n3A = arith.constant true
      %select_n3A_21 = arith.constant 0 : i32
      %select_n3A_22 = arith.constant -1 : i32
      %select_n3A_23 = arith.select %select_n3A, %select_n3A_22, %select_n3A_21 : i32
      %eq3A = arith.constant -1 : i32
      %eq3A_24 = arith.cmpi eq, %select_n3A_23, %eq3A : i32
      %select_n3A_25 = arith.constant 0 : i32
      %select_n3A_26 = arith.select %eq3A_24, %select_n3A_25, %select_n3A_23 : i32
      %add3A_27 = arith.constant 0 : i32
      %add3A_28 = arith.addi %add3A_27, %mul3A_6 : i32
      %select_n3A_29 = arith.constant true
      %select_n3A_30 = arith.constant 0 : i32
      %select_n3A_31 = arith.constant 1 : i32
      %select_n3A_32 = arith.select %select_n3A_29, %select_n3A_31, %select_n3A_30 : i32
      %eq3A_33 = arith.constant 1 : i32
      %eq3A_34 = arith.cmpi eq, %select_n3A_32, %eq3A_33 : i32
      %select_n3A_35 = arith.constant 0 : i32
      %select_n3A_36 = arith.select %eq3A_34, %select_n3A_35, %select_n3A_32 : i32
      %add3A_37 = arith.constant 0 : i32
      %add3A_38 = arith.addi %add3A_37, %mul3A_6 : i32
      %select_n3A_39 = arith.constant true
      %select_n3A_40 = arith.constant 0 : i32
      %select_n3A_41 = arith.constant 1 : i32
      %select_n3A_42 = arith.select %select_n3A_39, %select_n3A_41, %select_n3A_40 : i32
      %eq3A_43 = arith.constant 1 : i32
      %eq3A_44 = arith.cmpi eq, %select_n3A_42, %eq3A_43 : i32
      %select_n3A_45 = arith.constant 0 : i32
      %select_n3A_46 = arith.select %eq3A_44, %select_n3A_45, %select_n3A_42 : i32
      %add3A_47 = arith.constant 0 : i32
      %add3A_48 = arith.addi %add3A_47, %mul3A_6 : i32
      "tpu.trace_start"() <{level = 10 : i32, message = "ep_initialize_0"}> : () -> ()
      %rem3A = arith.constant 0 : i32
      %rem3A_49 = arith.constant 2 : i32
      %rem3A_50 = arith.remui %rem3A, %rem3A_49 : i32
      %jit3A = arith.constant 4 : i32
      %div3A = arith.divsi %add3A_20, %jit3A : i32
      %sign3A = arith.constant 0 : i32
      %sign3A_51 = arith.cmpi sgt, %add3A_20, %sign3A : i32
      %sign3A_52 = arith.extui %sign3A_51 : i1 to i32
      %sign3A_53 = arith.constant 0 : i32
      %sign3A_54 = arith.cmpi slt, %add3A_20, %sign3A_53 : i32
      %sign3A_55 = arith.extui %sign3A_54 : i1 to i32
      %sign3A_56 = arith.subi %sign3A_52, %sign3A_55 : i32
      %sign3A_57 = arith.constant 0 : i32
      %sign3A_58 = arith.cmpi sgt, %jit3A, %sign3A_57 : i32
      %sign3A_59 = arith.extui %sign3A_58 : i1 to i32
      %sign3A_60 = arith.constant 0 : i32
      %sign3A_61 = arith.cmpi slt, %jit3A, %sign3A_60 : i32
      %sign3A_62 = arith.extui %sign3A_61 : i1 to i32
      %sign3A_63 = arith.subi %sign3A_59, %sign3A_62 : i32
      %ne3A = arith.cmpi ne, %sign3A_56, %sign3A_63 : i32
      %rem3A_64 = arith.remsi %add3A_20, %jit3A : i32
      %ne3A_65 = arith.constant 0 : i32
      %ne3A_66 = arith.cmpi ne, %rem3A_64, %ne3A_65 : i32
      %and3A = arith.andi %ne3A, %ne3A_66 : i1
      %sub3A = arith.constant 1 : i32
      %sub3A_67 = arith.subi %div3A, %sub3A : i32
      %select_n3A_68 = arith.select %and3A, %sub3A_67, %div3A : i32
      %jit3A_69 = arith.constant 4 : i32
      %eq3A_70 = arith.constant 0 : i32
      %eq3A_71 = arith.cmpi eq, %jit3A_69, %eq3A_70 : i32
      %jit3A_72 = arith.constant 1 : i32
      %select_n3A_73 = arith.select %eq3A_71, %jit3A_72, %jit3A_69 : i32
      %rem3A_74 = arith.remsi %add3A_20, %select_n3A_73 : i32
      %ne3A_75 = arith.constant 0 : i32
      %ne3A_76 = arith.cmpi ne, %rem3A_74, %ne3A_75 : i32
      %lt3A = arith.constant 0 : i32
      %lt3A_77 = arith.cmpi slt, %rem3A_74, %lt3A : i32
      %lt3A_78 = arith.constant 0 : i32
      %lt3A_79 = arith.cmpi slt, %select_n3A_73, %lt3A_78 : i32
      %ne3A_80 = arith.xori %lt3A_77, %lt3A_79 : i1
      %and3A_81 = arith.andi %ne3A_80, %ne3A_76 : i1
      %add3A_82 = arith.addi %rem3A_74, %select_n3A_73 : i32
      %select_n3A_83 = arith.select %and3A_81, %add3A_82, %rem3A_74 : i32
      %mul3A_84 = arith.constant 1 : i32
      %mul3A_85 = arith.muli %mul3A_84, %select_n3A_68 : i32
      %mul3A_86 = arith.constant 128 : i32
      %mul3A_87 = arith.muli %mul3A_86, %select_n3A_83 : i32
      %dma_start3A = arith.constant 0 : i32
      %dma_start3A_88 = arith.constant 0 : i32
      %dma_start3A_89 = tpu.memref_slice %run_scoped3A[%rem3A_50, %dma_start3A, %dma_start3A_88] : memref<2x1x128xi32, #tpu.memory_space<vmem>> -> memref<1x1x128xi32, #tpu.memory_space<vmem>>
      %dma_start3A_90 = tpu.memref_squeeze %dma_start3A_89 : memref<1x1x128xi32, #tpu.memory_space<vmem>> -> memref<1x128xi32, #tpu.memory_space<vmem>>
      %dma_start3A_91 = tpu.memref_slice %arg4[%mul3A_85, %mul3A_87] : memref<8x512xi32, #tpu.memory_space<hbm>> -> memref<1x128xi32, #tpu.memory_space<hbm>>
      %dma_start3A_92 = tpu.memref_slice %run_scoped3A_16[%rem3A_50] : memref<2x!tpu.dma_semaphore, #tpu.memory_space<semaphore_mem>> -> memref<1x!tpu.dma_semaphore, #tpu.memory_space<semaphore_mem>>
      %dma_start3A_93 = tpu.memref_squeeze %dma_start3A_92 : memref<1x!tpu.dma_semaphore, #tpu.memory_space<semaphore_mem>> -> memref<!tpu.dma_semaphore, #tpu.memory_space<semaphore_mem>>
      %dma_start3A_94 = arith.constant 0 : i32
      %dma_start3A_95 = arith.constant 0 : i32
      %dma_start3A_96 = tpu.memref_slice %run_scoped3A[%rem3A_50, %dma_start3A_94, %dma_start3A_95] : memref<2x1x128xi32, #tpu.memory_space<vmem>> -> memref<1x1x128xi32, #tpu.memory_space<vmem>>
      %dma_start3A_97 = tpu.memref_squeeze %dma_start3A_96 : memref<1x1x128xi32, #tpu.memory_space<vmem>> -> memref<1x128xi32, #tpu.memory_space<vmem>>
      %dma_start3A_98 = tpu.memref_slice %arg4[%mul3A_85, %mul3A_87] : memref<8x512xi32, #tpu.memory_space<hbm>> -> memref<1x128xi32, #tpu.memory_space<hbm>>
      tpu.enqueue_dma source(%dma_start3A_98 : memref<1x128xi32, #tpu.memory_space<hbm>>) target(%dma_start3A_97 : memref<1x128xi32, #tpu.memory_space<vmem>>) target_semaphore(%dma_start3A_93 : memref<!tpu.dma_semaphore, #tpu.memory_space<semaphore_mem>>)
      %add3A_99 = arith.constant 0 : i32
      %add3A_100 = arith.constant 1 : i32
      %add3A_101 = arith.addi %add3A_99, %add3A_100 : i32
      %select_n3A_102 = arith.constant true
      %select_n3A_103 = arith.constant 0 : i32
      %select_n3A_104 = arith.select %select_n3A_102, %add3A_101, %select_n3A_103 : i32
      "tpu.trace_stop"() : () -> ()
      %scan3A = arith.constant 0 : i32
      %scan3A_105 = arith.constant 0 : i32
      %scan3A_106 = arith.constant 0 : i32
      %scan3A_107 = arith.constant 0 : i32
      %scan3A_108 = arith.constant 0 : i32
      %eq3A_109 = arith.constant 0 : i32
      %eq3A_110 = arith.cmpi eq, %scan3A_108, %eq3A_109 : i32
      %eq3A_111 = arith.constant 0 : i32
      %eq3A_112 = arith.cmpi eq, %scan3A_108, %eq3A_111 : i32
      %add3A_113 = arith.constant 0 : i32
      %add3A_114 = arith.addi %add3A_113, %mul3A_6 : i32
      %select_n3A_115 = arith.constant true
      %select_n3A_116 = arith.constant 0 : i32
      %select_n3A_117 = arith.constant -1 : i32
      %select_n3A_118 = arith.select %select_n3A_115, %select_n3A_117, %select_n3A_116 : i32
      %eq3A_119 = arith.constant -1 : i32
      %eq3A_120 = arith.cmpi eq, %select_n3A_118, %eq3A_119 : i32
      %select_n3A_121 = arith.constant 0 : i32
      %select_n3A_122 = arith.select %eq3A_120, %select_n3A_121, %select_n3A_118 : i32
      %add3A_123 = arith.constant 0 : i32
      %add3A_124 = arith.addi %add3A_123, %mul3A_6 : i32
      %select_n3A_125 = arith.constant true
      %select_n3A_126 = arith.constant 0 : i32
      %select_n3A_127 = arith.constant 1 : i32
      %select_n3A_128 = arith.select %select_n3A_125, %select_n3A_127, %select_n3A_126 : i32
      %eq3A_129 = arith.constant 1 : i32
      %eq3A_130 = arith.cmpi eq, %select_n3A_128, %eq3A_129 : i32
      %select_n3A_131 = arith.constant 0 : i32
      %select_n3A_132 = arith.select %eq3A_130, %select_n3A_131, %select_n3A_128 : i32
      %add3A_133 = arith.constant 0 : i32
      %add3A_134 = arith.addi %add3A_133, %mul3A_6 : i32
      %select_n3A_135 = arith.constant true
      %select_n3A_136 = arith.constant 0 : i32
      %select_n3A_137 = arith.constant 1 : i32
      %select_n3A_138 = arith.select %select_n3A_135, %select_n3A_137, %select_n3A_136 : i32
      %eq3A_139 = arith.constant 1 : i32
      %eq3A_140 = arith.cmpi eq, %select_n3A_138, %eq3A_139 : i32
      %select_n3A_141 = arith.constant 0 : i32
      %select_n3A_142 = arith.select %eq3A_140, %select_n3A_141, %select_n3A_138 : i32
      %add3A_143 = arith.constant 0 : i32
      %add3A_144 = arith.addi %add3A_143, %mul3A_6 : i32
      %jit3A_145 = arith.constant 4 : i32
      %div3A_146 = arith.divsi %add3A_114, %jit3A_145 : i32
      %sign3A_147 = arith.constant 0 : i32
      %sign3A_148 = arith.cmpi sgt, %add3A_114, %sign3A_147 : i32
      %sign3A_149 = arith.extui %sign3A_148 : i1 to i32
      %sign3A_150 = arith.constant 0 : i32
      %sign3A_151 = arith.cmpi slt, %add3A_114, %sign3A_150 : i32
      %sign3A_152 = arith.extui %sign3A_151 : i1 to i32
      %sign3A_153 = arith.subi %sign3A_149, %sign3A_152 : i32
      %sign3A_154 = arith.constant 0 : i32
      %sign3A_155 = arith.cmpi sgt, %jit3A_145, %sign3A_154 : i32
      %sign3A_156 = arith.extui %sign3A_155 : i1 to i32
      %sign3A_157 = arith.constant 0 : i32
      %sign3A_158 = arith.cmpi slt, %jit3A_145, %sign3A_157 : i32
      %sign3A_159 = arith.extui %sign3A_158 : i1 to i32
      %sign3A_160 = arith.subi %sign3A_156, %sign3A_159 : i32
      %ne3A_161 = arith.cmpi ne, %sign3A_153, %sign3A_160 : i32
      %rem3A_162 = arith.remsi %add3A_114, %jit3A_145 : i32
      %ne3A_163 = arith.constant 0 : i32
      %ne3A_164 = arith.cmpi ne, %rem3A_162, %ne3A_163 : i32
      %and3A_165 = arith.andi %ne3A_161, %ne3A_164 : i1
      %sub3A_166 = arith.constant 1 : i32
      %sub3A_167 = arith.subi %div3A_146, %sub3A_166 : i32
      %select_n3A_168 = arith.select %and3A_165, %sub3A_167, %div3A_146 : i32
      %jit3A_169 = arith.constant 4 : i32
      %eq3A_170 = arith.constant 0 : i32
      %eq3A_171 = arith.cmpi eq, %jit3A_169, %eq3A_170 : i32
      %jit3A_172 = arith.constant 1 : i32
      %select_n3A_173 = arith.select %eq3A_171, %jit3A_172, %jit3A_169 : i32
      %rem3A_174 = arith.remsi %add3A_114, %select_n3A_173 : i32
      %ne3A_175 = arith.constant 0 : i32
      %ne3A_176 = arith.cmpi ne, %rem3A_174, %ne3A_175 : i32
      %lt3A_177 = arith.constant 0 : i32
      %lt3A_178 = arith.cmpi slt, %rem3A_174, %lt3A_177 : i32
      %lt3A_179 = arith.constant 0 : i32
      %lt3A_180 = arith.cmpi slt, %select_n3A_173, %lt3A_179 : i32
      %ne3A_181 = arith.xori %lt3A_178, %lt3A_180 : i1
      %and3A_182 = arith.andi %ne3A_181, %ne3A_176 : i1
      %add3A_183 = arith.addi %rem3A_174, %select_n3A_173 : i32
      %select_n3A_184 = arith.select %and3A_182, %add3A_183, %rem3A_174 : i32
      %jit3A_185 = arith.constant 4 : i32
      %div3A_186 = arith.divsi %add3A_134, %jit3A_185 : i32
      %sign3A_187 = arith.constant 0 : i32
      %sign3A_188 = arith.cmpi sgt, %add3A_134, %sign3A_187 : i32
      %sign3A_189 = arith.extui %sign3A_188 : i1 to i32
      %sign3A_190 = arith.constant 0 : i32
      %sign3A_191 = arith.cmpi slt, %add3A_134, %sign3A_190 : i32
      %sign3A_192 = arith.extui %sign3A_191 : i1 to i32
      %sign3A_193 = arith.subi %sign3A_189, %sign3A_192 : i32
      %sign3A_194 = arith.constant 0 : i32
      %sign3A_195 = arith.cmpi sgt, %jit3A_185, %sign3A_194 : i32
      %sign3A_196 = arith.extui %sign3A_195 : i1 to i32
      %sign3A_197 = arith.constant 0 : i32
      %sign3A_198 = arith.cmpi slt, %jit3A_185, %sign3A_197 : i32
      %sign3A_199 = arith.extui %sign3A_198 : i1 to i32
      %sign3A_200 = arith.subi %sign3A_196, %sign3A_199 : i32
      %ne3A_201 = arith.cmpi ne, %sign3A_193, %sign3A_200 : i32
      %rem3A_202 = arith.remsi %add3A_134, %jit3A_185 : i32
      %ne3A_203 = arith.constant 0 : i32
      %ne3A_204 = arith.cmpi ne, %rem3A_202, %ne3A_203 : i32
      %and3A_205 = arith.andi %ne3A_201, %ne3A_204 : i1
      %sub3A_206 = arith.constant 1 : i32
      %sub3A_207 = arith.subi %div3A_186, %sub3A_206 : i32
      %select_n3A_208 = arith.select %and3A_205, %sub3A_207, %div3A_186 : i32
      %jit3A_209 = arith.constant 4 : i32
      %eq3A_210 = arith.constant 0 : i32
      %eq3A_211 = arith.cmpi eq, %jit3A_209, %eq3A_210 : i32
      %jit3A_212 = arith.constant 1 : i32
      %select_n3A_213 = arith.select %eq3A_211, %jit3A_212, %jit3A_209 : i32
      %rem3A_214 = arith.remsi %add3A_134, %select_n3A_213 : i32
      %ne3A_215 = arith.constant 0 : i32
      %ne3A_216 = arith.cmpi ne, %rem3A_214, %ne3A_215 : i32
      %lt3A_217 = arith.constant 0 : i32
      %lt3A_218 = arith.cmpi slt, %rem3A_214, %lt3A_217 : i32
      %lt3A_219 = arith.constant 0 : i32
      %lt3A_220 = arith.cmpi slt, %select_n3A_213, %lt3A_219 : i32
      %ne3A_221 = arith.xori %lt3A_218, %lt3A_220 : i1
      %and3A_222 = arith.andi %ne3A_221, %ne3A_216 : i1
      %add3A_223 = arith.addi %rem3A_214, %select_n3A_213 : i32
      %select_n3A_224 = arith.select %and3A_222, %add3A_223, %rem3A_214 : i32
      %ne3A_225 = arith.cmpi ne, %select_n3A_168, %select_n3A_208 : i32
      %ne3A_226 = arith.cmpi ne, %select_n3A_184, %select_n3A_224 : i32
      %or3A = arith.constant false
      %or3A_227 = arith.ori %or3A, %ne3A_225 : i1
      %or3A_228 = arith.ori %or3A_227, %ne3A_226 : i1
      %ge3A = arith.constant 0 : i32
      %ge3A_229 = arith.cmpi sge, %scan3A_108, %ge3A : i32
      %not3A = arith.constant true
      %not3A_230 = arith.xori %ge3A_229, %not3A : i1
      %and3A_231 = arith.andi %or3A_228, %not3A_230 : i1
      %convert_element_type3A = arith.extui %and3A_231 : i1 to i32
      %cond3A = arith.constant 0 : i32
      %cond3A_232 = arith.cmpi ne, %convert_element_type3A, %cond3A : i32
      scf.if %cond3A_232 {
        "tpu.trace_start"() <{level = 10 : i32, message = "ep_copy_in"}> : () -> ()
        %rem3A_721 = arith.constant 2 : i32
        %rem3A_722 = arith.remui %select_n3A_104, %rem3A_721 : i32
        %jit3A_723 = arith.constant 4 : i32
        %div3A_724 = arith.divsi %add3A_134, %jit3A_723 : i32
        %sign3A_725 = arith.constant 0 : i32
        %sign3A_726 = arith.cmpi sgt, %add3A_134, %sign3A_725 : i32
        %sign3A_727 = arith.extui %sign3A_726 : i1 to i32
        %sign3A_728 = arith.constant 0 : i32
        %sign3A_729 = arith.cmpi slt, %add3A_134, %sign3A_728 : i32
        %sign3A_730 = arith.extui %sign3A_729 : i1 to i32
        %sign3A_731 = arith.subi %sign3A_727, %sign3A_730 : i32
        %sign3A_732 = arith.constant 0 : i32
        %sign3A_733 = arith.cmpi sgt, %jit3A_723, %sign3A_732 : i32
        %sign3A_734 = arith.extui %sign3A_733 : i1 to i32
        %sign3A_735 = arith.constant 0 : i32
        %sign3A_736 = arith.cmpi slt, %jit3A_723, %sign3A_735 : i32
        %sign3A_737 = arith.extui %sign3A_736 : i1 to i32
        %sign3A_738 = arith.subi %sign3A_734, %sign3A_737 : i32
        %ne3A_739 = arith.cmpi ne, %sign3A_731, %sign3A_738 : i32
        %rem3A_740 = arith.remsi %add3A_134, %jit3A_723 : i32
        %ne3A_741 = arith.constant 0 : i32
        %ne3A_742 = arith.cmpi ne, %rem3A_740, %ne3A_741 : i32
        %and3A_743 = arith.andi %ne3A_739, %ne3A_742 : i1
        %sub3A_744 = arith.constant 1 : i32
        %sub3A_745 = arith.subi %div3A_724, %sub3A_744 : i32
        %select_n3A_746 = arith.select %and3A_743, %sub3A_745, %div3A_724 : i32
        %jit3A_747 = arith.constant 4 : i32
        %eq3A_748 = arith.constant 0 : i32
        %eq3A_749 = arith.cmpi eq, %jit3A_747, %eq3A_748 : i32
        %jit3A_750 = arith.constant 1 : i32
        %select_n3A_751 = arith.select %eq3A_749, %jit3A_750, %jit3A_747 : i32
        %rem3A_752 = arith.remsi %add3A_134, %select_n3A_751 : i32
        %ne3A_753 = arith.constant 0 : i32
        %ne3A_754 = arith.cmpi ne, %rem3A_752, %ne3A_753 : i32
        %lt3A_755 = arith.constant 0 : i32
        %lt3A_756 = arith.cmpi slt, %rem3A_752, %lt3A_755 : i32
        %lt3A_757 = arith.constant 0 : i32
        %lt3A_758 = arith.cmpi slt, %select_n3A_751, %lt3A_757 : i32
        %ne3A_759 = arith.xori %lt3A_756, %lt3A_758 : i1
        %and3A_760 = arith.andi %ne3A_759, %ne3A_754 : i1
        %add3A_761 = arith.addi %rem3A_752, %select_n3A_751 : i32
        %select_n3A_762 = arith.select %and3A_760, %add3A_761, %rem3A_752 : i32
        %mul3A_763 = arith.constant 1 : i32
        %mul3A_764 = arith.muli %mul3A_763, %select_n3A_746 : i32
        %mul3A_765 = arith.constant 128 : i32
        %mul3A_766 = arith.muli %mul3A_765, %select_n3A_762 : i32
        %dma_start3A_767 = arith.constant 0 : i32
        %dma_start3A_768 = arith.constant 0 : i32
        %dma_start3A_769 = tpu.memref_slice %run_scoped3A[%rem3A_722, %dma_start3A_767, %dma_start3A_768] : memref<2x1x128xi32, #tpu.memory_space<vmem>> -> memref<1x1x128xi32, #tpu.memory_space<vmem>>
        %dma_start3A_770 = tpu.memref_squeeze %dma_start3A_769 : memref<1x1x128xi32, #tpu.memory_space<vmem>> -> memref<1x128xi32, #tpu.memory_space<vmem>>
        %dma_start3A_771 = tpu.memref_slice %arg4[%mul3A_764, %mul3A_766] : memref<8x512xi32, #tpu.memory_space<hbm>> -> memref<1x128xi32, #tpu.memory_space<hbm>>
        %dma_start3A_772 = tpu.memref_slice %run_scoped3A_16[%rem3A_722] : memref<2x!tpu.dma_semaphore, #tpu.memory_space<semaphore_mem>> -> memref<1x!tpu.dma_semaphore, #tpu.memory_space<semaphore_mem>>
        %dma_start3A_773 = tpu.memref_squeeze %dma_start3A_772 : memref<1x!tpu.dma_semaphore, #tpu.memory_space<semaphore_mem>> -> memref<!tpu.dma_semaphore, #tpu.memory_space<semaphore_mem>>
        %dma_start3A_774 = arith.constant 0 : i32
        %dma_start3A_775 = arith.constant 0 : i32
        %dma_start3A_776 = tpu.memref_slice %run_scoped3A[%rem3A_722, %dma_start3A_774, %dma_start3A_775] : memref<2x1x128xi32, #tpu.memory_space<vmem>> -> memref<1x1x128xi32, #tpu.memory_space<vmem>>
        %dma_start3A_777 = tpu.memref_squeeze %dma_start3A_776 : memref<1x1x128xi32, #tpu.memory_space<vmem>> -> memref<1x128xi32, #tpu.memory_space<vmem>>
        %dma_start3A_778 = tpu.memref_slice %arg4[%mul3A_764, %mul3A_766] : memref<8x512xi32, #tpu.memory_space<hbm>> -> memref<1x128xi32, #tpu.memory_space<hbm>>
        tpu.enqueue_dma source(%dma_start3A_778 : memref<1x128xi32, #tpu.memory_space<hbm>>) target(%dma_start3A_777 : memref<1x128xi32, #tpu.memory_space<vmem>>) target_semaphore(%dma_start3A_773 : memref<!tpu.dma_semaphore, #tpu.memory_space<semaphore_mem>>)
        "tpu.trace_stop"() : () -> ()
      } else {
      }
      %and3A_233 = arith.constant true
      %and3A_234 = arith.andi %and3A_231, %and3A_233 : i1
      %add3A_235 = arith.constant 1 : i32
      %add3A_236 = arith.addi %select_n3A_104, %add3A_235 : i32
      %select_n3A_237 = arith.select %and3A_234, %add3A_236, %select_n3A_104 : i32
      %ne3A_238 = arith.cmpi ne, %add3A_114, %add3A_134 : i32
      %or3A_239 = arith.constant false
      %or3A_240 = arith.ori %or3A_239, %ne3A_238 : i1
      %or3A_241 = arith.constant false
      %or3A_242 = arith.ori %or3A_240, %or3A_241 : i1
      %ge3A_243 = arith.constant 0 : i32
      %ge3A_244 = arith.cmpi sge, %scan3A_108, %ge3A_243 : i32
      %not3A_245 = arith.constant true
      %not3A_246 = arith.xori %ge3A_244, %not3A_245 : i1
      %and3A_247 = arith.andi %or3A_242, %not3A_246 : i1
      %jit3A_248 = arith.constant 4 : i32
      %div3A_249 = arith.divsi %add3A_114, %jit3A_248 : i32
      %sign3A_250 = arith.constant 0 : i32
      %sign3A_251 = arith.cmpi sgt, %add3A_114, %sign3A_250 : i32
      %sign3A_252 = arith.extui %sign3A_251 : i1 to i32
      %sign3A_253 = arith.constant 0 : i32
      %sign3A_254 = arith.cmpi slt, %add3A_114, %sign3A_253 : i32
      %sign3A_255 = arith.extui %sign3A_254 : i1 to i32
      %sign3A_256 = arith.subi %sign3A_252, %sign3A_255 : i32
      %sign3A_257 = arith.constant 0 : i32
      %sign3A_258 = arith.cmpi sgt, %jit3A_248, %sign3A_257 : i32
      %sign3A_259 = arith.extui %sign3A_258 : i1 to i32
      %sign3A_260 = arith.constant 0 : i32
      %sign3A_261 = arith.cmpi slt, %jit3A_248, %sign3A_260 : i32
      %sign3A_262 = arith.extui %sign3A_261 : i1 to i32
      %sign3A_263 = arith.subi %sign3A_259, %sign3A_262 : i32
      %ne3A_264 = arith.cmpi ne, %sign3A_256, %sign3A_263 : i32
      %rem3A_265 = arith.remsi %add3A_114, %jit3A_248 : i32
      %ne3A_266 = arith.constant 0 : i32
      %ne3A_267 = arith.cmpi ne, %rem3A_265, %ne3A_266 : i32
      %and3A_268 = arith.andi %ne3A_264, %ne3A_267 : i1
      %sub3A_269 = arith.constant 1 : i32
      %sub3A_270 = arith.subi %div3A_249, %sub3A_269 : i32
      %select_n3A_271 = arith.select %and3A_268, %sub3A_270, %div3A_249 : i32
      %jit3A_272 = arith.constant 4 : i32
      %eq3A_273 = arith.constant 0 : i32
      %eq3A_274 = arith.cmpi eq, %jit3A_272, %eq3A_273 : i32
      %jit3A_275 = arith.constant 1 : i32
      %select_n3A_276 = arith.select %eq3A_274, %jit3A_275, %jit3A_272 : i32
      %rem3A_277 = arith.remsi %add3A_114, %select_n3A_276 : i32
      %ne3A_278 = arith.constant 0 : i32
      %ne3A_279 = arith.cmpi ne, %rem3A_277, %ne3A_278 : i32
      %lt3A_280 = arith.constant 0 : i32
      %lt3A_281 = arith.cmpi slt, %rem3A_277, %lt3A_280 : i32
      %lt3A_282 = arith.constant 0 : i32
      %lt3A_283 = arith.cmpi slt, %select_n3A_276, %lt3A_282 : i32
      %ne3A_284 = arith.xori %lt3A_281, %lt3A_283 : i1
      %and3A_285 = arith.andi %ne3A_284, %ne3A_279 : i1
      %add3A_286 = arith.addi %rem3A_277, %select_n3A_276 : i32
      %select_n3A_287 = arith.select %and3A_285, %add3A_286, %rem3A_277 : i32
      %jit3A_288 = arith.constant 4 : i32
      %div3A_289 = arith.divsi %add3A_124, %jit3A_288 : i32
      %sign3A_290 = arith.constant 0 : i32
      %sign3A_291 = arith.cmpi sgt, %add3A_124, %sign3A_290 : i32
      %sign3A_292 = arith.extui %sign3A_291 : i1 to i32
      %sign3A_293 = arith.constant 0 : i32
      %sign3A_294 = arith.cmpi slt, %add3A_124, %sign3A_293 : i32
      %sign3A_295 = arith.extui %sign3A_294 : i1 to i32
      %sign3A_296 = arith.subi %sign3A_292, %sign3A_295 : i32
      %sign3A_297 = arith.constant 0 : i32
      %sign3A_298 = arith.cmpi sgt, %jit3A_288, %sign3A_297 : i32
      %sign3A_299 = arith.extui %sign3A_298 : i1 to i32
      %sign3A_300 = arith.constant 0 : i32
      %sign3A_301 = arith.cmpi slt, %jit3A_288, %sign3A_300 : i32
      %sign3A_302 = arith.extui %sign3A_301 : i1 to i32
      %sign3A_303 = arith.subi %sign3A_299, %sign3A_302 : i32
      %ne3A_304 = arith.cmpi ne, %sign3A_296, %sign3A_303 : i32
      %rem3A_305 = arith.remsi %add3A_124, %jit3A_288 : i32
      %ne3A_306 = arith.constant 0 : i32
      %ne3A_307 = arith.cmpi ne, %rem3A_305, %ne3A_306 : i32
      %and3A_308 = arith.andi %ne3A_304, %ne3A_307 : i1
      %sub3A_309 = arith.constant 1 : i32
      %sub3A_310 = arith.subi %div3A_289, %sub3A_309 : i32
      %select_n3A_311 = arith.select %and3A_308, %sub3A_310, %div3A_289 : i32
      %jit3A_312 = arith.constant 4 : i32
      %eq3A_313 = arith.constant 0 : i32
      %eq3A_314 = arith.cmpi eq, %jit3A_312, %eq3A_313 : i32
      %jit3A_315 = arith.constant 1 : i32
      %select_n3A_316 = arith.select %eq3A_314, %jit3A_315, %jit3A_312 : i32
      %rem3A_317 = arith.remsi %add3A_124, %select_n3A_316 : i32
      %ne3A_318 = arith.constant 0 : i32
      %ne3A_319 = arith.cmpi ne, %rem3A_317, %ne3A_318 : i32
      %lt3A_320 = arith.constant 0 : i32
      %lt3A_321 = arith.cmpi slt, %rem3A_317, %lt3A_320 : i32
      %lt3A_322 = arith.constant 0 : i32
      %lt3A_323 = arith.cmpi slt, %select_n3A_316, %lt3A_322 : i32
      %ne3A_324 = arith.xori %lt3A_321, %lt3A_323 : i1
      %and3A_325 = arith.andi %ne3A_324, %ne3A_319 : i1
      %add3A_326 = arith.addi %rem3A_317, %select_n3A_316 : i32
      %select_n3A_327 = arith.select %and3A_325, %add3A_326, %rem3A_317 : i32
      %ne3A_328 = arith.cmpi ne, %select_n3A_271, %select_n3A_311 : i32
      %ne3A_329 = arith.cmpi ne, %select_n3A_287, %select_n3A_327 : i32
      %or3A_330 = arith.constant false
      %or3A_331 = arith.ori %or3A_330, %ne3A_328 : i1
      %or3A_332 = arith.ori %or3A_331, %ne3A_329 : i1
      %or3A_333 = arith.ori %or3A_332, %eq3A_110 : i1
      %convert_element_type3A_334 = arith.extui %or3A_333 : i1 to i32
      %cond3A_335 = arith.constant 0 : i32
      %cond3A_336 = arith.cmpi ne, %convert_element_type3A_334, %cond3A_335 : i32
      scf.if %cond3A_336 {
        %jit3A_721 = arith.constant 4 : i32
        "tpu.trace_start"() <{level = 10 : i32, message = "ep_wait_in"}> : () -> ()
        %div3A_722 = arith.divsi %add3A_114, %jit3A_721 : i32
        %sign3A_723 = arith.constant 0 : i32
        %sign3A_724 = arith.cmpi sgt, %add3A_114, %sign3A_723 : i32
        %sign3A_725 = arith.extui %sign3A_724 : i1 to i32
        %sign3A_726 = arith.constant 0 : i32
        %sign3A_727 = arith.cmpi slt, %add3A_114, %sign3A_726 : i32
        %sign3A_728 = arith.extui %sign3A_727 : i1 to i32
        %sign3A_729 = arith.subi %sign3A_725, %sign3A_728 : i32
        %sign3A_730 = arith.constant 0 : i32
        %sign3A_731 = arith.cmpi sgt, %jit3A_721, %sign3A_730 : i32
        %sign3A_732 = arith.extui %sign3A_731 : i1 to i32
        %sign3A_733 = arith.constant 0 : i32
        %sign3A_734 = arith.cmpi slt, %jit3A_721, %sign3A_733 : i32
        %sign3A_735 = arith.extui %sign3A_734 : i1 to i32
        %sign3A_736 = arith.subi %sign3A_732, %sign3A_735 : i32
        %ne3A_737 = arith.cmpi ne, %sign3A_729, %sign3A_736 : i32
        %rem3A_738 = arith.remsi %add3A_114, %jit3A_721 : i32
        %ne3A_739 = arith.constant 0 : i32
        %ne3A_740 = arith.cmpi ne, %rem3A_738, %ne3A_739 : i32
        %and3A_741 = arith.andi %ne3A_737, %ne3A_740 : i1
        %sub3A_742 = arith.constant 1 : i32
        %sub3A_743 = arith.subi %div3A_722, %sub3A_742 : i32
        %select_n3A_744 = arith.select %and3A_741, %sub3A_743, %div3A_722 : i32
        %jit3A_745 = arith.constant 4 : i32
        %eq3A_746 = arith.constant 0 : i32
        %eq3A_747 = arith.cmpi eq, %jit3A_745, %eq3A_746 : i32
        %jit3A_748 = arith.constant 1 : i32
        %select_n3A_749 = arith.select %eq3A_747, %jit3A_748, %jit3A_745 : i32
        %rem3A_750 = arith.remsi %add3A_114, %select_n3A_749 : i32
        %ne3A_751 = arith.constant 0 : i32
        %ne3A_752 = arith.cmpi ne, %rem3A_750, %ne3A_751 : i32
        %lt3A_753 = arith.constant 0 : i32
        %lt3A_754 = arith.cmpi slt, %rem3A_750, %lt3A_753 : i32
        %lt3A_755 = arith.constant 0 : i32
        %lt3A_756 = arith.cmpi slt, %select_n3A_749, %lt3A_755 : i32
        %ne3A_757 = arith.xori %lt3A_754, %lt3A_756 : i1
        %and3A_758 = arith.andi %ne3A_757, %ne3A_752 : i1
        %add3A_759 = arith.addi %rem3A_750, %select_n3A_749 : i32
        %select_n3A_760 = arith.select %and3A_758, %add3A_759, %rem3A_750 : i32
        %mul3A_761 = arith.constant 1 : i32
        %mul3A_762 = arith.muli %mul3A_761, %select_n3A_744 : i32
        %mul3A_763 = arith.constant 128 : i32
        %mul3A_764 = arith.muli %mul3A_763, %select_n3A_760 : i32
        %rem3A_765 = arith.constant 2 : i32
        %rem3A_766 = arith.remui %scan3A, %rem3A_765 : i32
        %dma_wait3A_767 = arith.constant 0 : i32
        %dma_wait3A_768 = arith.constant 0 : i32
        %dma_wait3A_769 = tpu.memref_slice %run_scoped3A[%rem3A_766, %dma_wait3A_767, %dma_wait3A_768] : memref<2x1x128xi32, #tpu.memory_space<vmem>> -> memref<1x1x128xi32, #tpu.memory_space<vmem>>
        %dma_wait3A_770 = tpu.memref_squeeze %dma_wait3A_769 : memref<1x1x128xi32, #tpu.memory_space<vmem>> -> memref<1x128xi32, #tpu.memory_space<vmem>>
        %dma_wait3A_771 = tpu.memref_slice %arg4[%mul3A_762, %mul3A_764] : memref<8x512xi32, #tpu.memory_space<hbm>> -> memref<1x128xi32, #tpu.memory_space<hbm>>
        %dma_wait3A_772 = tpu.memref_slice %run_scoped3A_16[%rem3A_766] : memref<2x!tpu.dma_semaphore, #tpu.memory_space<semaphore_mem>> -> memref<1x!tpu.dma_semaphore, #tpu.memory_space<semaphore_mem>>
        %dma_wait3A_773 = tpu.memref_squeeze %dma_wait3A_772 : memref<1x!tpu.dma_semaphore, #tpu.memory_space<semaphore_mem>> -> memref<!tpu.dma_semaphore, #tpu.memory_space<semaphore_mem>>
        %dma_wait3A_774 = arith.constant 0 : i32
        %dma_wait3A_775 = arith.constant 0 : i32
        %dma_wait3A_776 = tpu.memref_slice %run_scoped3A[%rem3A_766, %dma_wait3A_774, %dma_wait3A_775] : memref<2x1x128xi32, #tpu.memory_space<vmem>> -> memref<1x1x128xi32, #tpu.memory_space<vmem>>
        %dma_wait3A_777 = tpu.memref_squeeze %dma_wait3A_776 : memref<1x1x128xi32, #tpu.memory_space<vmem>> -> memref<1x128xi32, #tpu.memory_space<vmem>>
        %dma_wait3A_778 = tpu.memref_slice %arg4[%mul3A_762, %mul3A_764] : memref<8x512xi32, #tpu.memory_space<hbm>> -> memref<1x128xi32, #tpu.memory_space<hbm>>
        tpu.wait_dma2 semaphore(%dma_wait3A_773 : memref<!tpu.dma_semaphore, #tpu.memory_space<semaphore_mem>>) src(%dma_wait3A_778 : memref<1x128xi32, #tpu.memory_space<hbm>>) dst(%dma_wait3A_777 : memref<1x128xi32, #tpu.memory_space<vmem>>)
        "tpu.trace_stop"() : () -> ()
      } else {
      }
      %ne3A_337 = arith.cmpi ne, %add3A_114, %add3A_124 : i32
      %or3A_338 = arith.constant false
      %or3A_339 = arith.ori %or3A_338, %ne3A_337 : i1
      %or3A_340 = arith.constant false
      %or3A_341 = arith.ori %or3A_339, %or3A_340 : i1
      %or3A_342 = arith.ori %or3A_341, %eq3A_110 : i1
      %convert_element_type3A_343 = arith.extui %or3A_342 : i1 to i32
      %cond3A_344 = arith.constant 0 : i32
      %cond3A_345 = arith.cmpi ne, %convert_element_type3A_343, %cond3A_344 : i32
      scf.if %cond3A_345 {
      } else {
      }
      %rem3A_346 = arith.constant 2 : i32
      %rem3A_347 = arith.remui %scan3A, %rem3A_346 : i32
      %rem3A_348 = arith.constant 2 : i32
      %rem3A_349 = arith.remui %scan3A_105, %rem3A_348 : i32
      %run_scoped3A_350 = arith.constant 0 : i32
      "tpu.trace_start"() <{level = 10 : i32, message = "ep_run_kernel"}> : () -> ()
      "tpu.region"() ({
        %run_scoped3A_721 = tpu.sem_alloc : memref<!tpu.dma_semaphore, #tpu.memory_space<semaphore_mem>>
        %dma_start3A_722 = arith.constant 0 : i32
        %dma_start3A_723 = arith.constant 0 : i32
        %dma_start3A_724 = tpu.memref_slice %run_scoped3A_17[%rem3A_349, %dma_start3A_722, %dma_start3A_723] : memref<2x128x384xf32, #tpu.memory_space<vmem>> -> memref<1x128x384xf32, #tpu.memory_space<vmem>>
        %dma_start3A_725 = tpu.memref_squeeze %dma_start3A_724 : memref<1x128x384xf32, #tpu.memory_space<vmem>> -> memref<128x384xf32, #tpu.memory_space<vmem>>
        %dma_start3A_726 = arith.constant 0 : i32
        %dma_start3A_727 = arith.constant 0 : i32
        %dma_start3A_728 = tpu.memref_slice %run_scoped3A[%rem3A_347, %dma_start3A_726, %dma_start3A_727] : memref<2x1x128xi32, #tpu.memory_space<vmem>> -> memref<1x1x128xi32, #tpu.memory_space<vmem>>
        %dma_start3A_729 = tpu.memref_squeeze %dma_start3A_728 : memref<1x1x128xi32, #tpu.memory_space<vmem>> -> memref<1x128xi32, #tpu.memory_space<vmem>>
        %dma_start3A_730 = arith.constant 0 : i32
        %dma_start3A_731 = tpu.memref_slice %dma_start3A_729[%run_scoped3A_350, %dma_start3A_730] : memref<1x128xi32, #tpu.memory_space<vmem>> -> memref<1x128xi32, #tpu.memory_space<vmem>>
        %dma_start3A_732 = tpu.memref_squeeze %dma_start3A_731 : memref<1x128xi32, #tpu.memory_space<vmem>> -> memref<128xi32, #tpu.memory_space<vmem>>
        %dma_start3A_733 = arith.constant 0 : i32
        %dma_start3A_734 = arith.constant 0 : i32
        %dma_start3A_735 = tpu.memref_slice %arg2[%dma_start3A_733, %dma_start3A_734] : memref<7680x384xf32, #tpu.memory_space<hbm>> -> memref<7680x384xf32, #tpu.memory_space<hbm>>
        tpu.enqueue_indirect_dma source(%dma_start3A_735 : memref<7680x384xf32, #tpu.memory_space<hbm>>) target(%dma_start3A_725 : memref<128x384xf32, #tpu.memory_space<vmem>>) offsets(%dma_start3A_732 : memref<128xi32, #tpu.memory_space<vmem>>) semaphore(%run_scoped3A_721 : memref<!tpu.dma_semaphore, #tpu.memory_space<semaphore_mem>>)
        %dma_wait3A_736 = arith.constant 0 : i32
        %dma_wait3A_737 = arith.constant 0 : i32
        %dma_wait3A_738 = tpu.memref_slice %run_scoped3A_17[%rem3A_349, %dma_wait3A_736, %dma_wait3A_737] : memref<2x128x384xf32, #tpu.memory_space<vmem>> -> memref<1x128x384xf32, #tpu.memory_space<vmem>>
        %dma_wait3A_739 = tpu.memref_squeeze %dma_wait3A_738 : memref<1x128x384xf32, #tpu.memory_space<vmem>> -> memref<128x384xf32, #tpu.memory_space<vmem>>
        %dma_wait3A_740 = arith.constant 0 : i32
        %dma_wait3A_741 = arith.constant 0 : i32
        %dma_wait3A_742 = tpu.memref_slice %run_scoped3A[%rem3A_347, %dma_wait3A_740, %dma_wait3A_741] : memref<2x1x128xi32, #tpu.memory_space<vmem>> -> memref<1x1x128xi32, #tpu.memory_space<vmem>>
        %dma_wait3A_743 = tpu.memref_squeeze %dma_wait3A_742 : memref<1x1x128xi32, #tpu.memory_space<vmem>> -> memref<1x128xi32, #tpu.memory_space<vmem>>
        %dma_wait3A_744 = arith.constant 0 : i32
        %dma_wait3A_745 = tpu.memref_slice %dma_wait3A_743[%run_scoped3A_350, %dma_wait3A_744] : memref<1x128xi32, #tpu.memory_space<vmem>> -> memref<1x128xi32, #tpu.memory_space<vmem>>
        %dma_wait3A_746 = tpu.memref_squeeze %dma_wait3A_745 : memref<1x128xi32, #tpu.memory_space<vmem>> -> memref<128xi32, #tpu.memory_space<vmem>>
        %dma_wait3A_747 = arith.constant 0 : i32
        %dma_wait3A_748 = arith.constant 0 : i32
        %dma_wait3A_749 = tpu.memref_slice %arg2[%dma_wait3A_747, %dma_wait3A_748] : memref<7680x384xf32, #tpu.memory_space<hbm>> -> memref<7680x384xf32, #tpu.memory_space<hbm>>
        tpu.wait_indirect_dma semaphore(%run_scoped3A_721 : memref<!tpu.dma_semaphore, #tpu.memory_space<semaphore_mem>>) src(%dma_wait3A_749 : memref<7680x384xf32, #tpu.memory_space<hbm>>) dst(%dma_wait3A_739 : memref<128x384xf32, #tpu.memory_space<vmem>>)
        tpu.yield
      }) : () -> ()
      %jit3A_351 = arith.constant 4 : i32
      "tpu.trace_stop"() : () -> ()
      %div3A_352 = arith.divsi %add3A_114, %jit3A_351 : i32
      %sign3A_353 = arith.constant 0 : i32
      %sign3A_354 = arith.cmpi sgt, %add3A_114, %sign3A_353 : i32
      %sign3A_355 = arith.extui %sign3A_354 : i1 to i32
      %sign3A_356 = arith.constant 0 : i32
      %sign3A_357 = arith.cmpi slt, %add3A_114, %sign3A_356 : i32
      %sign3A_358 = arith.extui %sign3A_357 : i1 to i32
      %sign3A_359 = arith.subi %sign3A_355, %sign3A_358 : i32
      %sign3A_360 = arith.constant 0 : i32
      %sign3A_361 = arith.cmpi sgt, %jit3A_351, %sign3A_360 : i32
      %sign3A_362 = arith.extui %sign3A_361 : i1 to i32
      %sign3A_363 = arith.constant 0 : i32
      %sign3A_364 = arith.cmpi slt, %jit3A_351, %sign3A_363 : i32
      %sign3A_365 = arith.extui %sign3A_364 : i1 to i32
      %sign3A_366 = arith.subi %sign3A_362, %sign3A_365 : i32
      %ne3A_367 = arith.cmpi ne, %sign3A_359, %sign3A_366 : i32
      %rem3A_368 = arith.remsi %add3A_114, %jit3A_351 : i32
      %ne3A_369 = arith.constant 0 : i32
      %ne3A_370 = arith.cmpi ne, %rem3A_368, %ne3A_369 : i32
      %and3A_371 = arith.andi %ne3A_367, %ne3A_370 : i1
      %sub3A_372 = arith.constant 1 : i32
      %sub3A_373 = arith.subi %div3A_352, %sub3A_372 : i32
      %select_n3A_374 = arith.select %and3A_371, %sub3A_373, %div3A_352 : i32
      %jit3A_375 = arith.constant 4 : i32
      %eq3A_376 = arith.constant 0 : i32
      %eq3A_377 = arith.cmpi eq, %jit3A_375, %eq3A_376 : i32
      %jit3A_378 = arith.constant 1 : i32
      %select_n3A_379 = arith.select %eq3A_377, %jit3A_378, %jit3A_375 : i32
      %rem3A_380 = arith.remsi %add3A_114, %select_n3A_379 : i32
      %ne3A_381 = arith.constant 0 : i32
      %ne3A_382 = arith.cmpi ne, %rem3A_380, %ne3A_381 : i32
      %lt3A_383 = arith.constant 0 : i32
      %lt3A_384 = arith.cmpi slt, %rem3A_380, %lt3A_383 : i32
      %lt3A_385 = arith.constant 0 : i32
      %lt3A_386 = arith.cmpi slt, %select_n3A_379, %lt3A_385 : i32
      %ne3A_387 = arith.xori %lt3A_384, %lt3A_386 : i1
      %and3A_388 = arith.andi %ne3A_387, %ne3A_382 : i1
      %add3A_389 = arith.addi %rem3A_380, %select_n3A_379 : i32
      %select_n3A_390 = arith.select %and3A_388, %add3A_389, %rem3A_380 : i32
      %jit3A_391 = arith.constant 4 : i32
      %div3A_392 = arith.divsi %add3A_134, %jit3A_391 : i32
      %sign3A_393 = arith.constant 0 : i32
      %sign3A_394 = arith.cmpi sgt, %add3A_134, %sign3A_393 : i32
      %sign3A_395 = arith.extui %sign3A_394 : i1 to i32
      %sign3A_396 = arith.constant 0 : i32
      %sign3A_397 = arith.cmpi slt, %add3A_134, %sign3A_396 : i32
      %sign3A_398 = arith.extui %sign3A_397 : i1 to i32
      %sign3A_399 = arith.subi %sign3A_395, %sign3A_398 : i32
      %sign3A_400 = arith.constant 0 : i32
      %sign3A_401 = arith.cmpi sgt, %jit3A_391, %sign3A_400 : i32
      %sign3A_402 = arith.extui %sign3A_401 : i1 to i32
      %sign3A_403 = arith.constant 0 : i32
      %sign3A_404 = arith.cmpi slt, %jit3A_391, %sign3A_403 : i32
      %sign3A_405 = arith.extui %sign3A_404 : i1 to i32
      %sign3A_406 = arith.subi %sign3A_402, %sign3A_405 : i32
      %ne3A_407 = arith.cmpi ne, %sign3A_399, %sign3A_406 : i32
      %rem3A_408 = arith.remsi %add3A_134, %jit3A_391 : i32
      %ne3A_409 = arith.constant 0 : i32
      %ne3A_410 = arith.cmpi ne, %rem3A_408, %ne3A_409 : i32
      %and3A_411 = arith.andi %ne3A_407, %ne3A_410 : i1
      %sub3A_412 = arith.constant 1 : i32
      %sub3A_413 = arith.subi %div3A_392, %sub3A_412 : i32
      %select_n3A_414 = arith.select %and3A_411, %sub3A_413, %div3A_392 : i32
      %jit3A_415 = arith.constant 4 : i32
      %eq3A_416 = arith.constant 0 : i32
      %eq3A_417 = arith.cmpi eq, %jit3A_415, %eq3A_416 : i32
      %jit3A_418 = arith.constant 1 : i32
      %select_n3A_419 = arith.select %eq3A_417, %jit3A_418, %jit3A_415 : i32
      %rem3A_420 = arith.remsi %add3A_134, %select_n3A_419 : i32
      %ne3A_421 = arith.constant 0 : i32
      %ne3A_422 = arith.cmpi ne, %rem3A_420, %ne3A_421 : i32
      %lt3A_423 = arith.constant 0 : i32
      %lt3A_424 = arith.cmpi slt, %rem3A_420, %lt3A_423 : i32
      %lt3A_425 = arith.constant 0 : i32
      %lt3A_426 = arith.cmpi slt, %select_n3A_419, %lt3A_425 : i32
      %ne3A_427 = arith.xori %lt3A_424, %lt3A_426 : i1
      %and3A_428 = arith.andi %ne3A_427, %ne3A_422 : i1
      %add3A_429 = arith.addi %rem3A_420, %select_n3A_419 : i32
      %select_n3A_430 = arith.select %and3A_428, %add3A_429, %rem3A_420 : i32
      %ne3A_431 = arith.cmpi ne, %select_n3A_374, %select_n3A_414 : i32
      %ne3A_432 = arith.cmpi ne, %select_n3A_390, %select_n3A_430 : i32
      %or3A_433 = arith.constant false
      %or3A_434 = arith.ori %or3A_433, %ne3A_431 : i1
      %or3A_435 = arith.ori %or3A_434, %ne3A_432 : i1
      %or3A_436 = arith.ori %or3A_435, %eq3A_112 : i1
      %convert_element_type3A_437 = arith.extui %or3A_436 : i1 to i32
      %cond3A_438 = arith.constant 0 : i32
      %cond3A_439 = arith.cmpi ne, %convert_element_type3A_437, %cond3A_438 : i32
      scf.if %cond3A_439 {
      } else {
      }
      %and3A_440 = arith.constant false
      %and3A_441 = arith.andi %or3A_436, %and3A_440 : i1
      %ne3A_442 = arith.cmpi ne, %add3A_114, %add3A_134 : i32
      %or3A_443 = arith.constant false
      %or3A_444 = arith.ori %or3A_443, %ne3A_442 : i1
      %or3A_445 = arith.constant false
      %or3A_446 = arith.ori %or3A_444, %or3A_445 : i1
      %or3A_447 = arith.ori %or3A_446, %eq3A_112 : i1
      %convert_element_type3A_448 = arith.extui %or3A_447 : i1 to i32
      %cond3A_449 = arith.constant 0 : i32
      %cond3A_450 = arith.cmpi ne, %convert_element_type3A_448, %cond3A_449 : i32
      scf.if %cond3A_450 {
        "tpu.trace_start"() <{level = 10 : i32, message = "ep_copy_out"}> : () -> ()
        %rem3A_721 = arith.constant 2 : i32
        %rem3A_722 = arith.remui %scan3A_105, %rem3A_721 : i32
        %mul3A_723 = arith.constant 128 : i32
        %mul3A_724 = arith.muli %mul3A_723, %add3A_114 : i32
        %dma_start3A_725 = arith.constant 0 : i32
        %dma_start3A_726 = arith.constant 0 : i32
        %dma_start3A_727 = tpu.memref_slice %run_scoped3A_17[%rem3A_722, %dma_start3A_725, %dma_start3A_726] : memref<2x128x384xf32, #tpu.memory_space<vmem>> -> memref<1x128x384xf32, #tpu.memory_space<vmem>>
        %dma_start3A_728 = tpu.memref_squeeze %dma_start3A_727 : memref<1x128x384xf32, #tpu.memory_space<vmem>> -> memref<128x384xf32, #tpu.memory_space<vmem>>
        %dma_start3A_729 = arith.constant 0 : i32
        %dma_start3A_730 = tpu.memref_slice %arg5[%mul3A_724, %dma_start3A_729] : memref<4096x384xf32, #tpu.memory_space<hbm>> -> memref<128x384xf32, #tpu.memory_space<hbm>>
        %dma_start3A_731 = tpu.memref_slice %run_scoped3A_18[%rem3A_722] : memref<2x!tpu.dma_semaphore, #tpu.memory_space<semaphore_mem>> -> memref<1x!tpu.dma_semaphore, #tpu.memory_space<semaphore_mem>>
        %dma_start3A_732 = tpu.memref_squeeze %dma_start3A_731 : memref<1x!tpu.dma_semaphore, #tpu.memory_space<semaphore_mem>> -> memref<!tpu.dma_semaphore, #tpu.memory_space<semaphore_mem>>
        %dma_start3A_733 = arith.constant 0 : i32
        %dma_start3A_734 = tpu.memref_slice %arg5[%mul3A_724, %dma_start3A_733] : memref<4096x384xf32, #tpu.memory_space<hbm>> -> memref<128x384xf32, #tpu.memory_space<hbm>>
        %dma_start3A_735 = arith.constant 0 : i32
        %dma_start3A_736 = arith.constant 0 : i32
        %dma_start3A_737 = tpu.memref_slice %run_scoped3A_17[%rem3A_722, %dma_start3A_735, %dma_start3A_736] : memref<2x128x384xf32, #tpu.memory_space<vmem>> -> memref<1x128x384xf32, #tpu.memory_space<vmem>>
        %dma_start3A_738 = tpu.memref_squeeze %dma_start3A_737 : memref<1x128x384xf32, #tpu.memory_space<vmem>> -> memref<128x384xf32, #tpu.memory_space<vmem>>
        tpu.enqueue_dma source(%dma_start3A_738 : memref<128x384xf32, #tpu.memory_space<vmem>>) target(%dma_start3A_734 : memref<128x384xf32, #tpu.memory_space<hbm>>) target_semaphore(%dma_start3A_732 : memref<!tpu.dma_semaphore, #tpu.memory_space<semaphore_mem>>)
        "tpu.trace_stop"() : () -> ()
      } else {
      }
      %and3A_451 = arith.constant true
      %and3A_452 = arith.andi %or3A_447, %and3A_451 : i1
      %add3A_453 = arith.constant 1 : i32
      %add3A_454 = arith.addi %scan3A_105, %add3A_453 : i32
      %select_n3A_455 = arith.select %and3A_452, %add3A_454, %scan3A_105 : i32
      %jit3A_456 = arith.constant 4 : i32
      %div3A_457 = arith.divsi %add3A_114, %jit3A_456 : i32
      %sign3A_458 = arith.constant 0 : i32
      %sign3A_459 = arith.cmpi sgt, %add3A_114, %sign3A_458 : i32
      %sign3A_460 = arith.extui %sign3A_459 : i1 to i32
      %sign3A_461 = arith.constant 0 : i32
      %sign3A_462 = arith.cmpi slt, %add3A_114, %sign3A_461 : i32
      %sign3A_463 = arith.extui %sign3A_462 : i1 to i32
      %sign3A_464 = arith.subi %sign3A_460, %sign3A_463 : i32
      %sign3A_465 = arith.constant 0 : i32
      %sign3A_466 = arith.cmpi sgt, %jit3A_456, %sign3A_465 : i32
      %sign3A_467 = arith.extui %sign3A_466 : i1 to i32
      %sign3A_468 = arith.constant 0 : i32
      %sign3A_469 = arith.cmpi slt, %jit3A_456, %sign3A_468 : i32
      %sign3A_470 = arith.extui %sign3A_469 : i1 to i32
      %sign3A_471 = arith.subi %sign3A_467, %sign3A_470 : i32
      %ne3A_472 = arith.cmpi ne, %sign3A_464, %sign3A_471 : i32
      %rem3A_473 = arith.remsi %add3A_114, %jit3A_456 : i32
      %ne3A_474 = arith.constant 0 : i32
      %ne3A_475 = arith.cmpi ne, %rem3A_473, %ne3A_474 : i32
      %and3A_476 = arith.andi %ne3A_472, %ne3A_475 : i1
      %sub3A_477 = arith.constant 1 : i32
      %sub3A_478 = arith.subi %div3A_457, %sub3A_477 : i32
      %select_n3A_479 = arith.select %and3A_476, %sub3A_478, %div3A_457 : i32
      %jit3A_480 = arith.constant 4 : i32
      %eq3A_481 = arith.constant 0 : i32
      %eq3A_482 = arith.cmpi eq, %jit3A_480, %eq3A_481 : i32
      %jit3A_483 = arith.constant 1 : i32
      %select_n3A_484 = arith.select %eq3A_482, %jit3A_483, %jit3A_480 : i32
      %rem3A_485 = arith.remsi %add3A_114, %select_n3A_484 : i32
      %ne3A_486 = arith.constant 0 : i32
      %ne3A_487 = arith.cmpi ne, %rem3A_485, %ne3A_486 : i32
      %lt3A_488 = arith.constant 0 : i32
      %lt3A_489 = arith.cmpi slt, %rem3A_485, %lt3A_488 : i32
      %lt3A_490 = arith.constant 0 : i32
      %lt3A_491 = arith.cmpi slt, %select_n3A_484, %lt3A_490 : i32
      %ne3A_492 = arith.xori %lt3A_489, %lt3A_491 : i1
      %and3A_493 = arith.andi %ne3A_492, %ne3A_487 : i1
      %add3A_494 = arith.addi %rem3A_485, %select_n3A_484 : i32
      %select_n3A_495 = arith.select %and3A_493, %add3A_494, %rem3A_485 : i32
      %jit3A_496 = arith.constant 4 : i32
      %div3A_497 = arith.divsi %add3A_124, %jit3A_496 : i32
      %sign3A_498 = arith.constant 0 : i32
      %sign3A_499 = arith.cmpi sgt, %add3A_124, %sign3A_498 : i32
      %sign3A_500 = arith.extui %sign3A_499 : i1 to i32
      %sign3A_501 = arith.constant 0 : i32
      %sign3A_502 = arith.cmpi slt, %add3A_124, %sign3A_501 : i32
      %sign3A_503 = arith.extui %sign3A_502 : i1 to i32
      %sign3A_504 = arith.subi %sign3A_500, %sign3A_503 : i32
      %sign3A_505 = arith.constant 0 : i32
      %sign3A_506 = arith.cmpi sgt, %jit3A_496, %sign3A_505 : i32
      %sign3A_507 = arith.extui %sign3A_506 : i1 to i32
      %sign3A_508 = arith.constant 0 : i32
      %sign3A_509 = arith.cmpi slt, %jit3A_496, %sign3A_508 : i32
      %sign3A_510 = arith.extui %sign3A_509 : i1 to i32
      %sign3A_511 = arith.subi %sign3A_507, %sign3A_510 : i32
      %ne3A_512 = arith.cmpi ne, %sign3A_504, %sign3A_511 : i32
      %rem3A_513 = arith.remsi %add3A_124, %jit3A_496 : i32
      %ne3A_514 = arith.constant 0 : i32
      %ne3A_515 = arith.cmpi ne, %rem3A_513, %ne3A_514 : i32
      %and3A_516 = arith.andi %ne3A_512, %ne3A_515 : i1
      %sub3A_517 = arith.constant 1 : i32
      %sub3A_518 = arith.subi %div3A_497, %sub3A_517 : i32
      %select_n3A_519 = arith.select %and3A_516, %sub3A_518, %div3A_497 : i32
      %jit3A_520 = arith.constant 4 : i32
      %eq3A_521 = arith.constant 0 : i32
      %eq3A_522 = arith.cmpi eq, %jit3A_520, %eq3A_521 : i32
      %jit3A_523 = arith.constant 1 : i32
      %select_n3A_524 = arith.select %eq3A_522, %jit3A_523, %jit3A_520 : i32
      %rem3A_525 = arith.remsi %add3A_124, %select_n3A_524 : i32
      %ne3A_526 = arith.constant 0 : i32
      %ne3A_527 = arith.cmpi ne, %rem3A_525, %ne3A_526 : i32
      %lt3A_528 = arith.constant 0 : i32
      %lt3A_529 = arith.cmpi slt, %rem3A_525, %lt3A_528 : i32
      %lt3A_530 = arith.constant 0 : i32
      %lt3A_531 = arith.cmpi slt, %select_n3A_524, %lt3A_530 : i32
      %ne3A_532 = arith.xori %lt3A_529, %lt3A_531 : i1
      %and3A_533 = arith.andi %ne3A_532, %ne3A_527 : i1
      %add3A_534 = arith.addi %rem3A_525, %select_n3A_524 : i32
      %select_n3A_535 = arith.select %and3A_533, %add3A_534, %rem3A_525 : i32
      %ne3A_536 = arith.cmpi ne, %select_n3A_479, %select_n3A_519 : i32
      %ne3A_537 = arith.cmpi ne, %select_n3A_495, %select_n3A_535 : i32
      %or3A_538 = arith.constant false
      %or3A_539 = arith.ori %or3A_538, %ne3A_536 : i1
      %or3A_540 = arith.ori %or3A_539, %ne3A_537 : i1
      %not3A_541 = arith.constant true
      %not3A_542 = arith.xori %eq3A_110, %not3A_541 : i1
      %and3A_543 = arith.andi %or3A_540, %not3A_542 : i1
      %convert_element_type3A_544 = arith.extui %and3A_543 : i1 to i32
      %cond3A_545 = arith.constant 0 : i32
      %cond3A_546 = arith.cmpi ne, %convert_element_type3A_544, %cond3A_545 : i32
      scf.if %cond3A_546 {
      } else {
      }
      %and3A_547 = arith.constant false
      %and3A_548 = arith.andi %and3A_543, %and3A_547 : i1
      %ne3A_549 = arith.cmpi ne, %add3A_114, %add3A_124 : i32
      %or3A_550 = arith.constant false
      %or3A_551 = arith.ori %or3A_550, %ne3A_549 : i1
      %or3A_552 = arith.constant false
      %or3A_553 = arith.ori %or3A_551, %or3A_552 : i1
      %not3A_554 = arith.constant true
      %not3A_555 = arith.xori %eq3A_110, %not3A_554 : i1
      %and3A_556 = arith.andi %or3A_553, %not3A_555 : i1
      %convert_element_type3A_557 = arith.extui %and3A_556 : i1 to i32
      %cond3A_558 = arith.constant 0 : i32
      %cond3A_559 = arith.cmpi ne, %convert_element_type3A_557, %cond3A_558 : i32
      scf.if %cond3A_559 {
        "tpu.trace_start"() <{level = 10 : i32, message = "ep_wait_out"}> : () -> ()
        %rem3A_721 = arith.constant 2 : i32
        %rem3A_722 = arith.remui %scan3A_106, %rem3A_721 : i32
        %mul3A_723 = arith.constant 128 : i32
        %mul3A_724 = arith.muli %mul3A_723, %add3A_124 : i32
        %dma_wait3A_725 = arith.constant 0 : i32
        %dma_wait3A_726 = arith.constant 0 : i32
        %dma_wait3A_727 = tpu.memref_slice %run_scoped3A_17[%rem3A_722, %dma_wait3A_725, %dma_wait3A_726] : memref<2x128x384xf32, #tpu.memory_space<vmem>> -> memref<1x128x384xf32, #tpu.memory_space<vmem>>
        %dma_wait3A_728 = tpu.memref_squeeze %dma_wait3A_727 : memref<1x128x384xf32, #tpu.memory_space<vmem>> -> memref<128x384xf32, #tpu.memory_space<vmem>>
        %dma_wait3A_729 = arith.constant 0 : i32
        %dma_wait3A_730 = tpu.memref_slice %arg5[%mul3A_724, %dma_wait3A_729] : memref<4096x384xf32, #tpu.memory_space<hbm>> -> memref<128x384xf32, #tpu.memory_space<hbm>>
        %dma_wait3A_731 = tpu.memref_slice %run_scoped3A_18[%rem3A_722] : memref<2x!tpu.dma_semaphore, #tpu.memory_space<semaphore_mem>> -> memref<1x!tpu.dma_semaphore, #tpu.memory_space<semaphore_mem>>
        %dma_wait3A_732 = tpu.memref_squeeze %dma_wait3A_731 : memref<1x!tpu.dma_semaphore, #tpu.memory_space<semaphore_mem>> -> memref<!tpu.dma_semaphore, #tpu.memory_space<semaphore_mem>>
        %dma_wait3A_733 = arith.constant 0 : i32
        %dma_wait3A_734 = tpu.memref_slice %arg5[%mul3A_724, %dma_wait3A_733] : memref<4096x384xf32, #tpu.memory_space<hbm>> -> memref<128x384xf32, #tpu.memory_space<hbm>>
        %dma_wait3A_735 = arith.constant 0 : i32
        %dma_wait3A_736 = arith.constant 0 : i32
        %dma_wait3A_737 = tpu.memref_slice %run_scoped3A_17[%rem3A_722, %dma_wait3A_735, %dma_wait3A_736] : memref<2x128x384xf32, #tpu.memory_space<vmem>> -> memref<1x128x384xf32, #tpu.memory_space<vmem>>
        %dma_wait3A_738 = tpu.memref_squeeze %dma_wait3A_737 : memref<1x128x384xf32, #tpu.memory_space<vmem>> -> memref<128x384xf32, #tpu.memory_space<vmem>>
        tpu.wait_dma2 semaphore(%dma_wait3A_732 : memref<!tpu.dma_semaphore, #tpu.memory_space<semaphore_mem>>) src(%dma_wait3A_738 : memref<128x384xf32, #tpu.memory_space<vmem>>) dst(%dma_wait3A_734 : memref<128x384xf32, #tpu.memory_space<hbm>>)
        "tpu.trace_stop"() : () -> ()
      } else {
      }
      %and3A_560 = arith.constant true
      %and3A_561 = arith.andi %and3A_556, %and3A_560 : i1
      %add3A_562 = arith.constant 1 : i32
      %add3A_563 = arith.addi %scan3A_106, %add3A_562 : i32
      %select_n3A_564 = arith.select %and3A_561, %add3A_563, %scan3A_106 : i32
      %jit3A_565 = arith.constant 4 : i32
      %div3A_566 = arith.divsi %add3A_114, %jit3A_565 : i32
      %sign3A_567 = arith.constant 0 : i32
      %sign3A_568 = arith.cmpi sgt, %add3A_114, %sign3A_567 : i32
      %sign3A_569 = arith.extui %sign3A_568 : i1 to i32
      %sign3A_570 = arith.constant 0 : i32
      %sign3A_571 = arith.cmpi slt, %add3A_114, %sign3A_570 : i32
      %sign3A_572 = arith.extui %sign3A_571 : i1 to i32
      %sign3A_573 = arith.subi %sign3A_569, %sign3A_572 : i32
      %sign3A_574 = arith.constant 0 : i32
      %sign3A_575 = arith.cmpi sgt, %jit3A_565, %sign3A_574 : i32
      %sign3A_576 = arith.extui %sign3A_575 : i1 to i32
      %sign3A_577 = arith.constant 0 : i32
      %sign3A_578 = arith.cmpi slt, %jit3A_565, %sign3A_577 : i32
      %sign3A_579 = arith.extui %sign3A_578 : i1 to i32
      %sign3A_580 = arith.subi %sign3A_576, %sign3A_579 : i32
      %ne3A_581 = arith.cmpi ne, %sign3A_573, %sign3A_580 : i32
      %rem3A_582 = arith.remsi %add3A_114, %jit3A_565 : i32
      %ne3A_583 = arith.constant 0 : i32
      %ne3A_584 = arith.cmpi ne, %rem3A_582, %ne3A_583 : i32
      %and3A_585 = arith.andi %ne3A_581, %ne3A_584 : i1
      %sub3A_586 = arith.constant 1 : i32
      %sub3A_587 = arith.subi %div3A_566, %sub3A_586 : i32
      %select_n3A_588 = arith.select %and3A_585, %sub3A_587, %div3A_566 : i32
      %jit3A_589 = arith.constant 4 : i32
      %eq3A_590 = arith.constant 0 : i32
      %eq3A_591 = arith.cmpi eq, %jit3A_589, %eq3A_590 : i32
      %jit3A_592 = arith.constant 1 : i32
      %select_n3A_593 = arith.select %eq3A_591, %jit3A_592, %jit3A_589 : i32
      %rem3A_594 = arith.remsi %add3A_114, %select_n3A_593 : i32
      %ne3A_595 = arith.constant 0 : i32
      %ne3A_596 = arith.cmpi ne, %rem3A_594, %ne3A_595 : i32
      %lt3A_597 = arith.constant 0 : i32
      %lt3A_598 = arith.cmpi slt, %rem3A_594, %lt3A_597 : i32
      %lt3A_599 = arith.constant 0 : i32
      %lt3A_600 = arith.cmpi slt, %select_n3A_593, %lt3A_599 : i32
      %ne3A_601 = arith.xori %lt3A_598, %lt3A_600 : i1
      %and3A_602 = arith.andi %ne3A_601, %ne3A_596 : i1
      %add3A_603 = arith.addi %rem3A_594, %select_n3A_593 : i32
      %select_n3A_604 = arith.select %and3A_602, %add3A_603, %rem3A_594 : i32
      %jit3A_605 = arith.constant 4 : i32
      %div3A_606 = arith.divsi %add3A_134, %jit3A_605 : i32
      %sign3A_607 = arith.constant 0 : i32
      %sign3A_608 = arith.cmpi sgt, %add3A_134, %sign3A_607 : i32
      %sign3A_609 = arith.extui %sign3A_608 : i1 to i32
      %sign3A_610 = arith.constant 0 : i32
      %sign3A_611 = arith.cmpi slt, %add3A_134, %sign3A_610 : i32
      %sign3A_612 = arith.extui %sign3A_611 : i1 to i32
      %sign3A_613 = arith.subi %sign3A_609, %sign3A_612 : i32
      %sign3A_614 = arith.constant 0 : i32
      %sign3A_615 = arith.cmpi sgt, %jit3A_605, %sign3A_614 : i32
      %sign3A_616 = arith.extui %sign3A_615 : i1 to i32
      %sign3A_617 = arith.constant 0 : i32
      %sign3A_618 = arith.cmpi slt, %jit3A_605, %sign3A_617 : i32
      %sign3A_619 = arith.extui %sign3A_618 : i1 to i32
      %sign3A_620 = arith.subi %sign3A_616, %sign3A_619 : i32
      %ne3A_621 = arith.cmpi ne, %sign3A_613, %sign3A_620 : i32
      %rem3A_622 = arith.remsi %add3A_134, %jit3A_605 : i32
      %ne3A_623 = arith.constant 0 : i32
      %ne3A_624 = arith.cmpi ne, %rem3A_622, %ne3A_623 : i32
      %and3A_625 = arith.andi %ne3A_621, %ne3A_624 : i1
      %sub3A_626 = arith.constant 1 : i32
      %sub3A_627 = arith.subi %div3A_606, %sub3A_626 : i32
      %select_n3A_628 = arith.select %and3A_625, %sub3A_627, %div3A_606 : i32
      %jit3A_629 = arith.constant 4 : i32
      %eq3A_630 = arith.constant 0 : i32
      %eq3A_631 = arith.cmpi eq, %jit3A_629, %eq3A_630 : i32
      %jit3A_632 = arith.constant 1 : i32
      %select_n3A_633 = arith.select %eq3A_631, %jit3A_632, %jit3A_629 : i32
      %rem3A_634 = arith.remsi %add3A_134, %select_n3A_633 : i32
      %ne3A_635 = arith.constant 0 : i32
      %ne3A_636 = arith.cmpi ne, %rem3A_634, %ne3A_635 : i32
      %lt3A_637 = arith.constant 0 : i32
      %lt3A_638 = arith.cmpi slt, %rem3A_634, %lt3A_637 : i32
      %lt3A_639 = arith.constant 0 : i32
      %lt3A_640 = arith.cmpi slt, %select_n3A_633, %lt3A_639 : i32
      %ne3A_641 = arith.xori %lt3A_638, %lt3A_640 : i1
      %and3A_642 = arith.andi %ne3A_641, %ne3A_636 : i1
      %add3A_643 = arith.addi %rem3A_634, %select_n3A_633 : i32
      %select_n3A_644 = arith.select %and3A_642, %add3A_643, %rem3A_634 : i32
      %ne3A_645 = arith.cmpi ne, %select_n3A_588, %select_n3A_628 : i32
      %ne3A_646 = arith.cmpi ne, %select_n3A_604, %select_n3A_644 : i32
      %or3A_647 = arith.constant false
      %or3A_648 = arith.ori %or3A_647, %ne3A_645 : i1
      %or3A_649 = arith.ori %or3A_648, %ne3A_646 : i1
      %or3A_650 = arith.ori %or3A_649, %eq3A_112 : i1
      %add3A_651 = arith.constant 1 : i32
      %add3A_652 = arith.addi %scan3A, %add3A_651 : i32
      %select_n3A_653 = arith.select %or3A_650, %add3A_652, %scan3A : i32
      %select_n3A_654 = arith.constant true
      %select_n3A_655 = arith.constant 0 : i32
      %select_n3A_656 = arith.constant 1 : i32
      %select_n3A_657 = arith.select %select_n3A_654, %select_n3A_656, %select_n3A_655 : i32
      %eq3A_658 = arith.constant 1 : i32
      %eq3A_659 = arith.cmpi eq, %select_n3A_657, %eq3A_658 : i32
      %select_n3A_660 = arith.constant 0 : i32
      %select_n3A_661 = arith.select %eq3A_659, %select_n3A_660, %select_n3A_657 : i32
      %scan3A_662 = arith.constant 0 : i32
      %scan3A_663 = arith.constant 1 : i32
      %sub3A_664 = arith.constant 1 : i32
      %sub3A_665 = arith.subi %scan3A_662, %sub3A_664 : i32
      %select_n3A_666 = arith.constant true
      %select_n3A_667 = arith.select %select_n3A_666, %sub3A_665, %scan3A_662 : i32
      %eq3A_668 = arith.constant -1 : i32
      %eq3A_669 = arith.cmpi eq, %select_n3A_667, %eq3A_668 : i32
      %select_n3A_670 = arith.constant 0 : i32
      %select_n3A_671 = arith.select %eq3A_669, %select_n3A_670, %select_n3A_667 : i32
      %add3A_672 = arith.constant 0 : i32
      %add3A_673 = arith.addi %add3A_672, %mul3A_6 : i32
      %select_n3A_674 = arith.constant true
      %select_n3A_675 = arith.constant 0 : i32
      %select_n3A_676 = arith.constant -1 : i32
      %select_n3A_677 = arith.select %select_n3A_674, %select_n3A_676, %select_n3A_675 : i32
      %eq3A_678 = arith.constant -1 : i32
      %eq3A_679 = arith.cmpi eq, %select_n3A_677, %eq3A_678 : i32
      %select_n3A_680 = arith.constant 0 : i32
      %select_n3A_681 = arith.select %eq3A_679, %select_n3A_680, %select_n3A_677 : i32
      %add3A_682 = arith.constant 0 : i32
      %add3A_683 = arith.addi %add3A_682, %mul3A_6 : i32
      %select_n3A_684 = arith.constant true
      %select_n3A_685 = arith.constant 0 : i32
      %select_n3A_686 = arith.constant 1 : i32
      %select_n3A_687 = arith.select %select_n3A_684, %select_n3A_686, %select_n3A_685 : i32
      %eq3A_688 = arith.constant 1 : i32
      %eq3A_689 = arith.cmpi eq, %select_n3A_687, %eq3A_688 : i32
      %select_n3A_690 = arith.constant 0 : i32
      %select_n3A_691 = arith.select %eq3A_689, %select_n3A_690, %select_n3A_687 : i32
      %add3A_692 = arith.constant 0 : i32
      %add3A_693 = arith.addi %add3A_692, %mul3A_6 : i32
      %select_n3A_694 = arith.constant true
      %select_n3A_695 = arith.constant 0 : i32
      %select_n3A_696 = arith.constant 1 : i32
      %select_n3A_697 = arith.select %select_n3A_694, %select_n3A_696, %select_n3A_695 : i32
      %eq3A_698 = arith.constant 1 : i32
      %eq3A_699 = arith.cmpi eq, %select_n3A_697, %eq3A_698 : i32
      %select_n3A_700 = arith.constant 0 : i32
      %select_n3A_701 = arith.select %eq3A_699, %select_n3A_700, %select_n3A_697 : i32
      %add3A_702 = arith.constant 0 : i32
      %add3A_703 = arith.addi %add3A_702, %mul3A_6 : i32
      "tpu.trace_start"() <{level = 10 : i32, message = "ep_finalize"}> : () -> ()
      %rem3A_704 = arith.constant 2 : i32
      %rem3A_705 = arith.remui %select_n3A_564, %rem3A_704 : i32
      %mul3A_706 = arith.constant 128 : i32
      %mul3A_707 = arith.muli %mul3A_706, %add3A_673 : i32
      %dma_wait3A = arith.constant 0 : i32
      %dma_wait3A_708 = arith.constant 0 : i32
      %dma_wait3A_709 = tpu.memref_slice %run_scoped3A_17[%rem3A_705, %dma_wait3A, %dma_wait3A_708] : memref<2x128x384xf32, #tpu.memory_space<vmem>> -> memref<1x128x384xf32, #tpu.memory_space<vmem>>
      %dma_wait3A_710 = tpu.memref_squeeze %dma_wait3A_709 : memref<1x128x384xf32, #tpu.memory_space<vmem>> -> memref<128x384xf32, #tpu.memory_space<vmem>>
      %dma_wait3A_711 = arith.constant 0 : i32
      %dma_wait3A_712 = tpu.memref_slice %arg5[%mul3A_707, %dma_wait3A_711] : memref<4096x384xf32, #tpu.memory_space<hbm>> -> memref<128x384xf32, #tpu.memory_space<hbm>>
      %dma_wait3A_713 = tpu.memref_slice %run_scoped3A_18[%rem3A_705] : memref<2x!tpu.dma_semaphore, #tpu.memory_space<semaphore_mem>> -> memref<1x!tpu.dma_semaphore, #tpu.memory_space<semaphore_mem>>
      %dma_wait3A_714 = tpu.memref_squeeze %dma_wait3A_713 : memref<1x!tpu.dma_semaphore, #tpu.memory_space<semaphore_mem>> -> memref<!tpu.dma_semaphore, #tpu.memory_space<semaphore_mem>>
      %dma_wait3A_715 = arith.constant 0 : i32
      %dma_wait3A_716 = tpu.memref_slice %arg5[%mul3A_707, %dma_wait3A_715] : memref<4096x384xf32, #tpu.memory_space<hbm>> -> memref<128x384xf32, #tpu.memory_space<hbm>>
      %dma_wait3A_717 = arith.constant 0 : i32
      %dma_wait3A_718 = arith.constant 0 : i32
      %dma_wait3A_719 = tpu.memref_slice %run_scoped3A_17[%rem3A_705, %dma_wait3A_717, %dma_wait3A_718] : memref<2x128x384xf32, #tpu.memory_space<vmem>> -> memref<1x128x384xf32, #tpu.memory_space<vmem>>
      %dma_wait3A_720 = tpu.memref_squeeze %dma_wait3A_719 : memref<1x128x384xf32, #tpu.memory_space<vmem>> -> memref<128x384xf32, #tpu.memory_space<vmem>>
      tpu.wait_dma2 semaphore(%dma_wait3A_714 : memref<!tpu.dma_semaphore, #tpu.memory_space<semaphore_mem>>) src(%dma_wait3A_720 : memref<128x384xf32, #tpu.memory_space<vmem>>) dst(%dma_wait3A_716 : memref<128x384xf32, #tpu.memory_space<hbm>>)
      "tpu.trace_stop"() : () -> ()
      tpu.yield
    }) : () -> ()
    %mul3A_7 = arith.constant 1 : i32
    %mul3A_8 = arith.muli %arg1, %mul3A_7 : i32
    %add3A_9 = arith.constant 0 : i32
    %add3A_10 = arith.addi %add3A_9, %mul3A_8 : i32
    %mul3A_11 = arith.constant 16 : i32
    %mul3A_12 = arith.muli %arg0, %mul3A_11 : i32
    %add3A_13 = arith.addi %add3A_10, %mul3A_12 : i32
    %mul3A_14 = arith.constant 1 : i32
    %mul3A_15 = arith.muli %add3A_13, %mul3A_14 : i32
    "tpu.region"() ({
      %run_scoped3A = memref.alloca() : memref<2x1x128xi32, #tpu.memory_space<vmem>>
      %run_scoped3A_16 = tpu.sem_alloc : memref<2x!tpu.dma_semaphore, #tpu.memory_space<semaphore_mem>>
      %run_scoped3A_17 = memref.alloca() : memref<2x128x384xf32, #tpu.memory_space<vmem>>
      %run_scoped3A_18 = tpu.sem_alloc : memref<2x!tpu.dma_semaphore, #tpu.memory_space<semaphore_mem>>
      %add3A_19 = arith.constant 0 : i32
      %add3A_20 = arith.addi %add3A_19, %mul3A_15 : i32
      %select_n3A = arith.constant true
      %select_n3A_21 = arith.constant 0 : i32
      %select_n3A_22 = arith.constant -1 : i32
      %select_n3A_23 = arith.select %select_n3A, %select_n3A_22, %select_n3A_21 : i32
      %eq3A = arith.constant -1 : i32
      %eq3A_24 = arith.cmpi eq, %select_n3A_23, %eq3A : i32
      %select_n3A_25 = arith.constant 0 : i32
      %select_n3A_26 = arith.select %eq3A_24, %select_n3A_25, %select_n3A_23 : i32
      %add3A_27 = arith.constant 0 : i32
      %add3A_28 = arith.addi %add3A_27, %mul3A_15 : i32
      %select_n3A_29 = arith.constant true
      %select_n3A_30 = arith.constant 0 : i32
      %select_n3A_31 = arith.constant 1 : i32
      %select_n3A_32 = arith.select %select_n3A_29, %select_n3A_31, %select_n3A_30 : i32
      %eq3A_33 = arith.constant 1 : i32
      %eq3A_34 = arith.cmpi eq, %select_n3A_32, %eq3A_33 : i32
      %select_n3A_35 = arith.constant 0 : i32
      %select_n3A_36 = arith.select %eq3A_34, %select_n3A_35, %select_n3A_32 : i32
      %add3A_37 = arith.constant 0 : i32
      %add3A_38 = arith.addi %add3A_37, %mul3A_15 : i32
      %select_n3A_39 = arith.constant true
      %select_n3A_40 = arith.constant 0 : i32
      %select_n3A_41 = arith.constant 1 : i32
      %select_n3A_42 = arith.select %select_n3A_39, %select_n3A_41, %select_n3A_40 : i32
      %eq3A_43 = arith.constant 1 : i32
      %eq3A_44 = arith.cmpi eq, %select_n3A_42, %eq3A_43 : i32
      %select_n3A_45 = arith.constant 0 : i32
      %select_n3A_46 = arith.select %eq3A_44, %select_n3A_45, %select_n3A_42 : i32
      %add3A_47 = arith.constant 0 : i32
      %add3A_48 = arith.addi %add3A_47, %mul3A_15 : i32
      "tpu.trace_start"() <{level = 10 : i32, message = "ep_initialize_0"}> : () -> ()
      %rem3A = arith.constant 0 : i32
      %rem3A_49 = arith.constant 2 : i32
      %rem3A_50 = arith.remui %rem3A, %rem3A_49 : i32
      %jit3A = arith.constant 4 : i32
      %div3A = arith.divsi %add3A_20, %jit3A : i32
      %sign3A = arith.constant 0 : i32
      %sign3A_51 = arith.cmpi sgt, %add3A_20, %sign3A : i32
      %sign3A_52 = arith.extui %sign3A_51 : i1 to i32
      %sign3A_53 = arith.constant 0 : i32
      %sign3A_54 = arith.cmpi slt, %add3A_20, %sign3A_53 : i32
      %sign3A_55 = arith.extui %sign3A_54 : i1 to i32
      %sign3A_56 = arith.subi %sign3A_52, %sign3A_55 : i32
      %sign3A_57 = arith.constant 0 : i32
      %sign3A_58 = arith.cmpi sgt, %jit3A, %sign3A_57 : i32
      %sign3A_59 = arith.extui %sign3A_58 : i1 to i32
      %sign3A_60 = arith.constant 0 : i32
      %sign3A_61 = arith.cmpi slt, %jit3A, %sign3A_60 : i32
      %sign3A_62 = arith.extui %sign3A_61 : i1 to i32
      %sign3A_63 = arith.subi %sign3A_59, %sign3A_62 : i32
      %ne3A = arith.cmpi ne, %sign3A_56, %sign3A_63 : i32
      %rem3A_64 = arith.remsi %add3A_20, %jit3A : i32
      %ne3A_65 = arith.constant 0 : i32
      %ne3A_66 = arith.cmpi ne, %rem3A_64, %ne3A_65 : i32
      %and3A = arith.andi %ne3A, %ne3A_66 : i1
      %sub3A = arith.constant 1 : i32
      %sub3A_67 = arith.subi %div3A, %sub3A : i32
      %select_n3A_68 = arith.select %and3A, %sub3A_67, %div3A : i32
      %jit3A_69 = arith.constant 4 : i32
      %eq3A_70 = arith.constant 0 : i32
      %eq3A_71 = arith.cmpi eq, %jit3A_69, %eq3A_70 : i32
      %jit3A_72 = arith.constant 1 : i32
      %select_n3A_73 = arith.select %eq3A_71, %jit3A_72, %jit3A_69 : i32
      %rem3A_74 = arith.remsi %add3A_20, %select_n3A_73 : i32
      %ne3A_75 = arith.constant 0 : i32
      %ne3A_76 = arith.cmpi ne, %rem3A_74, %ne3A_75 : i32
      %lt3A = arith.constant 0 : i32
      %lt3A_77 = arith.cmpi slt, %rem3A_74, %lt3A : i32
      %lt3A_78 = arith.constant 0 : i32
      %lt3A_79 = arith.cmpi slt, %select_n3A_73, %lt3A_78 : i32
      %ne3A_80 = arith.xori %lt3A_77, %lt3A_79 : i1
      %and3A_81 = arith.andi %ne3A_80, %ne3A_76 : i1
      %add3A_82 = arith.addi %rem3A_74, %select_n3A_73 : i32
      %select_n3A_83 = arith.select %and3A_81, %add3A_82, %rem3A_74 : i32
      %mul3A_84 = arith.constant 1 : i32
      %mul3A_85 = arith.muli %mul3A_84, %select_n3A_68 : i32
      %mul3A_86 = arith.constant 128 : i32
      %mul3A_87 = arith.muli %mul3A_86, %select_n3A_83 : i32
      %dma_start3A = arith.constant 0 : i32
      %dma_start3A_88 = arith.constant 0 : i32
      %dma_start3A_89 = tpu.memref_slice %run_scoped3A[%rem3A_50, %dma_start3A, %dma_start3A_88] : memref<2x1x128xi32, #tpu.memory_space<vmem>> -> memref<1x1x128xi32, #tpu.memory_space<vmem>>
      %dma_start3A_90 = tpu.memref_squeeze %dma_start3A_89 : memref<1x1x128xi32, #tpu.memory_space<vmem>> -> memref<1x128xi32, #tpu.memory_space<vmem>>
      %dma_start3A_91 = tpu.memref_slice %arg4[%mul3A_85, %mul3A_87] : memref<8x512xi32, #tpu.memory_space<hbm>> -> memref<1x128xi32, #tpu.memory_space<hbm>>
      %dma_start3A_92 = tpu.memref_slice %run_scoped3A_16[%rem3A_50] : memref<2x!tpu.dma_semaphore, #tpu.memory_space<semaphore_mem>> -> memref<1x!tpu.dma_semaphore, #tpu.memory_space<semaphore_mem>>
      %dma_start3A_93 = tpu.memref_squeeze %dma_start3A_92 : memref<1x!tpu.dma_semaphore, #tpu.memory_space<semaphore_mem>> -> memref<!tpu.dma_semaphore, #tpu.memory_space<semaphore_mem>>
      %dma_start3A_94 = arith.constant 0 : i32
      %dma_start3A_95 = arith.constant 0 : i32
      %dma_start3A_96 = tpu.memref_slice %run_scoped3A[%rem3A_50, %dma_start3A_94, %dma_start3A_95] : memref<2x1x128xi32, #tpu.memory_space<vmem>> -> memref<1x1x128xi32, #tpu.memory_space<vmem>>
      %dma_start3A_97 = tpu.memref_squeeze %dma_start3A_96 : memref<1x1x128xi32, #tpu.memory_space<vmem>> -> memref<1x128xi32, #tpu.memory_space<vmem>>
      %dma_start3A_98 = tpu.memref_slice %arg4[%mul3A_85, %mul3A_87] : memref<8x512xi32, #tpu.memory_space<hbm>> -> memref<1x128xi32, #tpu.memory_space<hbm>>
      tpu.enqueue_dma source(%dma_start3A_98 : memref<1x128xi32, #tpu.memory_space<hbm>>) target(%dma_start3A_97 : memref<1x128xi32, #tpu.memory_space<vmem>>) target_semaphore(%dma_start3A_93 : memref<!tpu.dma_semaphore, #tpu.memory_space<semaphore_mem>>)
      %add3A_99 = arith.constant 0 : i32
      %add3A_100 = arith.constant 1 : i32
      %add3A_101 = arith.addi %add3A_99, %add3A_100 : i32
      %select_n3A_102 = arith.constant true
      %select_n3A_103 = arith.constant 0 : i32
      %select_n3A_104 = arith.select %select_n3A_102, %add3A_101, %select_n3A_103 : i32
      "tpu.trace_stop"() : () -> ()
      %scan3A = arith.constant 0 : i32
      %scan3A_105 = arith.constant 0 : i32
      %scan3A_106 = arith.constant 0 : i32
      %scan3A_107 = arith.constant 0 : i32
      %scan3A_108 = arith.constant 0 : i32
      %eq3A_109 = arith.constant 0 : i32
      %eq3A_110 = arith.cmpi eq, %scan3A_108, %eq3A_109 : i32
      %eq3A_111 = arith.constant 0 : i32
      %eq3A_112 = arith.cmpi eq, %scan3A_108, %eq3A_111 : i32
      %add3A_113 = arith.constant 0 : i32
      %add3A_114 = arith.addi %add3A_113, %mul3A_15 : i32
      %select_n3A_115 = arith.constant true
      %select_n3A_116 = arith.constant 0 : i32
      %select_n3A_117 = arith.constant -1 : i32
      %select_n3A_118 = arith.select %select_n3A_115, %select_n3A_117, %select_n3A_116 : i32
      %eq3A_119 = arith.constant -1 : i32
      %eq3A_120 = arith.cmpi eq, %select_n3A_118, %eq3A_119 : i32
      %select_n3A_121 = arith.constant 0 : i32
      %select_n3A_122 = arith.select %eq3A_120, %select_n3A_121, %select_n3A_118 : i32
      %add3A_123 = arith.constant 0 : i32
      %add3A_124 = arith.addi %add3A_123, %mul3A_15 : i32
      %select_n3A_125 = arith.constant true
      %select_n3A_126 = arith.constant 0 : i32
      %select_n3A_127 = arith.constant 1 : i32
      %select_n3A_128 = arith.select %select_n3A_125, %select_n3A_127, %select_n3A_126 : i32
      %eq3A_129 = arith.constant 1 : i32
      %eq3A_130 = arith.cmpi eq, %select_n3A_128, %eq3A_129 : i32
      %select_n3A_131 = arith.constant 0 : i32
      %select_n3A_132 = arith.select %eq3A_130, %select_n3A_131, %select_n3A_128 : i32
      %add3A_133 = arith.constant 0 : i32
      %add3A_134 = arith.addi %add3A_133, %mul3A_15 : i32
      %select_n3A_135 = arith.constant true
      %select_n3A_136 = arith.constant 0 : i32
      %select_n3A_137 = arith.constant 1 : i32
      %select_n3A_138 = arith.select %select_n3A_135, %select_n3A_137, %select_n3A_136 : i32
      %eq3A_139 = arith.constant 1 : i32
      %eq3A_140 = arith.cmpi eq, %select_n3A_138, %eq3A_139 : i32
      %select_n3A_141 = arith.constant 0 : i32
      %select_n3A_142 = arith.select %eq3A_140, %select_n3A_141, %select_n3A_138 : i32
      %add3A_143 = arith.constant 0 : i32
      %add3A_144 = arith.addi %add3A_143, %mul3A_15 : i32
      %jit3A_145 = arith.constant 4 : i32
      %div3A_146 = arith.divsi %add3A_114, %jit3A_145 : i32
      %sign3A_147 = arith.constant 0 : i32
      %sign3A_148 = arith.cmpi sgt, %add3A_114, %sign3A_147 : i32
      %sign3A_149 = arith.extui %sign3A_148 : i1 to i32
      %sign3A_150 = arith.constant 0 : i32
      %sign3A_151 = arith.cmpi slt, %add3A_114, %sign3A_150 : i32
      %sign3A_152 = arith.extui %sign3A_151 : i1 to i32
      %sign3A_153 = arith.subi %sign3A_149, %sign3A_152 : i32
      %sign3A_154 = arith.constant 0 : i32
      %sign3A_155 = arith.cmpi sgt, %jit3A_145, %sign3A_154 : i32
      %sign3A_156 = arith.extui %sign3A_155 : i1 to i32
      %sign3A_157 = arith.constant 0 : i32
      %sign3A_158 = arith.cmpi slt, %jit3A_145, %sign3A_157 : i32
      %sign3A_159 = arith.extui %sign3A_158 : i1 to i32
      %sign3A_160 = arith.subi %sign3A_156, %sign3A_159 : i32
      %ne3A_161 = arith.cmpi ne, %sign3A_153, %sign3A_160 : i32
      %rem3A_162 = arith.remsi %add3A_114, %jit3A_145 : i32
      %ne3A_163 = arith.constant 0 : i32
      %ne3A_164 = arith.cmpi ne, %rem3A_162, %ne3A_163 : i32
      %and3A_165 = arith.andi %ne3A_161, %ne3A_164 : i1
      %sub3A_166 = arith.constant 1 : i32
      %sub3A_167 = arith.subi %div3A_146, %sub3A_166 : i32
      %select_n3A_168 = arith.select %and3A_165, %sub3A_167, %div3A_146 : i32
      %jit3A_169 = arith.constant 4 : i32
      %eq3A_170 = arith.constant 0 : i32
      %eq3A_171 = arith.cmpi eq, %jit3A_169, %eq3A_170 : i32
      %jit3A_172 = arith.constant 1 : i32
      %select_n3A_173 = arith.select %eq3A_171, %jit3A_172, %jit3A_169 : i32
      %rem3A_174 = arith.remsi %add3A_114, %select_n3A_173 : i32
      %ne3A_175 = arith.constant 0 : i32
      %ne3A_176 = arith.cmpi ne, %rem3A_174, %ne3A_175 : i32
      %lt3A_177 = arith.constant 0 : i32
      %lt3A_178 = arith.cmpi slt, %rem3A_174, %lt3A_177 : i32
      %lt3A_179 = arith.constant 0 : i32
      %lt3A_180 = arith.cmpi slt, %select_n3A_173, %lt3A_179 : i32
      %ne3A_181 = arith.xori %lt3A_178, %lt3A_180 : i1
      %and3A_182 = arith.andi %ne3A_181, %ne3A_176 : i1
      %add3A_183 = arith.addi %rem3A_174, %select_n3A_173 : i32
      %select_n3A_184 = arith.select %and3A_182, %add3A_183, %rem3A_174 : i32
      %jit3A_185 = arith.constant 4 : i32
      %div3A_186 = arith.divsi %add3A_134, %jit3A_185 : i32
      %sign3A_187 = arith.constant 0 : i32
      %sign3A_188 = arith.cmpi sgt, %add3A_134, %sign3A_187 : i32
      %sign3A_189 = arith.extui %sign3A_188 : i1 to i32
      %sign3A_190 = arith.constant 0 : i32
      %sign3A_191 = arith.cmpi slt, %add3A_134, %sign3A_190 : i32
      %sign3A_192 = arith.extui %sign3A_191 : i1 to i32
      %sign3A_193 = arith.subi %sign3A_189, %sign3A_192 : i32
      %sign3A_194 = arith.constant 0 : i32
      %sign3A_195 = arith.cmpi sgt, %jit3A_185, %sign3A_194 : i32
      %sign3A_196 = arith.extui %sign3A_195 : i1 to i32
      %sign3A_197 = arith.constant 0 : i32
      %sign3A_198 = arith.cmpi slt, %jit3A_185, %sign3A_197 : i32
      %sign3A_199 = arith.extui %sign3A_198 : i1 to i32
      %sign3A_200 = arith.subi %sign3A_196, %sign3A_199 : i32
      %ne3A_201 = arith.cmpi ne, %sign3A_193, %sign3A_200 : i32
      %rem3A_202 = arith.remsi %add3A_134, %jit3A_185 : i32
      %ne3A_203 = arith.constant 0 : i32
      %ne3A_204 = arith.cmpi ne, %rem3A_202, %ne3A_203 : i32
      %and3A_205 = arith.andi %ne3A_201, %ne3A_204 : i1
      %sub3A_206 = arith.constant 1 : i32
      %sub3A_207 = arith.subi %div3A_186, %sub3A_206 : i32
      %select_n3A_208 = arith.select %and3A_205, %sub3A_207, %div3A_186 : i32
      %jit3A_209 = arith.constant 4 : i32
      %eq3A_210 = arith.constant 0 : i32
      %eq3A_211 = arith.cmpi eq, %jit3A_209, %eq3A_210 : i32
      %jit3A_212 = arith.constant 1 : i32
      %select_n3A_213 = arith.select %eq3A_211, %jit3A_212, %jit3A_209 : i32
      %rem3A_214 = arith.remsi %add3A_134, %select_n3A_213 : i32
      %ne3A_215 = arith.constant 0 : i32
      %ne3A_216 = arith.cmpi ne, %rem3A_214, %ne3A_215 : i32
      %lt3A_217 = arith.constant 0 : i32
      %lt3A_218 = arith.cmpi slt, %rem3A_214, %lt3A_217 : i32
      %lt3A_219 = arith.constant 0 : i32
      %lt3A_220 = arith.cmpi slt, %select_n3A_213, %lt3A_219 : i32
      %ne3A_221 = arith.xori %lt3A_218, %lt3A_220 : i1
      %and3A_222 = arith.andi %ne3A_221, %ne3A_216 : i1
      %add3A_223 = arith.addi %rem3A_214, %select_n3A_213 : i32
      %select_n3A_224 = arith.select %and3A_222, %add3A_223, %rem3A_214 : i32
      %ne3A_225 = arith.cmpi ne, %select_n3A_168, %select_n3A_208 : i32
      %ne3A_226 = arith.cmpi ne, %select_n3A_184, %select_n3A_224 : i32
      %or3A = arith.constant false
      %or3A_227 = arith.ori %or3A, %ne3A_225 : i1
      %or3A_228 = arith.ori %or3A_227, %ne3A_226 : i1
      %ge3A = arith.constant 0 : i32
      %ge3A_229 = arith.cmpi sge, %scan3A_108, %ge3A : i32
      %not3A = arith.constant true
      %not3A_230 = arith.xori %ge3A_229, %not3A : i1
      %and3A_231 = arith.andi %or3A_228, %not3A_230 : i1
      %convert_element_type3A = arith.extui %and3A_231 : i1 to i32
      %cond3A = arith.constant 0 : i32
      %cond3A_232 = arith.cmpi ne, %convert_element_type3A, %cond3A : i32
      scf.if %cond3A_232 {
        "tpu.trace_start"() <{level = 10 : i32, message = "ep_copy_in"}> : () -> ()
        %rem3A_721 = arith.constant 2 : i32
        %rem3A_722 = arith.remui %select_n3A_104, %rem3A_721 : i32
        %jit3A_723 = arith.constant 4 : i32
        %div3A_724 = arith.divsi %add3A_134, %jit3A_723 : i32
        %sign3A_725 = arith.constant 0 : i32
        %sign3A_726 = arith.cmpi sgt, %add3A_134, %sign3A_725 : i32
        %sign3A_727 = arith.extui %sign3A_726 : i1 to i32
        %sign3A_728 = arith.constant 0 : i32
        %sign3A_729 = arith.cmpi slt, %add3A_134, %sign3A_728 : i32
        %sign3A_730 = arith.extui %sign3A_729 : i1 to i32
        %sign3A_731 = arith.subi %sign3A_727, %sign3A_730 : i32
        %sign3A_732 = arith.constant 0 : i32
        %sign3A_733 = arith.cmpi sgt, %jit3A_723, %sign3A_732 : i32
        %sign3A_734 = arith.extui %sign3A_733 : i1 to i32
        %sign3A_735 = arith.constant 0 : i32
        %sign3A_736 = arith.cmpi slt, %jit3A_723, %sign3A_735 : i32
        %sign3A_737 = arith.extui %sign3A_736 : i1 to i32
        %sign3A_738 = arith.subi %sign3A_734, %sign3A_737 : i32
        %ne3A_739 = arith.cmpi ne, %sign3A_731, %sign3A_738 : i32
        %rem3A_740 = arith.remsi %add3A_134, %jit3A_723 : i32
        %ne3A_741 = arith.constant 0 : i32
        %ne3A_742 = arith.cmpi ne, %rem3A_740, %ne3A_741 : i32
        %and3A_743 = arith.andi %ne3A_739, %ne3A_742 : i1
        %sub3A_744 = arith.constant 1 : i32
        %sub3A_745 = arith.subi %div3A_724, %sub3A_744 : i32
        %select_n3A_746 = arith.select %and3A_743, %sub3A_745, %div3A_724 : i32
        %jit3A_747 = arith.constant 4 : i32
        %eq3A_748 = arith.constant 0 : i32
        %eq3A_749 = arith.cmpi eq, %jit3A_747, %eq3A_748 : i32
        %jit3A_750 = arith.constant 1 : i32
        %select_n3A_751 = arith.select %eq3A_749, %jit3A_750, %jit3A_747 : i32
        %rem3A_752 = arith.remsi %add3A_134, %select_n3A_751 : i32
        %ne3A_753 = arith.constant 0 : i32
        %ne3A_754 = arith.cmpi ne, %rem3A_752, %ne3A_753 : i32
        %lt3A_755 = arith.constant 0 : i32
        %lt3A_756 = arith.cmpi slt, %rem3A_752, %lt3A_755 : i32
        %lt3A_757 = arith.constant 0 : i32
        %lt3A_758 = arith.cmpi slt, %select_n3A_751, %lt3A_757 : i32
        %ne3A_759 = arith.xori %lt3A_756, %lt3A_758 : i1
        %and3A_760 = arith.andi %ne3A_759, %ne3A_754 : i1
        %add3A_761 = arith.addi %rem3A_752, %select_n3A_751 : i32
        %select_n3A_762 = arith.select %and3A_760, %add3A_761, %rem3A_752 : i32
        %mul3A_763 = arith.constant 1 : i32
        %mul3A_764 = arith.muli %mul3A_763, %select_n3A_746 : i32
        %mul3A_765 = arith.constant 128 : i32
        %mul3A_766 = arith.muli %mul3A_765, %select_n3A_762 : i32
        %dma_start3A_767 = arith.constant 0 : i32
        %dma_start3A_768 = arith.constant 0 : i32
        %dma_start3A_769 = tpu.memref_slice %run_scoped3A[%rem3A_722, %dma_start3A_767, %dma_start3A_768] : memref<2x1x128xi32, #tpu.memory_space<vmem>> -> memref<1x1x128xi32, #tpu.memory_space<vmem>>
        %dma_start3A_770 = tpu.memref_squeeze %dma_start3A_769 : memref<1x1x128xi32, #tpu.memory_space<vmem>> -> memref<1x128xi32, #tpu.memory_space<vmem>>
        %dma_start3A_771 = tpu.memref_slice %arg4[%mul3A_764, %mul3A_766] : memref<8x512xi32, #tpu.memory_space<hbm>> -> memref<1x128xi32, #tpu.memory_space<hbm>>
        %dma_start3A_772 = tpu.memref_slice %run_scoped3A_16[%rem3A_722] : memref<2x!tpu.dma_semaphore, #tpu.memory_space<semaphore_mem>> -> memref<1x!tpu.dma_semaphore, #tpu.memory_space<semaphore_mem>>
        %dma_start3A_773 = tpu.memref_squeeze %dma_start3A_772 : memref<1x!tpu.dma_semaphore, #tpu.memory_space<semaphore_mem>> -> memref<!tpu.dma_semaphore, #tpu.memory_space<semaphore_mem>>
        %dma_start3A_774 = arith.constant 0 : i32
        %dma_start3A_775 = arith.constant 0 : i32
        %dma_start3A_776 = tpu.memref_slice %run_scoped3A[%rem3A_722, %dma_start3A_774, %dma_start3A_775] : memref<2x1x128xi32, #tpu.memory_space<vmem>> -> memref<1x1x128xi32, #tpu.memory_space<vmem>>
        %dma_start3A_777 = tpu.memref_squeeze %dma_start3A_776 : memref<1x1x128xi32, #tpu.memory_space<vmem>> -> memref<1x128xi32, #tpu.memory_space<vmem>>
        %dma_start3A_778 = tpu.memref_slice %arg4[%mul3A_764, %mul3A_766] : memref<8x512xi32, #tpu.memory_space<hbm>> -> memref<1x128xi32, #tpu.memory_space<hbm>>
        tpu.enqueue_dma source(%dma_start3A_778 : memref<1x128xi32, #tpu.memory_space<hbm>>) target(%dma_start3A_777 : memref<1x128xi32, #tpu.memory_space<vmem>>) target_semaphore(%dma_start3A_773 : memref<!tpu.dma_semaphore, #tpu.memory_space<semaphore_mem>>)
        "tpu.trace_stop"() : () -> ()
      } else {
      }
      %and3A_233 = arith.constant true
      %and3A_234 = arith.andi %and3A_231, %and3A_233 : i1
      %add3A_235 = arith.constant 1 : i32
      %add3A_236 = arith.addi %select_n3A_104, %add3A_235 : i32
      %select_n3A_237 = arith.select %and3A_234, %add3A_236, %select_n3A_104 : i32
      %ne3A_238 = arith.cmpi ne, %add3A_114, %add3A_134 : i32
      %or3A_239 = arith.constant false
      %or3A_240 = arith.ori %or3A_239, %ne3A_238 : i1
      %or3A_241 = arith.constant false
      %or3A_242 = arith.ori %or3A_240, %or3A_241 : i1
      %ge3A_243 = arith.constant 0 : i32
      %ge3A_244 = arith.cmpi sge, %scan3A_108, %ge3A_243 : i32
      %not3A_245 = arith.constant true
      %not3A_246 = arith.xori %ge3A_244, %not3A_245 : i1
      %and3A_247 = arith.andi %or3A_242, %not3A_246 : i1
      %jit3A_248 = arith.constant 4 : i32
      %div3A_249 = arith.divsi %add3A_114, %jit3A_248 : i32
      %sign3A_250 = arith.constant 0 : i32
      %sign3A_251 = arith.cmpi sgt, %add3A_114, %sign3A_250 : i32
      %sign3A_252 = arith.extui %sign3A_251 : i1 to i32
      %sign3A_253 = arith.constant 0 : i32
      %sign3A_254 = arith.cmpi slt, %add3A_114, %sign3A_253 : i32
      %sign3A_255 = arith.extui %sign3A_254 : i1 to i32
      %sign3A_256 = arith.subi %sign3A_252, %sign3A_255 : i32
      %sign3A_257 = arith.constant 0 : i32
      %sign3A_258 = arith.cmpi sgt, %jit3A_248, %sign3A_257 : i32
      %sign3A_259 = arith.extui %sign3A_258 : i1 to i32
      %sign3A_260 = arith.constant 0 : i32
      %sign3A_261 = arith.cmpi slt, %jit3A_248, %sign3A_260 : i32
      %sign3A_262 = arith.extui %sign3A_261 : i1 to i32
      %sign3A_263 = arith.subi %sign3A_259, %sign3A_262 : i32
      %ne3A_264 = arith.cmpi ne, %sign3A_256, %sign3A_263 : i32
      %rem3A_265 = arith.remsi %add3A_114, %jit3A_248 : i32
      %ne3A_266 = arith.constant 0 : i32
      %ne3A_267 = arith.cmpi ne, %rem3A_265, %ne3A_266 : i32
      %and3A_268 = arith.andi %ne3A_264, %ne3A_267 : i1
      %sub3A_269 = arith.constant 1 : i32
      %sub3A_270 = arith.subi %div3A_249, %sub3A_269 : i32
      %select_n3A_271 = arith.select %and3A_268, %sub3A_270, %div3A_249 : i32
      %jit3A_272 = arith.constant 4 : i32
      %eq3A_273 = arith.constant 0 : i32
      %eq3A_274 = arith.cmpi eq, %jit3A_272, %eq3A_273 : i32
      %jit3A_275 = arith.constant 1 : i32
      %select_n3A_276 = arith.select %eq3A_274, %jit3A_275, %jit3A_272 : i32
      %rem3A_277 = arith.remsi %add3A_114, %select_n3A_276 : i32
      %ne3A_278 = arith.constant 0 : i32
      %ne3A_279 = arith.cmpi ne, %rem3A_277, %ne3A_278 : i32
      %lt3A_280 = arith.constant 0 : i32
      %lt3A_281 = arith.cmpi slt, %rem3A_277, %lt3A_280 : i32
      %lt3A_282 = arith.constant 0 : i32
      %lt3A_283 = arith.cmpi slt, %select_n3A_276, %lt3A_282 : i32
      %ne3A_284 = arith.xori %lt3A_281, %lt3A_283 : i1
      %and3A_285 = arith.andi %ne3A_284, %ne3A_279 : i1
      %add3A_286 = arith.addi %rem3A_277, %select_n3A_276 : i32
      %select_n3A_287 = arith.select %and3A_285, %add3A_286, %rem3A_277 : i32
      %jit3A_288 = arith.constant 4 : i32
      %div3A_289 = arith.divsi %add3A_124, %jit3A_288 : i32
      %sign3A_290 = arith.constant 0 : i32
      %sign3A_291 = arith.cmpi sgt, %add3A_124, %sign3A_290 : i32
      %sign3A_292 = arith.extui %sign3A_291 : i1 to i32
      %sign3A_293 = arith.constant 0 : i32
      %sign3A_294 = arith.cmpi slt, %add3A_124, %sign3A_293 : i32
      %sign3A_295 = arith.extui %sign3A_294 : i1 to i32
      %sign3A_296 = arith.subi %sign3A_292, %sign3A_295 : i32
      %sign3A_297 = arith.constant 0 : i32
      %sign3A_298 = arith.cmpi sgt, %jit3A_288, %sign3A_297 : i32
      %sign3A_299 = arith.extui %sign3A_298 : i1 to i32
      %sign3A_300 = arith.constant 0 : i32
      %sign3A_301 = arith.cmpi slt, %jit3A_288, %sign3A_300 : i32
      %sign3A_302 = arith.extui %sign3A_301 : i1 to i32
      %sign3A_303 = arith.subi %sign3A_299, %sign3A_302 : i32
      %ne3A_304 = arith.cmpi ne, %sign3A_296, %sign3A_303 : i32
      %rem3A_305 = arith.remsi %add3A_124, %jit3A_288 : i32
      %ne3A_306 = arith.constant 0 : i32
      %ne3A_307 = arith.cmpi ne, %rem3A_305, %ne3A_306 : i32
      %and3A_308 = arith.andi %ne3A_304, %ne3A_307 : i1
      %sub3A_309 = arith.constant 1 : i32
      %sub3A_310 = arith.subi %div3A_289, %sub3A_309 : i32
      %select_n3A_311 = arith.select %and3A_308, %sub3A_310, %div3A_289 : i32
      %jit3A_312 = arith.constant 4 : i32
      %eq3A_313 = arith.constant 0 : i32
      %eq3A_314 = arith.cmpi eq, %jit3A_312, %eq3A_313 : i32
      %jit3A_315 = arith.constant 1 : i32
      %select_n3A_316 = arith.select %eq3A_314, %jit3A_315, %jit3A_312 : i32
      %rem3A_317 = arith.remsi %add3A_124, %select_n3A_316 : i32
      %ne3A_318 = arith.constant 0 : i32
      %ne3A_319 = arith.cmpi ne, %rem3A_317, %ne3A_318 : i32
      %lt3A_320 = arith.constant 0 : i32
      %lt3A_321 = arith.cmpi slt, %rem3A_317, %lt3A_320 : i32
      %lt3A_322 = arith.constant 0 : i32
      %lt3A_323 = arith.cmpi slt, %select_n3A_316, %lt3A_322 : i32
      %ne3A_324 = arith.xori %lt3A_321, %lt3A_323 : i1
      %and3A_325 = arith.andi %ne3A_324, %ne3A_319 : i1
      %add3A_326 = arith.addi %rem3A_317, %select_n3A_316 : i32
      %select_n3A_327 = arith.select %and3A_325, %add3A_326, %rem3A_317 : i32
      %ne3A_328 = arith.cmpi ne, %select_n3A_271, %select_n3A_311 : i32
      %ne3A_329 = arith.cmpi ne, %select_n3A_287, %select_n3A_327 : i32
      %or3A_330 = arith.constant false
      %or3A_331 = arith.ori %or3A_330, %ne3A_328 : i1
      %or3A_332 = arith.ori %or3A_331, %ne3A_329 : i1
      %or3A_333 = arith.ori %or3A_332, %eq3A_110 : i1
      %convert_element_type3A_334 = arith.extui %or3A_333 : i1 to i32
      %cond3A_335 = arith.constant 0 : i32
      %cond3A_336 = arith.cmpi ne, %convert_element_type3A_334, %cond3A_335 : i32
      scf.if %cond3A_336 {
        %jit3A_721 = arith.constant 4 : i32
        "tpu.trace_start"() <{level = 10 : i32, message = "ep_wait_in"}> : () -> ()
        %div3A_722 = arith.divsi %add3A_114, %jit3A_721 : i32
        %sign3A_723 = arith.constant 0 : i32
        %sign3A_724 = arith.cmpi sgt, %add3A_114, %sign3A_723 : i32
        %sign3A_725 = arith.extui %sign3A_724 : i1 to i32
        %sign3A_726 = arith.constant 0 : i32
        %sign3A_727 = arith.cmpi slt, %add3A_114, %sign3A_726 : i32
        %sign3A_728 = arith.extui %sign3A_727 : i1 to i32
        %sign3A_729 = arith.subi %sign3A_725, %sign3A_728 : i32
        %sign3A_730 = arith.constant 0 : i32
        %sign3A_731 = arith.cmpi sgt, %jit3A_721, %sign3A_730 : i32
        %sign3A_732 = arith.extui %sign3A_731 : i1 to i32
        %sign3A_733 = arith.constant 0 : i32
        %sign3A_734 = arith.cmpi slt, %jit3A_721, %sign3A_733 : i32
        %sign3A_735 = arith.extui %sign3A_734 : i1 to i32
        %sign3A_736 = arith.subi %sign3A_732, %sign3A_735 : i32
        %ne3A_737 = arith.cmpi ne, %sign3A_729, %sign3A_736 : i32
        %rem3A_738 = arith.remsi %add3A_114, %jit3A_721 : i32
        %ne3A_739 = arith.constant 0 : i32
        %ne3A_740 = arith.cmpi ne, %rem3A_738, %ne3A_739 : i32
        %and3A_741 = arith.andi %ne3A_737, %ne3A_740 : i1
        %sub3A_742 = arith.constant 1 : i32
        %sub3A_743 = arith.subi %div3A_722, %sub3A_742 : i32
        %select_n3A_744 = arith.select %and3A_741, %sub3A_743, %div3A_722 : i32
        %jit3A_745 = arith.constant 4 : i32
        %eq3A_746 = arith.constant 0 : i32
        %eq3A_747 = arith.cmpi eq, %jit3A_745, %eq3A_746 : i32
        %jit3A_748 = arith.constant 1 : i32
        %select_n3A_749 = arith.select %eq3A_747, %jit3A_748, %jit3A_745 : i32
        %rem3A_750 = arith.remsi %add3A_114, %select_n3A_749 : i32
        %ne3A_751 = arith.constant 0 : i32
        %ne3A_752 = arith.cmpi ne, %rem3A_750, %ne3A_751 : i32
        %lt3A_753 = arith.constant 0 : i32
        %lt3A_754 = arith.cmpi slt, %rem3A_750, %lt3A_753 : i32
        %lt3A_755 = arith.constant 0 : i32
        %lt3A_756 = arith.cmpi slt, %select_n3A_749, %lt3A_755 : i32
        %ne3A_757 = arith.xori %lt3A_754, %lt3A_756 : i1
        %and3A_758 = arith.andi %ne3A_757, %ne3A_752 : i1
        %add3A_759 = arith.addi %rem3A_750, %select_n3A_749 : i32
        %select_n3A_760 = arith.select %and3A_758, %add3A_759, %rem3A_750 : i32
        %mul3A_761 = arith.constant 1 : i32
        %mul3A_762 = arith.muli %mul3A_761, %select_n3A_744 : i32
        %mul3A_763 = arith.constant 128 : i32
        %mul3A_764 = arith.muli %mul3A_763, %select_n3A_760 : i32
        %rem3A_765 = arith.constant 2 : i32
        %rem3A_766 = arith.remui %scan3A, %rem3A_765 : i32
        %dma_wait3A_767 = arith.constant 0 : i32
        %dma_wait3A_768 = arith.constant 0 : i32
        %dma_wait3A_769 = tpu.memref_slice %run_scoped3A[%rem3A_766, %dma_wait3A_767, %dma_wait3A_768] : memref<2x1x128xi32, #tpu.memory_space<vmem>> -> memref<1x1x128xi32, #tpu.memory_space<vmem>>
        %dma_wait3A_770 = tpu.memref_squeeze %dma_wait3A_769 : memref<1x1x128xi32, #tpu.memory_space<vmem>> -> memref<1x128xi32, #tpu.memory_space<vmem>>
        %dma_wait3A_771 = tpu.memref_slice %arg4[%mul3A_762, %mul3A_764] : memref<8x512xi32, #tpu.memory_space<hbm>> -> memref<1x128xi32, #tpu.memory_space<hbm>>
        %dma_wait3A_772 = tpu.memref_slice %run_scoped3A_16[%rem3A_766] : memref<2x!tpu.dma_semaphore, #tpu.memory_space<semaphore_mem>> -> memref<1x!tpu.dma_semaphore, #tpu.memory_space<semaphore_mem>>
        %dma_wait3A_773 = tpu.memref_squeeze %dma_wait3A_772 : memref<1x!tpu.dma_semaphore, #tpu.memory_space<semaphore_mem>> -> memref<!tpu.dma_semaphore, #tpu.memory_space<semaphore_mem>>
        %dma_wait3A_774 = arith.constant 0 : i32
        %dma_wait3A_775 = arith.constant 0 : i32
        %dma_wait3A_776 = tpu.memref_slice %run_scoped3A[%rem3A_766, %dma_wait3A_774, %dma_wait3A_775] : memref<2x1x128xi32, #tpu.memory_space<vmem>> -> memref<1x1x128xi32, #tpu.memory_space<vmem>>
        %dma_wait3A_777 = tpu.memref_squeeze %dma_wait3A_776 : memref<1x1x128xi32, #tpu.memory_space<vmem>> -> memref<1x128xi32, #tpu.memory_space<vmem>>
        %dma_wait3A_778 = tpu.memref_slice %arg4[%mul3A_762, %mul3A_764] : memref<8x512xi32, #tpu.memory_space<hbm>> -> memref<1x128xi32, #tpu.memory_space<hbm>>
        tpu.wait_dma2 semaphore(%dma_wait3A_773 : memref<!tpu.dma_semaphore, #tpu.memory_space<semaphore_mem>>) src(%dma_wait3A_778 : memref<1x128xi32, #tpu.memory_space<hbm>>) dst(%dma_wait3A_777 : memref<1x128xi32, #tpu.memory_space<vmem>>)
        "tpu.trace_stop"() : () -> ()
      } else {
      }
      %ne3A_337 = arith.cmpi ne, %add3A_114, %add3A_124 : i32
      %or3A_338 = arith.constant false
      %or3A_339 = arith.ori %or3A_338, %ne3A_337 : i1
      %or3A_340 = arith.constant false
      %or3A_341 = arith.ori %or3A_339, %or3A_340 : i1
      %or3A_342 = arith.ori %or3A_341, %eq3A_110 : i1
      %convert_element_type3A_343 = arith.extui %or3A_342 : i1 to i32
      %cond3A_344 = arith.constant 0 : i32
      %cond3A_345 = arith.cmpi ne, %convert_element_type3A_343, %cond3A_344 : i32
      scf.if %cond3A_345 {
      } else {
      }
      %rem3A_346 = arith.constant 2 : i32
      %rem3A_347 = arith.remui %scan3A, %rem3A_346 : i32
      %rem3A_348 = arith.constant 2 : i32
      %rem3A_349 = arith.remui %scan3A_105, %rem3A_348 : i32
      %run_scoped3A_350 = arith.constant 0 : i32
      "tpu.trace_start"() <{level = 10 : i32, message = "ep_run_kernel"}> : () -> ()
      "tpu.region"() ({
        %run_scoped3A_721 = tpu.sem_alloc : memref<!tpu.dma_semaphore, #tpu.memory_space<semaphore_mem>>
        %dma_start3A_722 = arith.constant 0 : i32
        %dma_start3A_723 = arith.constant 0 : i32
        %dma_start3A_724 = tpu.memref_slice %run_scoped3A_17[%rem3A_349, %dma_start3A_722, %dma_start3A_723] : memref<2x128x384xf32, #tpu.memory_space<vmem>> -> memref<1x128x384xf32, #tpu.memory_space<vmem>>
        %dma_start3A_725 = tpu.memref_squeeze %dma_start3A_724 : memref<1x128x384xf32, #tpu.memory_space<vmem>> -> memref<128x384xf32, #tpu.memory_space<vmem>>
        %dma_start3A_726 = arith.constant 0 : i32
        %dma_start3A_727 = arith.constant 0 : i32
        %dma_start3A_728 = tpu.memref_slice %run_scoped3A[%rem3A_347, %dma_start3A_726, %dma_start3A_727] : memref<2x1x128xi32, #tpu.memory_space<vmem>> -> memref<1x1x128xi32, #tpu.memory_space<vmem>>
        %dma_start3A_729 = tpu.memref_squeeze %dma_start3A_728 : memref<1x1x128xi32, #tpu.memory_space<vmem>> -> memref<1x128xi32, #tpu.memory_space<vmem>>
        %dma_start3A_730 = arith.constant 0 : i32
        %dma_start3A_731 = tpu.memref_slice %dma_start3A_729[%run_scoped3A_350, %dma_start3A_730] : memref<1x128xi32, #tpu.memory_space<vmem>> -> memref<1x128xi32, #tpu.memory_space<vmem>>
        %dma_start3A_732 = tpu.memref_squeeze %dma_start3A_731 : memref<1x128xi32, #tpu.memory_space<vmem>> -> memref<128xi32, #tpu.memory_space<vmem>>
        %dma_start3A_733 = arith.constant 0 : i32
        %dma_start3A_734 = arith.constant 0 : i32
        %dma_start3A_735 = tpu.memref_slice %arg3[%dma_start3A_733, %dma_start3A_734] : memref<7680x384xf32, #tpu.memory_space<hbm>> -> memref<7680x384xf32, #tpu.memory_space<hbm>>
        tpu.enqueue_indirect_dma source(%dma_start3A_735 : memref<7680x384xf32, #tpu.memory_space<hbm>>) target(%dma_start3A_725 : memref<128x384xf32, #tpu.memory_space<vmem>>) offsets(%dma_start3A_732 : memref<128xi32, #tpu.memory_space<vmem>>) semaphore(%run_scoped3A_721 : memref<!tpu.dma_semaphore, #tpu.memory_space<semaphore_mem>>)
        %dma_wait3A_736 = arith.constant 0 : i32
        %dma_wait3A_737 = arith.constant 0 : i32
        %dma_wait3A_738 = tpu.memref_slice %run_scoped3A_17[%rem3A_349, %dma_wait3A_736, %dma_wait3A_737] : memref<2x128x384xf32, #tpu.memory_space<vmem>> -> memref<1x128x384xf32, #tpu.memory_space<vmem>>
        %dma_wait3A_739 = tpu.memref_squeeze %dma_wait3A_738 : memref<1x128x384xf32, #tpu.memory_space<vmem>> -> memref<128x384xf32, #tpu.memory_space<vmem>>
        %dma_wait3A_740 = arith.constant 0 : i32
        %dma_wait3A_741 = arith.constant 0 : i32
        %dma_wait3A_742 = tpu.memref_slice %run_scoped3A[%rem3A_347, %dma_wait3A_740, %dma_wait3A_741] : memref<2x1x128xi32, #tpu.memory_space<vmem>> -> memref<1x1x128xi32, #tpu.memory_space<vmem>>
        %dma_wait3A_743 = tpu.memref_squeeze %dma_wait3A_742 : memref<1x1x128xi32, #tpu.memory_space<vmem>> -> memref<1x128xi32, #tpu.memory_space<vmem>>
        %dma_wait3A_744 = arith.constant 0 : i32
        %dma_wait3A_745 = tpu.memref_slice %dma_wait3A_743[%run_scoped3A_350, %dma_wait3A_744] : memref<1x128xi32, #tpu.memory_space<vmem>> -> memref<1x128xi32, #tpu.memory_space<vmem>>
        %dma_wait3A_746 = tpu.memref_squeeze %dma_wait3A_745 : memref<1x128xi32, #tpu.memory_space<vmem>> -> memref<128xi32, #tpu.memory_space<vmem>>
        %dma_wait3A_747 = arith.constant 0 : i32
        %dma_wait3A_748 = arith.constant 0 : i32
        %dma_wait3A_749 = tpu.memref_slice %arg3[%dma_wait3A_747, %dma_wait3A_748] : memref<7680x384xf32, #tpu.memory_space<hbm>> -> memref<7680x384xf32, #tpu.memory_space<hbm>>
        tpu.wait_indirect_dma semaphore(%run_scoped3A_721 : memref<!tpu.dma_semaphore, #tpu.memory_space<semaphore_mem>>) src(%dma_wait3A_749 : memref<7680x384xf32, #tpu.memory_space<hbm>>) dst(%dma_wait3A_739 : memref<128x384xf32, #tpu.memory_space<vmem>>)
        tpu.yield
      }) : () -> ()
      %jit3A_351 = arith.constant 4 : i32
      "tpu.trace_stop"() : () -> ()
      %div3A_352 = arith.divsi %add3A_114, %jit3A_351 : i32
      %sign3A_353 = arith.constant 0 : i32
      %sign3A_354 = arith.cmpi sgt, %add3A_114, %sign3A_353 : i32
      %sign3A_355 = arith.extui %sign3A_354 : i1 to i32
      %sign3A_356 = arith.constant 0 : i32
      %sign3A_357 = arith.cmpi slt, %add3A_114, %sign3A_356 : i32
      %sign3A_358 = arith.extui %sign3A_357 : i1 to i32
      %sign3A_359 = arith.subi %sign3A_355, %sign3A_358 : i32
      %sign3A_360 = arith.constant 0 : i32
      %sign3A_361 = arith.cmpi sgt, %jit3A_351, %sign3A_360 : i32
      %sign3A_362 = arith.extui %sign3A_361 : i1 to i32
      %sign3A_363 = arith.constant 0 : i32
      %sign3A_364 = arith.cmpi slt, %jit3A_351, %sign3A_363 : i32
      %sign3A_365 = arith.extui %sign3A_364 : i1 to i32
      %sign3A_366 = arith.subi %sign3A_362, %sign3A_365 : i32
      %ne3A_367 = arith.cmpi ne, %sign3A_359, %sign3A_366 : i32
      %rem3A_368 = arith.remsi %add3A_114, %jit3A_351 : i32
      %ne3A_369 = arith.constant 0 : i32
      %ne3A_370 = arith.cmpi ne, %rem3A_368, %ne3A_369 : i32
      %and3A_371 = arith.andi %ne3A_367, %ne3A_370 : i1
      %sub3A_372 = arith.constant 1 : i32
      %sub3A_373 = arith.subi %div3A_352, %sub3A_372 : i32
      %select_n3A_374 = arith.select %and3A_371, %sub3A_373, %div3A_352 : i32
      %jit3A_375 = arith.constant 4 : i32
      %eq3A_376 = arith.constant 0 : i32
      %eq3A_377 = arith.cmpi eq, %jit3A_375, %eq3A_376 : i32
      %jit3A_378 = arith.constant 1 : i32
      %select_n3A_379 = arith.select %eq3A_377, %jit3A_378, %jit3A_375 : i32
      %rem3A_380 = arith.remsi %add3A_114, %select_n3A_379 : i32
      %ne3A_381 = arith.constant 0 : i32
      %ne3A_382 = arith.cmpi ne, %rem3A_380, %ne3A_381 : i32
      %lt3A_383 = arith.constant 0 : i32
      %lt3A_384 = arith.cmpi slt, %rem3A_380, %lt3A_383 : i32
      %lt3A_385 = arith.constant 0 : i32
      %lt3A_386 = arith.cmpi slt, %select_n3A_379, %lt3A_385 : i32
      %ne3A_387 = arith.xori %lt3A_384, %lt3A_386 : i1
      %and3A_388 = arith.andi %ne3A_387, %ne3A_382 : i1
      %add3A_389 = arith.addi %rem3A_380, %select_n3A_379 : i32
      %select_n3A_390 = arith.select %and3A_388, %add3A_389, %rem3A_380 : i32
      %jit3A_391 = arith.constant 4 : i32
      %div3A_392 = arith.divsi %add3A_134, %jit3A_391 : i32
      %sign3A_393 = arith.constant 0 : i32
      %sign3A_394 = arith.cmpi sgt, %add3A_134, %sign3A_393 : i32
      %sign3A_395 = arith.extui %sign3A_394 : i1 to i32
      %sign3A_396 = arith.constant 0 : i32
      %sign3A_397 = arith.cmpi slt, %add3A_134, %sign3A_396 : i32
      %sign3A_398 = arith.extui %sign3A_397 : i1 to i32
      %sign3A_399 = arith.subi %sign3A_395, %sign3A_398 : i32
      %sign3A_400 = arith.constant 0 : i32
      %sign3A_401 = arith.cmpi sgt, %jit3A_391, %sign3A_400 : i32
      %sign3A_402 = arith.extui %sign3A_401 : i1 to i32
      %sign3A_403 = arith.constant 0 : i32
      %sign3A_404 = arith.cmpi slt, %jit3A_391, %sign3A_403 : i32
      %sign3A_405 = arith.extui %sign3A_404 : i1 to i32
      %sign3A_406 = arith.subi %sign3A_402, %sign3A_405 : i32
      %ne3A_407 = arith.cmpi ne, %sign3A_399, %sign3A_406 : i32
      %rem3A_408 = arith.remsi %add3A_134, %jit3A_391 : i32
      %ne3A_409 = arith.constant 0 : i32
      %ne3A_410 = arith.cmpi ne, %rem3A_408, %ne3A_409 : i32
      %and3A_411 = arith.andi %ne3A_407, %ne3A_410 : i1
      %sub3A_412 = arith.constant 1 : i32
      %sub3A_413 = arith.subi %div3A_392, %sub3A_412 : i32
      %select_n3A_414 = arith.select %and3A_411, %sub3A_413, %div3A_392 : i32
      %jit3A_415 = arith.constant 4 : i32
      %eq3A_416 = arith.constant 0 : i32
      %eq3A_417 = arith.cmpi eq, %jit3A_415, %eq3A_416 : i32
      %jit3A_418 = arith.constant 1 : i32
      %select_n3A_419 = arith.select %eq3A_417, %jit3A_418, %jit3A_415 : i32
      %rem3A_420 = arith.remsi %add3A_134, %select_n3A_419 : i32
      %ne3A_421 = arith.constant 0 : i32
      %ne3A_422 = arith.cmpi ne, %rem3A_420, %ne3A_421 : i32
      %lt3A_423 = arith.constant 0 : i32
      %lt3A_424 = arith.cmpi slt, %rem3A_420, %lt3A_423 : i32
      %lt3A_425 = arith.constant 0 : i32
      %lt3A_426 = arith.cmpi slt, %select_n3A_419, %lt3A_425 : i32
      %ne3A_427 = arith.xori %lt3A_424, %lt3A_426 : i1
      %and3A_428 = arith.andi %ne3A_427, %ne3A_422 : i1
      %add3A_429 = arith.addi %rem3A_420, %select_n3A_419 : i32
      %select_n3A_430 = arith.select %and3A_428, %add3A_429, %rem3A_420 : i32
      %ne3A_431 = arith.cmpi ne, %select_n3A_374, %select_n3A_414 : i32
      %ne3A_432 = arith.cmpi ne, %select_n3A_390, %select_n3A_430 : i32
      %or3A_433 = arith.constant false
      %or3A_434 = arith.ori %or3A_433, %ne3A_431 : i1
      %or3A_435 = arith.ori %or3A_434, %ne3A_432 : i1
      %or3A_436 = arith.ori %or3A_435, %eq3A_112 : i1
      %convert_element_type3A_437 = arith.extui %or3A_436 : i1 to i32
      %cond3A_438 = arith.constant 0 : i32
      %cond3A_439 = arith.cmpi ne, %convert_element_type3A_437, %cond3A_438 : i32
      scf.if %cond3A_439 {
      } else {
      }
      %and3A_440 = arith.constant false
      %and3A_441 = arith.andi %or3A_436, %and3A_440 : i1
      %ne3A_442 = arith.cmpi ne, %add3A_114, %add3A_134 : i32
      %or3A_443 = arith.constant false
      %or3A_444 = arith.ori %or3A_443, %ne3A_442 : i1
      %or3A_445 = arith.constant false
      %or3A_446 = arith.ori %or3A_444, %or3A_445 : i1
      %or3A_447 = arith.ori %or3A_446, %eq3A_112 : i1
      %convert_element_type3A_448 = arith.extui %or3A_447 : i1 to i32
      %cond3A_449 = arith.constant 0 : i32
      %cond3A_450 = arith.cmpi ne, %convert_element_type3A_448, %cond3A_449 : i32
      scf.if %cond3A_450 {
        "tpu.trace_start"() <{level = 10 : i32, message = "ep_copy_out"}> : () -> ()
        %rem3A_721 = arith.constant 2 : i32
        %rem3A_722 = arith.remui %scan3A_105, %rem3A_721 : i32
        %mul3A_723 = arith.constant 128 : i32
        %mul3A_724 = arith.muli %mul3A_723, %add3A_114 : i32
        %dma_start3A_725 = arith.constant 0 : i32
        %dma_start3A_726 = arith.constant 0 : i32
        %dma_start3A_727 = tpu.memref_slice %run_scoped3A_17[%rem3A_722, %dma_start3A_725, %dma_start3A_726] : memref<2x128x384xf32, #tpu.memory_space<vmem>> -> memref<1x128x384xf32, #tpu.memory_space<vmem>>
        %dma_start3A_728 = tpu.memref_squeeze %dma_start3A_727 : memref<1x128x384xf32, #tpu.memory_space<vmem>> -> memref<128x384xf32, #tpu.memory_space<vmem>>
        %dma_start3A_729 = arith.constant 0 : i32
        %dma_start3A_730 = tpu.memref_slice %arg6[%mul3A_724, %dma_start3A_729] : memref<4096x384xf32, #tpu.memory_space<hbm>> -> memref<128x384xf32, #tpu.memory_space<hbm>>
        %dma_start3A_731 = tpu.memref_slice %run_scoped3A_18[%rem3A_722] : memref<2x!tpu.dma_semaphore, #tpu.memory_space<semaphore_mem>> -> memref<1x!tpu.dma_semaphore, #tpu.memory_space<semaphore_mem>>
        %dma_start3A_732 = tpu.memref_squeeze %dma_start3A_731 : memref<1x!tpu.dma_semaphore, #tpu.memory_space<semaphore_mem>> -> memref<!tpu.dma_semaphore, #tpu.memory_space<semaphore_mem>>
        %dma_start3A_733 = arith.constant 0 : i32
        %dma_start3A_734 = tpu.memref_slice %arg6[%mul3A_724, %dma_start3A_733] : memref<4096x384xf32, #tpu.memory_space<hbm>> -> memref<128x384xf32, #tpu.memory_space<hbm>>
        %dma_start3A_735 = arith.constant 0 : i32
        %dma_start3A_736 = arith.constant 0 : i32
        %dma_start3A_737 = tpu.memref_slice %run_scoped3A_17[%rem3A_722, %dma_start3A_735, %dma_start3A_736] : memref<2x128x384xf32, #tpu.memory_space<vmem>> -> memref<1x128x384xf32, #tpu.memory_space<vmem>>
        %dma_start3A_738 = tpu.memref_squeeze %dma_start3A_737 : memref<1x128x384xf32, #tpu.memory_space<vmem>> -> memref<128x384xf32, #tpu.memory_space<vmem>>
        tpu.enqueue_dma source(%dma_start3A_738 : memref<128x384xf32, #tpu.memory_space<vmem>>) target(%dma_start3A_734 : memref<128x384xf32, #tpu.memory_space<hbm>>) target_semaphore(%dma_start3A_732 : memref<!tpu.dma_semaphore, #tpu.memory_space<semaphore_mem>>)
        "tpu.trace_stop"() : () -> ()
      } else {
      }
      %and3A_451 = arith.constant true
      %and3A_452 = arith.andi %or3A_447, %and3A_451 : i1
      %add3A_453 = arith.constant 1 : i32
      %add3A_454 = arith.addi %scan3A_105, %add3A_453 : i32
      %select_n3A_455 = arith.select %and3A_452, %add3A_454, %scan3A_105 : i32
      %jit3A_456 = arith.constant 4 : i32
      %div3A_457 = arith.divsi %add3A_114, %jit3A_456 : i32
      %sign3A_458 = arith.constant 0 : i32
      %sign3A_459 = arith.cmpi sgt, %add3A_114, %sign3A_458 : i32
      %sign3A_460 = arith.extui %sign3A_459 : i1 to i32
      %sign3A_461 = arith.constant 0 : i32
      %sign3A_462 = arith.cmpi slt, %add3A_114, %sign3A_461 : i32
      %sign3A_463 = arith.extui %sign3A_462 : i1 to i32
      %sign3A_464 = arith.subi %sign3A_460, %sign3A_463 : i32
      %sign3A_465 = arith.constant 0 : i32
      %sign3A_466 = arith.cmpi sgt, %jit3A_456, %sign3A_465 : i32
      %sign3A_467 = arith.extui %sign3A_466 : i1 to i32
      %sign3A_468 = arith.constant 0 : i32
      %sign3A_469 = arith.cmpi slt, %jit3A_456, %sign3A_468 : i32
      %sign3A_470 = arith.extui %sign3A_469 : i1 to i32
      %sign3A_471 = arith.subi %sign3A_467, %sign3A_470 : i32
      %ne3A_472 = arith.cmpi ne, %sign3A_464, %sign3A_471 : i32
      %rem3A_473 = arith.remsi %add3A_114, %jit3A_456 : i32
      %ne3A_474 = arith.constant 0 : i32
      %ne3A_475 = arith.cmpi ne, %rem3A_473, %ne3A_474 : i32
      %and3A_476 = arith.andi %ne3A_472, %ne3A_475 : i1
      %sub3A_477 = arith.constant 1 : i32
      %sub3A_478 = arith.subi %div3A_457, %sub3A_477 : i32
      %select_n3A_479 = arith.select %and3A_476, %sub3A_478, %div3A_457 : i32
      %jit3A_480 = arith.constant 4 : i32
      %eq3A_481 = arith.constant 0 : i32
      %eq3A_482 = arith.cmpi eq, %jit3A_480, %eq3A_481 : i32
      %jit3A_483 = arith.constant 1 : i32
      %select_n3A_484 = arith.select %eq3A_482, %jit3A_483, %jit3A_480 : i32
      %rem3A_485 = arith.remsi %add3A_114, %select_n3A_484 : i32
      %ne3A_486 = arith.constant 0 : i32
      %ne3A_487 = arith.cmpi ne, %rem3A_485, %ne3A_486 : i32
      %lt3A_488 = arith.constant 0 : i32
      %lt3A_489 = arith.cmpi slt, %rem3A_485, %lt3A_488 : i32
      %lt3A_490 = arith.constant 0 : i32
      %lt3A_491 = arith.cmpi slt, %select_n3A_484, %lt3A_490 : i32
      %ne3A_492 = arith.xori %lt3A_489, %lt3A_491 : i1
      %and3A_493 = arith.andi %ne3A_492, %ne3A_487 : i1
      %add3A_494 = arith.addi %rem3A_485, %select_n3A_484 : i32
      %select_n3A_495 = arith.select %and3A_493, %add3A_494, %rem3A_485 : i32
      %jit3A_496 = arith.constant 4 : i32
      %div3A_497 = arith.divsi %add3A_124, %jit3A_496 : i32
      %sign3A_498 = arith.constant 0 : i32
      %sign3A_499 = arith.cmpi sgt, %add3A_124, %sign3A_498 : i32
      %sign3A_500 = arith.extui %sign3A_499 : i1 to i32
      %sign3A_501 = arith.constant 0 : i32
      %sign3A_502 = arith.cmpi slt, %add3A_124, %sign3A_501 : i32
      %sign3A_503 = arith.extui %sign3A_502 : i1 to i32
      %sign3A_504 = arith.subi %sign3A_500, %sign3A_503 : i32
      %sign3A_505 = arith.constant 0 : i32
      %sign3A_506 = arith.cmpi sgt, %jit3A_496, %sign3A_505 : i32
      %sign3A_507 = arith.extui %sign3A_506 : i1 to i32
      %sign3A_508 = arith.constant 0 : i32
      %sign3A_509 = arith.cmpi slt, %jit3A_496, %sign3A_508 : i32
      %sign3A_510 = arith.extui %sign3A_509 : i1 to i32
      %sign3A_511 = arith.subi %sign3A_507, %sign3A_510 : i32
      %ne3A_512 = arith.cmpi ne, %sign3A_504, %sign3A_511 : i32
      %rem3A_513 = arith.remsi %add3A_124, %jit3A_496 : i32
      %ne3A_514 = arith.constant 0 : i32
      %ne3A_515 = arith.cmpi ne, %rem3A_513, %ne3A_514 : i32
      %and3A_516 = arith.andi %ne3A_512, %ne3A_515 : i1
      %sub3A_517 = arith.constant 1 : i32
      %sub3A_518 = arith.subi %div3A_497, %sub3A_517 : i32
      %select_n3A_519 = arith.select %and3A_516, %sub3A_518, %div3A_497 : i32
      %jit3A_520 = arith.constant 4 : i32
      %eq3A_521 = arith.constant 0 : i32
      %eq3A_522 = arith.cmpi eq, %jit3A_520, %eq3A_521 : i32
      %jit3A_523 = arith.constant 1 : i32
      %select_n3A_524 = arith.select %eq3A_522, %jit3A_523, %jit3A_520 : i32
      %rem3A_525 = arith.remsi %add3A_124, %select_n3A_524 : i32
      %ne3A_526 = arith.constant 0 : i32
      %ne3A_527 = arith.cmpi ne, %rem3A_525, %ne3A_526 : i32
      %lt3A_528 = arith.constant 0 : i32
      %lt3A_529 = arith.cmpi slt, %rem3A_525, %lt3A_528 : i32
      %lt3A_530 = arith.constant 0 : i32
      %lt3A_531 = arith.cmpi slt, %select_n3A_524, %lt3A_530 : i32
      %ne3A_532 = arith.xori %lt3A_529, %lt3A_531 : i1
      %and3A_533 = arith.andi %ne3A_532, %ne3A_527 : i1
      %add3A_534 = arith.addi %rem3A_525, %select_n3A_524 : i32
      %select_n3A_535 = arith.select %and3A_533, %add3A_534, %rem3A_525 : i32
      %ne3A_536 = arith.cmpi ne, %select_n3A_479, %select_n3A_519 : i32
      %ne3A_537 = arith.cmpi ne, %select_n3A_495, %select_n3A_535 : i32
      %or3A_538 = arith.constant false
      %or3A_539 = arith.ori %or3A_538, %ne3A_536 : i1
      %or3A_540 = arith.ori %or3A_539, %ne3A_537 : i1
      %not3A_541 = arith.constant true
      %not3A_542 = arith.xori %eq3A_110, %not3A_541 : i1
      %and3A_543 = arith.andi %or3A_540, %not3A_542 : i1
      %convert_element_type3A_544 = arith.extui %and3A_543 : i1 to i32
      %cond3A_545 = arith.constant 0 : i32
      %cond3A_546 = arith.cmpi ne, %convert_element_type3A_544, %cond3A_545 : i32
      scf.if %cond3A_546 {
      } else {
      }
      %and3A_547 = arith.constant false
      %and3A_548 = arith.andi %and3A_543, %and3A_547 : i1
      %ne3A_549 = arith.cmpi ne, %add3A_114, %add3A_124 : i32
      %or3A_550 = arith.constant false
      %or3A_551 = arith.ori %or3A_550, %ne3A_549 : i1
      %or3A_552 = arith.constant false
      %or3A_553 = arith.ori %or3A_551, %or3A_552 : i1
      %not3A_554 = arith.constant true
      %not3A_555 = arith.xori %eq3A_110, %not3A_554 : i1
      %and3A_556 = arith.andi %or3A_553, %not3A_555 : i1
      %convert_element_type3A_557 = arith.extui %and3A_556 : i1 to i32
      %cond3A_558 = arith.constant 0 : i32
      %cond3A_559 = arith.cmpi ne, %convert_element_type3A_557, %cond3A_558 : i32
      scf.if %cond3A_559 {
        "tpu.trace_start"() <{level = 10 : i32, message = "ep_wait_out"}> : () -> ()
        %rem3A_721 = arith.constant 2 : i32
        %rem3A_722 = arith.remui %scan3A_106, %rem3A_721 : i32
        %mul3A_723 = arith.constant 128 : i32
        %mul3A_724 = arith.muli %mul3A_723, %add3A_124 : i32
        %dma_wait3A_725 = arith.constant 0 : i32
        %dma_wait3A_726 = arith.constant 0 : i32
        %dma_wait3A_727 = tpu.memref_slice %run_scoped3A_17[%rem3A_722, %dma_wait3A_725, %dma_wait3A_726] : memref<2x128x384xf32, #tpu.memory_space<vmem>> -> memref<1x128x384xf32, #tpu.memory_space<vmem>>
        %dma_wait3A_728 = tpu.memref_squeeze %dma_wait3A_727 : memref<1x128x384xf32, #tpu.memory_space<vmem>> -> memref<128x384xf32, #tpu.memory_space<vmem>>
        %dma_wait3A_729 = arith.constant 0 : i32
        %dma_wait3A_730 = tpu.memref_slice %arg6[%mul3A_724, %dma_wait3A_729] : memref<4096x384xf32, #tpu.memory_space<hbm>> -> memref<128x384xf32, #tpu.memory_space<hbm>>
        %dma_wait3A_731 = tpu.memref_slice %run_scoped3A_18[%rem3A_722] : memref<2x!tpu.dma_semaphore, #tpu.memory_space<semaphore_mem>> -> memref<1x!tpu.dma_semaphore, #tpu.memory_space<semaphore_mem>>
        %dma_wait3A_732 = tpu.memref_squeeze %dma_wait3A_731 : memref<1x!tpu.dma_semaphore, #tpu.memory_space<semaphore_mem>> -> memref<!tpu.dma_semaphore, #tpu.memory_space<semaphore_mem>>
        %dma_wait3A_733 = arith.constant 0 : i32
        %dma_wait3A_734 = tpu.memref_slice %arg6[%mul3A_724, %dma_wait3A_733] : memref<4096x384xf32, #tpu.memory_space<hbm>> -> memref<128x384xf32, #tpu.memory_space<hbm>>
        %dma_wait3A_735 = arith.constant 0 : i32
        %dma_wait3A_736 = arith.constant 0 : i32
        %dma_wait3A_737 = tpu.memref_slice %run_scoped3A_17[%rem3A_722, %dma_wait3A_735, %dma_wait3A_736] : memref<2x128x384xf32, #tpu.memory_space<vmem>> -> memref<1x128x384xf32, #tpu.memory_space<vmem>>
        %dma_wait3A_738 = tpu.memref_squeeze %dma_wait3A_737 : memref<1x128x384xf32, #tpu.memory_space<vmem>> -> memref<128x384xf32, #tpu.memory_space<vmem>>
        tpu.wait_dma2 semaphore(%dma_wait3A_732 : memref<!tpu.dma_semaphore, #tpu.memory_space<semaphore_mem>>) src(%dma_wait3A_738 : memref<128x384xf32, #tpu.memory_space<vmem>>) dst(%dma_wait3A_734 : memref<128x384xf32, #tpu.memory_space<hbm>>)
        "tpu.trace_stop"() : () -> ()
      } else {
      }
      %and3A_560 = arith.constant true
      %and3A_561 = arith.andi %and3A_556, %and3A_560 : i1
      %add3A_562 = arith.constant 1 : i32
      %add3A_563 = arith.addi %scan3A_106, %add3A_562 : i32
      %select_n3A_564 = arith.select %and3A_561, %add3A_563, %scan3A_106 : i32
      %jit3A_565 = arith.constant 4 : i32
      %div3A_566 = arith.divsi %add3A_114, %jit3A_565 : i32
      %sign3A_567 = arith.constant 0 : i32
      %sign3A_568 = arith.cmpi sgt, %add3A_114, %sign3A_567 : i32
      %sign3A_569 = arith.extui %sign3A_568 : i1 to i32
      %sign3A_570 = arith.constant 0 : i32
      %sign3A_571 = arith.cmpi slt, %add3A_114, %sign3A_570 : i32
      %sign3A_572 = arith.extui %sign3A_571 : i1 to i32
      %sign3A_573 = arith.subi %sign3A_569, %sign3A_572 : i32
      %sign3A_574 = arith.constant 0 : i32
      %sign3A_575 = arith.cmpi sgt, %jit3A_565, %sign3A_574 : i32
      %sign3A_576 = arith.extui %sign3A_575 : i1 to i32
      %sign3A_577 = arith.constant 0 : i32
      %sign3A_578 = arith.cmpi slt, %jit3A_565, %sign3A_577 : i32
      %sign3A_579 = arith.extui %sign3A_578 : i1 to i32
      %sign3A_580 = arith.subi %sign3A_576, %sign3A_579 : i32
      %ne3A_581 = arith.cmpi ne, %sign3A_573, %sign3A_580 : i32
      %rem3A_582 = arith.remsi %add3A_114, %jit3A_565 : i32
      %ne3A_583 = arith.constant 0 : i32
      %ne3A_584 = arith.cmpi ne, %rem3A_582, %ne3A_583 : i32
      %and3A_585 = arith.andi %ne3A_581, %ne3A_584 : i1
      %sub3A_586 = arith.constant 1 : i32
      %sub3A_587 = arith.subi %div3A_566, %sub3A_586 : i32
      %select_n3A_588 = arith.select %and3A_585, %sub3A_587, %div3A_566 : i32
      %jit3A_589 = arith.constant 4 : i32
      %eq3A_590 = arith.constant 0 : i32
      %eq3A_591 = arith.cmpi eq, %jit3A_589, %eq3A_590 : i32
      %jit3A_592 = arith.constant 1 : i32
      %select_n3A_593 = arith.select %eq3A_591, %jit3A_592, %jit3A_589 : i32
      %rem3A_594 = arith.remsi %add3A_114, %select_n3A_593 : i32
      %ne3A_595 = arith.constant 0 : i32
      %ne3A_596 = arith.cmpi ne, %rem3A_594, %ne3A_595 : i32
      %lt3A_597 = arith.constant 0 : i32
      %lt3A_598 = arith.cmpi slt, %rem3A_594, %lt3A_597 : i32
      %lt3A_599 = arith.constant 0 : i32
      %lt3A_600 = arith.cmpi slt, %select_n3A_593, %lt3A_599 : i32
      %ne3A_601 = arith.xori %lt3A_598, %lt3A_600 : i1
      %and3A_602 = arith.andi %ne3A_601, %ne3A_596 : i1
      %add3A_603 = arith.addi %rem3A_594, %select_n3A_593 : i32
      %select_n3A_604 = arith.select %and3A_602, %add3A_603, %rem3A_594 : i32
      %jit3A_605 = arith.constant 4 : i32
      %div3A_606 = arith.divsi %add3A_134, %jit3A_605 : i32
      %sign3A_607 = arith.constant 0 : i32
      %sign3A_608 = arith.cmpi sgt, %add3A_134, %sign3A_607 : i32
      %sign3A_609 = arith.extui %sign3A_608 : i1 to i32
      %sign3A_610 = arith.constant 0 : i32
      %sign3A_611 = arith.cmpi slt, %add3A_134, %sign3A_610 : i32
      %sign3A_612 = arith.extui %sign3A_611 : i1 to i32
      %sign3A_613 = arith.subi %sign3A_609, %sign3A_612 : i32
      %sign3A_614 = arith.constant 0 : i32
      %sign3A_615 = arith.cmpi sgt, %jit3A_605, %sign3A_614 : i32
      %sign3A_616 = arith.extui %sign3A_615 : i1 to i32
      %sign3A_617 = arith.constant 0 : i32
      %sign3A_618 = arith.cmpi slt, %jit3A_605, %sign3A_617 : i32
      %sign3A_619 = arith.extui %sign3A_618 : i1 to i32
      %sign3A_620 = arith.subi %sign3A_616, %sign3A_619 : i32
      %ne3A_621 = arith.cmpi ne, %sign3A_613, %sign3A_620 : i32
      %rem3A_622 = arith.remsi %add3A_134, %jit3A_605 : i32
      %ne3A_623 = arith.constant 0 : i32
      %ne3A_624 = arith.cmpi ne, %rem3A_622, %ne3A_623 : i32
      %and3A_625 = arith.andi %ne3A_621, %ne3A_624 : i1
      %sub3A_626 = arith.constant 1 : i32
      %sub3A_627 = arith.subi %div3A_606, %sub3A_626 : i32
      %select_n3A_628 = arith.select %and3A_625, %sub3A_627, %div3A_606 : i32
      %jit3A_629 = arith.constant 4 : i32
      %eq3A_630 = arith.constant 0 : i32
      %eq3A_631 = arith.cmpi eq, %jit3A_629, %eq3A_630 : i32
      %jit3A_632 = arith.constant 1 : i32
      %select_n3A_633 = arith.select %eq3A_631, %jit3A_632, %jit3A_629 : i32
      %rem3A_634 = arith.remsi %add3A_134, %select_n3A_633 : i32
      %ne3A_635 = arith.constant 0 : i32
      %ne3A_636 = arith.cmpi ne, %rem3A_634, %ne3A_635 : i32
      %lt3A_637 = arith.constant 0 : i32
      %lt3A_638 = arith.cmpi slt, %rem3A_634, %lt3A_637 : i32
      %lt3A_639 = arith.constant 0 : i32
      %lt3A_640 = arith.cmpi slt, %select_n3A_633, %lt3A_639 : i32
      %ne3A_641 = arith.xori %lt3A_638, %lt3A_640 : i1
      %and3A_642 = arith.andi %ne3A_641, %ne3A_636 : i1
      %add3A_643 = arith.addi %rem3A_634, %select_n3A_633 : i32
      %select_n3A_644 = arith.select %and3A_642, %add3A_643, %rem3A_634 : i32
      %ne3A_645 = arith.cmpi ne, %select_n3A_588, %select_n3A_628 : i32
      %ne3A_646 = arith.cmpi ne, %select_n3A_604, %select_n3A_644 : i32
      %or3A_647 = arith.constant false
      %or3A_648 = arith.ori %or3A_647, %ne3A_645 : i1
      %or3A_649 = arith.ori %or3A_648, %ne3A_646 : i1
      %or3A_650 = arith.ori %or3A_649, %eq3A_112 : i1
      %add3A_651 = arith.constant 1 : i32
      %add3A_652 = arith.addi %scan3A, %add3A_651 : i32
      %select_n3A_653 = arith.select %or3A_650, %add3A_652, %scan3A : i32
      %select_n3A_654 = arith.constant true
      %select_n3A_655 = arith.constant 0 : i32
      %select_n3A_656 = arith.constant 1 : i32
      %select_n3A_657 = arith.select %select_n3A_654, %select_n3A_656, %select_n3A_655 : i32
      %eq3A_658 = arith.constant 1 : i32
      %eq3A_659 = arith.cmpi eq, %select_n3A_657, %eq3A_658 : i32
      %select_n3A_660 = arith.constant 0 : i32
      %select_n3A_661 = arith.select %eq3A_659, %select_n3A_660, %select_n3A_657 : i32
      %scan3A_662 = arith.constant 0 : i32
      %scan3A_663 = arith.constant 1 : i32
      %sub3A_664 = arith.constant 1 : i32
      %sub3A_665 = arith.subi %scan3A_662, %sub3A_664 : i32
      %select_n3A_666 = arith.constant true
      %select_n3A_667 = arith.select %select_n3A_666, %sub3A_665, %scan3A_662 : i32
      %eq3A_668 = arith.constant -1 : i32
      %eq3A_669 = arith.cmpi eq, %select_n3A_667, %eq3A_668 : i32
      %select_n3A_670 = arith.constant 0 : i32
      %select_n3A_671 = arith.select %eq3A_669, %select_n3A_670, %select_n3A_667 : i32
      %add3A_672 = arith.constant 0 : i32
      %add3A_673 = arith.addi %add3A_672, %mul3A_15 : i32
      %select_n3A_674 = arith.constant true
      %select_n3A_675 = arith.constant 0 : i32
      %select_n3A_676 = arith.constant -1 : i32
      %select_n3A_677 = arith.select %select_n3A_674, %select_n3A_676, %select_n3A_675 : i32
      %eq3A_678 = arith.constant -1 : i32
      %eq3A_679 = arith.cmpi eq, %select_n3A_677, %eq3A_678 : i32
      %select_n3A_680 = arith.constant 0 : i32
      %select_n3A_681 = arith.select %eq3A_679, %select_n3A_680, %select_n3A_677 : i32
      %add3A_682 = arith.constant 0 : i32
      %add3A_683 = arith.addi %add3A_682, %mul3A_15 : i32
      %select_n3A_684 = arith.constant true
      %select_n3A_685 = arith.constant 0 : i32
      %select_n3A_686 = arith.constant 1 : i32
      %select_n3A_687 = arith.select %select_n3A_684, %select_n3A_686, %select_n3A_685 : i32
      %eq3A_688 = arith.constant 1 : i32
      %eq3A_689 = arith.cmpi eq, %select_n3A_687, %eq3A_688 : i32
      %select_n3A_690 = arith.constant 0 : i32
      %select_n3A_691 = arith.select %eq3A_689, %select_n3A_690, %select_n3A_687 : i32
      %add3A_692 = arith.constant 0 : i32
      %add3A_693 = arith.addi %add3A_692, %mul3A_15 : i32
      %select_n3A_694 = arith.constant true
      %select_n3A_695 = arith.constant 0 : i32
      %select_n3A_696 = arith.constant 1 : i32
      %select_n3A_697 = arith.select %select_n3A_694, %select_n3A_696, %select_n3A_695 : i32
      %eq3A_698 = arith.constant 1 : i32
      %eq3A_699 = arith.cmpi eq, %select_n3A_697, %eq3A_698 : i32
      %select_n3A_700 = arith.constant 0 : i32
      %select_n3A_701 = arith.select %eq3A_699, %select_n3A_700, %select_n3A_697 : i32
      %add3A_702 = arith.constant 0 : i32
      %add3A_703 = arith.addi %add3A_702, %mul3A_15 : i32
      "tpu.trace_start"() <{level = 10 : i32, message = "ep_finalize"}> : () -> ()
      %rem3A_704 = arith.constant 2 : i32
      %rem3A_705 = arith.remui %select_n3A_564, %rem3A_704 : i32
      %mul3A_706 = arith.constant 128 : i32
      %mul3A_707 = arith.muli %mul3A_706, %add3A_673 : i32
      %dma_wait3A = arith.constant 0 : i32
      %dma_wait3A_708 = arith.constant 0 : i32
      %dma_wait3A_709 = tpu.memref_slice %run_scoped3A_17[%rem3A_705, %dma_wait3A, %dma_wait3A_708] : memref<2x128x384xf32, #tpu.memory_space<vmem>> -> memref<1x128x384xf32, #tpu.memory_space<vmem>>
      %dma_wait3A_710 = tpu.memref_squeeze %dma_wait3A_709 : memref<1x128x384xf32, #tpu.memory_space<vmem>> -> memref<128x384xf32, #tpu.memory_space<vmem>>
      %dma_wait3A_711 = arith.constant 0 : i32
      %dma_wait3A_712 = tpu.memref_slice %arg6[%mul3A_707, %dma_wait3A_711] : memref<4096x384xf32, #tpu.memory_space<hbm>> -> memref<128x384xf32, #tpu.memory_space<hbm>>
      %dma_wait3A_713 = tpu.memref_slice %run_scoped3A_18[%rem3A_705] : memref<2x!tpu.dma_semaphore, #tpu.memory_space<semaphore_mem>> -> memref<1x!tpu.dma_semaphore, #tpu.memory_space<semaphore_mem>>
      %dma_wait3A_714 = tpu.memref_squeeze %dma_wait3A_713 : memref<1x!tpu.dma_semaphore, #tpu.memory_space<semaphore_mem>> -> memref<!tpu.dma_semaphore, #tpu.memory_space<semaphore_mem>>
      %dma_wait3A_715 = arith.constant 0 : i32
      %dma_wait3A_716 = tpu.memref_slice %arg6[%mul3A_707, %dma_wait3A_715] : memref<4096x384xf32, #tpu.memory_space<hbm>> -> memref<128x384xf32, #tpu.memory_space<hbm>>
      %dma_wait3A_717 = arith.constant 0 : i32
      %dma_wait3A_718 = arith.constant 0 : i32
      %dma_wait3A_719 = tpu.memref_slice %run_scoped3A_17[%rem3A_705, %dma_wait3A_717, %dma_wait3A_718] : memref<2x128x384xf32, #tpu.memory_space<vmem>> -> memref<1x128x384xf32, #tpu.memory_space<vmem>>
      %dma_wait3A_720 = tpu.memref_squeeze %dma_wait3A_719 : memref<1x128x384xf32, #tpu.memory_space<vmem>> -> memref<128x384xf32, #tpu.memory_space<vmem>>
      tpu.wait_dma2 semaphore(%dma_wait3A_714 : memref<!tpu.dma_semaphore, #tpu.memory_space<semaphore_mem>>) src(%dma_wait3A_720 : memref<128x384xf32, #tpu.memory_space<vmem>>) dst(%dma_wait3A_716 : memref<128x384xf32, #tpu.memory_space<hbm>>)
      "tpu.trace_stop"() : () -> ()
      tpu.yield
    }) : () -> ()
    return
  }
}

module attributes {stable_mosaic.version = 14 : i64} {
  func.func @_route_body(%arg0: memref<2048x2xi32, #tpu.memory_space<vmem>>, %arg1: memref<8x512xi32, #tpu.memory_space<vmem>>, %arg2: memref<1x15xi32, #tpu.memory_space<vmem>>, %arg3: memref<1x1xi32, #tpu.memory_space<vmem>>) attributes {dimension_semantics = [], scalar_prefetch = 0 : i64, scratch_operands = 0 : i64, tpu.core_type = #tpu.core_type<tc>} {
    %get3A = arith.constant 0 : index
    %get3A_0 = arith.constant 0 : index
    %get3A_1 = vector.load %arg0[%get3A, %get3A_0] : memref<2048x2xi32, #tpu.memory_space<vmem>>, vector<2048x2xi32>
    %iota3A = tpu.iota {dimensions = array<i32: 1>} : vector<1x8xi32>
    %iota3A_2 = tpu.iota {dimensions = array<i32: 0>} : vector<512x512xi32>
    %iota3A_3 = tpu.iota {dimensions = array<i32: 1>} : vector<512x512xi32>
    %lt3A = arith.cmpi slt, %iota3A_3, %iota3A_2 : vector<512x512xi32>
    %jit3A = arith.constant 1.000000e+00 : f32
    %jit3A_4 = arith.constant 0.000000e+00 : f32
    %broadcast_in_dim3A = vector.broadcast %jit3A : f32 to vector<512x512xf32>
    %broadcast_in_dim3A_5 = vector.broadcast %jit3A_4 : f32 to vector<512x512xf32>
    %select_n3A = arith.select %lt3A, %broadcast_in_dim3A, %broadcast_in_dim3A_5 : vector<512x512xi1>, vector<512x512xf32>
    %convert_element_type3A = arith.truncf %select_n3A : vector<512x512xf32> to vector<512x512xbf16>
    %broadcast_in_dim3A_6 = arith.constant 0.000000e+00 : f32
    %broadcast_in_dim3A_7 = vector.broadcast %broadcast_in_dim3A_6 : f32 to vector<1x8xf32>
    %slice3A = vector.extract_strided_slice %get3A_1 {offsets = [0, 0], sizes = [512, 1], strides = [1, 1]} : vector<2048x2xi32> to vector<512x1xi32>
    %eq3A = vector.broadcast %slice3A : vector<512x1xi32> to vector<512x8xi32>
    %eq3A_8 = vector.broadcast %iota3A : vector<1x8xi32> to vector<512x8xi32>
    %eq3A_9 = arith.cmpi eq, %eq3A, %eq3A_8 : vector<512x8xi32>
    %convert_element_type3A_10 = arith.extui %eq3A_9 : vector<512x8xi1> to vector<512x8xi32>
    %convert_element_type3A_11 = arith.sitofp %convert_element_type3A_10 : vector<512x8xi32> to vector<512x8xf32>
    %convert_element_type3A_12 = arith.truncf %convert_element_type3A_11 : vector<512x8xf32> to vector<512x8xbf16>
    %dot_general3A = arith.constant dense<0.000000e+00> : vector<512x8xf32>
    %dot_general3A_13 = tpu.matmul %convert_element_type3A, %convert_element_type3A_12, %dot_general3A {dimension_numbers = #tpu.dot_dimension_numbers<[1], [0], [0], [1], [0, 0, 1, 1], [], []>, transpose_lhs_hint = false} : vector<512x512xbf16>, vector<512x8xbf16>, vector<512x8xf32> -> vector<512x8xf32>
    %add3A = vector.broadcast %broadcast_in_dim3A_7 : vector<1x8xf32> to vector<512x8xf32>
    %add3A_14 = arith.addf %dot_general3A_13, %add3A : vector<512x8xf32>
    %convert_element_type3A_15 = arith.extf %convert_element_type3A_12 : vector<512x8xbf16> to vector<512x8xf32>
    %reduce_sum3A = arith.constant dense<0.000000e+00> : vector<8xf32>
    %reduce_sum3A_16 = vector.multi_reduction <add>, %convert_element_type3A_15, %reduce_sum3A [0] : vector<512x8xf32> to vector<8xf32>
    %broadcast_in_dim3A_17 = vector.shape_cast %reduce_sum3A_16 : vector<8xf32> to vector<1x8xf32>
    %add3A_18 = arith.addf %broadcast_in_dim3A_7, %broadcast_in_dim3A_17 : vector<1x8xf32>
    %slice3A_19 = vector.extract_strided_slice %get3A_1 {offsets = [512, 0], sizes = [512, 1], strides = [1, 1]} : vector<2048x2xi32> to vector<512x1xi32>
    %eq3A_20 = vector.broadcast %slice3A_19 : vector<512x1xi32> to vector<512x8xi32>
    %eq3A_21 = vector.broadcast %iota3A : vector<1x8xi32> to vector<512x8xi32>
    %eq3A_22 = arith.cmpi eq, %eq3A_20, %eq3A_21 : vector<512x8xi32>
    %convert_element_type3A_23 = arith.extui %eq3A_22 : vector<512x8xi1> to vector<512x8xi32>
    %convert_element_type3A_24 = arith.sitofp %convert_element_type3A_23 : vector<512x8xi32> to vector<512x8xf32>
    %convert_element_type3A_25 = arith.truncf %convert_element_type3A_24 : vector<512x8xf32> to vector<512x8xbf16>
    %dot_general3A_26 = arith.constant dense<0.000000e+00> : vector<512x8xf32>
    %dot_general3A_27 = tpu.matmul %convert_element_type3A, %convert_element_type3A_25, %dot_general3A_26 {dimension_numbers = #tpu.dot_dimension_numbers<[1], [0], [0], [1], [0, 0, 1, 1], [], []>, transpose_lhs_hint = false} : vector<512x512xbf16>, vector<512x8xbf16>, vector<512x8xf32> -> vector<512x8xf32>
    %add3A_28 = vector.broadcast %add3A_18 : vector<1x8xf32> to vector<512x8xf32>
    %add3A_29 = arith.addf %dot_general3A_27, %add3A_28 : vector<512x8xf32>
    %convert_element_type3A_30 = arith.extf %convert_element_type3A_25 : vector<512x8xbf16> to vector<512x8xf32>
    %reduce_sum3A_31 = arith.constant dense<0.000000e+00> : vector<8xf32>
    %reduce_sum3A_32 = vector.multi_reduction <add>, %convert_element_type3A_30, %reduce_sum3A_31 [0] : vector<512x8xf32> to vector<8xf32>
    %broadcast_in_dim3A_33 = vector.shape_cast %reduce_sum3A_32 : vector<8xf32> to vector<1x8xf32>
    %add3A_34 = arith.addf %add3A_18, %broadcast_in_dim3A_33 : vector<1x8xf32>
    %slice3A_35 = vector.extract_strided_slice %get3A_1 {offsets = [1024, 0], sizes = [512, 1], strides = [1, 1]} : vector<2048x2xi32> to vector<512x1xi32>
    %eq3A_36 = vector.broadcast %slice3A_35 : vector<512x1xi32> to vector<512x8xi32>
    %eq3A_37 = vector.broadcast %iota3A : vector<1x8xi32> to vector<512x8xi32>
    %eq3A_38 = arith.cmpi eq, %eq3A_36, %eq3A_37 : vector<512x8xi32>
    %convert_element_type3A_39 = arith.extui %eq3A_38 : vector<512x8xi1> to vector<512x8xi32>
    %convert_element_type3A_40 = arith.sitofp %convert_element_type3A_39 : vector<512x8xi32> to vector<512x8xf32>
    %convert_element_type3A_41 = arith.truncf %convert_element_type3A_40 : vector<512x8xf32> to vector<512x8xbf16>
    %dot_general3A_42 = arith.constant dense<0.000000e+00> : vector<512x8xf32>
    %dot_general3A_43 = tpu.matmul %convert_element_type3A, %convert_element_type3A_41, %dot_general3A_42 {dimension_numbers = #tpu.dot_dimension_numbers<[1], [0], [0], [1], [0, 0, 1, 1], [], []>, transpose_lhs_hint = false} : vector<512x512xbf16>, vector<512x8xbf16>, vector<512x8xf32> -> vector<512x8xf32>
    %add3A_44 = vector.broadcast %add3A_34 : vector<1x8xf32> to vector<512x8xf32>
    %add3A_45 = arith.addf %dot_general3A_43, %add3A_44 : vector<512x8xf32>
    %convert_element_type3A_46 = arith.extf %convert_element_type3A_41 : vector<512x8xbf16> to vector<512x8xf32>
    %reduce_sum3A_47 = arith.constant dense<0.000000e+00> : vector<8xf32>
    %reduce_sum3A_48 = vector.multi_reduction <add>, %convert_element_type3A_46, %reduce_sum3A_47 [0] : vector<512x8xf32> to vector<8xf32>
    %broadcast_in_dim3A_49 = vector.shape_cast %reduce_sum3A_48 : vector<8xf32> to vector<1x8xf32>
    %add3A_50 = arith.addf %add3A_34, %broadcast_in_dim3A_49 : vector<1x8xf32>
    %slice3A_51 = vector.extract_strided_slice %get3A_1 {offsets = [1536, 0], sizes = [512, 1], strides = [1, 1]} : vector<2048x2xi32> to vector<512x1xi32>
    %eq3A_52 = vector.broadcast %slice3A_51 : vector<512x1xi32> to vector<512x8xi32>
    %eq3A_53 = vector.broadcast %iota3A : vector<1x8xi32> to vector<512x8xi32>
    %eq3A_54 = arith.cmpi eq, %eq3A_52, %eq3A_53 : vector<512x8xi32>
    %convert_element_type3A_55 = arith.extui %eq3A_54 : vector<512x8xi1> to vector<512x8xi32>
    %convert_element_type3A_56 = arith.sitofp %convert_element_type3A_55 : vector<512x8xi32> to vector<512x8xf32>
    %convert_element_type3A_57 = arith.truncf %convert_element_type3A_56 : vector<512x8xf32> to vector<512x8xbf16>
    %dot_general3A_58 = arith.constant dense<0.000000e+00> : vector<512x8xf32>
    %dot_general3A_59 = tpu.matmul %convert_element_type3A, %convert_element_type3A_57, %dot_general3A_58 {dimension_numbers = #tpu.dot_dimension_numbers<[1], [0], [0], [1], [0, 0, 1, 1], [], []>, transpose_lhs_hint = false} : vector<512x512xbf16>, vector<512x8xbf16>, vector<512x8xf32> -> vector<512x8xf32>
    %add3A_60 = vector.broadcast %add3A_50 : vector<1x8xf32> to vector<512x8xf32>
    %add3A_61 = arith.addf %dot_general3A_59, %add3A_60 : vector<512x8xf32>
    %convert_element_type3A_62 = arith.extf %convert_element_type3A_57 : vector<512x8xbf16> to vector<512x8xf32>
    %reduce_sum3A_63 = arith.constant dense<0.000000e+00> : vector<8xf32>
    %reduce_sum3A_64 = vector.multi_reduction <add>, %convert_element_type3A_62, %reduce_sum3A_63 [0] : vector<512x8xf32> to vector<8xf32>
    %broadcast_in_dim3A_65 = vector.shape_cast %reduce_sum3A_64 : vector<8xf32> to vector<1x8xf32>
    %add3A_66 = arith.addf %add3A_50, %broadcast_in_dim3A_65 : vector<1x8xf32>
    %slice3A_67 = vector.extract_strided_slice %get3A_1 {offsets = [0, 1], sizes = [512, 1], strides = [1, 1]} : vector<2048x2xi32> to vector<512x1xi32>
    %eq3A_68 = vector.broadcast %slice3A_67 : vector<512x1xi32> to vector<512x8xi32>
    %eq3A_69 = vector.broadcast %iota3A : vector<1x8xi32> to vector<512x8xi32>
    %eq3A_70 = arith.cmpi eq, %eq3A_68, %eq3A_69 : vector<512x8xi32>
    %convert_element_type3A_71 = arith.extui %eq3A_70 : vector<512x8xi1> to vector<512x8xi32>
    %convert_element_type3A_72 = arith.sitofp %convert_element_type3A_71 : vector<512x8xi32> to vector<512x8xf32>
    %convert_element_type3A_73 = arith.truncf %convert_element_type3A_72 : vector<512x8xf32> to vector<512x8xbf16>
    %dot_general3A_74 = arith.constant dense<0.000000e+00> : vector<512x8xf32>
    %dot_general3A_75 = tpu.matmul %convert_element_type3A, %convert_element_type3A_73, %dot_general3A_74 {dimension_numbers = #tpu.dot_dimension_numbers<[1], [0], [0], [1], [0, 0, 1, 1], [], []>, transpose_lhs_hint = false} : vector<512x512xbf16>, vector<512x8xbf16>, vector<512x8xf32> -> vector<512x8xf32>
    %add3A_76 = vector.broadcast %add3A_66 : vector<1x8xf32> to vector<512x8xf32>
    %add3A_77 = arith.addf %dot_general3A_75, %add3A_76 : vector<512x8xf32>
    %convert_element_type3A_78 = arith.extf %convert_element_type3A_73 : vector<512x8xbf16> to vector<512x8xf32>
    %reduce_sum3A_79 = arith.constant dense<0.000000e+00> : vector<8xf32>
    %reduce_sum3A_80 = vector.multi_reduction <add>, %convert_element_type3A_78, %reduce_sum3A_79 [0] : vector<512x8xf32> to vector<8xf32>
    %broadcast_in_dim3A_81 = vector.shape_cast %reduce_sum3A_80 : vector<8xf32> to vector<1x8xf32>
    %add3A_82 = arith.addf %add3A_66, %broadcast_in_dim3A_81 : vector<1x8xf32>
    %slice3A_83 = vector.extract_strided_slice %get3A_1 {offsets = [512, 1], sizes = [512, 1], strides = [1, 1]} : vector<2048x2xi32> to vector<512x1xi32>
    %eq3A_84 = vector.broadcast %slice3A_83 : vector<512x1xi32> to vector<512x8xi32>
    %eq3A_85 = vector.broadcast %iota3A : vector<1x8xi32> to vector<512x8xi32>
    %eq3A_86 = arith.cmpi eq, %eq3A_84, %eq3A_85 : vector<512x8xi32>
    %convert_element_type3A_87 = arith.extui %eq3A_86 : vector<512x8xi1> to vector<512x8xi32>
    %convert_element_type3A_88 = arith.sitofp %convert_element_type3A_87 : vector<512x8xi32> to vector<512x8xf32>
    %convert_element_type3A_89 = arith.truncf %convert_element_type3A_88 : vector<512x8xf32> to vector<512x8xbf16>
    %dot_general3A_90 = arith.constant dense<0.000000e+00> : vector<512x8xf32>
    %dot_general3A_91 = tpu.matmul %convert_element_type3A, %convert_element_type3A_89, %dot_general3A_90 {dimension_numbers = #tpu.dot_dimension_numbers<[1], [0], [0], [1], [0, 0, 1, 1], [], []>, transpose_lhs_hint = false} : vector<512x512xbf16>, vector<512x8xbf16>, vector<512x8xf32> -> vector<512x8xf32>
    %add3A_92 = vector.broadcast %add3A_82 : vector<1x8xf32> to vector<512x8xf32>
    %add3A_93 = arith.addf %dot_general3A_91, %add3A_92 : vector<512x8xf32>
    %convert_element_type3A_94 = arith.extf %convert_element_type3A_89 : vector<512x8xbf16> to vector<512x8xf32>
    %reduce_sum3A_95 = arith.constant dense<0.000000e+00> : vector<8xf32>
    %reduce_sum3A_96 = vector.multi_reduction <add>, %convert_element_type3A_94, %reduce_sum3A_95 [0] : vector<512x8xf32> to vector<8xf32>
    %broadcast_in_dim3A_97 = vector.shape_cast %reduce_sum3A_96 : vector<8xf32> to vector<1x8xf32>
    %add3A_98 = arith.addf %add3A_82, %broadcast_in_dim3A_97 : vector<1x8xf32>
    %slice3A_99 = vector.extract_strided_slice %get3A_1 {offsets = [1024, 1], sizes = [512, 1], strides = [1, 1]} : vector<2048x2xi32> to vector<512x1xi32>
    %eq3A_100 = vector.broadcast %slice3A_99 : vector<512x1xi32> to vector<512x8xi32>
    %eq3A_101 = vector.broadcast %iota3A : vector<1x8xi32> to vector<512x8xi32>
    %eq3A_102 = arith.cmpi eq, %eq3A_100, %eq3A_101 : vector<512x8xi32>
    %convert_element_type3A_103 = arith.extui %eq3A_102 : vector<512x8xi1> to vector<512x8xi32>
    %convert_element_type3A_104 = arith.sitofp %convert_element_type3A_103 : vector<512x8xi32> to vector<512x8xf32>
    %convert_element_type3A_105 = arith.truncf %convert_element_type3A_104 : vector<512x8xf32> to vector<512x8xbf16>
    %dot_general3A_106 = arith.constant dense<0.000000e+00> : vector<512x8xf32>
    %dot_general3A_107 = tpu.matmul %convert_element_type3A, %convert_element_type3A_105, %dot_general3A_106 {dimension_numbers = #tpu.dot_dimension_numbers<[1], [0], [0], [1], [0, 0, 1, 1], [], []>, transpose_lhs_hint = false} : vector<512x512xbf16>, vector<512x8xbf16>, vector<512x8xf32> -> vector<512x8xf32>
    %add3A_108 = vector.broadcast %add3A_98 : vector<1x8xf32> to vector<512x8xf32>
    %add3A_109 = arith.addf %dot_general3A_107, %add3A_108 : vector<512x8xf32>
    %convert_element_type3A_110 = arith.extf %convert_element_type3A_105 : vector<512x8xbf16> to vector<512x8xf32>
    %reduce_sum3A_111 = arith.constant dense<0.000000e+00> : vector<8xf32>
    %reduce_sum3A_112 = vector.multi_reduction <add>, %convert_element_type3A_110, %reduce_sum3A_111 [0] : vector<512x8xf32> to vector<8xf32>
    %broadcast_in_dim3A_113 = vector.shape_cast %reduce_sum3A_112 : vector<8xf32> to vector<1x8xf32>
    %add3A_114 = arith.addf %add3A_98, %broadcast_in_dim3A_113 : vector<1x8xf32>
    %slice3A_115 = vector.extract_strided_slice %get3A_1 {offsets = [1536, 1], sizes = [512, 1], strides = [1, 1]} : vector<2048x2xi32> to vector<512x1xi32>
    %eq3A_116 = vector.broadcast %slice3A_115 : vector<512x1xi32> to vector<512x8xi32>
    %eq3A_117 = vector.broadcast %iota3A : vector<1x8xi32> to vector<512x8xi32>
    %eq3A_118 = arith.cmpi eq, %eq3A_116, %eq3A_117 : vector<512x8xi32>
    %convert_element_type3A_119 = arith.extui %eq3A_118 : vector<512x8xi1> to vector<512x8xi32>
    %convert_element_type3A_120 = arith.sitofp %convert_element_type3A_119 : vector<512x8xi32> to vector<512x8xf32>
    %convert_element_type3A_121 = arith.truncf %convert_element_type3A_120 : vector<512x8xf32> to vector<512x8xbf16>
    %dot_general3A_122 = arith.constant dense<0.000000e+00> : vector<512x8xf32>
    %dot_general3A_123 = tpu.matmul %convert_element_type3A, %convert_element_type3A_121, %dot_general3A_122 {dimension_numbers = #tpu.dot_dimension_numbers<[1], [0], [0], [1], [0, 0, 1, 1], [], []>, transpose_lhs_hint = false} : vector<512x512xbf16>, vector<512x8xbf16>, vector<512x8xf32> -> vector<512x8xf32>
    %add3A_124 = vector.broadcast %add3A_114 : vector<1x8xf32> to vector<512x8xf32>
    %add3A_125 = arith.addf %dot_general3A_123, %add3A_124 : vector<512x8xf32>
    %convert_element_type3A_126 = arith.extf %convert_element_type3A_121 : vector<512x8xbf16> to vector<512x8xf32>
    %reduce_sum3A_127 = arith.constant dense<0.000000e+00> : vector<8xf32>
    %reduce_sum3A_128 = vector.multi_reduction <add>, %convert_element_type3A_126, %reduce_sum3A_127 [0] : vector<512x8xf32> to vector<8xf32>
    %broadcast_in_dim3A_129 = vector.shape_cast %reduce_sum3A_128 : vector<8xf32> to vector<1x8xf32>
    %add3A_130 = arith.addf %add3A_114, %broadcast_in_dim3A_129 : vector<1x8xf32>
    %div3A = arith.constant 5.120000e+02 : f32
    %div3A_131 = vector.broadcast %div3A : f32 to vector<1x8xf32>
    %div3A_132 = arith.divf %add3A_130, %div3A_131 : vector<1x8xf32>
    %ceil3A = math.ceil %div3A_132 : vector<1x8xf32>
    %iota3A_133 = tpu.iota {dimensions = array<i32: 0>} : vector<8x8xi32>
    %iota3A_134 = tpu.iota {dimensions = array<i32: 1>} : vector<8x8xi32>
    %lt3A_135 = arith.cmpi slt, %iota3A_133, %iota3A_134 : vector<8x8xi32>
    %jit3A_136 = arith.constant 1.000000e+00 : f32
    %jit3A_137 = arith.constant 0.000000e+00 : f32
    %broadcast_in_dim3A_138 = vector.broadcast %jit3A_136 : f32 to vector<8x8xf32>
    %broadcast_in_dim3A_139 = vector.broadcast %jit3A_137 : f32 to vector<8x8xf32>
    %select_n3A_140 = arith.select %lt3A_135, %broadcast_in_dim3A_138, %broadcast_in_dim3A_139 : vector<8x8xi1>, vector<8x8xf32>
    %convert_element_type3A_141 = arith.truncf %select_n3A_140 : vector<8x8xf32> to vector<8x8xbf16>
    %convert_element_type3A_142 = arith.truncf %ceil3A : vector<1x8xf32> to vector<1x8xbf16>
    %dot_general3A_143 = arith.constant dense<0.000000e+00> : vector<1x8xf32>
    %dot_general3A_144 = tpu.matmul %convert_element_type3A_142, %convert_element_type3A_141, %dot_general3A_143 {dimension_numbers = #tpu.dot_dimension_numbers<[1], [0], [0], [1], [0, 0, 1, 1], [], []>, transpose_lhs_hint = false} : vector<1x8xbf16>, vector<8x8xbf16>, vector<1x8xf32> -> vector<1x8xf32>
    %mul3A = arith.constant 5.120000e+02 : f32
    %mul3A_145 = vector.broadcast %mul3A : f32 to vector<1x8xf32>
    %mul3A_146 = arith.mulf %dot_general3A_144, %mul3A_145 : vector<1x8xf32>
    %add3A_147 = vector.broadcast %mul3A_146 : vector<1x8xf32> to vector<512x8xf32>
    %add3A_148 = arith.addf %add3A_147, %add3A_14 : vector<512x8xf32>
    %jit3A_149 = arith.constant 0.000000e+00 : f32
    %broadcast_in_dim3A_150 = vector.broadcast %jit3A_149 : f32 to vector<512x8xf32>
    %select_n3A_151 = arith.select %eq3A_9, %add3A_148, %broadcast_in_dim3A_150 : vector<512x8xi1>, vector<512x8xf32>
    %reduce_sum3A_152 = arith.constant dense<0.000000e+00> : vector<512xf32>
    %reduce_sum3A_153 = vector.multi_reduction <add>, %select_n3A_151, %reduce_sum3A_152 [1] : vector<512x8xf32> to vector<512xf32>
    %convert_element_type3A_154 = arith.fptosi %reduce_sum3A_153 : vector<512xf32> to vector<512xi32>
    %swap3A = arith.constant 0 : index
    %swap3A_155 = arith.constant 0 : index
    %swap3A_156 = vector.load %arg1[%swap3A, %swap3A_155] : memref<8x512xi32, #tpu.memory_space<vmem>>, vector<1x512xi32>
    %swap3A_157 = vector.shape_cast %swap3A_156 : vector<1x512xi32> to vector<512xi32>
    %swap3A_158 = vector.shape_cast %convert_element_type3A_154 : vector<512xi32> to vector<1x512xi32>
    tpu.vector_store %arg1[%swap3A, %swap3A_155], %swap3A_158 {strides = array<i32>} : memref<8x512xi32, #tpu.memory_space<vmem>>, vector<1x512xi32>,
    %add3A_159 = vector.broadcast %mul3A_146 : vector<1x8xf32> to vector<512x8xf32>
    %add3A_160 = arith.addf %add3A_159, %add3A_29 : vector<512x8xf32>
    %jit3A_161 = arith.constant 0.000000e+00 : f32
    %broadcast_in_dim3A_162 = vector.broadcast %jit3A_161 : f32 to vector<512x8xf32>
    %select_n3A_163 = arith.select %eq3A_22, %add3A_160, %broadcast_in_dim3A_162 : vector<512x8xi1>, vector<512x8xf32>
    %reduce_sum3A_164 = arith.constant dense<0.000000e+00> : vector<512xf32>
    %reduce_sum3A_165 = vector.multi_reduction <add>, %select_n3A_163, %reduce_sum3A_164 [1] : vector<512x8xf32> to vector<512xf32>
    %convert_element_type3A_166 = arith.fptosi %reduce_sum3A_165 : vector<512xf32> to vector<512xi32>
    %swap3A_167 = arith.constant 1 : index
    %swap3A_168 = arith.constant 0 : index
    %swap3A_169 = vector.load %arg1[%swap3A_167, %swap3A_168] : memref<8x512xi32, #tpu.memory_space<vmem>>, vector<1x512xi32>
    %swap3A_170 = vector.shape_cast %swap3A_169 : vector<1x512xi32> to vector<512xi32>
    %swap3A_171 = vector.shape_cast %convert_element_type3A_166 : vector<512xi32> to vector<1x512xi32>
    tpu.vector_store %arg1[%swap3A_167, %swap3A_168], %swap3A_171 {strides = array<i32>} : memref<8x512xi32, #tpu.memory_space<vmem>>, vector<1x512xi32>,
    %add3A_172 = vector.broadcast %mul3A_146 : vector<1x8xf32> to vector<512x8xf32>
    %add3A_173 = arith.addf %add3A_172, %add3A_45 : vector<512x8xf32>
    %jit3A_174 = arith.constant 0.000000e+00 : f32
    %broadcast_in_dim3A_175 = vector.broadcast %jit3A_174 : f32 to vector<512x8xf32>
    %select_n3A_176 = arith.select %eq3A_38, %add3A_173, %broadcast_in_dim3A_175 : vector<512x8xi1>, vector<512x8xf32>
    %reduce_sum3A_177 = arith.constant dense<0.000000e+00> : vector<512xf32>
    %reduce_sum3A_178 = vector.multi_reduction <add>, %select_n3A_176, %reduce_sum3A_177 [1] : vector<512x8xf32> to vector<512xf32>
    %convert_element_type3A_179 = arith.fptosi %reduce_sum3A_178 : vector<512xf32> to vector<512xi32>
    %swap3A_180 = arith.constant 2 : index
    %swap3A_181 = arith.constant 0 : index
    %swap3A_182 = vector.load %arg1[%swap3A_180, %swap3A_181] : memref<8x512xi32, #tpu.memory_space<vmem>>, vector<1x512xi32>
    %swap3A_183 = vector.shape_cast %swap3A_182 : vector<1x512xi32> to vector<512xi32>
    %swap3A_184 = vector.shape_cast %convert_element_type3A_179 : vector<512xi32> to vector<1x512xi32>
    tpu.vector_store %arg1[%swap3A_180, %swap3A_181], %swap3A_184 {strides = array<i32>} : memref<8x512xi32, #tpu.memory_space<vmem>>, vector<1x512xi32>,
    %add3A_185 = vector.broadcast %mul3A_146 : vector<1x8xf32> to vector<512x8xf32>
    %add3A_186 = arith.addf %add3A_185, %add3A_61 : vector<512x8xf32>
    %jit3A_187 = arith.constant 0.000000e+00 : f32
    %broadcast_in_dim3A_188 = vector.broadcast %jit3A_187 : f32 to vector<512x8xf32>
    %select_n3A_189 = arith.select %eq3A_54, %add3A_186, %broadcast_in_dim3A_188 : vector<512x8xi1>, vector<512x8xf32>
    %reduce_sum3A_190 = arith.constant dense<0.000000e+00> : vector<512xf32>
    %reduce_sum3A_191 = vector.multi_reduction <add>, %select_n3A_189, %reduce_sum3A_190 [1] : vector<512x8xf32> to vector<512xf32>
    %convert_element_type3A_192 = arith.fptosi %reduce_sum3A_191 : vector<512xf32> to vector<512xi32>
    %swap3A_193 = arith.constant 3 : index
    %swap3A_194 = arith.constant 0 : index
    %swap3A_195 = vector.load %arg1[%swap3A_193, %swap3A_194] : memref<8x512xi32, #tpu.memory_space<vmem>>, vector<1x512xi32>
    %swap3A_196 = vector.shape_cast %swap3A_195 : vector<1x512xi32> to vector<512xi32>
    %swap3A_197 = vector.shape_cast %convert_element_type3A_192 : vector<512xi32> to vector<1x512xi32>
    tpu.vector_store %arg1[%swap3A_193, %swap3A_194], %swap3A_197 {strides = array<i32>} : memref<8x512xi32, #tpu.memory_space<vmem>>, vector<1x512xi32>,
    %add3A_198 = vector.broadcast %mul3A_146 : vector<1x8xf32> to vector<512x8xf32>
    %add3A_199 = arith.addf %add3A_198, %add3A_77 : vector<512x8xf32>
    %jit3A_200 = arith.constant 0.000000e+00 : f32
    %broadcast_in_dim3A_201 = vector.broadcast %jit3A_200 : f32 to vector<512x8xf32>
    %select_n3A_202 = arith.select %eq3A_70, %add3A_199, %broadcast_in_dim3A_201 : vector<512x8xi1>, vector<512x8xf32>
    %reduce_sum3A_203 = arith.constant dense<0.000000e+00> : vector<512xf32>
    %reduce_sum3A_204 = vector.multi_reduction <add>, %select_n3A_202, %reduce_sum3A_203 [1] : vector<512x8xf32> to vector<512xf32>
    %convert_element_type3A_205 = arith.fptosi %reduce_sum3A_204 : vector<512xf32> to vector<512xi32>
    %swap3A_206 = arith.constant 4 : index
    %swap3A_207 = arith.constant 0 : index
    %swap3A_208 = vector.load %arg1[%swap3A_206, %swap3A_207] : memref<8x512xi32, #tpu.memory_space<vmem>>, vector<1x512xi32>
    %swap3A_209 = vector.shape_cast %swap3A_208 : vector<1x512xi32> to vector<512xi32>
    %swap3A_210 = vector.shape_cast %convert_element_type3A_205 : vector<512xi32> to vector<1x512xi32>
    tpu.vector_store %arg1[%swap3A_206, %swap3A_207], %swap3A_210 {strides = array<i32>} : memref<8x512xi32, #tpu.memory_space<vmem>>, vector<1x512xi32>,
    %add3A_211 = vector.broadcast %mul3A_146 : vector<1x8xf32> to vector<512x8xf32>
    %add3A_212 = arith.addf %add3A_211, %add3A_93 : vector<512x8xf32>
    %jit3A_213 = arith.constant 0.000000e+00 : f32
    %broadcast_in_dim3A_214 = vector.broadcast %jit3A_213 : f32 to vector<512x8xf32>
    %select_n3A_215 = arith.select %eq3A_86, %add3A_212, %broadcast_in_dim3A_214 : vector<512x8xi1>, vector<512x8xf32>
    %reduce_sum3A_216 = arith.constant dense<0.000000e+00> : vector<512xf32>
    %reduce_sum3A_217 = vector.multi_reduction <add>, %select_n3A_215, %reduce_sum3A_216 [1] : vector<512x8xf32> to vector<512xf32>
    %convert_element_type3A_218 = arith.fptosi %reduce_sum3A_217 : vector<512xf32> to vector<512xi32>
    %swap3A_219 = arith.constant 5 : index
    %swap3A_220 = arith.constant 0 : index
    %swap3A_221 = vector.load %arg1[%swap3A_219, %swap3A_220] : memref<8x512xi32, #tpu.memory_space<vmem>>, vector<1x512xi32>
    %swap3A_222 = vector.shape_cast %swap3A_221 : vector<1x512xi32> to vector<512xi32>
    %swap3A_223 = vector.shape_cast %convert_element_type3A_218 : vector<512xi32> to vector<1x512xi32>
    tpu.vector_store %arg1[%swap3A_219, %swap3A_220], %swap3A_223 {strides = array<i32>} : memref<8x512xi32, #tpu.memory_space<vmem>>, vector<1x512xi32>,
    %add3A_224 = vector.broadcast %mul3A_146 : vector<1x8xf32> to vector<512x8xf32>
    %add3A_225 = arith.addf %add3A_224, %add3A_109 : vector<512x8xf32>
    %jit3A_226 = arith.constant 0.000000e+00 : f32
    %broadcast_in_dim3A_227 = vector.broadcast %jit3A_226 : f32 to vector<512x8xf32>
    %select_n3A_228 = arith.select %eq3A_102, %add3A_225, %broadcast_in_dim3A_227 : vector<512x8xi1>, vector<512x8xf32>
    %reduce_sum3A_229 = arith.constant dense<0.000000e+00> : vector<512xf32>
    %reduce_sum3A_230 = vector.multi_reduction <add>, %select_n3A_228, %reduce_sum3A_229 [1] : vector<512x8xf32> to vector<512xf32>
    %convert_element_type3A_231 = arith.fptosi %reduce_sum3A_230 : vector<512xf32> to vector<512xi32>
    %swap3A_232 = arith.constant 6 : index
    %swap3A_233 = arith.constant 0 : index
    %swap3A_234 = vector.load %arg1[%swap3A_232, %swap3A_233] : memref<8x512xi32, #tpu.memory_space<vmem>>, vector<1x512xi32>
    %swap3A_235 = vector.shape_cast %swap3A_234 : vector<1x512xi32> to vector<512xi32>
    %swap3A_236 = vector.shape_cast %convert_element_type3A_231 : vector<512xi32> to vector<1x512xi32>
    tpu.vector_store %arg1[%swap3A_232, %swap3A_233], %swap3A_236 {strides = array<i32>} : memref<8x512xi32, #tpu.memory_space<vmem>>, vector<1x512xi32>,
    %add3A_237 = vector.broadcast %mul3A_146 : vector<1x8xf32> to vector<512x8xf32>
    %add3A_238 = arith.addf %add3A_237, %add3A_125 : vector<512x8xf32>
    %jit3A_239 = arith.constant 0.000000e+00 : f32
    %broadcast_in_dim3A_240 = vector.broadcast %jit3A_239 : f32 to vector<512x8xf32>
    %select_n3A_241 = arith.select %eq3A_118, %add3A_238, %broadcast_in_dim3A_240 : vector<512x8xi1>, vector<512x8xf32>
    %reduce_sum3A_242 = arith.constant dense<0.000000e+00> : vector<512xf32>
    %reduce_sum3A_243 = vector.multi_reduction <add>, %select_n3A_241, %reduce_sum3A_242 [1] : vector<512x8xf32> to vector<512xf32>
    %convert_element_type3A_244 = arith.fptosi %reduce_sum3A_243 : vector<512xf32> to vector<512xi32>
    %swap3A_245 = arith.constant 7 : index
    %swap3A_246 = arith.constant 0 : index
    %swap3A_247 = vector.load %arg1[%swap3A_245, %swap3A_246] : memref<8x512xi32, #tpu.memory_space<vmem>>, vector<1x512xi32>
    %swap3A_248 = vector.shape_cast %swap3A_247 : vector<1x512xi32> to vector<512xi32>
    %swap3A_249 = vector.shape_cast %convert_element_type3A_244 : vector<512xi32> to vector<1x512xi32>
    tpu.vector_store %arg1[%swap3A_245, %swap3A_246], %swap3A_249 {strides = array<i32>} : memref<8x512xi32, #tpu.memory_space<vmem>>, vector<1x512xi32>,
    %iota3A_250 = tpu.iota {dimensions = array<i32: 0>} : vector<15x1xi32>
    %convert_element_type3A_251 = arith.sitofp %iota3A_250 : vector<15x1xi32> to vector<15x1xf32>
    %le3A = vector.broadcast %dot_general3A_144 : vector<1x8xf32> to vector<15x8xf32>
    %le3A_252 = vector.broadcast %convert_element_type3A_251 : vector<15x1xf32> to vector<15x8xf32>
    %le3A_253 = arith.cmpf ole, %le3A, %le3A_252 : vector<15x8xf32>
    %convert_element_type3A_254 = arith.extui %le3A_253 : vector<15x8xi1> to vector<15x8xi32>
    %reduce_sum3A_255 = arith.constant dense<0> : vector<15xi32>
    %reduce_sum3A_256 = vector.multi_reduction <add>, %convert_element_type3A_254, %reduce_sum3A_255 [1] : vector<15x8xi32> to vector<15xi32>
    %sub3A = arith.constant 1 : i32
    %sub3A_257 = vector.broadcast %sub3A : i32 to vector<15xi32>
    %sub3A_258 = arith.subi %reduce_sum3A_256, %sub3A_257 : vector<15xi32>
    %swap3A_259 = arith.constant 0 : index
    %swap3A_260 = arith.constant 0 : index
    %swap3A_261 = vector.load %arg2[%swap3A_259, %swap3A_260] : memref<1x15xi32, #tpu.memory_space<vmem>>, vector<1x15xi32>
    %swap3A_262 = vector.shape_cast %swap3A_261 : vector<1x15xi32> to vector<15xi32>
    %swap3A_263 = vector.shape_cast %sub3A_258 : vector<15xi32> to vector<1x15xi32>
    tpu.vector_store %arg2[%swap3A_259, %swap3A_260], %swap3A_263 {strides = array<i32>} : memref<1x15xi32, #tpu.memory_space<vmem>>, vector<1x15xi32>,
    %reduce_sum3A_264 = vector.shape_cast %ceil3A : vector<1x8xf32> to vector<1x1x8xf32>
    %reduce_sum3A_265 = arith.constant dense<0.000000e+00> : vector<1xf32>
    %reduce_sum3A_266 = vector.multi_reduction <add>, %reduce_sum3A_264, %reduce_sum3A_265 [1, 2] : vector<1x1x8xf32> to vector<1xf32>
    %reduce_sum3A_267 = vector.shape_cast %reduce_sum3A_266 : vector<1xf32> to vector<1x1x1xf32>
    %reduce_sum3A_268 = vector.extract %reduce_sum3A_267[0, 0, 0] : f32 from vector<1x1x1xf32>
    %convert_element_type3A_269 = arith.fptosi %reduce_sum3A_268 : f32 to i32
    %reshape3A = vector.broadcast %convert_element_type3A_269 : i32 to vector<1x1xi32>
    %swap3A_270 = arith.constant 0 : index
    %swap3A_271 = arith.constant 0 : index
    %swap3A_272 = vector.load %arg3[%swap3A_270, %swap3A_271] : memref<1x1xi32, #tpu.memory_space<vmem>>, vector<1x1xi32>
    tpu.vector_store %arg3[%swap3A_270, %swap3A_271], %reshape3A {strides = array<i32>} : memref<1x1xi32, #tpu.memory_space<vmem>>, vector<1x1xi32>,
    return
  }
}

module attributes {stable_mosaic.version = 14 : i64} {
  func.func @_mm_body(%arg0: i32, %arg1: memref<1x15xi32, #tpu.memory_space<smem>>, %arg2: memref<1x1xi32, #tpu.memory_space<smem>>, %arg3: memref<512x384xf32, #tpu.memory_space<vmem>>, %arg4: memref<512x384xf32, #tpu.memory_space<vmem>>, %arg5: memref<1x1536x384xf32, #tpu.memory_space<vmem>>, %arg6: memref<1x1536x384xf32, #tpu.memory_space<vmem>>, %arg7: memref<1x768x768xf32, #tpu.memory_space<vmem>>, %arg8: memref<512x384xf32, #tpu.memory_space<vmem>>, %arg9: memref<512x384xf32, #tpu.memory_space<vmem>>) attributes {dimension_semantics = [#tpu.dimension_semantics<arbitrary>], iteration_bounds = array<i64: 15>, scalar_prefetch = 2 : i64, scratch_operands = 0 : i64, tpu.core_type = #tpu.core_type<tc>, window_params = [{transform_indices = @transform_0, window_bounds = array<i64: 512, 384>}, {transform_indices = @transform_1, window_bounds = array<i64: 512, 384>}, {transform_indices = @transform_2, window_bounds = array<i64: 1, 1536, 384>}, {transform_indices = @transform_3, window_bounds = array<i64: 1, 1536, 384>}, {transform_indices = @transform_4, window_bounds = array<i64: 1, 768, 768>}, {transform_indices = @transform_5, window_bounds = array<i64: 512, 384>}, {transform_indices = @transform_6, window_bounds = array<i64: 512, 384>}]} {
    %get3A = arith.constant 0 : index
    %get3A_0 = arith.constant 0 : index
    %get3A_1 = memref.load %arg2[%get3A, %get3A_0] : memref<1x1xi32, #tpu.memory_space<smem>>
    %lt3A = arith.cmpi slt, %arg0, %get3A_1 : i32
    %convert_element_type3A = arith.extui %lt3A : i1 to i32
    %cond3A = arith.constant 0 : i32
    %cond3A_2 = arith.cmpi ne, %convert_element_type3A, %cond3A : i32
    scf.if %cond3A_2 {
      %get3A_3 = arith.constant 0 : index
      %get3A_4 = arith.constant 0 : index
      %get3A_5 = vector.load %arg3[%get3A_3, %get3A_4] : memref<512x384xf32, #tpu.memory_space<vmem>>, vector<512x384xf32>
      %get3A_6 = arith.constant 0 : index
      %get3A_7 = arith.constant 0 : index
      %get3A_8 = vector.load %arg4[%get3A_6, %get3A_7] : memref<512x384xf32, #tpu.memory_space<vmem>>, vector<512x384xf32>
      %get3A_9 = arith.constant 0 : index
      %get3A_10 = arith.constant 0 : index
      %get3A_11 = arith.constant 0 : index
      %get3A_12 = vector.load %arg5[%get3A_9, %get3A_10, %get3A_11] : memref<1x1536x384xf32, #tpu.memory_space<vmem>>, vector<1x1536x384xf32>
      %get3A_13 = vector.shape_cast %get3A_12 : vector<1x1536x384xf32> to vector<1536x384xf32>
      %get3A_14 = arith.constant 0 : index
      %get3A_15 = arith.constant 0 : index
      %get3A_16 = arith.constant 0 : index
      %get3A_17 = vector.load %arg6[%get3A_14, %get3A_15, %get3A_16] : memref<1x1536x384xf32, #tpu.memory_space<vmem>>, vector<1x1536x384xf32>
      %get3A_18 = vector.shape_cast %get3A_17 : vector<1x1536x384xf32> to vector<1536x384xf32>
      %dot_general3A = arith.constant dense<0.000000e+00> : vector<512x1536xf32>
      %dot_general3A_19 = tpu.matmul %get3A_5, %get3A_13, %dot_general3A {dimension_numbers = #tpu.dot_dimension_numbers<[1], [1], [0], [0], [0, 0, 1, 0], [], []>, transpose_lhs_hint = false} : vector<512x384xf32>, vector<1536x384xf32>, vector<512x1536xf32> -> vector<512x1536xf32>
      %dot_general3A_20 = arith.constant dense<0.000000e+00> : vector<512x1536xf32>
      %dot_general3A_21 = tpu.matmul %get3A_8, %get3A_18, %dot_general3A_20 {dimension_numbers = #tpu.dot_dimension_numbers<[1], [1], [0], [0], [0, 0, 1, 0], [], []>, transpose_lhs_hint = false} : vector<512x384xf32>, vector<1536x384xf32>, vector<512x1536xf32> -> vector<512x1536xf32>
      %add3A = arith.addf %dot_general3A_19, %dot_general3A_21 : vector<512x1536xf32>
      %slice3A = vector.extract_strided_slice %add3A {offsets = [0, 0], sizes = [512, 768], strides = [1, 1]} : vector<512x1536xf32> to vector<512x768xf32>
      %slice3A_22 = vector.extract_strided_slice %add3A {offsets = [0, 768], sizes = [512, 768], strides = [1, 1]} : vector<512x1536xf32> to vector<512x768xf32>
      %logistic3A = arith.negf %slice3A : vector<512x768xf32>
      %logistic3A_23 = math.exp %logistic3A : vector<512x768xf32>
      %logistic3A_24 = arith.constant 1.000000e+00 : f32
      %logistic3A_25 = vector.broadcast %logistic3A_24 : f32 to vector<512x768xf32>
      %logistic3A_26 = arith.addf %logistic3A_25, %logistic3A_23 : vector<512x768xf32>
      %logistic3A_27 = arith.divf %logistic3A_25, %logistic3A_26 : vector<512x768xf32>
      %mul3A = arith.mulf %logistic3A_27, %slice3A : vector<512x768xf32>
      %mul3A_28 = arith.mulf %mul3A, %slice3A_22 : vector<512x768xf32>
      %get3A_29 = arith.constant 0 : index
      %get3A_30 = arith.constant 0 : index
      %get3A_31 = arith.constant 0 : index
      %get3A_32 = vector.load %arg7[%get3A_29, %get3A_30, %get3A_31] : memref<1x768x768xf32, #tpu.memory_space<vmem>>, vector<1x768x768xf32>
      %get3A_33 = vector.shape_cast %get3A_32 : vector<1x768x768xf32> to vector<768x768xf32>
      %dot_general3A_34 = arith.constant dense<0.000000e+00> : vector<512x768xf32>
      %dot_general3A_35 = tpu.matmul %mul3A_28, %get3A_33, %dot_general3A_34 {dimension_numbers = #tpu.dot_dimension_numbers<[1], [1], [0], [0], [0, 0, 1, 0], [], []>, transpose_lhs_hint = false} : vector<512x768xf32>, vector<768x768xf32>, vector<512x768xf32> -> vector<512x768xf32>
      %slice3A_36 = vector.extract_strided_slice %dot_general3A_35 {offsets = [0, 0], sizes = [512, 384], strides = [1, 1]} : vector<512x768xf32> to vector<512x384xf32>
      %swap3A = arith.constant 0 : index
      %swap3A_37 = arith.constant 0 : index
      %swap3A_38 = vector.load %arg8[%swap3A, %swap3A_37] : memref<512x384xf32, #tpu.memory_space<vmem>>, vector<512x384xf32>
      tpu.vector_store %arg8[%swap3A, %swap3A_37], %slice3A_36 {strides = array<i32>} : memref<512x384xf32, #tpu.memory_space<vmem>>, vector<512x384xf32>,
      %slice3A_39 = vector.extract_strided_slice %dot_general3A_35 {offsets = [0, 384], sizes = [512, 384], strides = [1, 1]} : vector<512x768xf32> to vector<512x384xf32>
      %swap3A_40 = arith.constant 0 : index
      %swap3A_41 = arith.constant 0 : index
      %swap3A_42 = vector.load %arg9[%swap3A_40, %swap3A_41] : memref<512x384xf32, #tpu.memory_space<vmem>>, vector<512x384xf32>
      tpu.vector_store %arg9[%swap3A_40, %swap3A_41], %slice3A_39 {strides = array<i32>} : memref<512x384xf32, #tpu.memory_space<vmem>>, vector<512x384xf32>,
    } else {
    }
    return
  }
  func.func @transform_0(%arg0: i32, %arg1: memref<1x15xi32, #tpu.memory_space<smem>>, %arg2: memref<1x1xi32, #tpu.memory_space<smem>>) -> (i32, i32) {
    %get3A = arith.constant 0 : index
    %get3A_0 = arith.constant 0 : index
    %get3A_1 = memref.load %arg2[%get3A, %get3A_0] : memref<1x1xi32, #tpu.memory_space<smem>>
    %sub3A = arith.constant 1 : i32
    %sub3A_2 = arith.subi %get3A_1, %sub3A : i32
    %min3A = arith.minsi %arg0, %sub3A_2 : i32
    %c0_i32 = arith.constant 0 : i32
    %c0_i32_3 = arith.constant 0 : i32
    return %min3A, %c0_i32 : i32, i32
  }
  func.func @transform_1(%arg0: i32, %arg1: memref<1x15xi32, #tpu.memory_space<smem>>, %arg2: memref<1x1xi32, #tpu.memory_space<smem>>) -> (i32, i32) {
    %get3A = arith.constant 0 : index
    %get3A_0 = arith.constant 0 : index
    %get3A_1 = memref.load %arg2[%get3A, %get3A_0] : memref<1x1xi32, #tpu.memory_space<smem>>
    %sub3A = arith.constant 1 : i32
    %sub3A_2 = arith.subi %get3A_1, %sub3A : i32
    %min3A = arith.minsi %arg0, %sub3A_2 : i32
    %c0_i32 = arith.constant 0 : i32
    %c0_i32_3 = arith.constant 0 : i32
    return %min3A, %c0_i32 : i32, i32
  }
  func.func @transform_2(%arg0: i32, %arg1: memref<1x15xi32, #tpu.memory_space<smem>>, %arg2: memref<1x1xi32, #tpu.memory_space<smem>>) -> (i32, i32, i32) {
    %get3A = arith.constant 0 : index
    %get3A_0 = arith.constant 0 : index
    %get3A_1 = memref.load %arg2[%get3A, %get3A_0] : memref<1x1xi32, #tpu.memory_space<smem>>
    %sub3A = arith.constant 1 : i32
    %sub3A_2 = arith.subi %get3A_1, %sub3A : i32
    %min3A = arith.minsi %arg0, %sub3A_2 : i32
    %get3A_3 = arith.constant 0 : index
    %get3A_4 = arith.index_cast %min3A : i32 to index
    %get3A_5 = memref.load %arg1[%get3A_3, %get3A_4] : memref<1x15xi32, #tpu.memory_space<smem>>
    %c0_i32 = arith.constant 0 : i32
    %c0_i32_6 = arith.constant 0 : i32
    %c0_i32_7 = arith.constant 0 : i32
    return %get3A_5, %c0_i32, %c0_i32_6 : i32, i32, i32
  }
  func.func @transform_3(%arg0: i32, %arg1: memref<1x15xi32, #tpu.memory_space<smem>>, %arg2: memref<1x1xi32, #tpu.memory_space<smem>>) -> (i32, i32, i32) {
    %get3A = arith.constant 0 : index
    %get3A_0 = arith.constant 0 : index
    %get3A_1 = memref.load %arg2[%get3A, %get3A_0] : memref<1x1xi32, #tpu.memory_space<smem>>
    %sub3A = arith.constant 1 : i32
    %sub3A_2 = arith.subi %get3A_1, %sub3A : i32
    %min3A = arith.minsi %arg0, %sub3A_2 : i32
    %get3A_3 = arith.constant 0 : index
    %get3A_4 = arith.index_cast %min3A : i32 to index
    %get3A_5 = memref.load %arg1[%get3A_3, %get3A_4] : memref<1x15xi32, #tpu.memory_space<smem>>
    %c0_i32 = arith.constant 0 : i32
    %c1_i32 = arith.constant 1 : i32
    %c0_i32_6 = arith.constant 0 : i32
    return %get3A_5, %c0_i32, %c1_i32 : i32, i32, i32
  }
  func.func @transform_4(%arg0: i32, %arg1: memref<1x15xi32, #tpu.memory_space<smem>>, %arg2: memref<1x1xi32, #tpu.memory_space<smem>>) -> (i32, i32, i32) {
    %get3A = arith.constant 0 : index
    %get3A_0 = arith.constant 0 : index
    %get3A_1 = memref.load %arg2[%get3A, %get3A_0] : memref<1x1xi32, #tpu.memory_space<smem>>
    %sub3A = arith.constant 1 : i32
    %sub3A_2 = arith.subi %get3A_1, %sub3A : i32
    %min3A = arith.minsi %arg0, %sub3A_2 : i32
    %get3A_3 = arith.constant 0 : index
    %get3A_4 = arith.index_cast %min3A : i32 to index
    %get3A_5 = memref.load %arg1[%get3A_3, %get3A_4] : memref<1x15xi32, #tpu.memory_space<smem>>
    %c0_i32 = arith.constant 0 : i32
    %c0_i32_6 = arith.constant 0 : i32
    %c0_i32_7 = arith.constant 0 : i32
    return %get3A_5, %c0_i32, %c0_i32_6 : i32, i32, i32
  }
  func.func @transform_5(%arg0: i32, %arg1: memref<1x15xi32, #tpu.memory_space<smem>>, %arg2: memref<1x1xi32, #tpu.memory_space<smem>>) -> (i32, i32) {
    %get3A = arith.constant 0 : index
    %get3A_0 = arith.constant 0 : index
    %get3A_1 = memref.load %arg2[%get3A, %get3A_0] : memref<1x1xi32, #tpu.memory_space<smem>>
    %sub3A = arith.constant 1 : i32
    %sub3A_2 = arith.subi %get3A_1, %sub3A : i32
    %min3A = arith.minsi %arg0, %sub3A_2 : i32
    %c0_i32 = arith.constant 0 : i32
    %c0_i32_3 = arith.constant 0 : i32
    return %min3A, %c0_i32 : i32, i32
  }
  func.func @transform_6(%arg0: i32, %arg1: memref<1x15xi32, #tpu.memory_space<smem>>, %arg2: memref<1x1xi32, #tpu.memory_space<smem>>) -> (i32, i32) {
    %get3A = arith.constant 0 : index
    %get3A_0 = arith.constant 0 : index
    %get3A_1 = memref.load %arg2[%get3A, %get3A_0] : memref<1x1xi32, #tpu.memory_space<smem>>
    %sub3A = arith.constant 1 : i32
    %sub3A_2 = arith.subi %get3A_1, %sub3A : i32
    %min3A = arith.minsi %arg0, %sub3A_2 : i32
    %c0_i32 = arith.constant 0 : i32
    %c0_i32_3 = arith.constant 0 : i32
    return %min3A, %c0_i32 : i32, i32
  }
}

module attributes {stable_mosaic.version = 14 : i64} {
  func.func @_fin_body(%arg0: i32, %arg1: memref<512x2xf32, #tpu.memory_space<vmem>>, %arg2: memref<512x384xf32, #tpu.memory_space<vmem>>, %arg3: memref<512x384xf32, #tpu.memory_space<vmem>>, %arg4: memref<512x384xf32, #tpu.memory_space<vmem>>, %arg5: memref<512x384xf32, #tpu.memory_space<vmem>>, %arg6: memref<512x768xf32, #tpu.memory_space<vmem>>) attributes {dimension_semantics = [#tpu.dimension_semantics<arbitrary>], iteration_bounds = array<i64: 4>, scalar_prefetch = 0 : i64, scratch_operands = 0 : i64, tpu.core_type = #tpu.core_type<tc>, window_params = [{transform_indices = @transform_0, window_bounds = array<i64: 512, 2>}, {transform_indices = @transform_1, window_bounds = array<i64: 512, 384>}, {transform_indices = @transform_2, window_bounds = array<i64: 512, 384>}, {transform_indices = @transform_3, window_bounds = array<i64: 512, 384>}, {transform_indices = @transform_4, window_bounds = array<i64: 512, 384>}, {transform_indices = @transform_5, window_bounds = array<i64: 512, 768>}]} {
    %get3A = arith.constant 0 : index
    %get3A_0 = arith.constant 0 : index
    %get3A_1 = vector.load %arg1[%get3A, %get3A_0] : memref<512x2xf32, #tpu.memory_space<vmem>>, vector<512x2xf32>
    %slice3A = vector.extract_strided_slice %get3A_1 {offsets = [0, 0], sizes = [512, 1], strides = [1, 1]} : vector<512x2xf32> to vector<512x1xf32>
    %slice3A_2 = vector.extract_strided_slice %get3A_1 {offsets = [0, 1], sizes = [512, 1], strides = [1, 1]} : vector<512x2xf32> to vector<512x1xf32>
    %get3A_3 = arith.constant 0 : index
    %get3A_4 = arith.constant 0 : index
    %get3A_5 = vector.load %arg2[%get3A_3, %get3A_4] : memref<512x384xf32, #tpu.memory_space<vmem>>, vector<512x384xf32>
    %mul3A = vector.broadcast %slice3A : vector<512x1xf32> to vector<512x384xf32>
    %mul3A_6 = arith.mulf %get3A_5, %mul3A : vector<512x384xf32>
    %get3A_7 = arith.constant 0 : index
    %get3A_8 = arith.constant 0 : index
    %get3A_9 = vector.load %arg3[%get3A_7, %get3A_8] : memref<512x384xf32, #tpu.memory_space<vmem>>, vector<512x384xf32>
    %mul3A_10 = vector.broadcast %slice3A_2 : vector<512x1xf32> to vector<512x384xf32>
    %mul3A_11 = arith.mulf %get3A_9, %mul3A_10 : vector<512x384xf32>
    %add3A = arith.addf %mul3A_6, %mul3A_11 : vector<512x384xf32>
    %swap3A = arith.constant 0 : index
    %swap3A_12 = arith.constant 0 : index
    %swap3A_13 = vector.load %arg6[%swap3A, %swap3A_12] : memref<512x768xf32, #tpu.memory_space<vmem>>, vector<512x384xf32>
    tpu.vector_store %arg6[%swap3A, %swap3A_12], %add3A {strides = array<i32>} : memref<512x768xf32, #tpu.memory_space<vmem>>, vector<512x384xf32>,
    %get3A_14 = arith.constant 0 : index
    %get3A_15 = arith.constant 0 : index
    %get3A_16 = vector.load %arg4[%get3A_14, %get3A_15] : memref<512x384xf32, #tpu.memory_space<vmem>>, vector<512x384xf32>
    %mul3A_17 = vector.broadcast %slice3A : vector<512x1xf32> to vector<512x384xf32>
    %mul3A_18 = arith.mulf %get3A_16, %mul3A_17 : vector<512x384xf32>
    %get3A_19 = arith.constant 0 : index
    %get3A_20 = arith.constant 0 : index
    %get3A_21 = vector.load %arg5[%get3A_19, %get3A_20] : memref<512x384xf32, #tpu.memory_space<vmem>>, vector<512x384xf32>
    %mul3A_22 = vector.broadcast %slice3A_2 : vector<512x1xf32> to vector<512x384xf32>
    %mul3A_23 = arith.mulf %get3A_21, %mul3A_22 : vector<512x384xf32>
    %add3A_24 = arith.addf %mul3A_18, %mul3A_23 : vector<512x384xf32>
    %swap3A_25 = arith.constant 0 : index
    %swap3A_26 = arith.constant 384 : index
    %swap3A_27 = vector.load %arg6[%swap3A_25, %swap3A_26] : memref<512x768xf32, #tpu.memory_space<vmem>>, vector<512x384xf32>
    tpu.vector_store %arg6[%swap3A_25, %swap3A_26], %add3A_24 {strides = array<i32>} : memref<512x768xf32, #tpu.memory_space<vmem>>, vector<512x384xf32>,
    return
  }
  func.func @transform_0(%arg0: i32) -> (i32, i32) {
    %c0_i32 = arith.constant 0 : i32
    %c0_i32_0 = arith.constant 0 : i32
    return %arg0, %c0_i32 : i32, i32
  }
  func.func @transform_1(%arg0: i32) -> (i32, i32) {
    %c0_i32 = arith.constant 0 : i32
    %c0_i32_0 = arith.constant 0 : i32
    return %arg0, %c0_i32 : i32, i32
  }
  func.func @transform_2(%arg0: i32) -> (i32, i32) {
    %add3A = arith.constant 4 : i32
    %add3A_0 = arith.addi %arg0, %add3A : i32
    %c0_i32 = arith.constant 0 : i32
    %c0_i32_1 = arith.constant 0 : i32
    return %add3A_0, %c0_i32 : i32, i32
  }
  func.func @transform_3(%arg0: i32) -> (i32, i32) {
    %c0_i32 = arith.constant 0 : i32
    %c0_i32_0 = arith.constant 0 : i32
    return %arg0, %c0_i32 : i32, i32
  }
  func.func @transform_4(%arg0: i32) -> (i32, i32) {
    %add3A = arith.constant 4 : i32
    %add3A_0 = arith.addi %arg0, %add3A : i32
    %c0_i32 = arith.constant 0 : i32
    %c0_i32_1 = arith.constant 0 : i32
    return %add3A_0, %c0_i32 : i32, i32
  }
  func.func @transform_5(%arg0: i32) -> (i32, i32) {
    %c0_i32 = arith.constant 0 : i32
    %c0_i32_0 = arith.constant 0 : i32
    return %arg0, %c0_i32 : i32, i32
  }
}

</mosaic_0001>

<sc_bundles>
// kernel: kernel.10.cloned.1.call-start
scs
__scs_entry_jumppad:
0x0: {  	(pc) =	sbr.rel $0x88, $3  }
0x1: {  	(tag) =	ssettag $0x0;
	lr =	simm.s32 $0x1  }
0x2: {  	[smem:$0x3F9C] =	sst lr;
	_ =	strace $0xD0000000  }
0x3: {  	_ = 	snop  }
0x4: {  	_ = 	snop  }
0x5: {  	_ = 	snop  }
0x6: {  	_ = 	snop  }
0x7: {  	_ = 	snop  }
__scs_overlays_trampoline_lowered:
0x8: {  	[smem:$0x3FAB] =	sst s0  }
0x9: {  	[smem:$0x3FAC] =	sst s1  }
0xa: {  	[smem:$0x3FAD] =	sst s2  }
0xb: {  	[smem:$0x3FAE] =	sst s3  }
0xc: {  	[smem:$0x3FAF] =	sst s4  }
0xd: {  	[smem:$0x3FB0] =	sst s5  }
0xe: {  	[smem:$0x3FB1] =	sst s6  }
0xf: {  	[smem:$0x3FB2] =	sst s7  }
0x10: {  	[smem:$0x3FB3] =	sst s8  }
0x11: {  	[smem:$0x3FB4] =	sst s9;
	s0 =	simm.s32 @!p0 $0x0  }
0x12: {  	s1 =	sld [smem:$0x3F9A];
	s0 =	simm.s32 @p0 $0x1  }
0x13: {  	[smem:$0x3FB5] =	sst s0;
	s0 =	simm.s32 @!p1 $0x0  }
0x14: {  	s2 =	sld [smem:$0x3F99];
	s0 =	simm.s32 @p1 $0x1  }
0x15: {  	[smem:$0x3FB6] =	sst s0;
	s0 =	simm.s32 @!p2 $0x0  }
0x16: {  	s3 =	sld [smem:$0x3FDB];
	s0 =	simm.s32 @p2 $0x1  }
0x17: {  	s4 =	simm.s32 $0x1BF5;
	[smem:$0x3FB8] =	sst s0  }
0x18: {  	s0 =	sld [smem:$0x3F9B];
	_ =	swait.ge [sflag:s4], $0x0  }
0x19: {  	s7 =	sld [smem:$0x3F9C]  }
0x1a: {  	s8 =	sadd.s32 $0xFFFFE003, lr  }
0x1b: {  	s9 =	sadd.s32 $0xFFFFFEF7, lr;
	s5 =	simm.s32 $0xFFFFFFFF;
	p2 =	slt.u32 s8, $0xFFFFF086  }
0x1c: {  	p1 =	slt.u32 s9, $0xF7A;
	s5 =	simm.s32 @!p2 $0x0  }
0x1d: {  	s5 =	simm.s32 @p1 $0x1;
	p0 =	seq.s32 s7, s2  }
0x1e: {  	s7 =	smul.u32 @!p0 $0xF7A, s2;
	p2 =	seq.s32 @!p0 s5, $0x0  }
0x1f: {  	s9 =	smul.u32 $0xF7A, s1;
	s8 =	simm.s32 @!p0 $0x1BF5;
	p2 =	por !p2, p0  }
0x20: {  	[sflag:s8] =	ssyncset.s32 @!p0 $0xFFFFF086;
	s6 =	sadd.s32 @!p0 s3, s7;
	s7 =	simm.s32 @!p0 $0x108  }
0x21: {  	s3 =	sadd.s32 s3, s9;
	s6 =	sadd.s32 @!p0 $0x88, s6;
	s7 =	simm.s32 @p2 $0x1082  }
0x22: {  	[simem:s7], [sflag:s8] =	dma.local @!p0 [hbm:s6], $0xF7A  }
0x23: {  	s9 =	sor.u32 $0xD0000000, s2;
	s6 =	simm.s32 $0x108;
	_ =	swait.ge @!p0 [sflag:s8], $0x0  }
0x24: {  	s3 =	sadd.s32 $0x88, s3;
	s6 =	simm.s32 @!p1 $0x1082;
	[sflag:s4] =	ssyncset.s32 $0xFFFFF086  }
0x25: {  	[simem:s6], [sflag:s4] =	dma.local [hbm:s3], $0xF7A  }
0x26: {  	[smem:$0x3F9C] =	sst s1;
	(tag) =	ssettag s2;
	_ =	strace s9  }
0x27: {  	s1 =	sld [smem:$0x3FAC]  }
0x28: {  	s2 =	sld [smem:$0x3FAD]  }
0x29: {  	s4 =	sld [smem:$0x3FAF]  }
0x2a: {  	p0 =	seq.s32 s5, $0x0;
	s5 =	sld [smem:$0x3FB0]  }
0x2b: {  	s6 =	sld [smem:$0x3FB1]  }
0x2c: {  	s7 =	sld [smem:$0x3FB2]  }
0x2d: {  	s3 =	simm.s32 $0x108;
	s8 =	sld [smem:$0x3FB3]  }
0x2e: {  	s3 =	simm.s32 @!p0 $0x1082;
	s9 =	sld [smem:$0x3FB4]  }
0x2f: {  	lr =	sadd.s32 s0, s3;
	s0 =	sld [smem:$0x3FAB]  }
0x30: {  	s3 =	sld [smem:$0x3FAE]  }
0x31: {  	[smem:$0x3FB7] =	sst s10  }
0x32: {  	s10 =	sld [smem:$0x3FB5];
	_ =	sdelay $0x3  }
0x33: {  	p0 =	seq.s32 s10, $0x1;
	s10 =	sld [smem:$0x3FB7];
	_ =	sdelay $0x3  }
0x34: {  	[smem:$0x3FB7] =	sst s10  }
0x35: {  	s10 =	sld [smem:$0x3FB6];
	_ =	sdelay $0x3  }
0x36: {  	p1 =	seq.s32 s10, $0x1;
	s10 =	sld [smem:$0x3FB7];
	_ =	sdelay $0x3  }
0x37: {  	[smem:$0x3FB7] =	sst s10  }
0x38: {  	s10 =	sld [smem:$0x3FB8]  }
0x39: {  	_ = 	snop;
	(pc) =	sbr.ind lr, $3  }
0x3a: {  	_ = 	snop  }
0x3b: {  	_ = 	snop  }
0x3c: {  	p2 =	seq.s32 s10, $0x1;
	s10 =	sld [smem:$0x3FB7]  }
0x3d: {  	_ =	shalt  }
0x3e: {  	_ =	shalt  }
0x3f: {  	_ =	shalt  }
0x40: {  	_ =	shalt  }
0x41: {  	_ =	shalt  }
0x42: {  	_ =	shalt  }
0x43: {  	_ =	shalt  }
0x44: {  	_ =	shalt  }
0x45: {  	_ =	shalt  }
0x46: {  	_ =	shalt  }
0x47: {  	_ =	shalt  }
0x48: {  	_ =	shalt  }
0x49: {  	_ =	shalt  }
0x4a: {  	_ =	shalt  }
0x4b: {  	_ =	shalt  }
0x4c: {  	_ =	shalt  }
0x4d: {  	_ =	shalt  }
0x4e: {  	_ =	shalt  }
0x4f: {  	_ =	shalt  }
0x50: {  	_ =	shalt  }
0x51: {  	_ =	shalt  }
0x52: {  	_ =	shalt  }
0x53: {  	_ =	shalt  }
0x54: {  	_ =	shalt  }
0x55: {  	_ =	shalt  }
0x56: {  	_ =	shalt  }
0x57: {  	_ =	shalt  }
0x58: {  	_ =	shalt  }
0x59: {  	_ =	shalt  }
0x5a: {  	_ =	shalt  }
0x5b: {  	_ =	shalt  }
0x5c: {  	_ =	shalt  }
0x5d: {  	_ =	shalt  }
0x5e: {  	_ =	shalt  }
0x5f: {  	_ =	shalt  }
0x60: {  	_ =	shalt  }
0x61: {  	_ =	shalt  }
0x62: {  	_ =	shalt  }
0x63: {  	_ =	shalt  }
0x64: {  	_ =	shalt  }
0x65: {  	_ =	shalt  }
0x66: {  	_ =	shalt  }
0x67: {  	_ =	shalt  }
0x68: {  	_ =	shalt  }
0x69: {  	_ =	shalt  }
0x6a: {  	_ =	shalt  }
0x6b: {  	_ =	shalt  }
0x6c: {  	_ =	shalt  }
0x6d: {  	_ =	shalt  }
0x6e: {  	_ =	shalt  }
0x6f: {  	_ =	shalt  }
0x70: {  	_ =	shalt  }
0x71: {  	_ =	shalt  }
0x72: {  	_ =	shalt  }
0x73: {  	_ =	shalt  }
0x74: {  	_ =	shalt  }
0x75: {  	_ =	shalt  }
0x76: {  	_ =	shalt  }
0x77: {  	_ =	shalt  }
0x78: {  	_ =	shalt  }
0x79: {  	_ =	shalt  }
0x7a: {  	_ =	shalt  }
0x7b: {  	_ =	shalt  }
0x7c: {  	_ =	shalt  }
0x7d: {  	_ =	shalt  }
0x7e: {  	_ =	shalt  }
0x7f: {  	_ =	shalt  }
0x80: {  	_ =	shalt  }
0x81: {  	_ =	shalt  }
0x82: {  	_ =	shalt  }
0x83: {  	_ =	shalt  }
0x84: {  	_ =	shalt  }
0x85: {  	_ =	shalt  }
0x86: {  	_ =	shalt  }
0x87: {  	_ =	shalt  }
.Lfunc_end0:
.L_simem_size_0:
called_computation.1_lowered:
.L_overlay_start_0:
0x88: {  	s2 =	sld [smem:$0x3FD9]  }
0x89: {  	s3 =	sld [smem:$0x3FFE];
	_ =	sdelay $0x1  }
0x8a: {  	s1 =	srdreg.scid  }
0x8b: {  	s0 =	sand.u32 $0x1, s1  }
0x8c: {  	s17 =	sshll.u32 s0, $0xA;
	s2 =	sadd.s32 s3, s2  }
0x8d: {  	s2 =	sadd.s32 s2, s17  }
0x8e: {  	[smem:$0x3FC3] =	sst s2  }
0x8f: {  	_ = 	snop  }
0x90: {  	s2 =	sld [smem:$0x3FD0];
	(tm) =	ssettm $0x1  }
0x91: {  	s18 =	sld [smem:$0x3FFB];
	_ =	sdelay $0x3  }
0x92: {  	_ =	strace s18  }
0x93: {  	s3 =	sld [smem:$0x3FFC];
	_ =	sdelay $0x3  }
0x94: {  	_ =	strace s3  }
0x95: {  	s3 =	sld [smem:$0x3FFD];
	_ =	sdelay $0x3  }
0x96: {  	_ =	strace s3  }
0x97: {  	_ =	strace $0x8FFFFFFF  }
0x98: {  	s19 =	sld [smem:$0x3FDB];
	_ =	sdelay $0x1  }
0x99: {  	s4 =	simm.s32 $_scs_section_size  }
0x9a: {  	s5 =	simm.s32 $_size__tile_overlayer_lowered;
	s6 =	simm.s32 $_tile_overlayer_lowered  }
0x9b: {  	s22 =	simm.s32 $0x1BFF;
	s21 =	sshll.u32 s6, $0x1;
	s3 =	sadd.s32 s4, s19  }
0x9c: {  	s7 =	simm.s32 $0x0;
	s20 =	sshll.u32 s5, $0x1;
	s5 =	sadd.s32 s21, s3  }
0x9d: {  	[timem:s7], [sflag:s22] =	dma.local [hbm:s5], s20  }
0x9e: {  	_ =	swait.ge [sflag:s22], s20  }
0x9f: {  	s4 =	ssub.s32 $0x0, s20;
	[sflag:s22] =	ssyncset.done $0x0  }
0xa0: {  	[sflag:s22] =	ssyncadd.s32 s4;
	_ =	sdelay $0x1  }
0xa1: {  	s23 =	simm.s32 $0x1B8B  }
0xa2: {  	_ =	swait.ge [sflag:s23], $0x1  }
0xa3: {  	[sflag:s23] =	ssyncset.done $0x0  }
0xa4: {  	s25 =	simm.s32 $0x1B8E;
	s24 =	sld [smem:$0x3FFE];
	[sflag:s23] =	ssyncadd.s32 $0xFFFFFFFF  }
0xa5: {  	s26 =	simm.s32 $execute0_lowered;
	[smem:$0x3FD2] =	sst s25  }
0xa6: {  	s5 =	sshll.u32 s26, $0x1;
	_ =	strace $0x80000051;
	[dreg:$0x1] =	wrdreg $0xFFFFFFFF  }
0xa7: {  	s28 =	simm.s32 $_size_execute0_lowered;
	s3 =	sadd.s32 s3, s5;
	[dreg:$0x0] =	wrdreg $0x0  }
0xa8: {  	s5 =	sshll.u32 s28, $0x1;
	[dreg:$0x2] =	wrdreg s3  }
0xa9: {  	[dreg:$0x3] =	wrdreg s5  }
0xaa: {  	[dreg:$0x4] =	wrdreg $0xC0  }
0xab: {  	_ =	task [dreg:s7], $0x5FFFF  }
0xac: {  	[dreg:$0x1] =	wrdreg $0xFFFFFFFF  }
0xad: {  	[dreg:$0x0] =	wrdreg $0x60  }
0xae: {  	[dreg:$0x2] =	wrdreg s24  }
0xaf: {  	[dreg:$0x3] =	wrdreg s2  }
0xb0: {  	[dreg:$0x4] =	wrdreg $0x9  }
0xb1: {  	_ =	task.clear_ibuf [dreg:s7], $0x5FFFF;
	_ =	strace $0x90000051  }
0xb2: {  	s29 =	simm.s32 $0x9;
	_ =	strace $0x8000005D  }
0xb3: {  	_ =	swait.ge [sflag:s29], $0x1  }
0xb4: {  	[sflag:s29] =	ssyncadd.s32 $0xFFFFFFFF  }
0xb5: {  	_ =	strace $0x9000005D  }
0xb6: {  	_ =	sfence  }
0xb7: {  	s30 =	sld [smem:$0x0];
	_ =	sdelay $0x2  }
0xb8: {  	s31 =	sshll.u32 s1, $0xD;
	s1 =	sshrl.u32 s1, $0x2  }
0xb9: {  	s3 =	sand.u32 $0x4000, s31;
	s1 =	sadd.s32 s1, s30  }
0xba: {  	s0 =	sor.u32 s3, s0;
	s1 =	sshll.u32 s1, $0x11  }
0xbb: {  	s0 =	sor.u32 s1, s0  }
0xbc: {  	s0 =	sadd.s32 $0x8F2B, s0  }
0xbd: {  	[sflag:s0] =	ssyncadd.remote.s32 $0x1  }
0xbe: {  	_ =	sfence.sel $0xFFFF  }
0xbf: {  	[dreg:$0x0] =	wrdreg $0xFFFFFFFF;
	(pc) =	sbr.abs _section_cstart, $3  }
0xc0: {  	[dreg:$0x1] =	wrdreg $0xFFFFFFFF  }
0xc1: {  	_ =	task.clear_ibuf [dreg:s7], $0x2FFFF;
	_ =	strace $0x9FFFFFFF  }
0xc2: {  	(tm) =	ssettm $0x7FFFFFFF  }
0xc3: {  	_ =	shalt  }
tec
execute0_lowered:
.L_overlay_start_1:
0x0: {  	(tag) =	ssettag $0x1  }
0x1: {  	s0 =	srdreg.scid;
	s8 =	rddreg [dreg:$0x0]  }
0x2: {  	s2 =	stileid.u32;
	s9 =	rddreg [dreg:$0x1];
	s3 =	simm.s32 $0x1  }
0x3: {  	s20 =	simm.s32 $0x5;
	s21 =	simm.s32 $0x3;
	s23 =	simm.s32 $0x900  }
0x4: {  	s24 =	simm.s32 $0xD00;
	s28 =	simm.s32 $0x2100;
	s29 =	simm.s32 $0x2500  }
0x5: {  	s30 =	simm.s32 $0x2D00;
	s31 =	simm.s32 $0x3100;
	s11 =	simm.s32 $0x4500  }
0x6: {  	s12 =	simm.s32 $0x4900;
	s13 =	simm.s32 $0x5100;
	s14 =	simm.s32 $0x5500  }
0x7: {  	s15 =	simm.s32 $0x5D00;
	s16 =	simm.s32 $0x6100;
	s0 =	sand.u32 $0x1, s0  }
0x8: {  	s17 =	simm.s32 $0x6900;
	s18 =	simm.s32 $0x6D00;
	s1 =	sshll.u32 s0, $0x4  }
0x9: {  	s19 =	simm.s32 $0x7500;
	s4 =	sand.u32 $0x3, s2;
	s1 =	sor.u32 s2, s1  }
0xa: {  	p1 =	sne.s32 s4, $0x0;
	s7 =	sshll.u32 s4, $0xA;
	p0 =	seq.s32 s1, $0x0  }
0xb: {  	s4 =	sadd.s32 $0xB6000, s8;
	s0 =	ssub.s32 $0x2, s0;
	p0 =	por !p1, !p0  }
0xc: {  	s2 =	simm.s32 $0x0;
	s25 =	sshrl.u32 s0, $0x1;
	p0 =	por !p0, !p0  }
0xd: {  	s5 =	sshrl.u32 s1, $0x2;
	[smem:$0x7FF] =	sst s2;
	s3 =	simm.s32 @!p0 $0x0  }
0xe: {  	s1 =	smul.u32 $0x1800, s1;
	s0 =	ssub.s32 s0, s25;
	s5 =	ssub.s32 s5, s3  }
0xf: {  	s25 =	simm.s32 $0x1500;
	_ =	strace $0x80000052;
	s6 =	sshll.u32 s5, $0x9  }
0x10: {  	s10 =	sadd.s32 s1, s8;
	s5 =	sshll.u32 s5, $0x7;
	s6 =	sand.u32 $0xFFFFF000, s6  }
0x11: {  	s1 =	sadd.s32 s9, s1;
	s5 =	sand.u32 $0x380, s5;
	s6 =	sor.u32 s7, s6  }
0x12: {  	s9 =	smax.u32 s0, $0x1;
	[dreg:$0x3] =	wrdreg s1;
	s6 =	sor.u32 s5, s6  }
0x13: {  	s26 =	sadd.s32 $0x5C000, s10;
	s1 =	simm.s32 $0x3900;
	s6 =	sshrl.u32 s6, $0x3  }
0x14: {  	v2 =	vlaneseq.u32;
	s3 =	sadd.s32 $0x2000, s8;
	[dreg:$0x4] =	wrdreg s26;
	s6 =	sadd.s32 s6, s8  }
0x15: {  	vm0 =	vmmov $0xffff;
	vm1 =	vmmov $0xff;
	v1 =	vshrl.u32 v2, $0x3;
	s26 =	simm.s32 $0x1900;
	s7 =	sadd.s32 $0x2100, s8;
	s6 =	sadd.s32 $0x1E00, s6  }
0x16: {  	v0 =	vand.u32 $0x7, v2;
	v2 =	vor.u32 $0x8, v2;
	v1 =	vmul.u32 $0x8, v1;
	s5 =	simm.s32 $0x100;
	s8 =	sadd.s32 $0xB6100, s8;
	[dreg:$0x5] =	wrdreg s6  }
.LBB2_1:
0x17: {  	_ =	strace $0x80000053  }
0x18: {  	s10 =	rddreg [dreg:$0x5]  }
0x19: {  	[tilespmem:s2], [sflag:$0x1] =	stream.linear.gather [hbm4b:s10+s2], $0x80, $0x200038;
	[tilespmem:$0x18100] =	vst v63  }
0x1a: {  	_ =	strace $0x90000053  }
0x1b: {  	s0 =	simm.s32 $0x1;
	_ =	strace $0x80000054  }
0x1c: {  	_ =	swait.ge [sflag:s0], $0x80  }
0x1d: {  	[sflag:s0] =	ssyncset.done $0x0  }
0x1e: {  	[sflag:s0] =	ssyncadd.s32 $0xFFFFFF80  }
0x1f: {  	_ =	strace $0x90000054  }
0x20: {  	_ =	strace $0x80000055  }
0x21: {  	v3 =	vld [tilespmem:$0x0];
	_ =	sdelay $0x4  }
0x22: {  	v4 =	vshrl.u32 v3, $0x3  }
0x23: {  	v4 =	vmul.u32 $0x18, v4  }
0x24: {  	v3 =	vand.u32 $0x7, v3  }
0x25: {  	v3 =	vor.u32 v3, v4  }
0x26: {  	v4 =	vperm.xlane v3, v0;
	_ =	sdelay $0x1  }
0x27: {  	v4 =	vadd.s32 v1, v4;
	_ =	sdelay $0x1  }
0x28: {  	v3 =	vperm.xlane v3, v2;
	_ =	sdelay $0x1  }
0x29: {  	v3 =	vadd.s32 v1, v3  }
0x2a: {  	[tilespmem:s5], [sflag:$0x5] =	stream.indirect_vreg.gather [hbm4b:s3+s2], $0x80, v4, vm0, $0x2000b8;
	[tilespmem:$0x18100] =	vst v63  }
0x2b: {  	_ = 	snop  }
0x2c: {  	[tilespmem:s23], [sflag:$0x5] =	stream.indirect_vreg.gather [hbm4b:s7+s2], $0x80, v4, vm1, $0x2000b8;
	[tilespmem:$0x18100] =	vst v63  }
0x2d: {  	_ = 	snop  }
0x2e: {  	[tilespmem:s24], [sflag:$0x5] =	stream.indirect_vreg.gather [hbm4b:s3+s2], $0x80, v3, vm0, $0x2000b8;
	[tilespmem:$0x18100] =	vst v63  }
0x2f: {  	_ = 	snop  }
0x30: {  	[tilespmem:s25], [sflag:$0x5] =	stream.indirect_vreg.gather [hbm4b:s7+s2], $0x80, v3, vm1, $0x2000b8;
	[tilespmem:$0x18100] =	vst v63  }
0x31: {  	v3 =	vld [tilespmem:$0x10];
	_ =	sdelay $0x4  }
0x32: {  	v49 =	vshrl.u32 v3, $0x3  }
0x33: {  	v4 =	vmul.u32 $0x18, v49  }
0x34: {  	v3 =	vand.u32 $0x7, v3  }
0x35: {  	v3 =	vor.u32 v3, v4  }
0x36: {  	v4 =	vperm.xlane v3, v0;
	_ =	sdelay $0x1  }
0x37: {  	v4 =	vadd.s32 v1, v4;
	_ =	sdelay $0x1  }
0x38: {  	v3 =	vperm.xlane v3, v2;
	_ =	sdelay $0x1  }
0x39: {  	v3 =	vadd.s32 v1, v3  }
0x3a: {  	[tilespmem:s26], [sflag:$0x5] =	stream.indirect_vreg.gather [hbm4b:s3+s2], $0x80, v4, vm0, $0x2000b8;
	[tilespmem:$0x18100] =	vst v63  }
0x3b: {  	_ = 	snop  }
0x3c: {  	[tilespmem:s28], [sflag:$0x5] =	stream.indirect_vreg.gather [hbm4b:s7+s2], $0x80, v4, vm1, $0x2000b8;
	[tilespmem:$0x18100] =	vst v63  }
0x3d: {  	_ = 	snop  }
0x3e: {  	[tilespmem:s29], [sflag:$0x5] =	stream.indirect_vreg.gather [hbm4b:s3+s2], $0x80, v3, vm0, $0x2000b8;
	[tilespmem:$0x18100] =	vst v63  }
0x3f: {  	_ = 	snop  }
0x40: {  	[tilespmem:s30], [sflag:$0x5] =	stream.indirect_vreg.gather [hbm4b:s7+s2], $0x80, v3, vm1, $0x2000b8;
	[tilespmem:$0x18100] =	vst v63  }
0x41: {  	v3 =	vld [tilespmem:$0x20];
	_ =	sdelay $0x4  }
0x42: {  	v50 =	vshrl.u32 v3, $0x3  }
0x43: {  	v4 =	vmul.u32 $0x18, v50  }
0x44: {  	v3 =	vand.u32 $0x7, v3  }
0x45: {  	v3 =	vor.u32 v3, v4  }
0x46: {  	v4 =	vperm.xlane v3, v0;
	_ =	sdelay $0x1  }
0x47: {  	v4 =	vadd.s32 v1, v4;
	_ =	sdelay $0x1  }
0x48: {  	v3 =	vperm.xlane v3, v2;
	_ =	sdelay $0x1  }
0x49: {  	v3 =	vadd.s32 v1, v3  }
0x4a: {  	[tilespmem:s31], [sflag:$0x5] =	stream.indirect_vreg.gather [hbm4b:s3+s2], $0x80, v4, vm0, $0x2000b8;
	[tilespmem:$0x18100] =	vst v63  }
0x4b: {  	_ = 	snop  }
0x4c: {  	[tilespmem:s1], [sflag:$0x5] =	stream.indirect_vreg.gather [hbm4b:s7+s2], $0x80, v4, vm1, $0x2000b8;
	[tilespmem:$0x18100] =	vst v63  }
0x4d: {  	s6 =	simm.s32 $0x3D00  }
0x4e: {  	[tilespmem:s6], [sflag:$0x5] =	stream.indirect_vreg.gather [hbm4b:s3+s2], $0x80, v3, vm0, $0x2000b8;
	[tilespmem:$0x18100] =	vst v63  }
0x4f: {  	_ = 	snop  }
0x50: {  	[tilespmem:s11], [sflag:$0x5] =	stream.indirect_vreg.gather [hbm4b:s7+s2], $0x80, v3, vm1, $0x2000b8;
	[tilespmem:$0x18100] =	vst v63  }
0x51: {  	v3 =	vld [tilespmem:$0x30];
	_ =	sdelay $0x4  }
0x52: {  	v51 =	vshrl.u32 v3, $0x3  }
0x53: {  	v4 =	vmul.u32 $0x18, v51  }
0x54: {  	v3 =	vand.u32 $0x7, v3  }
0x55: {  	v3 =	vor.u32 v3, v4  }
0x56: {  	v4 =	vperm.xlane v3, v0;
	_ =	sdelay $0x1  }
0x57: {  	v4 =	vadd.s32 v1, v4;
	_ =	sdelay $0x1  }
0x58: {  	v3 =	vperm.xlane v3, v2;
	_ =	sdelay $0x1  }
0x59: {  	v3 =	vadd.s32 v1, v3  }
0x5a: {  	[tilespmem:s12], [sflag:$0x5] =	stream.indirect_vreg.gather [hbm4b:s3+s2], $0x80, v4, vm0, $0x2000b8;
	[tilespmem:$0x18100] =	vst v63  }
0x5b: {  	_ = 	snop  }
0x5c: {  	[tilespmem:s13], [sflag:$0x5] =	stream.indirect_vreg.gather [hbm4b:s7+s2], $0x80, v4, vm1, $0x2000b8;
	[tilespmem:$0x18100] =	vst v63  }
0x5d: {  	_ = 	snop  }
0x5e: {  	[tilespmem:s14], [sflag:$0x5] =	stream.indirect_vreg.gather [hbm4b:s3+s2], $0x80, v3, vm0, $0x2000b8;
	[tilespmem:$0x18100] =	vst v63  }
0x5f: {  	_ = 	snop  }
0x60: {  	[tilespmem:s15], [sflag:$0x5] =	stream.indirect_vreg.gather [hbm4b:s7+s2], $0x80, v3, vm1, $0x2000b8;
	[tilespmem:$0x18100] =	vst v63  }
0x61: {  	v3 =	vld [tilespmem:$0x40];
	_ =	sdelay $0x4  }
0x62: {  	v52 =	vshrl.u32 v3, $0x3  }
0x63: {  	v4 =	vmul.u32 $0x18, v52  }
0x64: {  	v3 =	vand.u32 $0x7, v3  }
0x65: {  	v3 =	vor.u32 v3, v4  }
0x66: {  	v4 =	vperm.xlane v3, v0;
	_ =	sdelay $0x1  }
0x67: {  	v4 =	vadd.s32 v1, v4;
	_ =	sdelay $0x1  }
0x68: {  	v3 =	vperm.xlane v3, v2;
	_ =	sdelay $0x1  }
0x69: {  	v3 =	vadd.s32 v1, v3  }
0x6a: {  	[tilespmem:s16], [sflag:$0x5] =	stream.indirect_vreg.gather [hbm4b:s3+s2], $0x80, v4, vm0, $0x2000b8;
	[tilespmem:$0x18100] =	vst v63  }
0x6b: {  	_ = 	snop  }
0x6c: {  	[tilespmem:s17], [sflag:$0x5] =	stream.indirect_vreg.gather [hbm4b:s7+s2], $0x80, v4, vm1, $0x2000b8;
	[tilespmem:$0x18100] =	vst v63  }
0x6d: {  	_ = 	snop  }
0x6e: {  	[tilespmem:s18], [sflag:$0x5] =	stream.indirect_vreg.gather [hbm4b:s3+s2], $0x80, v3, vm0, $0x2000b8;
	[tilespmem:$0x18100] =	vst v63  }
0x6f: {  	_ = 	snop  }
0x70: {  	[tilespmem:s19], [sflag:$0x5] =	stream.indirect_vreg.gather [hbm4b:s7+s2], $0x80, v3, vm1, $0x2000b8;
	[tilespmem:$0x18100] =	vst v63  }
0x71: {  	v3 =	vld [tilespmem:$0x50];
	_ =	sdelay $0x4  }
0x72: {  	v53 =	vshrl.u32 v3, $0x3  }
0x73: {  	v4 =	vmul.u32 $0x18, v53  }
0x74: {  	v3 =	vand.u32 $0x7, v3  }
0x75: {  	v3 =	vor.u32 v3, v4  }
0x76: {  	v4 =	vperm.xlane v3, v0;
	_ =	sdelay $0x1  }
0x77: {  	v4 =	vadd.s32 v1, v4;
	_ =	sdelay $0x1  }
0x78: {  	v3 =	vperm.xlane v3, v2;
	_ =	sdelay $0x1  }
0x79: {  	s6 =	simm.s32 $0x7900;
	v3 =	vadd.s32 v1, v3  }
0x7a: {  	[tilespmem:s6], [sflag:$0x5] =	stream.indirect_vreg.gather [hbm4b:s3+s2], $0x80, v4, vm0, $0x2000b8;
	[tilespmem:$0x18100] =	vst v63  }
0x7b: {  	s22 =	simm.s32 $0x8100  }
0x7c: {  	[tilespmem:s22], [sflag:$0x5] =	stream.indirect_vreg.gather [hbm4b:s7+s2], $0x80, v4, vm1, $0x2000b8;
	[tilespmem:$0x18100] =	vst v63  }
0x7d: {  	s22 =	simm.s32 $0x8500  }
0x7e: {  	[tilespmem:s22], [sflag:$0x5] =	stream.indirect_vreg.gather [hbm4b:s3+s2], $0x80, v3, vm0, $0x2000b8;
	[tilespmem:$0x18100] =	vst v63  }
0x7f: {  	s22 =	simm.s32 $0x8D00  }
0x80: {  	[tilespmem:s22], [sflag:$0x5] =	stream.indirect_vreg.gather [hbm4b:s7+s2], $0x80, v3, vm1, $0x2000b8;
	[tilespmem:$0x18100] =	vst v63  }
0x81: {  	v3 =	vld [tilespmem:$0x60];
	_ =	sdelay $0x4  }
0x82: {  	v54 =	vshrl.u32 v3, $0x3  }
0x83: {  	v4 =	vmul.u32 $0x18, v54  }
0x84: {  	v3 =	vand.u32 $0x7, v3  }
0x85: {  	v3 =	vor.u32 v3, v4  }
0x86: {  	v4 =	vperm.xlane v3, v0;
	_ =	sdelay $0x1  }
0x87: {  	v4 =	vadd.s32 v1, v4;
	_ =	sdelay $0x1  }
0x88: {  	v3 =	vperm.xlane v3, v2;
	_ =	sdelay $0x1  }
0x89: {  	s22 =	simm.s32 $0x9100;
	v3 =	vadd.s32 v1, v3  }
0x8a: {  	[tilespmem:s22], [sflag:$0x5] =	stream.indirect_vreg.gather [hbm4b:s3+s2], $0x80, v4, vm0, $0x2000b8;
	[tilespmem:$0x18100] =	vst v63  }
0x8b: {  	s22 =	simm.s32 $0x9900  }
0x8c: {  	[tilespmem:s22], [sflag:$0x5] =	stream.indirect_vreg.gather [hbm4b:s7+s2], $0x80, v4, vm1, $0x2000b8;
	[tilespmem:$0x18100] =	vst v63  }
0x8d: {  	s22 =	simm.s32 $0x9D00  }
0x8e: {  	[tilespmem:s22], [sflag:$0x5] =	stream.indirect_vreg.gather [hbm4b:s3+s2], $0x80, v3, vm0, $0x2000b8;
	[tilespmem:$0x18100] =	vst v63  }
0x8f: {  	s22 =	simm.s32 $0xA500  }
0x90: {  	[tilespmem:s22], [sflag:$0x5] =	stream.indirect_vreg.gather [hbm4b:s7+s2], $0x80, v3, vm1, $0x2000b8;
	[tilespmem:$0x18100] =	vst v63  }
0x91: {  	v3 =	vld [tilespmem:$0x70];
	_ =	sdelay $0x4  }
0x92: {  	v55 =	vshrl.u32 v3, $0x3  }
0x93: {  	v4 =	vmul.u32 $0x18, v55  }
0x94: {  	v3 =	vand.u32 $0x7, v3  }
0x95: {  	v3 =	vor.u32 v3, v4  }
0x96: {  	v4 =	vperm.xlane v3, v0;
	_ =	sdelay $0x1  }
0x97: {  	v4 =	vadd.s32 v1, v4;
	_ =	sdelay $0x1  }
0x98: {  	v3 =	vperm.xlane v3, v2;
	_ =	sdelay $0x1  }
0x99: {  	s22 =	simm.s32 $0xA900;
	v3 =	vadd.s32 v1, v3  }
0x9a: {  	[tilespmem:s22], [sflag:$0x5] =	stream.indirect_vreg.gather [hbm4b:s3+s2], $0x80, v4, vm0, $0x2000b8;
	[tilespmem:$0x18100] =	vst v63  }
0x9b: {  	s22 =	simm.s32 $0xB100  }
0x9c: {  	[tilespmem:s22], [sflag:$0x5] =	stream.indirect_vreg.gather [hbm4b:s7+s2], $0x80, v4, vm1, $0x2000b8;
	[tilespmem:$0x18100] =	vst v63  }
0x9d: {  	s22 =	simm.s32 $0xB500  }
0x9e: {  	[tilespmem:s22], [sflag:$0x5] =	stream.indirect_vreg.gather [hbm4b:s3+s2], $0x80, v3, vm0, $0x2000b8;
	[tilespmem:$0x18100] =	vst v63  }
0x9f: {  	s22 =	simm.s32 $0xBD00  }
0xa0: {  	[tilespmem:s22], [sflag:$0x5] =	stream.indirect_vreg.gather [hbm4b:s7+s2], $0x80, v3, vm1, $0x2000b8;
	[tilespmem:$0x18100] =	vst v63  }
0xa1: {  	_ =	swait.ge [sflag:s20], $0xC000  }
0xa2: {  	[sflag:s20] =	ssyncset.done $0x0  }
0xa3: {  	[sflag:s20] =	ssyncadd.s32 $0xFFFF4000  }
0xa4: {  	_ =	strace $0x90000055  }
0xa5: {  	_ =	strace $0x80000056  }
0xa6: {  	s22 =	rddreg [dreg:$0x3]  }
0xa7: {  	[hbm4b:s22+s2] =	stream.linear.scatter [tilespmem:s5], [sflag:$0x3], $0xC000, $0x200038;
	[tilespmem:$0x18100] =	vst v63  }
0xa8: {  	_ =	strace $0x90000056  }
0xa9: {  	_ =	strace $0x80000057  }
0xaa: {  	_ =	swait.ge [sflag:s21], $0xC000  }
0xab: {  	[sflag:s21] =	ssyncset.done $0x0  }
0xac: {  	[sflag:s21] =	ssyncadd.s32 $0xFFFF4000  }
0xad: {  	_ =	strace $0x90000057  }
0xae: {  	_ =	strace $0x80000058  }
0xaf: {  	[tilespmem:s2], [sflag:$0x1] =	stream.linear.gather [hbm4b:s10+s2], $0x80, $0x200038;
	[tilespmem:$0x18100] =	vst v63  }
0xb0: {  	_ =	strace $0x90000058  }
0xb1: {  	_ =	strace $0x80000059  }
0xb2: {  	_ =	swait.ge [sflag:s0], $0x80  }
0xb3: {  	[sflag:s0] =	ssyncset.done $0x0  }
0xb4: {  	[sflag:s0] =	ssyncadd.s32 $0xFFFFFF80  }
0xb5: {  	_ =	strace $0x90000059  }
0xb6: {  	_ =	strace $0x8000005A  }
0xb7: {  	v3 =	vld [tilespmem:$0x0];
	_ =	sdelay $0x4  }
0xb8: {  	v56 =	vshrl.u32 v3, $0x3  }
0xb9: {  	v4 =	vmul.u32 $0x18, v56  }
0xba: {  	v3 =	vand.u32 $0x7, v3  }
0xbb: {  	v3 =	vor.u32 v3, v4  }
0xbc: {  	v4 =	vperm.xlane v3, v0;
	_ =	sdelay $0x1  }
0xbd: {  	v4 =	vadd.s32 v1, v4;
	_ =	sdelay $0x1  }
0xbe: {  	v3 =	vperm.xlane v3, v2;
	_ =	sdelay $0x1  }
0xbf: {  	v3 =	vadd.s32 v1, v3  }
0xc0: {  	[tilespmem:s5], [sflag:$0x5] =	stream.indirect_vreg.gather [hbm4b:s4+s2], $0x80, v4, vm0, $0x2000b8;
	[tilespmem:$0x18100] =	vst v63  }
0xc1: {  	_ = 	snop  }
0xc2: {  	[tilespmem:s23], [sflag:$0x5] =	stream.indirect_vreg.gather [hbm4b:s8+s2], $0x80, v4, vm1, $0x2000b8;
	[tilespmem:$0x18100] =	vst v63  }
0xc3: {  	_ = 	snop  }
0xc4: {  	[tilespmem:s24], [sflag:$0x5] =	stream.indirect_vreg.gather [hbm4b:s4+s2], $0x80, v3, vm0, $0x2000b8;
	[tilespmem:$0x18100] =	vst v63  }
0xc5: {  	_ = 	snop  }
0xc6: {  	[tilespmem:s25], [sflag:$0x5] =	stream.indirect_vreg.gather [hbm4b:s8+s2], $0x80, v3, vm1, $0x2000b8;
	[tilespmem:$0x18100] =	vst v63  }
0xc7: {  	v3 =	vld [tilespmem:$0x10];
	_ =	sdelay $0x4  }
0xc8: {  	v57 =	vshrl.u32 v3, $0x3  }
0xc9: {  	v4 =	vmul.u32 $0x18, v57  }
0xca: {  	v3 =	vand.u32 $0x7, v3  }
0xcb: {  	v3 =	vor.u32 v3, v4  }
0xcc: {  	v4 =	vperm.xlane v3, v0;
	_ =	sdelay $0x1  }
0xcd: {  	v4 =	vadd.s32 v1, v4;
	_ =	sdelay $0x1  }
0xce: {  	v3 =	vperm.xlane v3, v2;
	_ =	sdelay $0x1  }
0xcf: {  	v3 =	vadd.s32 v1, v3  }
0xd0: {  	[tilespmem:s26], [sflag:$0x5] =	stream.indirect_vreg.gather [hbm4b:s4+s2], $0x80, v4, vm0, $0x2000b8;
	[tilespmem:$0x18100] =	vst v63  }
0xd1: {  	_ = 	snop  }
0xd2: {  	[tilespmem:s28], [sflag:$0x5] =	stream.indirect_vreg.gather [hbm4b:s8+s2], $0x80, v4, vm1, $0x2000b8;
	[tilespmem:$0x18100] =	vst v63  }
0xd3: {  	_ = 	snop  }
0xd4: {  	[tilespmem:s29], [sflag:$0x5] =	stream.indirect_vreg.gather [hbm4b:s4+s2], $0x80, v3, vm0, $0x2000b8;
	[tilespmem:$0x18100] =	vst v63  }
0xd5: {  	_ = 	snop  }
0xd6: {  	[tilespmem:s30], [sflag:$0x5] =	stream.indirect_vreg.gather [hbm4b:s8+s2], $0x80, v3, vm1, $0x2000b8;
	[tilespmem:$0x18100] =	vst v63  }
0xd7: {  	v3 =	vld [tilespmem:$0x20];
	_ =	sdelay $0x4  }
0xd8: {  	v58 =	vshrl.u32 v3, $0x3  }
0xd9: {  	v4 =	vmul.u32 $0x18, v58  }
0xda: {  	v3 =	vand.u32 $0x7, v3  }
0xdb: {  	v3 =	vor.u32 v3, v4  }
0xdc: {  	v4 =	vperm.xlane v3, v0;
	_ =	sdelay $0x1  }
0xdd: {  	v4 =	vadd.s32 v1, v4;
	_ =	sdelay $0x1  }
0xde: {  	v3 =	vperm.xlane v3, v2;
	_ =	sdelay $0x1  }
0xdf: {  	v3 =	vadd.s32 v1, v3  }
0xe0: {  	[tilespmem:s31], [sflag:$0x5] =	stream.indirect_vreg.gather [hbm4b:s4+s2], $0x80, v4, vm0, $0x2000b8;
	[tilespmem:$0x18100] =	vst v63  }
0xe1: {  	_ = 	snop  }
0xe2: {  	[tilespmem:s1], [sflag:$0x5] =	stream.indirect_vreg.gather [hbm4b:s8+s2], $0x80, v4, vm1, $0x2000b8;
	[tilespmem:$0x18100] =	vst v63  }
0xe3: {  	s10 =	simm.s32 $0x3D00  }
0xe4: {  	[tilespmem:s10], [sflag:$0x5] =	stream.indirect_vreg.gather [hbm4b:s4+s2], $0x80, v3, vm0, $0x2000b8;
	[tilespmem:$0x18100] =	vst v63  }
0xe5: {  	_ = 	snop  }
0xe6: {  	[tilespmem:s11], [sflag:$0x5] =	stream.indirect_vreg.gather [hbm4b:s8+s2], $0x80, v3, vm1, $0x2000b8;
	[tilespmem:$0x18100] =	vst v63  }
0xe7: {  	v3 =	vld [tilespmem:$0x30];
	_ =	sdelay $0x4  }
0xe8: {  	v59 =	vshrl.u32 v3, $0x3  }
0xe9: {  	v4 =	vmul.u32 $0x18, v59  }
0xea: {  	v3 =	vand.u32 $0x7, v3  }
0xeb: {  	v3 =	vor.u32 v3, v4  }
0xec: {  	v4 =	vperm.xlane v3, v0;
	_ =	sdelay $0x1  }
0xed: {  	v4 =	vadd.s32 v1, v4;
	_ =	sdelay $0x1  }
0xee: {  	v3 =	vperm.xlane v3, v2;
	_ =	sdelay $0x1  }
0xef: {  	v3 =	vadd.s32 v1, v3  }
0xf0: {  	[tilespmem:s12], [sflag:$0x5] =	stream.indirect_vreg.gather [hbm4b:s4+s2], $0x80, v4, vm0, $0x2000b8;
	[tilespmem:$0x18100] =	vst v63  }
0xf1: {  	_ = 	snop  }
0xf2: {  	[tilespmem:s13], [sflag:$0x5] =	stream.indirect_vreg.gather [hbm4b:s8+s2], $0x80, v4, vm1, $0x2000b8;
	[tilespmem:$0x18100] =	vst v63  }
0xf3: {  	_ = 	snop  }
0xf4: {  	[tilespmem:s14], [sflag:$0x5] =	stream.indirect_vreg.gather [hbm4b:s4+s2], $0x80, v3, vm0, $0x2000b8;
	[tilespmem:$0x18100] =	vst v63  }
0xf5: {  	_ = 	snop  }
0xf6: {  	[tilespmem:s15], [sflag:$0x5] =	stream.indirect_vreg.gather [hbm4b:s8+s2], $0x80, v3, vm1, $0x2000b8;
	[tilespmem:$0x18100] =	vst v63  }
0xf7: {  	v3 =	vld [tilespmem:$0x40];
	_ =	sdelay $0x4  }
0xf8: {  	v60 =	vshrl.u32 v3, $0x3  }
0xf9: {  	v4 =	vmul.u32 $0x18, v60  }
0xfa: {  	v3 =	vand.u32 $0x7, v3  }
0xfb: {  	v3 =	vor.u32 v3, v4  }
0xfc: {  	v4 =	vperm.xlane v3, v0;
	_ =	sdelay $0x1  }
0xfd: {  	v4 =	vadd.s32 v1, v4;
	_ =	sdelay $0x1  }
0xfe: {  	v3 =	vperm.xlane v3, v2;
	_ =	sdelay $0x1  }
0xff: {  	v3 =	vadd.s32 v1, v3  }
0x100: {  	[tilespmem:s16], [sflag:$0x5] =	stream.indirect_vreg.gather [hbm4b:s4+s2], $0x80, v4, vm0, $0x2000b8;
	[tilespmem:$0x18100] =	vst v63  }
0x101: {  	_ = 	snop  }
0x102: {  	[tilespmem:s17], [sflag:$0x5] =	stream.indirect_vreg.gather [hbm4b:s8+s2], $0x80, v4, vm1, $0x2000b8;
	[tilespmem:$0x18100] =	vst v63  }
0x103: {  	_ = 	snop  }
0x104: {  	[tilespmem:s18], [sflag:$0x5] =	stream.indirect_vreg.gather [hbm4b:s4+s2], $0x80, v3, vm0, $0x2000b8;
	[tilespmem:$0x18100] =	vst v63  }
0x105: {  	_ = 	snop  }
0x106: {  	[tilespmem:s19], [sflag:$0x5] =	stream.indirect_vreg.gather [hbm4b:s8+s2], $0x80, v3, vm1, $0x2000b8;
	[tilespmem:$0x18100] =	vst v63  }
0x107: {  	v3 =	vld [tilespmem:$0x50];
	_ =	sdelay $0x4  }
0x108: {  	v61 =	vshrl.u32 v3, $0x3  }
0x109: {  	v4 =	vmul.u32 $0x18, v61  }
0x10a: {  	v3 =	vand.u32 $0x7, v3  }
0x10b: {  	v3 =	vor.u32 v3, v4  }
0x10c: {  	v4 =	vperm.xlane v3, v0;
	_ =	sdelay $0x1  }
0x10d: {  	v4 =	vadd.s32 v1, v4;
	_ =	sdelay $0x1  }
0x10e: {  	v3 =	vperm.xlane v3, v2;
	_ =	sdelay $0x1  }
0x10f: {  	v3 =	vadd.s32 v1, v3  }
0x110: {  	[tilespmem:s6], [sflag:$0x5] =	stream.indirect_vreg.gather [hbm4b:s4+s2], $0x80, v4, vm0, $0x2000b8;
	[tilespmem:$0x18100] =	vst v63  }
0x111: {  	s22 =	simm.s32 $0x8100  }
0x112: {  	[tilespmem:s22], [sflag:$0x5] =	stream.indirect_vreg.gather [hbm4b:s8+s2], $0x80, v4, vm1, $0x2000b8;
	[tilespmem:$0x18100] =	vst v63  }
0x113: {  	s6 =	simm.s32 $0x8500  }
0x114: {  	[tilespmem:s6], [sflag:$0x5] =	stream.indirect_vreg.gather [hbm4b:s4+s2], $0x80, v3, vm0, $0x2000b8;
	[tilespmem:$0x18100] =	vst v63  }
0x115: {  	s10 =	simm.s32 $0x8D00  }
0x116: {  	[tilespmem:s10], [sflag:$0x5] =	stream.indirect_vreg.gather [hbm4b:s8+s2], $0x80, v3, vm1, $0x2000b8;
	[tilespmem:$0x18100] =	vst v63  }
0x117: {  	v3 =	vld [tilespmem:$0x60];
	_ =	sdelay $0x4  }
0x118: {  	v62 =	vshrl.u32 v3, $0x3  }
0x119: {  	v4 =	vmul.u32 $0x18, v62  }
0x11a: {  	v3 =	vand.u32 $0x7, v3  }
0x11b: {  	v3 =	vor.u32 v3, v4  }
0x11c: {  	v4 =	vperm.xlane v3, v0;
	_ =	sdelay $0x1  }
0x11d: {  	v4 =	vadd.s32 v1, v4;
	_ =	sdelay $0x1  }
0x11e: {  	v3 =	vperm.xlane v3, v2;
	_ =	sdelay $0x1  }
0x11f: {  	s22 =	simm.s32 $0x9100;
	v3 =	vadd.s32 v1, v3  }
0x120: {  	[tilespmem:s22], [sflag:$0x5] =	stream.indirect_vreg.gather [hbm4b:s4+s2], $0x80, v4, vm0, $0x2000b8;
	[tilespmem:$0x18100] =	vst v63  }
0x121: {  	s6 =	simm.s32 $0x9900  }
0x122: {  	[tilespmem:s6], [sflag:$0x5] =	stream.indirect_vreg.gather [hbm4b:s8+s2], $0x80, v4, vm1, $0x2000b8;
	[tilespmem:$0x18100] =	vst v63  }
0x123: {  	s10 =	simm.s32 $0x9D00  }
0x124: {  	[tilespmem:s10], [sflag:$0x5] =	stream.indirect_vreg.gather [hbm4b:s4+s2], $0x80, v3, vm0, $0x2000b8;
	[tilespmem:$0x18100] =	vst v63  }
0x125: {  	s22 =	simm.s32 $0xA500  }
0x126: {  	[tilespmem:s22], [sflag:$0x5] =	stream.indirect_vreg.gather [hbm4b:s8+s2], $0x80, v3, vm1, $0x2000b8;
	[tilespmem:$0x18100] =	vst v63  }
0x127: {  	v3 =	vld [tilespmem:$0x70];
	_ =	sdelay $0x4  }
0x128: {  	v63 =	vshrl.u32 v3, $0x3  }
0x129: {  	v4 =	vmul.u32 $0x18, v63  }
0x12a: {  	v3 =	vand.u32 $0x7, v3  }
0x12b: {  	v3 =	vor.u32 v3, v4  }
0x12c: {  	v4 =	vperm.xlane v3, v0;
	_ =	sdelay $0x1  }
0x12d: {  	v4 =	vadd.s32 v1, v4;
	_ =	sdelay $0x1  }
0x12e: {  	v3 =	vperm.xlane v3, v2;
	_ =	sdelay $0x1  }
0x12f: {  	s6 =	simm.s32 $0xA900;
	v3 =	vadd.s32 v1, v3  }
0x130: {  	[tilespmem:s6], [sflag:$0x5] =	stream.indirect_vreg.gather [hbm4b:s4+s2], $0x80, v4, vm0, $0x2000b8;
	[tilespmem:$0x18100] =	vst v63  }
0x131: {  	s10 =	simm.s32 $0xB100  }
0x132: {  	[tilespmem:s10], [sflag:$0x5] =	stream.indirect_vreg.gather [hbm4b:s8+s2], $0x80, v4, vm1, $0x2000b8;
	[tilespmem:$0x18100] =	vst v63  }
0x133: {  	s22 =	simm.s32 $0xB500  }
0x134: {  	[tilespmem:s22], [sflag:$0x5] =	stream.indirect_vreg.gather [hbm4b:s4+s2], $0x80, v3, vm0, $0x2000b8;
	[tilespmem:$0x18100] =	vst v63  }
0x135: {  	s6 =	simm.s32 $0xBD00  }
0x136: {  	[tilespmem:s6], [sflag:$0x5] =	stream.indirect_vreg.gather [hbm4b:s8+s2], $0x80, v3, vm1, $0x2000b8;
	[tilespmem:$0x18100] =	vst v63  }
0x137: {  	_ =	swait.ge [sflag:s20], $0xC000  }
0x138: {  	[sflag:s20] =	ssyncset.done $0x0  }
0x139: {  	[sflag:s20] =	ssyncadd.s32 $0xFFFF4000  }
0x13a: {  	_ =	strace $0x9000005A  }
0x13b: {  	_ =	strace $0x8000005B  }
0x13c: {  	s10 =	rddreg [dreg:$0x4]  }
0x13d: {  	[hbm4b:s10+s2] =	stream.linear.scatter [tilespmem:s5], [sflag:$0x3], $0xC000, $0x200038;
	[tilespmem:$0x18100] =	vst v63  }
0x13e: {  	p0 =	sne.s32 s9, $0x1;
	_ =	strace $0x9000005B  }
.Ltmp0:
0x13f: {  	_ =	strace $0x8000005C;
	(pc) =	sbr.rel @p0 .LBB2_1-.Ltmp0, $4  }
0x140: {  	_ =	swait.ge [sflag:s21], $0xC000  }
0x141: {  	[sflag:s21] =	ssyncset.done $0x0  }
0x142: {  	[sflag:s21] =	ssyncadd.s32 $0xFFFF4000  }
0x143: {  	s9 =	sadd.s32 $0xFFFFFFFF, s9;
	_ =	strace $0x9000005C  }
0x144: {  	_ =	sfence.sel $0x180000  }
0x145: {  	[bflag:$0x0] =	sbarrier.arrive $0xFFFF  }
0x146: {  	_ =	strace $0x90000052  }
0x147: {  	s0 =	stileid.u32;
	[bflag:$0x2] =	sbarrier.arrive $0xFFFF  }
0x148: {  	p0 =	sne.s32 s0, $0x0;
	s0 =	rddreg [dreg:$0x2]  }
0x149: {  	s0 =	sadd.s32 @!p0 $0x100000, s0  }
0x14a: {  	[sflag:s0] =	ssyncadd.tile.s32 @!p0 $0x1;
	_ =	shalt  }
.Lfunc_end2:
_tile_overlayer_lowered:
.L_overlay_start_2:
0x14b: {  	(tag) =	ssettag $0x2  }
0x14c: {  	s0 =	rddreg [dreg:$0x0];
	s2 =	stileid.u32  }
0x14d: {  	s1 =	rddreg [dreg:$0x1];
	p0 =	sne.s32 s2, $0x0  }
0x14e: {  	s3 =	rddreg [dreg:$0x2];
	[bflag:$0x3] =	sbarrier.arrive $0xFFFF;
	s2 =	simm.s32 @!p0 $0x1C01  }
0x14f: {  	[timem:s3], [sflag:s2] =	dma.local @!p0 [hbm:s0], s1  }
0x150: {  	s0 =	simm.s32 @!p0 $0x1  }
0x151: {  	_ =	swait.ge @!p0 [sflag:s0], s1  }
0x152: {  	s1 =	ssub.s32 @!p0 $0x0, s1;
	[sflag:s0] =	ssyncset.done @!p0 $0x0  }
0x153: {  	[sflag:s0] =	ssyncadd.s32 @!p0 s1  }
0x154: {  	[bflag:$0x3] =	sbarrier.arrive $0xFFFF  }
0x155: {  	_ =	shalt  }

// kernel: kernel.7.cloned.1.call-start
scs
__scs_entry_jumppad:
0x0: {  	(pc) =	sbr.rel $0x88, $3  }
0x1: {  	(tag) =	ssettag $0x0;
	lr =	simm.s32 $0x1  }
0x2: {  	[smem:$0x3F9C] =	sst lr;
	_ =	strace $0xD0000000  }
0x3: {  	_ = 	snop  }
0x4: {  	_ = 	snop  }
0x5: {  	_ = 	snop  }
0x6: {  	_ = 	snop  }
0x7: {  	_ = 	snop  }
__scs_overlays_trampoline_lowered:
0x8: {  	[smem:$0x3FAB] =	sst s0  }
0x9: {  	[smem:$0x3FAC] =	sst s1  }
0xa: {  	[smem:$0x3FAD] =	sst s2  }
0xb: {  	[smem:$0x3FAE] =	sst s3  }
0xc: {  	[smem:$0x3FAF] =	sst s4  }
0xd: {  	[smem:$0x3FB0] =	sst s5  }
0xe: {  	[smem:$0x3FB1] =	sst s6  }
0xf: {  	[smem:$0x3FB2] =	sst s7  }
0x10: {  	[smem:$0x3FB3] =	sst s8  }
0x11: {  	[smem:$0x3FB4] =	sst s9;
	s0 =	simm.s32 @!p0 $0x0  }
0x12: {  	s1 =	sld [smem:$0x3F9A];
	s0 =	simm.s32 @p0 $0x1  }
0x13: {  	[smem:$0x3FB5] =	sst s0;
	s0 =	simm.s32 @!p1 $0x0  }
0x14: {  	s2 =	sld [smem:$0x3F99];
	s0 =	simm.s32 @p1 $0x1  }
0x15: {  	[smem:$0x3FB6] =	sst s0;
	s0 =	simm.s32 @!p2 $0x0  }
0x16: {  	s3 =	sld [smem:$0x3FDB];
	s0 =	simm.s32 @p2 $0x1  }
0x17: {  	s4 =	simm.s32 $0x1BF5;
	[smem:$0x3FB8] =	sst s0  }
0x18: {  	s0 =	sld [smem:$0x3F9B];
	_ =	swait.ge [sflag:s4], $0x0  }
0x19: {  	s7 =	sld [smem:$0x3F9C]  }
0x1a: {  	s8 =	sadd.s32 $0xFFFFE003, lr  }
0x1b: {  	s9 =	sadd.s32 $0xFFFFFEF7, lr;
	s5 =	simm.s32 $0xFFFFFFFF;
	p2 =	slt.u32 s8, $0xFFFFF086  }
0x1c: {  	p1 =	slt.u32 s9, $0xF7A;
	s5 =	simm.s32 @!p2 $0x0  }
0x1d: {  	s5 =	simm.s32 @p1 $0x1;
	p0 =	seq.s32 s7, s2  }
0x1e: {  	s7 =	smul.u32 @!p0 $0xF7A, s2;
	p2 =	seq.s32 @!p0 s5, $0x0  }
0x1f: {  	s9 =	smul.u32 $0xF7A, s1;
	s8 =	simm.s32 @!p0 $0x1BF5;
	p2 =	por !p2, p0  }
0x20: {  	[sflag:s8] =	ssyncset.s32 @!p0 $0xFFFFF086;
	s6 =	sadd.s32 @!p0 s3, s7;
	s7 =	simm.s32 @!p0 $0x108  }
0x21: {  	s3 =	sadd.s32 s3, s9;
	s6 =	sadd.s32 @!p0 $0x88, s6;
	s7 =	simm.s32 @p2 $0x1082  }
0x22: {  	[simem:s7], [sflag:s8] =	dma.local @!p0 [hbm:s6], $0xF7A  }
0x23: {  	s9 =	sor.u32 $0xD0000000, s2;
	s6 =	simm.s32 $0x108;
	_ =	swait.ge @!p0 [sflag:s8], $0x0  }
0x24: {  	s3 =	sadd.s32 $0x88, s3;
	s6 =	simm.s32 @!p1 $0x1082;
	[sflag:s4] =	ssyncset.s32 $0xFFFFF086  }
0x25: {  	[simem:s6], [sflag:s4] =	dma.local [hbm:s3], $0xF7A  }
0x26: {  	[smem:$0x3F9C] =	sst s1;
	(tag) =	ssettag s2;
	_ =	strace s9  }
0x27: {  	s1 =	sld [smem:$0x3FAC]  }
0x28: {  	s2 =	sld [smem:$0x3FAD]  }
0x29: {  	s4 =	sld [smem:$0x3FAF]  }
0x2a: {  	p0 =	seq.s32 s5, $0x0;
	s5 =	sld [smem:$0x3FB0]  }
0x2b: {  	s6 =	sld [smem:$0x3FB1]  }
0x2c: {  	s7 =	sld [smem:$0x3FB2]  }
0x2d: {  	s3 =	simm.s32 $0x108;
	s8 =	sld [smem:$0x3FB3]  }
0x2e: {  	s3 =	simm.s32 @!p0 $0x1082;
	s9 =	sld [smem:$0x3FB4]  }
0x2f: {  	lr =	sadd.s32 s0, s3;
	s0 =	sld [smem:$0x3FAB]  }
0x30: {  	s3 =	sld [smem:$0x3FAE]  }
0x31: {  	[smem:$0x3FB7] =	sst s10  }
0x32: {  	s10 =	sld [smem:$0x3FB5];
	_ =	sdelay $0x3  }
0x33: {  	p0 =	seq.s32 s10, $0x1;
	s10 =	sld [smem:$0x3FB7];
	_ =	sdelay $0x3  }
0x34: {  	[smem:$0x3FB7] =	sst s10  }
0x35: {  	s10 =	sld [smem:$0x3FB6];
	_ =	sdelay $0x3  }
0x36: {  	p1 =	seq.s32 s10, $0x1;
	s10 =	sld [smem:$0x3FB7];
	_ =	sdelay $0x3  }
0x37: {  	[smem:$0x3FB7] =	sst s10  }
0x38: {  	s10 =	sld [smem:$0x3FB8]  }
0x39: {  	_ = 	snop;
	(pc) =	sbr.ind lr, $3  }
0x3a: {  	_ = 	snop  }
0x3b: {  	_ = 	snop  }
0x3c: {  	p2 =	seq.s32 s10, $0x1;
	s10 =	sld [smem:$0x3FB7]  }
0x3d: {  	_ =	shalt  }
0x3e: {  	_ =	shalt  }
0x3f: {  	_ =	shalt  }
0x40: {  	_ =	shalt  }
0x41: {  	_ =	shalt  }
0x42: {  	_ =	shalt  }
0x43: {  	_ =	shalt  }
0x44: {  	_ =	shalt  }
0x45: {  	_ =	shalt  }
0x46: {  	_ =	shalt  }
0x47: {  	_ =	shalt  }
0x48: {  	_ =	shalt  }
0x49: {  	_ =	shalt  }
0x4a: {  	_ =	shalt  }
0x4b: {  	_ =	shalt  }
0x4c: {  	_ =	shalt  }
0x4d: {  	_ =	shalt  }
0x4e: {  	_ =	shalt  }
0x4f: {  	_ =	shalt  }
0x50: {  	_ =	shalt  }
0x51: {  	_ =	shalt  }
0x52: {  	_ =	shalt  }
0x53: {  	_ =	shalt  }
0x54: {  	_ =	shalt  }
0x55: {  	_ =	shalt  }
0x56: {  	_ =	shalt  }
0x57: {  	_ =	shalt  }
0x58: {  	_ =	shalt  }
0x59: {  	_ =	shalt  }
0x5a: {  	_ =	shalt  }
0x5b: {  	_ =	shalt  }
0x5c: {  	_ =	shalt  }
0x5d: {  	_ =	shalt  }
0x5e: {  	_ =	shalt  }
0x5f: {  	_ =	shalt  }
0x60: {  	_ =	shalt  }
0x61: {  	_ =	shalt  }
0x62: {  	_ =	shalt  }
0x63: {  	_ =	shalt  }
0x64: {  	_ =	shalt  }
0x65: {  	_ =	shalt  }
0x66: {  	_ =	shalt  }
0x67: {  	_ =	shalt  }
0x68: {  	_ =	shalt  }
0x69: {  	_ =	shalt  }
0x6a: {  	_ =	shalt  }
0x6b: {  	_ =	shalt  }
0x6c: {  	_ =	shalt  }
0x6d: {  	_ =	shalt  }
0x6e: {  	_ =	shalt  }
0x6f: {  	_ =	shalt  }
0x70: {  	_ =	shalt  }
0x71: {  	_ =	shalt  }
0x72: {  	_ =	shalt  }
0x73: {  	_ =	shalt  }
0x74: {  	_ =	shalt  }
0x75: {  	_ =	shalt  }
0x76: {  	_ =	shalt  }
0x77: {  	_ =	shalt  }
0x78: {  	_ =	shalt  }
0x79: {  	_ =	shalt  }
0x7a: {  	_ =	shalt  }
0x7b: {  	_ =	shalt  }
0x7c: {  	_ =	shalt  }
0x7d: {  	_ =	shalt  }
0x7e: {  	_ =	shalt  }
0x7f: {  	_ =	shalt  }
0x80: {  	_ =	shalt  }
0x81: {  	_ =	shalt  }
0x82: {  	_ =	shalt  }
0x83: {  	_ =	shalt  }
0x84: {  	_ =	shalt  }
0x85: {  	_ =	shalt  }
0x86: {  	_ =	shalt  }
0x87: {  	_ =	shalt  }
.Lfunc_end0:
.L_simem_size_0:
called_computation_lowered:
.L_overlay_start_0:
0x88: {  	s2 =	sld [smem:$0x3FD9]  }
0x89: {  	s3 =	sld [smem:$0x3FFE];
	_ =	sdelay $0x1  }
0x8a: {  	s1 =	srdreg.scid  }
0x8b: {  	s0 =	sand.u32 $0x1, s1  }
0x8c: {  	s17 =	sshll.u32 s0, $0xA;
	s2 =	sadd.s32 s3, s2  }
0x8d: {  	s2 =	sadd.s32 s2, s17  }
0x8e: {  	[smem:$0x3FC3] =	sst s2  }
0x8f: {  	_ = 	snop  }
0x90: {  	s2 =	sld [smem:$0x3FC9];
	(tm) =	ssettm $0x1  }
0x91: {  	s18 =	sld [smem:$0x3FFB];
	_ =	sdelay $0x3  }
0x92: {  	_ =	strace s18  }
0x93: {  	s3 =	sld [smem:$0x3FFC];
	_ =	sdelay $0x3  }
0x94: {  	_ =	strace s3  }
0x95: {  	s3 =	sld [smem:$0x3FFD];
	_ =	sdelay $0x3  }
0x96: {  	_ =	strace s3  }
0x97: {  	_ =	strace $0x8FFFFFFF  }
0x98: {  	s19 =	sld [smem:$0x3FDB];
	_ =	sdelay $0x1  }
0x99: {  	s4 =	simm.s32 $_scs_section_size  }
0x9a: {  	s5 =	simm.s32 $_size__tile_overlayer_lowered;
	s6 =	simm.s32 $_tile_overlayer_lowered  }
0x9b: {  	s22 =	simm.s32 $0x1BFF;
	s21 =	sshll.u32 s6, $0x1;
	s3 =	sadd.s32 s4, s19  }
0x9c: {  	s7 =	simm.s32 $0x0;
	s20 =	sshll.u32 s5, $0x1;
	s5 =	sadd.s32 s21, s3  }
0x9d: {  	[timem:s7], [sflag:s22] =	dma.local [hbm:s5], s20  }
0x9e: {  	_ =	swait.ge [sflag:s22], s20  }
0x9f: {  	s4 =	ssub.s32 $0x0, s20;
	[sflag:s22] =	ssyncset.done $0x0  }
0xa0: {  	[sflag:s22] =	ssyncadd.s32 s4;
	_ =	sdelay $0x1  }
0xa1: {  	s23 =	simm.s32 $0x1B8B  }
0xa2: {  	_ =	swait.ge [sflag:s23], $0x1  }
0xa3: {  	[sflag:s23] =	ssyncset.done $0x0  }
0xa4: {  	s25 =	simm.s32 $0x1B8E;
	s24 =	sld [smem:$0x3FFE];
	[sflag:s23] =	ssyncadd.s32 $0xFFFFFFFF  }
0xa5: {  	s26 =	simm.s32 $execute0_lowered;
	[smem:$0x3FD2] =	sst s25  }
0xa6: {  	s5 =	sshll.u32 s26, $0x1;
	_ =	strace $0x80000046;
	[dreg:$0x1] =	wrdreg $0xFFFFFFFF  }
0xa7: {  	s28 =	simm.s32 $_size_execute0_lowered;
	s3 =	sadd.s32 s3, s5;
	[dreg:$0x0] =	wrdreg $0x0  }
0xa8: {  	s5 =	sshll.u32 s28, $0x1;
	[dreg:$0x2] =	wrdreg s3  }
0xa9: {  	[dreg:$0x3] =	wrdreg s5  }
0xaa: {  	[dreg:$0x4] =	wrdreg $0xC0  }
0xab: {  	_ =	task [dreg:s7], $0x5FFFF  }
0xac: {  	[dreg:$0x1] =	wrdreg $0xFFFFFFFF  }
0xad: {  	[dreg:$0x0] =	wrdreg $0x60  }
0xae: {  	[dreg:$0x2] =	wrdreg s2  }
0xaf: {  	[dreg:$0x3] =	wrdreg s24  }
0xb0: {  	[dreg:$0x4] =	wrdreg $0x9  }
0xb1: {  	_ =	task.clear_ibuf [dreg:s7], $0x5FFFF;
	_ =	strace $0x90000046  }
0xb2: {  	s29 =	simm.s32 $0x9;
	_ =	strace $0x80000050  }
0xb3: {  	_ =	swait.ge [sflag:s29], $0x1  }
0xb4: {  	[sflag:s29] =	ssyncadd.s32 $0xFFFFFFFF  }
0xb5: {  	_ =	strace $0x90000050  }
0xb6: {  	_ =	sfence  }
0xb7: {  	s30 =	sld [smem:$0x0];
	_ =	sdelay $0x2  }
0xb8: {  	s31 =	sshll.u32 s1, $0xD;
	s1 =	sshrl.u32 s1, $0x2  }
0xb9: {  	s3 =	sand.u32 $0x4000, s31;
	s1 =	sadd.s32 s1, s30  }
0xba: {  	s0 =	sor.u32 s3, s0;
	s1 =	sshll.u32 s1, $0x11  }
0xbb: {  	s0 =	sor.u32 s1, s0  }
0xbc: {  	s0 =	sadd.s32 $0x8F2B, s0  }
0xbd: {  	[sflag:s0] =	ssyncadd.remote.s32 $0x1  }
0xbe: {  	_ =	sfence.sel $0xFFFF  }
0xbf: {  	[dreg:$0x0] =	wrdreg $0xFFFFFFFF;
	(pc) =	sbr.abs _section_cstart, $3  }
0xc0: {  	[dreg:$0x1] =	wrdreg $0xFFFFFFFF  }
0xc1: {  	_ =	task.clear_ibuf [dreg:s7], $0x2FFFF;
	_ =	strace $0x9FFFFFFF  }
0xc2: {  	(tm) =	ssettm $0x7FFFFFFF  }
0xc3: {  	_ =	shalt  }
tec
execute0_lowered:
.L_overlay_start_1:
0x0: {  	(tag) =	ssettag $0x1  }
0x1: {  	s0 =	srdreg.scid  }
0x2: {  	s6 =	stileid.u32;
	s3 =	simm.s32 $0x1;
	s5 =	rddreg [dreg:$0x0]  }
0x3: {  	s9 =	rddreg [dreg:$0x1];
	s24 =	simm.s32 $0x5;
	s12 =	simm.s32 $0xC00  }
0x4: {  	s26 =	simm.s32 $0x18000;
	s14 =	simm.s32 $0x1;
	s28 =	simm.s32 $0x800  }
0x5: {  	s29 =	simm.s32 $0x1400;
	s30 =	simm.s32 $0x2000;
	s31 =	simm.s32 $0x2400  }
0x6: {  	s13 =	simm.s32 $0x3800;
	s15 =	simm.s32 $0x3C00;
	s16 =	simm.s32 $0x4400  }
0x7: {  	s17 =	simm.s32 $0x5000;
	s18 =	simm.s32 $0x5400;
	s0 =	sand.u32 $0x1, s0  }
0x8: {  	s19 =	simm.s32 $0x5C00;
	s20 =	simm.s32 $0x6000;
	s1 =	sshll.u32 s0, $0x4  }
0x9: {  	s21 =	simm.s32 $0x6800;
	s2 =	sand.u32 $0x3, s6;
	s1 =	sor.u32 s6, s1  }
0xa: {  	s22 =	simm.s32 $0x6C00;
	p1 =	sne.s32 s2, $0x0;
	p0 =	seq.s32 s1, $0x0  }
0xb: {  	s23 =	simm.s32 $0x7400;
	s8 =	sadd.s32 $0x2100, s9;
	p0 =	por !p1, !p0  }
0xc: {  	s4 =	sshll.u32 s2, $0xA;
	s2 =	simm.s32 $0x0;
	p0 =	por !p0, !p0  }
0xd: {  	s0 =	ssub.s32 $0x2, s0;
	s1 =	sshrl.u32 s1, $0x2;
	s3 =	simm.s32 @!p0 $0x0  }
0xe: {  	[smem:$0x7FF] =	sst s2;
	s6 =	smul.u32 $0x3000, s6;
	s1 =	ssub.s32 s1, s3  }
0xf: {  	s7 =	sshrl.u32 s0, $0x1;
	_ =	strace $0x80000047;
	s3 =	sshll.u32 s1, $0x9  }
0x10: {  	s0 =	ssub.s32 s0, s7;
	s1 =	sshll.u32 s1, $0x7;
	s3 =	sand.u32 $0xFFFFF000, s3  }
0x11: {  	s7 =	simm.s32 $0x7800;
	s1 =	sand.u32 $0x380, s1;
	s3 =	sor.u32 s4, s3  }
0x12: {  	s5 =	sadd.s32 s5, s6;
	s6 =	sadd.s32 $0x5C000, s9;
	s1 =	sor.u32 s1, s3  }
0x13: {  	[dreg:$0x4] =	wrdreg s5;
	s5 =	sadd.s32 $0x180, s5;
	s1 =	sshrl.u32 s1, $0x3  }
0x14: {  	v2 =	vlaneseq.u32;
	s10 =	smax.u32 s0, $0x1;
	[dreg:$0x3] =	wrdreg s5;
	s1 =	sadd.s32 s1, s9  }
0x15: {  	vm0 =	vmmov $0xffff;
	vm1 =	vmmov $0xff;
	v1 =	vshrl.u32 v2, $0x3;
	s4 =	sadd.s32 $0x2000, s9;
	s3 =	simm.s32 $0x1800;
	s1 =	sadd.s32 $0x1E00, s1  }
0x16: {  	v0 =	vand.u32 $0x7, v2;
	v2 =	vor.u32 $0x8, v2;
	v1 =	vmul.u32 $0x8, v1;
	s9 =	sadd.s32 $0x5C100, s9;
	[dreg:$0x5] =	wrdreg s1;
	s1 =	simm.s32 $0x2C00  }
.LBB2_1:
0x17: {  	_ =	strace $0x80000048  }
0x18: {  	s25 =	rddreg [dreg:$0x4]  }
0x19: {  	[tilespmem:s2], [sflag:$0x1] =	stream.strided.gather [hbm4b:s25+s12], $0xC000, s3, s12, $0x200038;
	[tilespmem:$0x18100] =	vst v63  }
0x1a: {  	s11 =	rddreg [dreg:$0x5]  }
0x1b: {  	[tilespmem:s26], [sflag:$0x3] =	stream.linear.gather [hbm4b:s11+s2], $0x80, $0x200038;
	[tilespmem:$0x18100] =	vst v63  }
0x1c: {  	_ =	strace $0x90000048  }
0x1d: {  	_ =	strace $0x80000049  }
0x1e: {  	_ =	swait.ge [sflag:s14], $0xC000  }
0x1f: {  	[sflag:s14] =	ssyncset.done $0x0  }
0x20: {  	[sflag:s14] =	ssyncadd.s32 $0xFFFF4000  }
0x21: {  	_ =	strace $0x90000049  }
0x22: {  	s0 =	simm.s32 $0x3;
	_ =	strace $0x8000004A  }
0x23: {  	_ =	swait.ge [sflag:s0], $0x80  }
0x24: {  	[sflag:s0] =	ssyncset.done $0x0  }
0x25: {  	[sflag:s0] =	ssyncadd.s32 $0xFFFFFF80  }
0x26: {  	_ =	strace $0x9000004A  }
0x27: {  	_ =	strace $0x8000004B  }
0x28: {  	v3 =	vld [tilespmem:$0x18000];
	_ =	sdelay $0x4  }
0x29: {  	v4 =	vshrl.u32 v3, $0x3  }
0x2a: {  	v4 =	vmul.u32 $0x18, v4  }
0x2b: {  	v3 =	vand.u32 $0x7, v3  }
0x2c: {  	v3 =	vor.u32 v3, v4  }
0x2d: {  	v4 =	vperm.xlane v3, v0;
	_ =	sdelay $0x1  }
0x2e: {  	v4 =	vadd.s32 v1, v4;
	_ =	sdelay $0x1  }
0x2f: {  	v3 =	vperm.xlane v3, v2;
	_ =	sdelay $0x1  }
0x30: {  	v3 =	vadd.s32 v1, v3  }
0x31: {  	[hbm4b:s4+s2] =	stream.indirect_vreg.scatter [tilespmem:s2], [sflag:$0x5], $0x80, v4, vm0, $0x2000b8;
	[tilespmem:$0x18100] =	vst v63  }
0x32: {  	_ = 	snop  }
0x33: {  	[hbm4b:s8+s2] =	stream.indirect_vreg.scatter [tilespmem:s28], [sflag:$0x5], $0x80, v4, vm1, $0x2000b8;
	[tilespmem:$0x18100] =	vst v63  }
0x34: {  	_ = 	snop  }
0x35: {  	[hbm4b:s4+s2] =	stream.indirect_vreg.scatter [tilespmem:s12], [sflag:$0x5], $0x80, v3, vm0, $0x2000b8;
	[tilespmem:$0x18100] =	vst v63  }
0x36: {  	_ = 	snop  }
0x37: {  	[hbm4b:s8+s2] =	stream.indirect_vreg.scatter [tilespmem:s29], [sflag:$0x5], $0x80, v3, vm1, $0x2000b8;
	[tilespmem:$0x18100] =	vst v63  }
0x38: {  	v3 =	vld [tilespmem:$0x18010];
	_ =	sdelay $0x4  }
0x39: {  	v49 =	vshrl.u32 v3, $0x3  }
0x3a: {  	v4 =	vmul.u32 $0x18, v49  }
0x3b: {  	v3 =	vand.u32 $0x7, v3  }
0x3c: {  	v3 =	vor.u32 v3, v4  }
0x3d: {  	v4 =	vperm.xlane v3, v0;
	_ =	sdelay $0x1  }
0x3e: {  	v4 =	vadd.s32 v1, v4;
	_ =	sdelay $0x1  }
0x3f: {  	v3 =	vperm.xlane v3, v2;
	_ =	sdelay $0x1  }
0x40: {  	v3 =	vadd.s32 v1, v3  }
0x41: {  	[hbm4b:s4+s2] =	stream.indirect_vreg.scatter [tilespmem:s3], [sflag:$0x5], $0x80, v4, vm0, $0x2000b8;
	[tilespmem:$0x18100] =	vst v63  }
0x42: {  	_ = 	snop  }
0x43: {  	[hbm4b:s8+s2] =	stream.indirect_vreg.scatter [tilespmem:s30], [sflag:$0x5], $0x80, v4, vm1, $0x2000b8;
	[tilespmem:$0x18100] =	vst v63  }
0x44: {  	_ = 	snop  }
0x45: {  	[hbm4b:s4+s2] =	stream.indirect_vreg.scatter [tilespmem:s31], [sflag:$0x5], $0x80, v3, vm0, $0x2000b8;
	[tilespmem:$0x18100] =	vst v63  }
0x46: {  	_ = 	snop  }
0x47: {  	[hbm4b:s8+s2] =	stream.indirect_vreg.scatter [tilespmem:s1], [sflag:$0x5], $0x80, v3, vm1, $0x2000b8;
	[tilespmem:$0x18100] =	vst v63  }
0x48: {  	v3 =	vld [tilespmem:$0x18020];
	_ =	sdelay $0x4  }
0x49: {  	v50 =	vshrl.u32 v3, $0x3  }
0x4a: {  	v4 =	vmul.u32 $0x18, v50  }
0x4b: {  	v3 =	vand.u32 $0x7, v3  }
0x4c: {  	v3 =	vor.u32 v3, v4  }
0x4d: {  	v4 =	vperm.xlane v3, v0;
	_ =	sdelay $0x1  }
0x4e: {  	v4 =	vadd.s32 v1, v4;
	_ =	sdelay $0x1  }
0x4f: {  	v3 =	vperm.xlane v3, v2;
	_ =	sdelay $0x1  }
0x50: {  	s5 =	simm.s32 $0x3000;
	v3 =	vadd.s32 v1, v3  }
0x51: {  	[hbm4b:s4+s2] =	stream.indirect_vreg.scatter [tilespmem:s5], [sflag:$0x5], $0x80, v4, vm0, $0x2000b8;
	[tilespmem:$0x18100] =	vst v63  }
0x52: {  	_ = 	snop  }
0x53: {  	[hbm4b:s8+s2] =	stream.indirect_vreg.scatter [tilespmem:s13], [sflag:$0x5], $0x80, v4, vm1, $0x2000b8;
	[tilespmem:$0x18100] =	vst v63  }
0x54: {  	_ = 	snop  }
0x55: {  	[hbm4b:s4+s2] =	stream.indirect_vreg.scatter [tilespmem:s15], [sflag:$0x5], $0x80, v3, vm0, $0x2000b8;
	[tilespmem:$0x18100] =	vst v63  }
0x56: {  	_ = 	snop  }
0x57: {  	[hbm4b:s8+s2] =	stream.indirect_vreg.scatter [tilespmem:s16], [sflag:$0x5], $0x80, v3, vm1, $0x2000b8;
	[tilespmem:$0x18100] =	vst v63  }
0x58: {  	v3 =	vld [tilespmem:$0x18030];
	_ =	sdelay $0x4  }
0x59: {  	v51 =	vshrl.u32 v3, $0x3  }
0x5a: {  	v4 =	vmul.u32 $0x18, v51  }
0x5b: {  	v3 =	vand.u32 $0x7, v3  }
0x5c: {  	v3 =	vor.u32 v3, v4  }
0x5d: {  	v4 =	vperm.xlane v3, v0;
	_ =	sdelay $0x1  }
0x5e: {  	v4 =	vadd.s32 v1, v4;
	_ =	sdelay $0x1  }
0x5f: {  	v3 =	vperm.xlane v3, v2;
	_ =	sdelay $0x1  }
0x60: {  	s5 =	simm.s32 $0x4800;
	v3 =	vadd.s32 v1, v3  }
0x61: {  	[hbm4b:s4+s2] =	stream.indirect_vreg.scatter [tilespmem:s5], [sflag:$0x5], $0x80, v4, vm0, $0x2000b8;
	[tilespmem:$0x18100] =	vst v63  }
0x62: {  	_ = 	snop  }
0x63: {  	[hbm4b:s8+s2] =	stream.indirect_vreg.scatter [tilespmem:s17], [sflag:$0x5], $0x80, v4, vm1, $0x2000b8;
	[tilespmem:$0x18100] =	vst v63  }
0x64: {  	_ = 	snop  }
0x65: {  	[hbm4b:s4+s2] =	stream.indirect_vreg.scatter [tilespmem:s18], [sflag:$0x5], $0x80, v3, vm0, $0x2000b8;
	[tilespmem:$0x18100] =	vst v63  }
0x66: {  	_ = 	snop  }
0x67: {  	[hbm4b:s8+s2] =	stream.indirect_vreg.scatter [tilespmem:s19], [sflag:$0x5], $0x80, v3, vm1, $0x2000b8;
	[tilespmem:$0x18100] =	vst v63  }
0x68: {  	v3 =	vld [tilespmem:$0x18040];
	_ =	sdelay $0x4  }
0x69: {  	v52 =	vshrl.u32 v3, $0x3  }
0x6a: {  	v4 =	vmul.u32 $0x18, v52  }
0x6b: {  	v3 =	vand.u32 $0x7, v3  }
0x6c: {  	v3 =	vor.u32 v3, v4  }
0x6d: {  	v4 =	vperm.xlane v3, v0;
	_ =	sdelay $0x1  }
0x6e: {  	v4 =	vadd.s32 v1, v4;
	_ =	sdelay $0x1  }
0x6f: {  	v3 =	vperm.xlane v3, v2;
	_ =	sdelay $0x1  }
0x70: {  	v3 =	vadd.s32 v1, v3  }
0x71: {  	[hbm4b:s4+s2] =	stream.indirect_vreg.scatter [tilespmem:s20], [sflag:$0x5], $0x80, v4, vm0, $0x2000b8;
	[tilespmem:$0x18100] =	vst v63  }
0x72: {  	_ = 	snop  }
0x73: {  	[hbm4b:s8+s2] =	stream.indirect_vreg.scatter [tilespmem:s21], [sflag:$0x5], $0x80, v4, vm1, $0x2000b8;
	[tilespmem:$0x18100] =	vst v63  }
0x74: {  	_ = 	snop  }
0x75: {  	[hbm4b:s4+s2] =	stream.indirect_vreg.scatter [tilespmem:s22], [sflag:$0x5], $0x80, v3, vm0, $0x2000b8;
	[tilespmem:$0x18100] =	vst v63  }
0x76: {  	_ = 	snop  }
0x77: {  	[hbm4b:s8+s2] =	stream.indirect_vreg.scatter [tilespmem:s23], [sflag:$0x5], $0x80, v3, vm1, $0x2000b8;
	[tilespmem:$0x18100] =	vst v63  }
0x78: {  	v3 =	vld [tilespmem:$0x18050];
	_ =	sdelay $0x4  }
0x79: {  	v53 =	vshrl.u32 v3, $0x3  }
0x7a: {  	v4 =	vmul.u32 $0x18, v53  }
0x7b: {  	v3 =	vand.u32 $0x7, v3  }
0x7c: {  	v3 =	vor.u32 v3, v4  }
0x7d: {  	v4 =	vperm.xlane v3, v0;
	_ =	sdelay $0x1  }
0x7e: {  	v4 =	vadd.s32 v1, v4;
	_ =	sdelay $0x1  }
0x7f: {  	v3 =	vperm.xlane v3, v2;
	_ =	sdelay $0x1  }
0x80: {  	v3 =	vadd.s32 v1, v3  }
0x81: {  	[hbm4b:s4+s2] =	stream.indirect_vreg.scatter [tilespmem:s7], [sflag:$0x5], $0x80, v4, vm0, $0x2000b8;
	[tilespmem:$0x18100] =	vst v63  }
0x82: {  	s25 =	simm.s32 $0x8000  }
0x83: {  	[hbm4b:s8+s2] =	stream.indirect_vreg.scatter [tilespmem:s25], [sflag:$0x5], $0x80, v4, vm1, $0x2000b8;
	[tilespmem:$0x18100] =	vst v63  }
0x84: {  	s25 =	simm.s32 $0x8400  }
0x85: {  	[hbm4b:s4+s2] =	stream.indirect_vreg.scatter [tilespmem:s25], [sflag:$0x5], $0x80, v3, vm0, $0x2000b8;
	[tilespmem:$0x18100] =	vst v63  }
0x86: {  	s25 =	simm.s32 $0x8C00  }
0x87: {  	[hbm4b:s8+s2] =	stream.indirect_vreg.scatter [tilespmem:s25], [sflag:$0x5], $0x80, v3, vm1, $0x2000b8;
	[tilespmem:$0x18100] =	vst v63  }
0x88: {  	v3 =	vld [tilespmem:$0x18060];
	_ =	sdelay $0x4  }
0x89: {  	v54 =	vshrl.u32 v3, $0x3  }
0x8a: {  	v4 =	vmul.u32 $0x18, v54  }
0x8b: {  	v3 =	vand.u32 $0x7, v3  }
0x8c: {  	v3 =	vor.u32 v3, v4  }
0x8d: {  	v4 =	vperm.xlane v3, v0;
	_ =	sdelay $0x1  }
0x8e: {  	v4 =	vadd.s32 v1, v4;
	_ =	sdelay $0x1  }
0x8f: {  	v3 =	vperm.xlane v3, v2;
	_ =	sdelay $0x1  }
0x90: {  	s25 =	simm.s32 $0x9000;
	v3 =	vadd.s32 v1, v3  }
0x91: {  	[hbm4b:s4+s2] =	stream.indirect_vreg.scatter [tilespmem:s25], [sflag:$0x5], $0x80, v4, vm0, $0x2000b8;
	[tilespmem:$0x18100] =	vst v63  }
0x92: {  	s25 =	simm.s32 $0x9800  }
0x93: {  	[hbm4b:s8+s2] =	stream.indirect_vreg.scatter [tilespmem:s25], [sflag:$0x5], $0x80, v4, vm1, $0x2000b8;
	[tilespmem:$0x18100] =	vst v63  }
0x94: {  	s25 =	simm.s32 $0x9C00  }
0x95: {  	[hbm4b:s4+s2] =	stream.indirect_vreg.scatter [tilespmem:s25], [sflag:$0x5], $0x80, v3, vm0, $0x2000b8;
	[tilespmem:$0x18100] =	vst v63  }
0x96: {  	s25 =	simm.s32 $0xA400  }
0x97: {  	[hbm4b:s8+s2] =	stream.indirect_vreg.scatter [tilespmem:s25], [sflag:$0x5], $0x80, v3, vm1, $0x2000b8;
	[tilespmem:$0x18100] =	vst v63  }
0x98: {  	v3 =	vld [tilespmem:$0x18070];
	_ =	sdelay $0x4  }
0x99: {  	v55 =	vshrl.u32 v3, $0x3  }
0x9a: {  	v4 =	vmul.u32 $0x18, v55  }
0x9b: {  	v3 =	vand.u32 $0x7, v3  }
0x9c: {  	v3 =	vor.u32 v3, v4  }
0x9d: {  	v4 =	vperm.xlane v3, v0;
	_ =	sdelay $0x1  }
0x9e: {  	v4 =	vadd.s32 v1, v4;
	_ =	sdelay $0x1  }
0x9f: {  	v3 =	vperm.xlane v3, v2;
	_ =	sdelay $0x1  }
0xa0: {  	s25 =	simm.s32 $0xA800;
	v3 =	vadd.s32 v1, v3  }
0xa1: {  	[hbm4b:s4+s2] =	stream.indirect_vreg.scatter [tilespmem:s25], [sflag:$0x5], $0x80, v4, vm0, $0x2000b8;
	[tilespmem:$0x18100] =	vst v63  }
0xa2: {  	s25 =	simm.s32 $0xB000  }
0xa3: {  	[hbm4b:s8+s2] =	stream.indirect_vreg.scatter [tilespmem:s25], [sflag:$0x5], $0x80, v4, vm1, $0x2000b8;
	[tilespmem:$0x18100] =	vst v63  }
0xa4: {  	s25 =	simm.s32 $0xB400  }
0xa5: {  	[hbm4b:s4+s2] =	stream.indirect_vreg.scatter [tilespmem:s25], [sflag:$0x5], $0x80, v3, vm0, $0x2000b8;
	[tilespmem:$0x18100] =	vst v63  }
0xa6: {  	s25 =	simm.s32 $0xBC00  }
0xa7: {  	[hbm4b:s8+s2] =	stream.indirect_vreg.scatter [tilespmem:s25], [sflag:$0x5], $0x80, v3, vm1, $0x2000b8;
	[tilespmem:$0x18100] =	vst v63  }
0xa8: {  	_ =	swait.ge [sflag:s24], $0xC000  }
0xa9: {  	[sflag:s24] =	ssyncset.done $0x0  }
0xaa: {  	[sflag:s24] =	ssyncadd.s32 $0xFFFF4000  }
0xab: {  	_ =	strace $0x9000004B  }
0xac: {  	_ =	strace $0x8000004C  }
0xad: {  	s25 =	rddreg [dreg:$0x3]  }
0xae: {  	[tilespmem:s2], [sflag:$0x1] =	stream.strided.gather [hbm4b:s25+s12], $0xC000, s3, s12, $0x200038;
	[tilespmem:$0x18100] =	vst v63  }
0xaf: {  	_ = 	snop  }
0xb0: {  	[tilespmem:s26], [sflag:$0x3] =	stream.linear.gather [hbm4b:s11+s2], $0x80, $0x200038;
	[tilespmem:$0x18100] =	vst v63  }
0xb1: {  	_ =	strace $0x9000004C  }
0xb2: {  	_ =	strace $0x8000004D  }
0xb3: {  	_ =	swait.ge [sflag:s14], $0xC000  }
0xb4: {  	[sflag:s14] =	ssyncset.done $0x0  }
0xb5: {  	[sflag:s14] =	ssyncadd.s32 $0xFFFF4000  }
0xb6: {  	_ =	strace $0x9000004D  }
0xb7: {  	_ =	strace $0x8000004E  }
0xb8: {  	_ =	swait.ge [sflag:s0], $0x80  }
0xb9: {  	[sflag:s0] =	ssyncset.done $0x0  }
0xba: {  	[sflag:s0] =	ssyncadd.s32 $0xFFFFFF80  }
0xbb: {  	_ =	strace $0x9000004E  }
0xbc: {  	_ =	strace $0x8000004F  }
0xbd: {  	v3 =	vld [tilespmem:$0x18000];
	_ =	sdelay $0x4  }
0xbe: {  	v56 =	vshrl.u32 v3, $0x3  }
0xbf: {  	v4 =	vmul.u32 $0x18, v56  }
0xc0: {  	v3 =	vand.u32 $0x7, v3  }
0xc1: {  	v3 =	vor.u32 v3, v4  }
0xc2: {  	v4 =	vperm.xlane v3, v0;
	_ =	sdelay $0x1  }
0xc3: {  	v4 =	vadd.s32 v1, v4;
	_ =	sdelay $0x1  }
0xc4: {  	v3 =	vperm.xlane v3, v2;
	_ =	sdelay $0x1  }
0xc5: {  	v3 =	vadd.s32 v1, v3  }
0xc6: {  	[hbm4b:s6+s2] =	stream.indirect_vreg.scatter [tilespmem:s2], [sflag:$0x5], $0x80, v4, vm0, $0x2000b8;
	[tilespmem:$0x18100] =	vst v63  }
0xc7: {  	_ = 	snop  }
0xc8: {  	[hbm4b:s9+s2] =	stream.indirect_vreg.scatter [tilespmem:s28], [sflag:$0x5], $0x80, v4, vm1, $0x2000b8;
	[tilespmem:$0x18100] =	vst v63  }
0xc9: {  	_ = 	snop  }
0xca: {  	[hbm4b:s6+s2] =	stream.indirect_vreg.scatter [tilespmem:s12], [sflag:$0x5], $0x80, v3, vm0, $0x2000b8;
	[tilespmem:$0x18100] =	vst v63  }
0xcb: {  	_ = 	snop  }
0xcc: {  	[hbm4b:s9+s2] =	stream.indirect_vreg.scatter [tilespmem:s29], [sflag:$0x5], $0x80, v3, vm1, $0x2000b8;
	[tilespmem:$0x18100] =	vst v63  }
0xcd: {  	v3 =	vld [tilespmem:$0x18010];
	_ =	sdelay $0x4  }
0xce: {  	v57 =	vshrl.u32 v3, $0x3  }
0xcf: {  	v4 =	vmul.u32 $0x18, v57  }
0xd0: {  	v3 =	vand.u32 $0x7, v3  }
0xd1: {  	v3 =	vor.u32 v3, v4  }
0xd2: {  	v4 =	vperm.xlane v3, v0;
	_ =	sdelay $0x1  }
0xd3: {  	v4 =	vadd.s32 v1, v4;
	_ =	sdelay $0x1  }
0xd4: {  	v3 =	vperm.xlane v3, v2;
	_ =	sdelay $0x1  }
0xd5: {  	v3 =	vadd.s32 v1, v3  }
0xd6: {  	[hbm4b:s6+s2] =	stream.indirect_vreg.scatter [tilespmem:s3], [sflag:$0x5], $0x80, v4, vm0, $0x2000b8;
	[tilespmem:$0x18100] =	vst v63  }
0xd7: {  	_ = 	snop  }
0xd8: {  	[hbm4b:s9+s2] =	stream.indirect_vreg.scatter [tilespmem:s30], [sflag:$0x5], $0x80, v4, vm1, $0x2000b8;
	[tilespmem:$0x18100] =	vst v63  }
0xd9: {  	_ = 	snop  }
0xda: {  	[hbm4b:s6+s2] =	stream.indirect_vreg.scatter [tilespmem:s31], [sflag:$0x5], $0x80, v3, vm0, $0x2000b8;
	[tilespmem:$0x18100] =	vst v63  }
0xdb: {  	_ = 	snop  }
0xdc: {  	[hbm4b:s9+s2] =	stream.indirect_vreg.scatter [tilespmem:s1], [sflag:$0x5], $0x80, v3, vm1, $0x2000b8;
	[tilespmem:$0x18100] =	vst v63  }
0xdd: {  	v3 =	vld [tilespmem:$0x18020];
	_ =	sdelay $0x4  }
0xde: {  	v58 =	vshrl.u32 v3, $0x3  }
0xdf: {  	v4 =	vmul.u32 $0x18, v58  }
0xe0: {  	v3 =	vand.u32 $0x7, v3  }
0xe1: {  	v3 =	vor.u32 v3, v4  }
0xe2: {  	v4 =	vperm.xlane v3, v0;
	_ =	sdelay $0x1  }
0xe3: {  	v4 =	vadd.s32 v1, v4;
	_ =	sdelay $0x1  }
0xe4: {  	v3 =	vperm.xlane v3, v2;
	_ =	sdelay $0x1  }
0xe5: {  	s25 =	simm.s32 $0x3000;
	v3 =	vadd.s32 v1, v3  }
0xe6: {  	[hbm4b:s6+s2] =	stream.indirect_vreg.scatter [tilespmem:s25], [sflag:$0x5], $0x80, v4, vm0, $0x2000b8;
	[tilespmem:$0x18100] =	vst v63  }
0xe7: {  	_ = 	snop  }
0xe8: {  	[hbm4b:s9+s2] =	stream.indirect_vreg.scatter [tilespmem:s13], [sflag:$0x5], $0x80, v4, vm1, $0x2000b8;
	[tilespmem:$0x18100] =	vst v63  }
0xe9: {  	_ = 	snop  }
0xea: {  	[hbm4b:s6+s2] =	stream.indirect_vreg.scatter [tilespmem:s15], [sflag:$0x5], $0x80, v3, vm0, $0x2000b8;
	[tilespmem:$0x18100] =	vst v63  }
0xeb: {  	_ = 	snop  }
0xec: {  	[hbm4b:s9+s2] =	stream.indirect_vreg.scatter [tilespmem:s16], [sflag:$0x5], $0x80, v3, vm1, $0x2000b8;
	[tilespmem:$0x18100] =	vst v63  }
0xed: {  	v3 =	vld [tilespmem:$0x18030];
	_ =	sdelay $0x4  }
0xee: {  	v59 =	vshrl.u32 v3, $0x3  }
0xef: {  	v4 =	vmul.u32 $0x18, v59  }
0xf0: {  	v3 =	vand.u32 $0x7, v3  }
0xf1: {  	v3 =	vor.u32 v3, v4  }
0xf2: {  	v4 =	vperm.xlane v3, v0;
	_ =	sdelay $0x1  }
0xf3: {  	v4 =	vadd.s32 v1, v4;
	_ =	sdelay $0x1  }
0xf4: {  	v3 =	vperm.xlane v3, v2;
	_ =	sdelay $0x1  }
0xf5: {  	v3 =	vadd.s32 v1, v3  }
0xf6: {  	[hbm4b:s6+s2] =	stream.indirect_vreg.scatter [tilespmem:s5], [sflag:$0x5], $0x80, v4, vm0, $0x2000b8;
	[tilespmem:$0x18100] =	vst v63  }
0xf7: {  	_ = 	snop  }
0xf8: {  	[hbm4b:s9+s2] =	stream.indirect_vreg.scatter [tilespmem:s17], [sflag:$0x5], $0x80, v4, vm1, $0x2000b8;
	[tilespmem:$0x18100] =	vst v63  }
0xf9: {  	_ = 	snop  }
0xfa: {  	[hbm4b:s6+s2] =	stream.indirect_vreg.scatter [tilespmem:s18], [sflag:$0x5], $0x80, v3, vm0, $0x2000b8;
	[tilespmem:$0x18100] =	vst v63  }
0xfb: {  	_ = 	snop  }
0xfc: {  	[hbm4b:s9+s2] =	stream.indirect_vreg.scatter [tilespmem:s19], [sflag:$0x5], $0x80, v3, vm1, $0x2000b8;
	[tilespmem:$0x18100] =	vst v63  }
0xfd: {  	v3 =	vld [tilespmem:$0x18040];
	_ =	sdelay $0x4  }
0xfe: {  	v60 =	vshrl.u32 v3, $0x3  }
0xff: {  	v4 =	vmul.u32 $0x18, v60  }
0x100: {  	v3 =	vand.u32 $0x7, v3  }
0x101: {  	v3 =	vor.u32 v3, v4  }
0x102: {  	v4 =	vperm.xlane v3, v0;
	_ =	sdelay $0x1  }
0x103: {  	v4 =	vadd.s32 v1, v4;
	_ =	sdelay $0x1  }
0x104: {  	v3 =	vperm.xlane v3, v2;
	_ =	sdelay $0x1  }
0x105: {  	v3 =	vadd.s32 v1, v3  }
0x106: {  	[hbm4b:s6+s2] =	stream.indirect_vreg.scatter [tilespmem:s20], [sflag:$0x5], $0x80, v4, vm0, $0x2000b8;
	[tilespmem:$0x18100] =	vst v63  }
0x107: {  	_ = 	snop  }
0x108: {  	[hbm4b:s9+s2] =	stream.indirect_vreg.scatter [tilespmem:s21], [sflag:$0x5], $0x80, v4, vm1, $0x2000b8;
	[tilespmem:$0x18100] =	vst v63  }
0x109: {  	_ = 	snop  }
0x10a: {  	[hbm4b:s6+s2] =	stream.indirect_vreg.scatter [tilespmem:s22], [sflag:$0x5], $0x80, v3, vm0, $0x2000b8;
	[tilespmem:$0x18100] =	vst v63  }
0x10b: {  	_ = 	snop  }
0x10c: {  	[hbm4b:s9+s2] =	stream.indirect_vreg.scatter [tilespmem:s23], [sflag:$0x5], $0x80, v3, vm1, $0x2000b8;
	[tilespmem:$0x18100] =	vst v63  }
0x10d: {  	v3 =	vld [tilespmem:$0x18050];
	_ =	sdelay $0x4  }
0x10e: {  	v61 =	vshrl.u32 v3, $0x3  }
0x10f: {  	v4 =	vmul.u32 $0x18, v61  }
0x110: {  	v3 =	vand.u32 $0x7, v3  }
0x111: {  	v3 =	vor.u32 v3, v4  }
0x112: {  	v4 =	vperm.xlane v3, v0;
	_ =	sdelay $0x1  }
0x113: {  	v4 =	vadd.s32 v1, v4;
	_ =	sdelay $0x1  }
0x114: {  	v3 =	vperm.xlane v3, v2;
	_ =	sdelay $0x1  }
0x115: {  	v3 =	vadd.s32 v1, v3  }
0x116: {  	[hbm4b:s6+s2] =	stream.indirect_vreg.scatter [tilespmem:s7], [sflag:$0x5], $0x80, v4, vm0, $0x2000b8;
	[tilespmem:$0x18100] =	vst v63  }
0x117: {  	s11 =	simm.s32 $0x8000  }
0x118: {  	[hbm4b:s9+s2] =	stream.indirect_vreg.scatter [tilespmem:s11], [sflag:$0x5], $0x80, v4, vm1, $0x2000b8;
	[tilespmem:$0x18100] =	vst v63  }
0x119: {  	s25 =	simm.s32 $0x8400  }
0x11a: {  	[hbm4b:s6+s2] =	stream.indirect_vreg.scatter [tilespmem:s25], [sflag:$0x5], $0x80, v3, vm0, $0x2000b8;
	[tilespmem:$0x18100] =	vst v63  }
0x11b: {  	s5 =	simm.s32 $0x8C00  }
0x11c: {  	[hbm4b:s9+s2] =	stream.indirect_vreg.scatter [tilespmem:s5], [sflag:$0x5], $0x80, v3, vm1, $0x2000b8;
	[tilespmem:$0x18100] =	vst v63  }
0x11d: {  	v3 =	vld [tilespmem:$0x18060];
	_ =	sdelay $0x4  }
0x11e: {  	v62 =	vshrl.u32 v3, $0x3  }
0x11f: {  	v4 =	vmul.u32 $0x18, v62  }
0x120: {  	v3 =	vand.u32 $0x7, v3  }
0x121: {  	v3 =	vor.u32 v3, v4  }
0x122: {  	v4 =	vperm.xlane v3, v0;
	_ =	sdelay $0x1  }
0x123: {  	v4 =	vadd.s32 v1, v4;
	_ =	sdelay $0x1  }
0x124: {  	v3 =	vperm.xlane v3, v2;
	_ =	sdelay $0x1  }
0x125: {  	s11 =	simm.s32 $0x9000;
	v3 =	vadd.s32 v1, v3  }
0x126: {  	[hbm4b:s6+s2] =	stream.indirect_vreg.scatter [tilespmem:s11], [sflag:$0x5], $0x80, v4, vm0, $0x2000b8;
	[tilespmem:$0x18100] =	vst v63  }
0x127: {  	s25 =	simm.s32 $0x9800  }
0x128: {  	[hbm4b:s9+s2] =	stream.indirect_vreg.scatter [tilespmem:s25], [sflag:$0x5], $0x80, v4, vm1, $0x2000b8;
	[tilespmem:$0x18100] =	vst v63  }
0x129: {  	s5 =	simm.s32 $0x9C00  }
0x12a: {  	[hbm4b:s6+s2] =	stream.indirect_vreg.scatter [tilespmem:s5], [sflag:$0x5], $0x80, v3, vm0, $0x2000b8;
	[tilespmem:$0x18100] =	vst v63  }
0x12b: {  	s11 =	simm.s32 $0xA400  }
0x12c: {  	[hbm4b:s9+s2] =	stream.indirect_vreg.scatter [tilespmem:s11], [sflag:$0x5], $0x80, v3, vm1, $0x2000b8;
	[tilespmem:$0x18100] =	vst v63  }
0x12d: {  	v3 =	vld [tilespmem:$0x18070];
	_ =	sdelay $0x4  }
0x12e: {  	v63 =	vshrl.u32 v3, $0x3  }
0x12f: {  	v4 =	vmul.u32 $0x18, v63  }
0x130: {  	v3 =	vand.u32 $0x7, v3  }
0x131: {  	v3 =	vor.u32 v3, v4  }
0x132: {  	v4 =	vperm.xlane v3, v0;
	_ =	sdelay $0x1  }
0x133: {  	v4 =	vadd.s32 v1, v4;
	_ =	sdelay $0x1  }
0x134: {  	v3 =	vperm.xlane v3, v2;
	_ =	sdelay $0x1  }
0x135: {  	s25 =	simm.s32 $0xA800;
	v3 =	vadd.s32 v1, v3  }
0x136: {  	[hbm4b:s6+s2] =	stream.indirect_vreg.scatter [tilespmem:s25], [sflag:$0x5], $0x80, v4, vm0, $0x2000b8;
	[tilespmem:$0x18100] =	vst v63  }
0x137: {  	s5 =	simm.s32 $0xB000  }
0x138: {  	[hbm4b:s9+s2] =	stream.indirect_vreg.scatter [tilespmem:s5], [sflag:$0x5], $0x80, v4, vm1, $0x2000b8;
	[tilespmem:$0x18100] =	vst v63  }
0x139: {  	s11 =	simm.s32 $0xB400  }
0x13a: {  	[hbm4b:s6+s2] =	stream.indirect_vreg.scatter [tilespmem:s11], [sflag:$0x5], $0x80, v3, vm0, $0x2000b8;
	[tilespmem:$0x18100] =	vst v63  }
0x13b: {  	p0 =	sne.s32 s10, $0x1;
	s25 =	simm.s32 $0xBC00  }
0x13c: {  	[hbm4b:s9+s2] =	stream.indirect_vreg.scatter [tilespmem:s25], [sflag:$0x5], $0x80, v3, vm1, $0x2000b8;
	[tilespmem:$0x18100] =	vst v63  }
.Ltmp0:
0x13d: {  	_ = 	snop;
	(pc) =	sbr.rel @p0 .LBB2_1-.Ltmp0, $4  }
0x13e: {  	_ =	swait.ge [sflag:s24], $0xC000  }
0x13f: {  	[sflag:s24] =	ssyncset.done $0x0  }
0x140: {  	[sflag:s24] =	ssyncadd.s32 $0xFFFF4000  }
0x141: {  	s10 =	sadd.s32 $0xFFFFFFFF, s10;
	_ =	strace $0x9000004F  }
0x142: {  	_ =	sfence.sel $0x180000  }
0x143: {  	[bflag:$0x0] =	sbarrier.arrive $0xFFFF  }
0x144: {  	_ =	strace $0x90000047  }
0x145: {  	s0 =	stileid.u32;
	[bflag:$0x2] =	sbarrier.arrive $0xFFFF  }
0x146: {  	p0 =	sne.s32 s0, $0x0;
	s0 =	rddreg [dreg:$0x2]  }
0x147: {  	s0 =	sadd.s32 @!p0 $0x100000, s0  }
0x148: {  	[sflag:s0] =	ssyncadd.tile.s32 @!p0 $0x1;
	_ =	shalt  }
.Lfunc_end2:
_tile_overlayer_lowered:
.L_overlay_start_2:
0x149: {  	(tag) =	ssettag $0x2  }
0x14a: {  	s0 =	rddreg [dreg:$0x0];
	s2 =	stileid.u32  }
0x14b: {  	s1 =	rddreg [dreg:$0x1];
	p0 =	sne.s32 s2, $0x0  }
0x14c: {  	s3 =	rddreg [dreg:$0x2];
	[bflag:$0x3] =	sbarrier.arrive $0xFFFF;
	s2 =	simm.s32 @!p0 $0x1C01  }
0x14d: {  	[timem:s3], [sflag:s2] =	dma.local @!p0 [hbm:s0], s1  }
0x14e: {  	s0 =	simm.s32 @!p0 $0x1  }
0x14f: {  	_ =	swait.ge @!p0 [sflag:s0], s1  }
0x150: {  	s1 =	ssub.s32 @!p0 $0x0, s1;
	[sflag:s0] =	ssyncset.done @!p0 $0x0  }
0x151: {  	[sflag:s0] =	ssyncadd.s32 @!p0 s1  }
0x152: {  	[bflag:$0x3] =	sbarrier.arrive $0xFFFF  }
0x153: {  	_ =	shalt  }

</sc_bundles>
